<compile_context>
chip_gen: v7x
topology: tpu7x:2x2x1
jax: 0.10.2.dev20260603
libtpu: 0.0.44.dev20260713+nightly
codegen_flags: <defaults>
</compile_context>

<pallas_src>
import functools

import jax
import jax.numpy as jnp
from jax import lax
from jax.experimental import pallas as pl
from jax.experimental.pallas import tpu as pltpu
from jax.experimental.pallas import tpu_sc as plsc

N = 10000
NP = 10240
E = 320000
EP = 327680
W = 128
IDXB = 40
NBUF = 2
LA = 1
ER = EP // W
RPT = ER // 16
RPT_H = ER // 32
NB = 32
RB = 1024
NBLK = NP // RB

_f32 = jnp.float32
_SDS = jax.ShapeDtypeStruct



def _sc_mesh():
  return plsc.VectorSubcoreMesh(core_axis_name="c", subcore_axis_name="s")


def _deg_body(dst3, zeros_np, out_a, out_b, sdeg, dstbuf, ones_v, dsem):
  c = lax.axis_index("c")
  s = lax.axis_index("s")
  for i in range(W // 16):
    ones_v[pl.ds(i * 16, 16)] = jnp.full((16,), 1.0, _f32)
  pltpu.sync_copy(zeros_np.at[pl.ds(s * 640, 640)], sdeg.at[pl.ds(s * 640, 640)])
  pltpu.sync_copy(dst3.at[pl.ds(c * (RPT_H * 16) + s * RPT_H, RPT_H)], dstbuf)
  plsc.subcore_barrier()

  def step(j, carry):
    pltpu.async_copy(ones_v, sdeg.at[dstbuf.at[j]], dsem, add=True)
    return carry

  lax.fori_loop(0, RPT_H, step, 0)

  def drain(j, carry):
    pltpu.make_async_copy(ones_v, sdeg.at[dstbuf.at[0]], dsem).wait()
    return carry

  lax.fori_loop(0, RPT_H, drain, 0)
  plsc.subcore_barrier()

  @pl.when(c == 0)
  def _():
    pltpu.sync_copy(sdeg.at[pl.ds(s * 640, 640)], out_a.at[pl.ds(s * 640, 640)])

  @pl.when(c == 1)
  def _():
    pltpu.sync_copy(sdeg.at[pl.ds(s * 640, 640)], out_b.at[pl.ds(s * 640, 640)])


@functools.cache
def _deg_kernel():
  return pl.kernel(
      _deg_body,
      out_type=(_SDS((NP,), _f32), _SDS((NP,), _f32)),
      mesh=_sc_mesh(),
      scratch_types=[
          pltpu.VMEM_SHARED((NP,), _f32),
          pltpu.VMEM((RPT_H, W), jnp.int32),
          pltpu.VMEM((W,), _f32),
          pltpu.SemaphoreType.DMA,
      ],
  )


def _edge_pass(g_ref, acc, src3, dst3, base, nrows,
               srcblk, dstblk, bufs, gsems, ssems):

  def blk(bi, carry):
    off = base + bi * IDXB
    pltpu.sync_copy(src3.at[pl.ds(off, IDXB)], srcblk)
    pltpu.sync_copy(dst3.at[pl.ds(off, IDXB)], dstblk)
    for b in range(LA):
      @pl.when(bi > 0)
      def _():
        pltpu.make_async_copy(bufs[b], acc.at[dstblk.at[0]], ssems[b]).wait()
      pltpu.async_copy(g_ref.at[srcblk.at[b]], bufs[b], gsems[b])

    def grp(gi, c2):
      for b in range(NBUF):
        j = NBUF * gi + b
        jg = bi * IDXB + j
        b2 = (b + LA) % NBUF

        @pl.when(j + LA < IDXB)
        def _():
          @pl.when(jg >= NBUF - LA)
          def _():
            pltpu.make_async_copy(bufs[b2], acc.at[dstblk.at[j]],
                                  ssems[b2]).wait()
          pltpu.async_copy(g_ref.at[srcblk.at[j + LA]], bufs[b2], gsems[b2])

        pltpu.make_async_copy(g_ref.at[srcblk.at[j]], bufs[b], gsems[b]).wait()
        pltpu.async_copy(bufs[b], acc.at[dstblk.at[j]], ssems[b], add=True)
      return c2

    lax.fori_loop(0, IDXB // NBUF, grp, 0)
    return carry

  lax.fori_loop(0, nrows // IDXB, blk, 0)
  for b in range(NBUF):
    pltpu.make_async_copy(bufs[b], acc.at[dstblk.at[0]], ssems[b]).wait()


def _agg_split_body(g, src3, dst3, out0, out1,
                    acc, srcblk, dstblk, *bufs_sems):
  bufs = list(bufs_sems[:NBUF])
  gsems = list(bufs_sems[NBUF:2 * NBUF])
  ssems = list(bufs_sems[2 * NBUF:])
  c = lax.axis_index("c")
  s = lax.axis_index("s")
  pltpu.sync_copy(g.at[pl.ds(s * 640, 640)], acc.at[pl.ds(s * 640, 640)])
  plsc.subcore_barrier()
  _edge_pass(g, acc, src3, dst3, c * (RPT_H * 16) + s * RPT_H, RPT_H,
             srcblk, dstblk, bufs, gsems, ssems)
  plsc.subcore_barrier()

  @pl.when(c == 0)
  def _():
    pltpu.sync_copy(acc.at[pl.ds(s * 640, 640)], out0.at[pl.ds(s * 640, 640)])

  @pl.when(c == 1)
  def _():
    pltpu.sync_copy(acc.at[pl.ds(s * 640, 640)], out1.at[pl.ds(s * 640, 640)])


def _agg_l3_body(g_a, g_b, g_c, src3, dst3, out_a, out_b, q0, q1,
                 acc, srcblk, dstblk, *bufs_sems):
  bufs = list(bufs_sems[:NBUF])
  gsems = list(bufs_sems[NBUF:2 * NBUF])
  ssems = list(bufs_sems[2 * NBUF:])
  c = lax.axis_index("c")
  s = lax.axis_index("s")

  def run(g_ref, out_ref, base, nrows):
    pltpu.sync_copy(g_ref.at[pl.ds(s * 640, 640)], acc.at[pl.ds(s * 640, 640)])
    plsc.subcore_barrier()
    _edge_pass(g_ref, acc, src3, dst3, base, nrows,
               srcblk, dstblk, bufs, gsems, ssems)
    plsc.subcore_barrier()
    pltpu.sync_copy(acc.at[pl.ds(s * 640, 640)], out_ref.at[pl.ds(s * 640, 640)])

  @pl.when(c == 0)
  def _():
    run(g_a, out_a, s * RPT, RPT)
    run(g_c, q0, s * RPT_H, RPT_H)

  @pl.when(c == 1)
  def _():
    run(g_b, out_b, s * RPT, RPT)
    run(g_c, q1, RPT_H * 16 + s * RPT_H, RPT_H)


def _agg_scratch():
  return ([pltpu.VMEM_SHARED((NP, 128), _f32),
           pltpu.VMEM((IDXB, W), jnp.int32),
           pltpu.VMEM((IDXB, W), jnp.int32)]
          + [pltpu.VMEM((W, 128), _f32)] * NBUF
          + [pltpu.SemaphoreType.DMA] * (2 * NBUF))


@functools.cache
def _agg_split_kernel():
  return pl.kernel(
      _agg_split_body,
      out_type=(_SDS((NP, 128), _f32), _SDS((NP, 128), _f32)),
      mesh=_sc_mesh(),
      scratch_types=_agg_scratch(),
  )


@functools.cache
def _agg_l3_kernel():
  return pl.kernel(
      _agg_l3_body,
      out_type=tuple([_SDS((NP, 128), _f32)] * 4),
      mesh=_sc_mesh(),
      scratch_types=_agg_scratch(),
  )



def _row_mask(i):
  rid = i * RB + lax.broadcasted_iota(jnp.int32, (RB, 1), 0)
  return (rid < N).astype(_f32)


def _k1_body(dega_ref, degb_ref, x_ref, dinv_ref, g_ref):
  i = pl.program_id(0)
  deg = dega_ref[...] + degb_ref[...] + 1.0
  dinv = lax.rsqrt(jnp.maximum(deg, 1.0))
  dinv_ref[...] = dinv
  g_ref[...] = x_ref[...] * dinv * _row_mask(i)


def _k1(dega, degb, x2d):
  return pl.pallas_call(
      _k1_body,
      grid=(NBLK,),
      in_specs=[
          pl.BlockSpec((RB, 1), lambda i: (i, 0)),
          pl.BlockSpec((RB, 1), lambda i: (i, 0)),
          pl.BlockSpec((RB, 128), lambda i: (i, 0)),
      ],
      out_specs=[
          pl.BlockSpec((RB, 1), lambda i: (i, 0)),
          pl.BlockSpec((RB, 128), lambda i: (i, 0)),
      ],
      out_shape=[_SDS((NP, 1), _f32), _SDS((NP, 128), _f32)],
  )(dega, degb, x2d)


def _k2_body(p0_ref, p1_ref, g_ref, dinv_ref, w_ref, b_ref, out_ref):
  i = pl.program_id(0)
  d = dinv_ref[...]
  sm = (p0_ref[...] + p1_ref[...] - g_ref[...]) * d
  t = jnp.dot(sm, w_ref[...], preferred_element_type=_f32) + b_ref[...]
  out_ref[...] = jnp.maximum(t, 0.0) * d * _row_mask(i)


def _k2(p0, p1, g0, dinv, w1, b1):
  return pl.pallas_call(
      _k2_body,
      grid=(NBLK,),
      in_specs=[
          pl.BlockSpec((RB, 128), lambda i: (i, 0)),
          pl.BlockSpec((RB, 128), lambda i: (i, 0)),
          pl.BlockSpec((RB, 128), lambda i: (i, 0)),
          pl.BlockSpec((RB, 1), lambda i: (i, 0)),
          pl.BlockSpec((128, 128), lambda i: (0, 0)),
          pl.BlockSpec((1, 128), lambda i: (0, 0)),
      ],
      out_specs=pl.BlockSpec((RB, 128), lambda i: (i, 0)),
      out_shape=_SDS((NP, 128), _f32),
  )(p0, p1, g0, dinv, w1, b1)


def _k3_body(p0_ref, p1_ref, g_ref, dinv_ref, w2_ref, b2_ref, w3_ref,
             ga_ref, gb_ref, gc_ref):
  i = pl.program_id(0)
  d = dinv_ref[...]
  sm = (p0_ref[...] + p1_ref[...] - g_ref[...]) * d
  u = jnp.dot(sm, w2_ref[...], preferred_element_type=_f32) + b2_ref[...]
  u = jnp.maximum(u, 0.0)
  h = jnp.dot(u, w3_ref[...], preferred_element_type=_f32)
  g = h * d * _row_mask(i)
  ga_ref[...] = g[:, :128]
  gb_ref[...] = g[:, 128:256]
  gc_ref[...] = g[:, 192:]


def _k3(p0, p1, g1, dinv, w2, b2, w3):
  return pl.pallas_call(
      _k3_body,
      grid=(NBLK,),
      in_specs=[
          pl.BlockSpec((RB, 128), lambda i: (i, 0)),
          pl.BlockSpec((RB, 128), lambda i: (i, 0)),
          pl.BlockSpec((RB, 128), lambda i: (i, 0)),
          pl.BlockSpec((RB, 1), lambda i: (i, 0)),
          pl.BlockSpec((128, 640), lambda i: (0, 0)),
          pl.BlockSpec((1, 640), lambda i: (0, 0)),
          pl.BlockSpec((640, 320), lambda i: (0, 0)),
      ],
      out_specs=[
          pl.BlockSpec((RB, 128), lambda i: (i, 0)),
          pl.BlockSpec((RB, 128), lambda i: (i, 0)),
          pl.BlockSpec((RB, 128), lambda i: (i, 0)),
      ],
      out_shape=[_SDS((NP, 128), _f32)] * 3,
  )(p0, p1, g1, dinv, w2, b2, w3)


def _k45_body(oa_ref, ob_ref, q0_ref, q1_ref, gc_ref, dinv_ref, b3_ref,
              batch_ref, fp_ref, wg1_ref, bg1_ref, wg2_ref, bg2_ref,
              wf1a_ref, wf1b_ref, bf1_ref, wf2_ref, bf2_ref, wo_ref, bo_ref,
              out_ref, sums_ref, cnt_ref):
  i = pl.program_id(0)

  @pl.when(i < NBLK)
  def _():
    d = dinv_ref[...]
    sc2 = q0_ref[...] + q1_ref[...] - gc_ref[...]
    s2 = jnp.concatenate([oa_ref[...], ob_ref[:, :64], sc2], axis=1)
    x3 = jnp.maximum(s2 * d + b3_ref[...], 0.0)
    seg = lax.broadcasted_iota(jnp.int32, (RB, NB), 1)
    oh = (batch_ref[...] == seg).astype(_f32)
    psum = lax.dot_general(oh, x3, (((0,), (0,)), ((), ())),
                           preferred_element_type=_f32)
    pcnt = lax.dot_general(oh, jnp.ones((RB, 128), _f32),
                           (((0,), (0,)), ((), ())),
                           preferred_element_type=_f32)

    @pl.when(i == 0)
    def _():
      sums_ref[...] = psum
      cnt_ref[...] = pcnt

    @pl.when(i > 0)
    def _():
      sums_ref[...] += psum
      cnt_ref[...] += pcnt

  @pl.when(i == NBLK)
  def _():
    cnt = jnp.maximum(cnt_ref[:, :1], 1.0)
    mean = sums_ref[...] / cnt
    z1 = jnp.maximum(jnp.dot(mean, wg1_ref[...], preferred_element_type=_f32)
                     + bg1_ref[...], 0.0)
    z2 = jnp.dot(z1, wg2_ref[...], preferred_element_type=_f32) + bg2_ref[...]
    t = (jnp.dot(fp_ref[...], wf1a_ref[...], preferred_element_type=_f32)
         + jnp.dot(z2, wf1b_ref[...], preferred_element_type=_f32)
         + bf1_ref[...])
    t = jnp.maximum(t, 0.0)
    t2 = jnp.maximum(jnp.dot(t, wf2_ref[...], preferred_element_type=_f32)
                     + bf2_ref[...], 0.0)
    out_ref[...] = (jnp.dot(t2, wo_ref[...], preferred_element_type=_f32)
                    + bo_ref[...])


def _k45(oa, ob, q0, q1, g2c, dinv, b3, batch1, fp_pad,
         wg1, bg1, wg2, bg2, wf1a, wf1b, bf1, wf2, bf2, wo, bo):
  row = lambda i: (jnp.minimum(i, NBLK - 1), 0)
  const = lambda i: (0, 0)
  return pl.pallas_call(
      _k45_body,
      grid=(NBLK + 1,),
      in_specs=[
          pl.BlockSpec((RB, 128), row),
          pl.BlockSpec((RB, 128), row),
          pl.BlockSpec((RB, 128), row),
          pl.BlockSpec((RB, 128), row),
          pl.BlockSpec((RB, 128), row),
          pl.BlockSpec((RB, 1), row),
          pl.BlockSpec((1, 320), const),
          pl.BlockSpec((RB, 1), row),
          pl.BlockSpec((NB, 128), const),
          pl.BlockSpec((320, 1024), const),
          pl.BlockSpec((1, 1024), const),
          pl.BlockSpec((1024, 128), const),
          pl.BlockSpec((1, 128), const),
          pl.BlockSpec((128, 1024), const),
          pl.BlockSpec((128, 1024), const),
          pl.BlockSpec((1, 1024), const),
          pl.BlockSpec((1024, 512), const),
          pl.BlockSpec((1, 512), const),
          pl.BlockSpec((512, 1), const),
          pl.BlockSpec((1, 1), const),
      ],
      out_specs=pl.BlockSpec((NB, 1), const),
      out_shape=_SDS((NB, 1), _f32),
      scratch_shapes=[pltpu.VMEM((NB, 320), _f32), pltpu.VMEM((NB, 128), _f32)],
      compiler_params=pltpu.CompilerParams(dimension_semantics=("arbitrary",)),
  )(oa, ob, q0, q1, g2c, dinv, b3, batch1, fp_pad,
    wg1, bg1, wg2, bg2, wf1a, wf1b, bf1, wf2, bf2, wo, bo)



def kernel(x, edge_index, batch, data_fp, W1, b1, W2, b2, W3, b3,
           Wg1, bg1, Wg2, bg2, Wf1, bf1, Wf2, bf2, Wo, bo):
  pad_idx = (N + (jnp.arange(EP - E, dtype=jnp.int32) % (NP - N))).astype(jnp.int32)
  src2 = jnp.concatenate([edge_index[0], pad_idx]).reshape(ER, W)
  dst2 = jnp.concatenate([edge_index[1], pad_idx]).reshape(ER, W)
  x2d = jnp.pad(x, ((0, NP - N), (0, 0)))
  batch1 = jnp.pad(batch, (0, NP - N), constant_values=NB).reshape(NP, 1)
  zeros_np = jnp.zeros((NP,), _f32)
  fp_pad = jnp.pad(data_fp.astype(_f32), ((0, 0), (0, 63)))
  wf1a = jnp.pad(Wf1[:65], ((0, 63), (0, 0)))
  wf1b = Wf1[65:]
  b1r = b1.reshape(1, 128)
  b2r = b2.reshape(1, 640)
  b3r = b3.reshape(1, 320)
  bg1r, bg2r = bg1.reshape(1, 1024), bg2.reshape(1, 128)
  bf1r, bf2r = bf1.reshape(1, 1024), bf2.reshape(1, 512)
  bor = bo.reshape(1, 1)

  dega, degb = _deg_kernel()(dst2, zeros_np)
  dinv, g0 = _k1(dega.reshape(NP, 1), degb.reshape(NP, 1), x2d)

  p0, p1 = _agg_split_kernel()(g0, src2, dst2)
  g1 = _k2(p0, p1, g0, dinv, W1, b1r)

  p0, p1 = _agg_split_kernel()(g1, src2, dst2)
  g2a, g2b, g2c = _k3(p0, p1, g1, dinv, W2, b2r, W3)

  oa, ob, q0, q1 = _agg_l3_kernel()(g2a, g2b, g2c, src2, dst2)

  return _k45(oa, ob, q0, q1, g2c, dinv, b3r, batch1, fp_pad,
              Wg1, bg1r, Wg2, bg2r, wf1a, wf1b, bf1r, Wf2, bf2r, Wo, bor)

# --- scband reference (transcript-rebuilt; emitter-appended) ---
"""Pipeline reference for scband-gnnpredictor-55611236549166 (READ-ONLY COPY).

The authoritative reference and input builder live on the scoring server;
editing this copy changes nothing except your own understanding.
"""

import jax, jax.numpy as jnp
import numpy as np

N, E, B, F = 10000, 320000, 32, 128


def _w(key, shape):
    return jax.random.normal(key, shape, dtype=jnp.float32) * 0.05


def setup_inputs(seed: int = 0) -> dict:
    key = jax.random.key(seed)
    ks = jax.random.split(key, 24)
    inp = {}
    inp['x'] = jax.random.normal(ks[0], (N, F), dtype=jnp.float32)
    inp['edge_index'] = jax.random.randint(ks[1], (2, E), 0, N, dtype=jnp.int32)
    inp['batch'] = jnp.sort(jax.random.randint(ks[2], (N,), 0, B, dtype=jnp.int32))
    inp['data_fp'] = jax.random.normal(ks[3], (B, 65), dtype=jnp.float32)
    # GCNConv weights (x @ W + b convention)
    inp['W1'] = _w(ks[4], (F, F)); inp['b1'] = jnp.zeros((F,), jnp.float32)
    inp['W2'] = _w(ks[5], (F, 640)); inp['b2'] = jnp.zeros((640,), jnp.float32)
    inp['W3'] = _w(ks[6], (640, 320)); inp['b3'] = jnp.zeros((320,), jnp.float32)
    inp['Wg1'] = _w(ks[7], (320, 1024)); inp['bg1'] = jnp.zeros((1024,), jnp.float32)
    inp['Wg2'] = _w(ks[8], (1024, 128)); inp['bg2'] = jnp.zeros((128,), jnp.float32)
    inp['Wf1'] = _w(ks[9], (193, 1024)); inp['bf1'] = jnp.zeros((1024,), jnp.float32)
    inp['Wf2'] = _w(ks[10], (1024, 512)); inp['bf2'] = jnp.zeros((512,), jnp.float32)
    inp['Wo'] = _w(ks[11], (512, 1)); inp['bo'] = jnp.zeros((1,), jnp.float32)
    return inp


def _gcn_conv(x, edge_index, W, b):
    n = x.shape[0]
    loops = jnp.arange(n, dtype=edge_index.dtype)
    src = jnp.concatenate([edge_index[0], loops])
    dst = jnp.concatenate([edge_index[1], loops])
    deg = jnp.zeros((n,), x.dtype).at[dst].add(1.0)
    dinv = jax.lax.rsqrt(jnp.maximum(deg, 1.0))
    norm = dinv[src] * dinv[dst]
    h = x @ W
    msg = h[src] * norm[:, None]
    out = jnp.zeros((n, W.shape[1]), x.dtype).at[dst].add(msg)
    return out + b


def reference(x, edge_index, batch, data_fp, W1, b1, W2, b2, W3, b3, Wg1, bg1, Wg2, bg2, Wf1, bf1, Wf2, bf2, Wo, bo):
    xt = jax.nn.relu(_gcn_conv(x, edge_index, W1, b1))
    xt = jax.nn.relu(_gcn_conv(xt, edge_index, W2, b2))
    xt = jax.nn.relu(_gcn_conv(xt, edge_index, W3, b3))
    nb = data_fp.shape[0]
    sums = jax.ops.segment_sum(xt, batch, num_segments=nb)
    cnt = jax.ops.segment_sum(jnp.ones((xt.shape[0], 1), xt.dtype), batch, num_segments=nb)
    xt = sums / jnp.maximum(cnt, 1.0)
    xt = jax.nn.relu(xt @ Wg1 + bg1)
    xt = xt @ Wg2 + bg2
    xc = jnp.concatenate([data_fp.astype(jnp.float32), xt], axis=1)
    xc = jax.nn.relu(xc @ Wf1 + bf1)
    xc = jax.nn.relu(xc @ Wf2 + bf2)
    out = xc @ Wo + bo
    return out

if __name__ == "__main__":
    import jax
    _d = setup_inputs()
    print(jax.jit(kernel)(*tuple(_d.values())))

</pallas_src>

<mosaic_0001>
#map = affine_map<(d0, d1) -> (0, 0)>
#map1 = affine_map<(d0, d1) -> (0)>
module attributes {stable_mosaic.version = 14 : i64} {
  func.func @_deg_body(%arg0: i32, %arg1: i32, %arg2: memref<2560x128xi32, #tpu.memory_space<hbm>>, %arg3: memref<10240xf32, #tpu.memory_space<hbm>>, %arg4: memref<10240xf32, #tpu.memory_space<hbm>>, %arg5: memref<10240xf32, #tpu.memory_space<hbm>>, %arg6: memref<10240xf32, #tpu.memory_space<vmem_shared>>, %arg7: memref<80x128xi32, #tpu.memory_space<vmem>>, %arg8: memref<128xf32, #tpu.memory_space<vmem>>, %arg9: memref<!tpu.dma_semaphore, #tpu.memory_space<semaphore_mem>>) attributes {dimension_semantics = [#tpu.dimension_semantics<core_parallel>, #tpu.dimension_semantics<subcore_parallel>], iteration_bounds = array<i64: 2, 16>, scalar_prefetch = 0 : i64, scratch_operands = 4 : i64, tpu.core_type = #tpu.core_type<sc_vector_subcore>, window_params = [{transform_indices = #map}, {transform_indices = #map1}, {transform_indices = #map1}, {transform_indices = #map1}]} {
    %broadcast_in_dim3A = arith.constant 1.000000e+00 : f32
    %broadcast_in_dim3A_0 = vector.broadcast %broadcast_in_dim3A : f32 to vector<16xf32>
    %swap3A = arith.constant 0 : index
    %swap3A_1 = tpu.vector_load %arg8[%swap3A] {strides = array<i32>} : memref<128xf32, #tpu.memory_space<vmem>>, vector<16xf32>,
    %swap3A_2 = vector.shape_cast %swap3A_1 : vector<16xf32> to vector<16xf32>
    %swap3A_3 = vector.shape_cast %broadcast_in_dim3A_0 : vector<16xf32> to vector<16xf32>
    tpu.vector_store %arg8[%swap3A], %swap3A_3 {strides = array<i32>} : memref<128xf32, #tpu.memory_space<vmem>>, vector<16xf32>,
    %broadcast_in_dim3A_4 = arith.constant 1.000000e+00 : f32
    %broadcast_in_dim3A_5 = vector.broadcast %broadcast_in_dim3A_4 : f32 to vector<16xf32>
    %swap3A_6 = arith.constant 16 : index
    %swap3A_7 = tpu.vector_load %arg8[%swap3A_6] {strides = array<i32>} : memref<128xf32, #tpu.memory_space<vmem>>, vector<16xf32>,
    %swap3A_8 = vector.shape_cast %swap3A_7 : vector<16xf32> to vector<16xf32>
    %swap3A_9 = vector.shape_cast %broadcast_in_dim3A_5 : vector<16xf32> to vector<16xf32>
    tpu.vector_store %arg8[%swap3A_6], %swap3A_9 {strides = array<i32>} : memref<128xf32, #tpu.memory_space<vmem>>, vector<16xf32>,
    %broadcast_in_dim3A_10 = arith.constant 1.000000e+00 : f32
    %broadcast_in_dim3A_11 = vector.broadcast %broadcast_in_dim3A_10 : f32 to vector<16xf32>
    %swap3A_12 = arith.constant 32 : index
    %swap3A_13 = tpu.vector_load %arg8[%swap3A_12] {strides = array<i32>} : memref<128xf32, #tpu.memory_space<vmem>>, vector<16xf32>,
    %swap3A_14 = vector.shape_cast %swap3A_13 : vector<16xf32> to vector<16xf32>
    %swap3A_15 = vector.shape_cast %broadcast_in_dim3A_11 : vector<16xf32> to vector<16xf32>
    tpu.vector_store %arg8[%swap3A_12], %swap3A_15 {strides = array<i32>} : memref<128xf32, #tpu.memory_space<vmem>>, vector<16xf32>,
    %broadcast_in_dim3A_16 = arith.constant 1.000000e+00 : f32
    %broadcast_in_dim3A_17 = vector.broadcast %broadcast_in_dim3A_16 : f32 to vector<16xf32>
    %swap3A_18 = arith.constant 48 : index
    %swap3A_19 = tpu.vector_load %arg8[%swap3A_18] {strides = array<i32>} : memref<128xf32, #tpu.memory_space<vmem>>, vector<16xf32>,
    %swap3A_20 = vector.shape_cast %swap3A_19 : vector<16xf32> to vector<16xf32>
    %swap3A_21 = vector.shape_cast %broadcast_in_dim3A_17 : vector<16xf32> to vector<16xf32>
    tpu.vector_store %arg8[%swap3A_18], %swap3A_21 {strides = array<i32>} : memref<128xf32, #tpu.memory_space<vmem>>, vector<16xf32>,
    %broadcast_in_dim3A_22 = arith.constant 1.000000e+00 : f32
    %broadcast_in_dim3A_23 = vector.broadcast %broadcast_in_dim3A_22 : f32 to vector<16xf32>
    %swap3A_24 = arith.constant 64 : index
    %swap3A_25 = tpu.vector_load %arg8[%swap3A_24] {strides = array<i32>} : memref<128xf32, #tpu.memory_space<vmem>>, vector<16xf32>,
    %swap3A_26 = vector.shape_cast %swap3A_25 : vector<16xf32> to vector<16xf32>
    %swap3A_27 = vector.shape_cast %broadcast_in_dim3A_23 : vector<16xf32> to vector<16xf32>
    tpu.vector_store %arg8[%swap3A_24], %swap3A_27 {strides = array<i32>} : memref<128xf32, #tpu.memory_space<vmem>>, vector<16xf32>,
    %broadcast_in_dim3A_28 = arith.constant 1.000000e+00 : f32
    %broadcast_in_dim3A_29 = vector.broadcast %broadcast_in_dim3A_28 : f32 to vector<16xf32>
    %swap3A_30 = arith.constant 80 : index
    %swap3A_31 = tpu.vector_load %arg8[%swap3A_30] {strides = array<i32>} : memref<128xf32, #tpu.memory_space<vmem>>, vector<16xf32>,
    %swap3A_32 = vector.shape_cast %swap3A_31 : vector<16xf32> to vector<16xf32>
    %swap3A_33 = vector.shape_cast %broadcast_in_dim3A_29 : vector<16xf32> to vector<16xf32>
    tpu.vector_store %arg8[%swap3A_30], %swap3A_33 {strides = array<i32>} : memref<128xf32, #tpu.memory_space<vmem>>, vector<16xf32>,
    %broadcast_in_dim3A_34 = arith.constant 1.000000e+00 : f32
    %broadcast_in_dim3A_35 = vector.broadcast %broadcast_in_dim3A_34 : f32 to vector<16xf32>
    %swap3A_36 = arith.constant 96 : index
    %swap3A_37 = tpu.vector_load %arg8[%swap3A_36] {strides = array<i32>} : memref<128xf32, #tpu.memory_space<vmem>>, vector<16xf32>,
    %swap3A_38 = vector.shape_cast %swap3A_37 : vector<16xf32> to vector<16xf32>
    %swap3A_39 = vector.shape_cast %broadcast_in_dim3A_35 : vector<16xf32> to vector<16xf32>
    tpu.vector_store %arg8[%swap3A_36], %swap3A_39 {strides = array<i32>} : memref<128xf32, #tpu.memory_space<vmem>>, vector<16xf32>,
    %broadcast_in_dim3A_40 = arith.constant 1.000000e+00 : f32
    %broadcast_in_dim3A_41 = vector.broadcast %broadcast_in_dim3A_40 : f32 to vector<16xf32>
    %swap3A_42 = arith.constant 112 : index
    %swap3A_43 = tpu.vector_load %arg8[%swap3A_42] {strides = array<i32>} : memref<128xf32, #tpu.memory_space<vmem>>, vector<16xf32>,
    %swap3A_44 = vector.shape_cast %swap3A_43 : vector<16xf32> to vector<16xf32>
    %swap3A_45 = vector.shape_cast %broadcast_in_dim3A_41 : vector<16xf32> to vector<16xf32>
    tpu.vector_store %arg8[%swap3A_42], %swap3A_45 {strides = array<i32>} : memref<128xf32, #tpu.memory_space<vmem>>, vector<16xf32>,
    %mul3A = arith.constant 640 : i32
    %mul3A_46 = arith.muli %arg1, %mul3A : i32
    %mul3A_47 = arith.constant 640 : i32
    %mul3A_48 = arith.muli %arg1, %mul3A_47 : i32
    "tpu.region"() ({
      %run_scoped3A = tpu.sem_alloc : memref<!tpu.dma_semaphore, #tpu.memory_space<semaphore_mem>>
      %dma_start3A = tpu.memref_slice %arg6[%mul3A_48] : memref<10240xf32, #tpu.memory_space<vmem_shared>> -> memref<640xf32, #tpu.memory_space<vmem_shared>>
      %dma_start3A_72 = tpu.memref_slice %arg3[%mul3A_46] : memref<10240xf32, #tpu.memory_space<hbm>> -> memref<640xf32, #tpu.memory_space<hbm>>
      tpu.enqueue_dma source(%dma_start3A_72 : memref<640xf32, #tpu.memory_space<hbm>>) target(%dma_start3A : memref<640xf32, #tpu.memory_space<vmem_shared>>) target_semaphore(%run_scoped3A : memref<!tpu.dma_semaphore, #tpu.memory_space<semaphore_mem>>)
      %dma_wait3A = tpu.memref_slice %arg6[%mul3A_48] : memref<10240xf32, #tpu.memory_space<vmem_shared>> -> memref<640xf32, #tpu.memory_space<vmem_shared>>
      %dma_wait3A_73 = tpu.memref_slice %arg3[%mul3A_46] : memref<10240xf32, #tpu.memory_space<hbm>> -> memref<640xf32, #tpu.memory_space<hbm>>
      tpu.wait_dma2 semaphore(%run_scoped3A : memref<!tpu.dma_semaphore, #tpu.memory_space<semaphore_mem>>) src(%dma_wait3A_73 : memref<640xf32, #tpu.memory_space<hbm>>) dst(%dma_wait3A : memref<640xf32, #tpu.memory_space<vmem_shared>>)
      tpu.yield
    }) : () -> ()
    %mul3A_49 = arith.constant 1280 : i32
    %mul3A_50 = arith.muli %arg0, %mul3A_49 : i32
    %mul3A_51 = arith.constant 80 : i32
    %mul3A_52 = arith.muli %arg1, %mul3A_51 : i32
    %add3A = arith.addi %mul3A_50, %mul3A_52 : i32
    "tpu.region"() ({
      %run_scoped3A = tpu.sem_alloc : memref<!tpu.dma_semaphore, #tpu.memory_space<semaphore_mem>>
      %dma_start3A = arith.constant 0 : i32
      %dma_start3A_72 = tpu.memref_slice %arg2[%add3A, %dma_start3A] : memref<2560x128xi32, #tpu.memory_space<hbm>> -> memref<80x128xi32, #tpu.memory_space<hbm>>
      %dma_start3A_73 = arith.constant 0 : i32
      %dma_start3A_74 = tpu.memref_slice %arg2[%add3A, %dma_start3A_73] : memref<2560x128xi32, #tpu.memory_space<hbm>> -> memref<80x128xi32, #tpu.memory_space<hbm>>
      tpu.enqueue_dma source(%dma_start3A_74 : memref<80x128xi32, #tpu.memory_space<hbm>>) target(%arg7 : memref<80x128xi32, #tpu.memory_space<vmem>>) target_semaphore(%run_scoped3A : memref<!tpu.dma_semaphore, #tpu.memory_space<semaphore_mem>>)
      %dma_wait3A = arith.constant 0 : i32
      %dma_wait3A_75 = tpu.memref_slice %arg2[%add3A, %dma_wait3A] : memref<2560x128xi32, #tpu.memory_space<hbm>> -> memref<80x128xi32, #tpu.memory_space<hbm>>
      %dma_wait3A_76 = arith.constant 0 : i32
      %dma_wait3A_77 = tpu.memref_slice %arg2[%add3A, %dma_wait3A_76] : memref<2560x128xi32, #tpu.memory_space<hbm>> -> memref<80x128xi32, #tpu.memory_space<hbm>>
      tpu.wait_dma2 semaphore(%run_scoped3A : memref<!tpu.dma_semaphore, #tpu.memory_space<semaphore_mem>>) src(%dma_wait3A_77 : memref<80x128xi32, #tpu.memory_space<hbm>>) dst(%arg7 : memref<80x128xi32, #tpu.memory_space<vmem>>)
      tpu.yield
    }) : () -> ()
    %barrier3A = arith.constant 0 : index
    tpu.barrier barrier_id(%barrier3A)
    %scan3A = arith.constant 0 : i32
    %scan3A_53 = arith.constant 0 : i32
    %scan3A_54 = arith.constant 80 : i32
    %scan3A_55 = arith.addi %scan3A_53, %scan3A_54 : i32
    %scan3A_56 = arith.constant 1 : i32
    scf.for %scan3A_72 = %scan3A_53 to %scan3A_55 step %scan3A_56  : i32 {
      %dma_start3A = arith.constant 0 : i32
      %dma_start3A_73 = tpu.memref_slice %arg7[%scan3A_72, %dma_start3A] : memref<80x128xi32, #tpu.memory_space<vmem>> -> memref<1x128xi32, #tpu.memory_space<vmem>>
      %dma_start3A_74 = tpu.memref_squeeze %dma_start3A_73 : memref<1x128xi32, #tpu.memory_space<vmem>> -> memref<128xi32, #tpu.memory_space<vmem>>
      %dma_start3A_75 = arith.constant 0 : i32
      %dma_start3A_76 = tpu.memref_slice %arg6[%dma_start3A_75] : memref<10240xf32, #tpu.memory_space<vmem_shared>> -> memref<10240xf32, #tpu.memory_space<vmem_shared>>
      tpu.enqueue_indirect_dma source(%arg8 : memref<128xf32, #tpu.memory_space<vmem>>) target(%dma_start3A_76 : memref<10240xf32, #tpu.memory_space<vmem_shared>>) offsets(%dma_start3A_74 : memref<128xi32, #tpu.memory_space<vmem>>) semaphore(%arg9 : memref<!tpu.dma_semaphore, #tpu.memory_space<semaphore_mem>>) {add = true}
    }
    %scan3A_57 = arith.constant 80 : i32
    %scan3A_58 = arith.constant 0 : i32
    %scan3A_59 = arith.constant 0 : i32
    %scan3A_60 = arith.constant 80 : i32
    %scan3A_61 = arith.addi %scan3A_59, %scan3A_60 : i32
    %scan3A_62 = arith.constant 1 : i32
    scf.for %scan3A_72 = %scan3A_59 to %scan3A_61 step %scan3A_62  : i32 {
      %dma_wait3A = arith.constant 0 : i32
      %dma_wait3A_73 = arith.constant 0 : i32
      %dma_wait3A_74 = tpu.memref_slice %arg7[%dma_wait3A, %dma_wait3A_73] : memref<80x128xi32, #tpu.memory_space<vmem>> -> memref<1x128xi32, #tpu.memory_space<vmem>>
      %dma_wait3A_75 = tpu.memref_squeeze %dma_wait3A_74 : memref<1x128xi32, #tpu.memory_space<vmem>> -> memref<128xi32, #tpu.memory_space<vmem>>
      %dma_wait3A_76 = arith.constant 0 : i32
      %dma_wait3A_77 = tpu.memref_slice %arg6[%dma_wait3A_76] : memref<10240xf32, #tpu.memory_space<vmem_shared>> -> memref<10240xf32, #tpu.memory_space<vmem_shared>>
      tpu.wait_indirect_dma semaphore(%arg9 : memref<!tpu.dma_semaphore, #tpu.memory_space<semaphore_mem>>) src(%arg8 : memref<128xf32, #tpu.memory_space<vmem>>) dst(%dma_wait3A_77 : memref<10240xf32, #tpu.memory_space<vmem_shared>>)
    }
    %scan3A_63 = arith.constant 80 : i32
    %barrier3A_64 = arith.constant 0 : index
    tpu.barrier barrier_id(%barrier3A_64)
    %eq3A = arith.constant 0 : i32
    %eq3A_65 = arith.cmpi eq, %arg0, %eq3A : i32
    %convert_element_type3A = arith.extui %eq3A_65 : i1 to i32
    %cond3A = arith.constant 0 : i32
    %cond3A_66 = arith.cmpi ne, %convert_element_type3A, %cond3A : i32
    scf.if %cond3A_66 {
      %mul3A_72 = arith.constant 640 : i32
      %mul3A_73 = arith.muli %arg1, %mul3A_72 : i32
      %mul3A_74 = arith.constant 640 : i32
      %mul3A_75 = arith.muli %arg1, %mul3A_74 : i32
      "tpu.region"() ({
        %run_scoped3A = tpu.sem_alloc : memref<!tpu.dma_semaphore, #tpu.memory_space<semaphore_mem>>
        %dma_start3A = tpu.memref_slice %arg4[%mul3A_75] : memref<10240xf32, #tpu.memory_space<hbm>> -> memref<640xf32, #tpu.memory_space<hbm>>
        %dma_start3A_76 = tpu.memref_slice %arg6[%mul3A_73] : memref<10240xf32, #tpu.memory_space<vmem_shared>> -> memref<640xf32, #tpu.memory_space<vmem_shared>>
        tpu.enqueue_dma source(%dma_start3A_76 : memref<640xf32, #tpu.memory_space<vmem_shared>>) target(%dma_start3A : memref<640xf32, #tpu.memory_space<hbm>>) target_semaphore(%run_scoped3A : memref<!tpu.dma_semaphore, #tpu.memory_space<semaphore_mem>>)
        %dma_wait3A = tpu.memref_slice %arg4[%mul3A_75] : memref<10240xf32, #tpu.memory_space<hbm>> -> memref<640xf32, #tpu.memory_space<hbm>>
        %dma_wait3A_77 = tpu.memref_slice %arg6[%mul3A_73] : memref<10240xf32, #tpu.memory_space<vmem_shared>> -> memref<640xf32, #tpu.memory_space<vmem_shared>>
        tpu.wait_dma2 semaphore(%run_scoped3A : memref<!tpu.dma_semaphore, #tpu.memory_space<semaphore_mem>>) src(%dma_wait3A_77 : memref<640xf32, #tpu.memory_space<vmem_shared>>) dst(%dma_wait3A : memref<640xf32, #tpu.memory_space<hbm>>)
        tpu.yield
      }) : () -> ()
    } else {
    }
    %eq3A_67 = arith.constant 1 : i32
    %eq3A_68 = arith.cmpi eq, %arg0, %eq3A_67 : i32
    %convert_element_type3A_69 = arith.extui %eq3A_68 : i1 to i32
    %cond3A_70 = arith.constant 0 : i32
    %cond3A_71 = arith.cmpi ne, %convert_element_type3A_69, %cond3A_70 : i32
    scf.if %cond3A_71 {
      %mul3A_72 = arith.constant 640 : i32
      %mul3A_73 = arith.muli %arg1, %mul3A_72 : i32
      %mul3A_74 = arith.constant 640 : i32
      %mul3A_75 = arith.muli %arg1, %mul3A_74 : i32
      "tpu.region"() ({
        %run_scoped3A = tpu.sem_alloc : memref<!tpu.dma_semaphore, #tpu.memory_space<semaphore_mem>>
        %dma_start3A = tpu.memref_slice %arg5[%mul3A_75] : memref<10240xf32, #tpu.memory_space<hbm>> -> memref<640xf32, #tpu.memory_space<hbm>>
        %dma_start3A_76 = tpu.memref_slice %arg6[%mul3A_73] : memref<10240xf32, #tpu.memory_space<vmem_shared>> -> memref<640xf32, #tpu.memory_space<vmem_shared>>
        tpu.enqueue_dma source(%dma_start3A_76 : memref<640xf32, #tpu.memory_space<vmem_shared>>) target(%dma_start3A : memref<640xf32, #tpu.memory_space<hbm>>) target_semaphore(%run_scoped3A : memref<!tpu.dma_semaphore, #tpu.memory_space<semaphore_mem>>)
        %dma_wait3A = tpu.memref_slice %arg5[%mul3A_75] : memref<10240xf32, #tpu.memory_space<hbm>> -> memref<640xf32, #tpu.memory_space<hbm>>
        %dma_wait3A_77 = tpu.memref_slice %arg6[%mul3A_73] : memref<10240xf32, #tpu.memory_space<vmem_shared>> -> memref<640xf32, #tpu.memory_space<vmem_shared>>
        tpu.wait_dma2 semaphore(%run_scoped3A : memref<!tpu.dma_semaphore, #tpu.memory_space<semaphore_mem>>) src(%dma_wait3A_77 : memref<640xf32, #tpu.memory_space<vmem_shared>>) dst(%dma_wait3A : memref<640xf32, #tpu.memory_space<hbm>>)
        tpu.yield
      }) : () -> ()
    } else {
    }
    return
  }
}

#map = affine_map<(d0, d1) -> (0, 0)>
module attributes {stable_mosaic.version = 14 : i64} {
  func.func @_agg_l3_body(%arg0: i32, %arg1: i32, %arg2: memref<10240x128xf32, #tpu.memory_space<hbm>>, %arg3: memref<10240x128xf32, #tpu.memory_space<hbm>>, %arg4: memref<10240x128xf32, #tpu.memory_space<hbm>>, %arg5: memref<2560x128xi32, #tpu.memory_space<hbm>>, %arg6: memref<2560x128xi32, #tpu.memory_space<hbm>>, %arg7: memref<10240x128xf32, #tpu.memory_space<hbm>>, %arg8: memref<10240x128xf32, #tpu.memory_space<hbm>>, %arg9: memref<10240x128xf32, #tpu.memory_space<hbm>>, %arg10: memref<10240x128xf32, #tpu.memory_space<hbm>>, %arg11: memref<10240x128xf32, #tpu.memory_space<vmem_shared>>, %arg12: memref<40x128xi32, #tpu.memory_space<vmem>>, %arg13: memref<40x128xi32, #tpu.memory_space<vmem>>, %arg14: memref<128x128xf32, #tpu.memory_space<vmem>>, %arg15: memref<128x128xf32, #tpu.memory_space<vmem>>, %arg16: memref<!tpu.dma_semaphore, #tpu.memory_space<semaphore_mem>>, %arg17: memref<!tpu.dma_semaphore, #tpu.memory_space<semaphore_mem>>, %arg18: memref<!tpu.dma_semaphore, #tpu.memory_space<semaphore_mem>>, %arg19: memref<!tpu.dma_semaphore, #tpu.memory_space<semaphore_mem>>) attributes {dimension_semantics = [#tpu.dimension_semantics<core_parallel>, #tpu.dimension_semantics<subcore_parallel>], iteration_bounds = array<i64: 2, 16>, scalar_prefetch = 0 : i64, scratch_operands = 9 : i64, tpu.core_type = #tpu.core_type<sc_vector_subcore>, window_params = [{transform_indices = #map}, {transform_indices = #map}, {transform_indices = #map}, {transform_indices = #map}, {transform_indices = #map}, {transform_indices = #map}, {transform_indices = #map}, {transform_indices = #map}, {transform_indices = #map}]} {
    %eq3A = arith.constant 0 : i32
    %eq3A_0 = arith.cmpi eq, %arg0, %eq3A : i32
    %convert_element_type3A = arith.extui %eq3A_0 : i1 to i32
    %cond3A = arith.constant 0 : i32
    %cond3A_1 = arith.cmpi ne, %convert_element_type3A, %cond3A : i32
    scf.if %cond3A_1 {
      %mul3A = arith.constant 160 : i32
      %mul3A_7 = arith.muli %arg1, %mul3A : i32
      %mul3A_8 = arith.constant 640 : i32
      %mul3A_9 = arith.muli %arg1, %mul3A_8 : i32
      %mul3A_10 = arith.constant 640 : i32
      %mul3A_11 = arith.muli %arg1, %mul3A_10 : i32
      "tpu.region"() ({
        %run_scoped3A = tpu.sem_alloc : memref<!tpu.dma_semaphore, #tpu.memory_space<semaphore_mem>>
        %dma_start3A = arith.constant 0 : i32
        %dma_start3A_67 = tpu.memref_slice %arg11[%mul3A_11, %dma_start3A] : memref<10240x128xf32, #tpu.memory_space<vmem_shared>> -> memref<640x128xf32, #tpu.memory_space<vmem_shared>>
        %dma_start3A_68 = arith.constant 0 : i32
        %dma_start3A_69 = tpu.memref_slice %arg2[%mul3A_9, %dma_start3A_68] : memref<10240x128xf32, #tpu.memory_space<hbm>> -> memref<640x128xf32, #tpu.memory_space<hbm>>
        tpu.enqueue_dma source(%dma_start3A_69 : memref<640x128xf32, #tpu.memory_space<hbm>>) target(%dma_start3A_67 : memref<640x128xf32, #tpu.memory_space<vmem_shared>>) target_semaphore(%run_scoped3A : memref<!tpu.dma_semaphore, #tpu.memory_space<semaphore_mem>>)
        %dma_wait3A_70 = arith.constant 0 : i32
        %dma_wait3A_71 = tpu.memref_slice %arg11[%mul3A_11, %dma_wait3A_70] : memref<10240x128xf32, #tpu.memory_space<vmem_shared>> -> memref<640x128xf32, #tpu.memory_space<vmem_shared>>
        %dma_wait3A_72 = arith.constant 0 : i32
        %dma_wait3A_73 = tpu.memref_slice %arg2[%mul3A_9, %dma_wait3A_72] : memref<10240x128xf32, #tpu.memory_space<hbm>> -> memref<640x128xf32, #tpu.memory_space<hbm>>
        tpu.wait_dma2 semaphore(%run_scoped3A : memref<!tpu.dma_semaphore, #tpu.memory_space<semaphore_mem>>) src(%dma_wait3A_73 : memref<640x128xf32, #tpu.memory_space<hbm>>) dst(%dma_wait3A_71 : memref<640x128xf32, #tpu.memory_space<vmem_shared>>)
        tpu.yield
      }) : () -> ()
      %barrier3A = arith.constant 0 : index
      tpu.barrier barrier_id(%barrier3A)
      %scan3A = arith.constant 0 : i32
      %scan3A_12 = arith.constant 0 : i32
      %scan3A_13 = arith.constant 4 : i32
      %scan3A_14 = arith.addi %scan3A_12, %scan3A_13 : i32
      %scan3A_15 = arith.constant 1 : i32
      scf.for %scan3A_67 = %scan3A_12 to %scan3A_14 step %scan3A_15  : i32 {
        %mul3A_68 = arith.constant 40 : i32
        %mul3A_69 = arith.muli %scan3A_67, %mul3A_68 : i32
        %add3A = arith.addi %mul3A_7, %mul3A_69 : i32
        "tpu.region"() ({
          %run_scoped3A = tpu.sem_alloc : memref<!tpu.dma_semaphore, #tpu.memory_space<semaphore_mem>>
          %dma_start3A_86 = arith.constant 0 : i32
          %dma_start3A_87 = tpu.memref_slice %arg5[%add3A, %dma_start3A_86] : memref<2560x128xi32, #tpu.memory_space<hbm>> -> memref<40x128xi32, #tpu.memory_space<hbm>>
          %dma_start3A_88 = arith.constant 0 : i32
          %dma_start3A_89 = tpu.memref_slice %arg5[%add3A, %dma_start3A_88] : memref<2560x128xi32, #tpu.memory_space<hbm>> -> memref<40x128xi32, #tpu.memory_space<hbm>>
          tpu.enqueue_dma source(%dma_start3A_89 : memref<40x128xi32, #tpu.memory_space<hbm>>) target(%arg12 : memref<40x128xi32, #tpu.memory_space<vmem>>) target_semaphore(%run_scoped3A : memref<!tpu.dma_semaphore, #tpu.memory_space<semaphore_mem>>)
          %dma_wait3A_90 = arith.constant 0 : i32
          %dma_wait3A_91 = tpu.memref_slice %arg5[%add3A, %dma_wait3A_90] : memref<2560x128xi32, #tpu.memory_space<hbm>> -> memref<40x128xi32, #tpu.memory_space<hbm>>
          %dma_wait3A_92 = arith.constant 0 : i32
          %dma_wait3A_93 = tpu.memref_slice %arg5[%add3A, %dma_wait3A_92] : memref<2560x128xi32, #tpu.memory_space<hbm>> -> memref<40x128xi32, #tpu.memory_space<hbm>>
          tpu.wait_dma2 semaphore(%run_scoped3A : memref<!tpu.dma_semaphore, #tpu.memory_space<semaphore_mem>>) src(%dma_wait3A_93 : memref<40x128xi32, #tpu.memory_space<hbm>>) dst(%arg12 : memref<40x128xi32, #tpu.memory_space<vmem>>)
          tpu.yield
        }) : () -> ()
        "tpu.region"() ({
          %run_scoped3A = tpu.sem_alloc : memref<!tpu.dma_semaphore, #tpu.memory_space<semaphore_mem>>
          %dma_start3A_86 = arith.constant 0 : i32
          %dma_start3A_87 = tpu.memref_slice %arg6[%add3A, %dma_start3A_86] : memref<2560x128xi32, #tpu.memory_space<hbm>> -> memref<40x128xi32, #tpu.memory_space<hbm>>
          %dma_start3A_88 = arith.constant 0 : i32
          %dma_start3A_89 = tpu.memref_slice %arg6[%add3A, %dma_start3A_88] : memref<2560x128xi32, #tpu.memory_space<hbm>> -> memref<40x128xi32, #tpu.memory_space<hbm>>
          tpu.enqueue_dma source(%dma_start3A_89 : memref<40x128xi32, #tpu.memory_space<hbm>>) target(%arg13 : memref<40x128xi32, #tpu.memory_space<vmem>>) target_semaphore(%run_scoped3A : memref<!tpu.dma_semaphore, #tpu.memory_space<semaphore_mem>>)
          %dma_wait3A_90 = arith.constant 0 : i32
          %dma_wait3A_91 = tpu.memref_slice %arg6[%add3A, %dma_wait3A_90] : memref<2560x128xi32, #tpu.memory_space<hbm>> -> memref<40x128xi32, #tpu.memory_space<hbm>>
          %dma_wait3A_92 = arith.constant 0 : i32
          %dma_wait3A_93 = tpu.memref_slice %arg6[%add3A, %dma_wait3A_92] : memref<2560x128xi32, #tpu.memory_space<hbm>> -> memref<40x128xi32, #tpu.memory_space<hbm>>
          tpu.wait_dma2 semaphore(%run_scoped3A : memref<!tpu.dma_semaphore, #tpu.memory_space<semaphore_mem>>) src(%dma_wait3A_93 : memref<40x128xi32, #tpu.memory_space<hbm>>) dst(%arg13 : memref<40x128xi32, #tpu.memory_space<vmem>>)
          tpu.yield
        }) : () -> ()
        %gt3A = arith.constant 0 : i32
        %gt3A_70 = arith.cmpi sgt, %scan3A_67, %gt3A : i32
        %convert_element_type3A_71 = arith.extui %gt3A_70 : i1 to i32
        %cond3A_72 = arith.constant 0 : i32
        %cond3A_73 = arith.cmpi ne, %convert_element_type3A_71, %cond3A_72 : i32
        scf.if %cond3A_73 {
          %dma_wait3A_86 = arith.constant 0 : i32
          %dma_wait3A_87 = arith.constant 0 : i32
          %dma_wait3A_88 = tpu.memref_slice %arg13[%dma_wait3A_86, %dma_wait3A_87] : memref<40x128xi32, #tpu.memory_space<vmem>> -> memref<1x128xi32, #tpu.memory_space<vmem>>
          %dma_wait3A_89 = tpu.memref_squeeze %dma_wait3A_88 : memref<1x128xi32, #tpu.memory_space<vmem>> -> memref<128xi32, #tpu.memory_space<vmem>>
          %dma_wait3A_90 = arith.constant 0 : i32
          %dma_wait3A_91 = arith.constant 0 : i32
          %dma_wait3A_92 = tpu.memref_slice %arg11[%dma_wait3A_90, %dma_wait3A_91] : memref<10240x128xf32, #tpu.memory_space<vmem_shared>> -> memref<10240x128xf32, #tpu.memory_space<vmem_shared>>
          tpu.wait_indirect_dma semaphore(%arg18 : memref<!tpu.dma_semaphore, #tpu.memory_space<semaphore_mem>>) src(%arg14 : memref<128x128xf32, #tpu.memory_space<vmem>>) dst(%dma_wait3A_92 : memref<10240x128xf32, #tpu.memory_space<vmem_shared>>)
        } else {
        }
        %dma_start3A = arith.constant 0 : i32
        %dma_start3A_74 = arith.constant 0 : i32
        %dma_start3A_75 = tpu.memref_slice %arg12[%dma_start3A, %dma_start3A_74] : memref<40x128xi32, #tpu.memory_space<vmem>> -> memref<1x128xi32, #tpu.memory_space<vmem>>
        %dma_start3A_76 = tpu.memref_squeeze %dma_start3A_75 : memref<1x128xi32, #tpu.memory_space<vmem>> -> memref<128xi32, #tpu.memory_space<vmem>>
        %dma_start3A_77 = arith.constant 0 : i32
        %dma_start3A_78 = arith.constant 0 : i32
        %dma_start3A_79 = tpu.memref_slice %arg2[%dma_start3A_77, %dma_start3A_78] : memref<10240x128xf32, #tpu.memory_space<hbm>> -> memref<10240x128xf32, #tpu.memory_space<hbm>>
        tpu.enqueue_indirect_dma source(%dma_start3A_79 : memref<10240x128xf32, #tpu.memory_space<hbm>>) target(%arg14 : memref<128x128xf32, #tpu.memory_space<vmem>>) offsets(%dma_start3A_76 : memref<128xi32, #tpu.memory_space<vmem>>) semaphore(%arg16 : memref<!tpu.dma_semaphore, #tpu.memory_space<semaphore_mem>>)
        %scan3A_80 = arith.constant 0 : i32
        %scan3A_81 = arith.constant 0 : i32
        %scan3A_82 = arith.constant 20 : i32
        %scan3A_83 = arith.addi %scan3A_81, %scan3A_82 : i32
        %scan3A_84 = arith.constant 1 : i32
        scf.for %scan3A_86 = %scan3A_81 to %scan3A_83 step %scan3A_84  : i32 {
          %mul3A_87 = arith.constant 2 : i32
          %mul3A_88 = arith.muli %mul3A_87, %scan3A_86 : i32
          %add3A_89 = arith.constant 0 : i32
          %add3A_90 = arith.addi %mul3A_88, %add3A_89 : i32
          %mul3A_91 = arith.constant 40 : i32
          %mul3A_92 = arith.muli %scan3A_67, %mul3A_91 : i32
          %add3A_93 = arith.addi %mul3A_92, %add3A_90 : i32
          %add3A_94 = arith.constant 1 : i32
          %add3A_95 = arith.addi %add3A_90, %add3A_94 : i32
          %lt3A = arith.constant 40 : i32
          %lt3A_96 = arith.cmpi slt, %add3A_95, %lt3A : i32
          %convert_element_type3A_97 = arith.extui %lt3A_96 : i1 to i32
          %cond3A_98 = arith.constant 0 : i32
          %cond3A_99 = arith.cmpi ne, %convert_element_type3A_97, %cond3A_98 : i32
          scf.if %cond3A_99 {
            %ge3A = arith.constant 1 : i32
            %ge3A_138 = arith.cmpi sge, %add3A_93, %ge3A : i32
            %convert_element_type3A_139 = arith.extui %ge3A_138 : i1 to i32
            %cond3A_140 = arith.constant 0 : i32
            %cond3A_141 = arith.cmpi ne, %convert_element_type3A_139, %cond3A_140 : i32
            scf.if %cond3A_141 {
              %dma_wait3A_150 = arith.constant 0 : i32
              %dma_wait3A_151 = tpu.memref_slice %arg13[%add3A_90, %dma_wait3A_150] : memref<40x128xi32, #tpu.memory_space<vmem>> -> memref<1x128xi32, #tpu.memory_space<vmem>>
              %dma_wait3A_152 = tpu.memref_squeeze %dma_wait3A_151 : memref<1x128xi32, #tpu.memory_space<vmem>> -> memref<128xi32, #tpu.memory_space<vmem>>
              %dma_wait3A_153 = arith.constant 0 : i32
              %dma_wait3A_154 = arith.constant 0 : i32
              %dma_wait3A_155 = tpu.memref_slice %arg11[%dma_wait3A_153, %dma_wait3A_154] : memref<10240x128xf32, #tpu.memory_space<vmem_shared>> -> memref<10240x128xf32, #tpu.memory_space<vmem_shared>>
              tpu.wait_indirect_dma semaphore(%arg19 : memref<!tpu.dma_semaphore, #tpu.memory_space<semaphore_mem>>) src(%arg15 : memref<128x128xf32, #tpu.memory_space<vmem>>) dst(%dma_wait3A_155 : memref<10240x128xf32, #tpu.memory_space<vmem_shared>>)
            } else {
            }
            %add3A_142 = arith.constant 1 : i32
            %add3A_143 = arith.addi %add3A_90, %add3A_142 : i32
            %dma_start3A_144 = arith.constant 0 : i32
            %dma_start3A_145 = tpu.memref_slice %arg12[%add3A_143, %dma_start3A_144] : memref<40x128xi32, #tpu.memory_space<vmem>> -> memref<1x128xi32, #tpu.memory_space<vmem>>
            %dma_start3A_146 = tpu.memref_squeeze %dma_start3A_145 : memref<1x128xi32, #tpu.memory_space<vmem>> -> memref<128xi32, #tpu.memory_space<vmem>>
            %dma_start3A_147 = arith.constant 0 : i32
            %dma_start3A_148 = arith.constant 0 : i32
            %dma_start3A_149 = tpu.memref_slice %arg2[%dma_start3A_147, %dma_start3A_148] : memref<10240x128xf32, #tpu.memory_space<hbm>> -> memref<10240x128xf32, #tpu.memory_space<hbm>>
            tpu.enqueue_indirect_dma source(%dma_start3A_149 : memref<10240x128xf32, #tpu.memory_space<hbm>>) target(%arg15 : memref<128x128xf32, #tpu.memory_space<vmem>>) offsets(%dma_start3A_146 : memref<128xi32, #tpu.memory_space<vmem>>) semaphore(%arg17 : memref<!tpu.dma_semaphore, #tpu.memory_space<semaphore_mem>>)
          } else {
          }
          %dma_wait3A_100 = arith.constant 0 : i32
          %dma_wait3A_101 = tpu.memref_slice %arg12[%add3A_90, %dma_wait3A_100] : memref<40x128xi32, #tpu.memory_space<vmem>> -> memref<1x128xi32, #tpu.memory_space<vmem>>
          %dma_wait3A_102 = tpu.memref_squeeze %dma_wait3A_101 : memref<1x128xi32, #tpu.memory_space<vmem>> -> memref<128xi32, #tpu.memory_space<vmem>>
          %dma_wait3A_103 = arith.constant 0 : i32
          %dma_wait3A_104 = arith.constant 0 : i32
          %dma_wait3A_105 = tpu.memref_slice %arg2[%dma_wait3A_103, %dma_wait3A_104] : memref<10240x128xf32, #tpu.memory_space<hbm>> -> memref<10240x128xf32, #tpu.memory_space<hbm>>
          tpu.wait_indirect_dma semaphore(%arg16 : memref<!tpu.dma_semaphore, #tpu.memory_space<semaphore_mem>>) src(%dma_wait3A_105 : memref<10240x128xf32, #tpu.memory_space<hbm>>) dst(%arg14 : memref<128x128xf32, #tpu.memory_space<vmem>>)
          %dma_start3A_106 = arith.constant 0 : i32
          %dma_start3A_107 = tpu.memref_slice %arg13[%add3A_90, %dma_start3A_106] : memref<40x128xi32, #tpu.memory_space<vmem>> -> memref<1x128xi32, #tpu.memory_space<vmem>>
          %dma_start3A_108 = tpu.memref_squeeze %dma_start3A_107 : memref<1x128xi32, #tpu.memory_space<vmem>> -> memref<128xi32, #tpu.memory_space<vmem>>
          %dma_start3A_109 = arith.constant 0 : i32
          %dma_start3A_110 = arith.constant 0 : i32
          %dma_start3A_111 = tpu.memref_slice %arg11[%dma_start3A_109, %dma_start3A_110] : memref<10240x128xf32, #tpu.memory_space<vmem_shared>> -> memref<10240x128xf32, #tpu.memory_space<vmem_shared>>
          tpu.enqueue_indirect_dma source(%arg14 : memref<128x128xf32, #tpu.memory_space<vmem>>) target(%dma_start3A_111 : memref<10240x128xf32, #tpu.memory_space<vmem_shared>>) offsets(%dma_start3A_108 : memref<128xi32, #tpu.memory_space<vmem>>) semaphore(%arg18 : memref<!tpu.dma_semaphore, #tpu.memory_space<semaphore_mem>>) {add = true}
          %mul3A_112 = arith.constant 2 : i32
          %mul3A_113 = arith.muli %mul3A_112, %scan3A_86 : i32
          %add3A_114 = arith.constant 1 : i32
          %add3A_115 = arith.addi %mul3A_113, %add3A_114 : i32
          %mul3A_116 = arith.constant 40 : i32
          %mul3A_117 = arith.muli %scan3A_67, %mul3A_116 : i32
          %add3A_118 = arith.addi %mul3A_117, %add3A_115 : i32
          %add3A_119 = arith.constant 1 : i32
          %add3A_120 = arith.addi %add3A_115, %add3A_119 : i32
          %lt3A_121 = arith.constant 40 : i32
          %lt3A_122 = arith.cmpi slt, %add3A_120, %lt3A_121 : i32
          %convert_element_type3A_123 = arith.extui %lt3A_122 : i1 to i32
          %cond3A_124 = arith.constant 0 : i32
          %cond3A_125 = arith.cmpi ne, %convert_element_type3A_123, %cond3A_124 : i32
          scf.if %cond3A_125 {
            %ge3A = arith.constant 1 : i32
            %ge3A_138 = arith.cmpi sge, %add3A_118, %ge3A : i32
            %convert_element_type3A_139 = arith.extui %ge3A_138 : i1 to i32
            %cond3A_140 = arith.constant 0 : i32
            %cond3A_141 = arith.cmpi ne, %convert_element_type3A_139, %cond3A_140 : i32
            scf.if %cond3A_141 {
              %dma_wait3A_150 = arith.constant 0 : i32
              %dma_wait3A_151 = tpu.memref_slice %arg13[%add3A_115, %dma_wait3A_150] : memref<40x128xi32, #tpu.memory_space<vmem>> -> memref<1x128xi32, #tpu.memory_space<vmem>>
              %dma_wait3A_152 = tpu.memref_squeeze %dma_wait3A_151 : memref<1x128xi32, #tpu.memory_space<vmem>> -> memref<128xi32, #tpu.memory_space<vmem>>
              %dma_wait3A_153 = arith.constant 0 : i32
              %dma_wait3A_154 = arith.constant 0 : i32
              %dma_wait3A_155 = tpu.memref_slice %arg11[%dma_wait3A_153, %dma_wait3A_154] : memref<10240x128xf32, #tpu.memory_space<vmem_shared>> -> memref<10240x128xf32, #tpu.memory_space<vmem_shared>>
              tpu.wait_indirect_dma semaphore(%arg18 : memref<!tpu.dma_semaphore, #tpu.memory_space<semaphore_mem>>) src(%arg14 : memref<128x128xf32, #tpu.memory_space<vmem>>) dst(%dma_wait3A_155 : memref<10240x128xf32, #tpu.memory_space<vmem_shared>>)
            } else {
            }
            %add3A_142 = arith.constant 1 : i32
            %add3A_143 = arith.addi %add3A_115, %add3A_142 : i32
            %dma_start3A_144 = arith.constant 0 : i32
            %dma_start3A_145 = tpu.memref_slice %arg12[%add3A_143, %dma_start3A_144] : memref<40x128xi32, #tpu.memory_space<vmem>> -> memref<1x128xi32, #tpu.memory_space<vmem>>
            %dma_start3A_146 = tpu.memref_squeeze %dma_start3A_145 : memref<1x128xi32, #tpu.memory_space<vmem>> -> memref<128xi32, #tpu.memory_space<vmem>>
            %dma_start3A_147 = arith.constant 0 : i32
            %dma_start3A_148 = arith.constant 0 : i32
            %dma_start3A_149 = tpu.memref_slice %arg2[%dma_start3A_147, %dma_start3A_148] : memref<10240x128xf32, #tpu.memory_space<hbm>> -> memref<10240x128xf32, #tpu.memory_space<hbm>>
            tpu.enqueue_indirect_dma source(%dma_start3A_149 : memref<10240x128xf32, #tpu.memory_space<hbm>>) target(%arg14 : memref<128x128xf32, #tpu.memory_space<vmem>>) offsets(%dma_start3A_146 : memref<128xi32, #tpu.memory_space<vmem>>) semaphore(%arg16 : memref<!tpu.dma_semaphore, #tpu.memory_space<semaphore_mem>>)
          } else {
          }
          %dma_wait3A_126 = arith.constant 0 : i32
          %dma_wait3A_127 = tpu.memref_slice %arg12[%add3A_115, %dma_wait3A_126] : memref<40x128xi32, #tpu.memory_space<vmem>> -> memref<1x128xi32, #tpu.memory_space<vmem>>
          %dma_wait3A_128 = tpu.memref_squeeze %dma_wait3A_127 : memref<1x128xi32, #tpu.memory_space<vmem>> -> memref<128xi32, #tpu.memory_space<vmem>>
          %dma_wait3A_129 = arith.constant 0 : i32
          %dma_wait3A_130 = arith.constant 0 : i32
          %dma_wait3A_131 = tpu.memref_slice %arg2[%dma_wait3A_129, %dma_wait3A_130] : memref<10240x128xf32, #tpu.memory_space<hbm>> -> memref<10240x128xf32, #tpu.memory_space<hbm>>
          tpu.wait_indirect_dma semaphore(%arg17 : memref<!tpu.dma_semaphore, #tpu.memory_space<semaphore_mem>>) src(%dma_wait3A_131 : memref<10240x128xf32, #tpu.memory_space<hbm>>) dst(%arg15 : memref<128x128xf32, #tpu.memory_space<vmem>>)
          %dma_start3A_132 = arith.constant 0 : i32
          %dma_start3A_133 = tpu.memref_slice %arg13[%add3A_115, %dma_start3A_132] : memref<40x128xi32, #tpu.memory_space<vmem>> -> memref<1x128xi32, #tpu.memory_space<vmem>>
          %dma_start3A_134 = tpu.memref_squeeze %dma_start3A_133 : memref<1x128xi32, #tpu.memory_space<vmem>> -> memref<128xi32, #tpu.memory_space<vmem>>
          %dma_start3A_135 = arith.constant 0 : i32
          %dma_start3A_136 = arith.constant 0 : i32
          %dma_start3A_137 = tpu.memref_slice %arg11[%dma_start3A_135, %dma_start3A_136] : memref<10240x128xf32, #tpu.memory_space<vmem_shared>> -> memref<10240x128xf32, #tpu.memory_space<vmem_shared>>
          tpu.enqueue_indirect_dma source(%arg15 : memref<128x128xf32, #tpu.memory_space<vmem>>) target(%dma_start3A_137 : memref<10240x128xf32, #tpu.memory_space<vmem_shared>>) offsets(%dma_start3A_134 : memref<128xi32, #tpu.memory_space<vmem>>) semaphore(%arg19 : memref<!tpu.dma_semaphore, #tpu.memory_space<semaphore_mem>>) {add = true}
        }
        %scan3A_85 = arith.constant 20 : i32
      }
      %scan3A_16 = arith.constant 4 : i32
      %dma_wait3A = arith.constant 0 : i32
      %dma_wait3A_17 = arith.constant 0 : i32
      %dma_wait3A_18 = tpu.memref_slice %arg13[%dma_wait3A, %dma_wait3A_17] : memref<40x128xi32, #tpu.memory_space<vmem>> -> memref<1x128xi32, #tpu.memory_space<vmem>>
      %dma_wait3A_19 = tpu.memref_squeeze %dma_wait3A_18 : memref<1x128xi32, #tpu.memory_space<vmem>> -> memref<128xi32, #tpu.memory_space<vmem>>
      %dma_wait3A_20 = arith.constant 0 : i32
      %dma_wait3A_21 = arith.constant 0 : i32
      %dma_wait3A_22 = tpu.memref_slice %arg11[%dma_wait3A_20, %dma_wait3A_21] : memref<10240x128xf32, #tpu.memory_space<vmem_shared>> -> memref<10240x128xf32, #tpu.memory_space<vmem_shared>>
      tpu.wait_indirect_dma semaphore(%arg18 : memref<!tpu.dma_semaphore, #tpu.memory_space<semaphore_mem>>) src(%arg14 : memref<128x128xf32, #tpu.memory_space<vmem>>) dst(%dma_wait3A_22 : memref<10240x128xf32, #tpu.memory_space<vmem_shared>>)
      %dma_wait3A_23 = arith.constant 0 : i32
      %dma_wait3A_24 = arith.constant 0 : i32
      %dma_wait3A_25 = tpu.memref_slice %arg13[%dma_wait3A_23, %dma_wait3A_24] : memref<40x128xi32, #tpu.memory_space<vmem>> -> memref<1x128xi32, #tpu.memory_space<vmem>>
      %dma_wait3A_26 = tpu.memref_squeeze %dma_wait3A_25 : memref<1x128xi32, #tpu.memory_space<vmem>> -> memref<128xi32, #tpu.memory_space<vmem>>
      %dma_wait3A_27 = arith.constant 0 : i32
      %dma_wait3A_28 = arith.constant 0 : i32
      %dma_wait3A_29 = tpu.memref_slice %arg11[%dma_wait3A_27, %dma_wait3A_28] : memref<10240x128xf32, #tpu.memory_space<vmem_shared>> -> memref<10240x128xf32, #tpu.memory_space<vmem_shared>>
      tpu.wait_indirect_dma semaphore(%arg19 : memref<!tpu.dma_semaphore, #tpu.memory_space<semaphore_mem>>) src(%arg15 : memref<128x128xf32, #tpu.memory_space<vmem>>) dst(%dma_wait3A_29 : memref<10240x128xf32, #tpu.memory_space<vmem_shared>>)
      %barrier3A_30 = arith.constant 0 : index
      tpu.barrier barrier_id(%barrier3A_30)
      %mul3A_31 = arith.constant 640 : i32
      %mul3A_32 = arith.muli %arg1, %mul3A_31 : i32
      %mul3A_33 = arith.constant 640 : i32
      %mul3A_34 = arith.muli %arg1, %mul3A_33 : i32
      "tpu.region"() ({
        %run_scoped3A = tpu.sem_alloc : memref<!tpu.dma_semaphore, #tpu.memory_space<semaphore_mem>>
        %dma_start3A = arith.constant 0 : i32
        %dma_start3A_67 = tpu.memref_slice %arg7[%mul3A_34, %dma_start3A] : memref<10240x128xf32, #tpu.memory_space<hbm>> -> memref<640x128xf32, #tpu.memory_space<hbm>>
        %dma_start3A_68 = arith.constant 0 : i32
        %dma_start3A_69 = tpu.memref_slice %arg11[%mul3A_32, %dma_start3A_68] : memref<10240x128xf32, #tpu.memory_space<vmem_shared>> -> memref<640x128xf32, #tpu.memory_space<vmem_shared>>
        tpu.enqueue_dma source(%dma_start3A_69 : memref<640x128xf32, #tpu.memory_space<vmem_shared>>) target(%dma_start3A_67 : memref<640x128xf32, #tpu.memory_space<hbm>>) target_semaphore(%run_scoped3A : memref<!tpu.dma_semaphore, #tpu.memory_space<semaphore_mem>>)
        %dma_wait3A_70 = arith.constant 0 : i32
        %dma_wait3A_71 = tpu.memref_slice %arg7[%mul3A_34, %dma_wait3A_70] : memref<10240x128xf32, #tpu.memory_space<hbm>> -> memref<640x128xf32, #tpu.memory_space<hbm>>
        %dma_wait3A_72 = arith.constant 0 : i32
        %dma_wait3A_73 = tpu.memref_slice %arg11[%mul3A_32, %dma_wait3A_72] : memref<10240x128xf32, #tpu.memory_space<vmem_shared>> -> memref<640x128xf32, #tpu.memory_space<vmem_shared>>
        tpu.wait_dma2 semaphore(%run_scoped3A : memref<!tpu.dma_semaphore, #tpu.memory_space<semaphore_mem>>) src(%dma_wait3A_73 : memref<640x128xf32, #tpu.memory_space<vmem_shared>>) dst(%dma_wait3A_71 : memref<640x128xf32, #tpu.memory_space<hbm>>)
        tpu.yield
      }) : () -> ()
      %mul3A_35 = arith.constant 80 : i32
      %mul3A_36 = arith.muli %arg1, %mul3A_35 : i32
      %mul3A_37 = arith.constant 640 : i32
      %mul3A_38 = arith.muli %arg1, %mul3A_37 : i32
      %mul3A_39 = arith.constant 640 : i32
      %mul3A_40 = arith.muli %arg1, %mul3A_39 : i32
      "tpu.region"() ({
        %run_scoped3A = tpu.sem_alloc : memref<!tpu.dma_semaphore, #tpu.memory_space<semaphore_mem>>
        %dma_start3A = arith.constant 0 : i32
        %dma_start3A_67 = tpu.memref_slice %arg11[%mul3A_40, %dma_start3A] : memref<10240x128xf32, #tpu.memory_space<vmem_shared>> -> memref<640x128xf32, #tpu.memory_space<vmem_shared>>
        %dma_start3A_68 = arith.constant 0 : i32
        %dma_start3A_69 = tpu.memref_slice %arg4[%mul3A_38, %dma_start3A_68] : memref<10240x128xf32, #tpu.memory_space<hbm>> -> memref<640x128xf32, #tpu.memory_space<hbm>>
        tpu.enqueue_dma source(%dma_start3A_69 : memref<640x128xf32, #tpu.memory_space<hbm>>) target(%dma_start3A_67 : memref<640x128xf32, #tpu.memory_space<vmem_shared>>) target_semaphore(%run_scoped3A : memref<!tpu.dma_semaphore, #tpu.memory_space<semaphore_mem>>)
        %dma_wait3A_70 = arith.constant 0 : i32
        %dma_wait3A_71 = tpu.memref_slice %arg11[%mul3A_40, %dma_wait3A_70] : memref<10240x128xf32, #tpu.memory_space<vmem_shared>> -> memref<640x128xf32, #tpu.memory_space<vmem_shared>>
        %dma_wait3A_72 = arith.constant 0 : i32
        %dma_wait3A_73 = tpu.memref_slice %arg4[%mul3A_38, %dma_wait3A_72] : memref<10240x128xf32, #tpu.memory_space<hbm>> -> memref<640x128xf32, #tpu.memory_space<hbm>>
        tpu.wait_dma2 semaphore(%run_scoped3A : memref<!tpu.dma_semaphore, #tpu.memory_space<semaphore_mem>>) src(%dma_wait3A_73 : memref<640x128xf32, #tpu.memory_space<hbm>>) dst(%dma_wait3A_71 : memref<640x128xf32, #tpu.memory_space<vmem_shared>>)
        tpu.yield
      }) : () -> ()
      %barrier3A_41 = arith.constant 0 : index
      tpu.barrier barrier_id(%barrier3A_41)
      %scan3A_42 = arith.constant 0 : i32
      %scan3A_43 = arith.constant 0 : i32
      %scan3A_44 = arith.constant 2 : i32
      %scan3A_45 = arith.addi %scan3A_43, %scan3A_44 : i32
      %scan3A_46 = arith.constant 1 : i32
      scf.for %scan3A_67 = %scan3A_43 to %scan3A_45 step %scan3A_46  : i32 {
        %mul3A_68 = arith.constant 40 : i32
        %mul3A_69 = arith.muli %scan3A_67, %mul3A_68 : i32
        %add3A = arith.addi %mul3A_36, %mul3A_69 : i32
        "tpu.region"() ({
          %run_scoped3A = tpu.sem_alloc : memref<!tpu.dma_semaphore, #tpu.memory_space<semaphore_mem>>
          %dma_start3A_86 = arith.constant 0 : i32
          %dma_start3A_87 = tpu.memref_slice %arg5[%add3A, %dma_start3A_86] : memref<2560x128xi32, #tpu.memory_space<hbm>> -> memref<40x128xi32, #tpu.memory_space<hbm>>
          %dma_start3A_88 = arith.constant 0 : i32
          %dma_start3A_89 = tpu.memref_slice %arg5[%add3A, %dma_start3A_88] : memref<2560x128xi32, #tpu.memory_space<hbm>> -> memref<40x128xi32, #tpu.memory_space<hbm>>
          tpu.enqueue_dma source(%dma_start3A_89 : memref<40x128xi32, #tpu.memory_space<hbm>>) target(%arg12 : memref<40x128xi32, #tpu.memory_space<vmem>>) target_semaphore(%run_scoped3A : memref<!tpu.dma_semaphore, #tpu.memory_space<semaphore_mem>>)
          %dma_wait3A_90 = arith.constant 0 : i32
          %dma_wait3A_91 = tpu.memref_slice %arg5[%add3A, %dma_wait3A_90] : memref<2560x128xi32, #tpu.memory_space<hbm>> -> memref<40x128xi32, #tpu.memory_space<hbm>>
          %dma_wait3A_92 = arith.constant 0 : i32
          %dma_wait3A_93 = tpu.memref_slice %arg5[%add3A, %dma_wait3A_92] : memref<2560x128xi32, #tpu.memory_space<hbm>> -> memref<40x128xi32, #tpu.memory_space<hbm>>
          tpu.wait_dma2 semaphore(%run_scoped3A : memref<!tpu.dma_semaphore, #tpu.memory_space<semaphore_mem>>) src(%dma_wait3A_93 : memref<40x128xi32, #tpu.memory_space<hbm>>) dst(%arg12 : memref<40x128xi32, #tpu.memory_space<vmem>>)
          tpu.yield
        }) : () -> ()
        "tpu.region"() ({
          %run_scoped3A = tpu.sem_alloc : memref<!tpu.dma_semaphore, #tpu.memory_space<semaphore_mem>>
          %dma_start3A_86 = arith.constant 0 : i32
          %dma_start3A_87 = tpu.memref_slice %arg6[%add3A, %dma_start3A_86] : memref<2560x128xi32, #tpu.memory_space<hbm>> -> memref<40x128xi32, #tpu.memory_space<hbm>>
          %dma_start3A_88 = arith.constant 0 : i32
          %dma_start3A_89 = tpu.memref_slice %arg6[%add3A, %dma_start3A_88] : memref<2560x128xi32, #tpu.memory_space<hbm>> -> memref<40x128xi32, #tpu.memory_space<hbm>>
          tpu.enqueue_dma source(%dma_start3A_89 : memref<40x128xi32, #tpu.memory_space<hbm>>) target(%arg13 : memref<40x128xi32, #tpu.memory_space<vmem>>) target_semaphore(%run_scoped3A : memref<!tpu.dma_semaphore, #tpu.memory_space<semaphore_mem>>)
          %dma_wait3A_90 = arith.constant 0 : i32
          %dma_wait3A_91 = tpu.memref_slice %arg6[%add3A, %dma_wait3A_90] : memref<2560x128xi32, #tpu.memory_space<hbm>> -> memref<40x128xi32, #tpu.memory_space<hbm>>
          %dma_wait3A_92 = arith.constant 0 : i32
          %dma_wait3A_93 = tpu.memref_slice %arg6[%add3A, %dma_wait3A_92] : memref<2560x128xi32, #tpu.memory_space<hbm>> -> memref<40x128xi32, #tpu.memory_space<hbm>>
          tpu.wait_dma2 semaphore(%run_scoped3A : memref<!tpu.dma_semaphore, #tpu.memory_space<semaphore_mem>>) src(%dma_wait3A_93 : memref<40x128xi32, #tpu.memory_space<hbm>>) dst(%arg13 : memref<40x128xi32, #tpu.memory_space<vmem>>)
          tpu.yield
        }) : () -> ()
        %gt3A = arith.constant 0 : i32
        %gt3A_70 = arith.cmpi sgt, %scan3A_67, %gt3A : i32
        %convert_element_type3A_71 = arith.extui %gt3A_70 : i1 to i32
        %cond3A_72 = arith.constant 0 : i32
        %cond3A_73 = arith.cmpi ne, %convert_element_type3A_71, %cond3A_72 : i32
        scf.if %cond3A_73 {
          %dma_wait3A_86 = arith.constant 0 : i32
          %dma_wait3A_87 = arith.constant 0 : i32
          %dma_wait3A_88 = tpu.memref_slice %arg13[%dma_wait3A_86, %dma_wait3A_87] : memref<40x128xi32, #tpu.memory_space<vmem>> -> memref<1x128xi32, #tpu.memory_space<vmem>>
          %dma_wait3A_89 = tpu.memref_squeeze %dma_wait3A_88 : memref<1x128xi32, #tpu.memory_space<vmem>> -> memref<128xi32, #tpu.memory_space<vmem>>
          %dma_wait3A_90 = arith.constant 0 : i32
          %dma_wait3A_91 = arith.constant 0 : i32
          %dma_wait3A_92 = tpu.memref_slice %arg11[%dma_wait3A_90, %dma_wait3A_91] : memref<10240x128xf32, #tpu.memory_space<vmem_shared>> -> memref<10240x128xf32, #tpu.memory_space<vmem_shared>>
          tpu.wait_indirect_dma semaphore(%arg18 : memref<!tpu.dma_semaphore, #tpu.memory_space<semaphore_mem>>) src(%arg14 : memref<128x128xf32, #tpu.memory_space<vmem>>) dst(%dma_wait3A_92 : memref<10240x128xf32, #tpu.memory_space<vmem_shared>>)
        } else {
        }
        %dma_start3A = arith.constant 0 : i32
        %dma_start3A_74 = arith.constant 0 : i32
        %dma_start3A_75 = tpu.memref_slice %arg12[%dma_start3A, %dma_start3A_74] : memref<40x128xi32, #tpu.memory_space<vmem>> -> memref<1x128xi32, #tpu.memory_space<vmem>>
        %dma_start3A_76 = tpu.memref_squeeze %dma_start3A_75 : memref<1x128xi32, #tpu.memory_space<vmem>> -> memref<128xi32, #tpu.memory_space<vmem>>
        %dma_start3A_77 = arith.constant 0 : i32
        %dma_start3A_78 = arith.constant 0 : i32
        %dma_start3A_79 = tpu.memref_slice %arg4[%dma_start3A_77, %dma_start3A_78] : memref<10240x128xf32, #tpu.memory_space<hbm>> -> memref<10240x128xf32, #tpu.memory_space<hbm>>
        tpu.enqueue_indirect_dma source(%dma_start3A_79 : memref<10240x128xf32, #tpu.memory_space<hbm>>) target(%arg14 : memref<128x128xf32, #tpu.memory_space<vmem>>) offsets(%dma_start3A_76 : memref<128xi32, #tpu.memory_space<vmem>>) semaphore(%arg16 : memref<!tpu.dma_semaphore, #tpu.memory_space<semaphore_mem>>)
        %scan3A_80 = arith.constant 0 : i32
        %scan3A_81 = arith.constant 0 : i32
        %scan3A_82 = arith.constant 20 : i32
        %scan3A_83 = arith.addi %scan3A_81, %scan3A_82 : i32
        %scan3A_84 = arith.constant 1 : i32
        scf.for %scan3A_86 = %scan3A_81 to %scan3A_83 step %scan3A_84  : i32 {
          %mul3A_87 = arith.constant 2 : i32
          %mul3A_88 = arith.muli %mul3A_87, %scan3A_86 : i32
          %add3A_89 = arith.constant 0 : i32
          %add3A_90 = arith.addi %mul3A_88, %add3A_89 : i32
          %mul3A_91 = arith.constant 40 : i32
          %mul3A_92 = arith.muli %scan3A_67, %mul3A_91 : i32
          %add3A_93 = arith.addi %mul3A_92, %add3A_90 : i32
          %add3A_94 = arith.constant 1 : i32
          %add3A_95 = arith.addi %add3A_90, %add3A_94 : i32
          %lt3A = arith.constant 40 : i32
          %lt3A_96 = arith.cmpi slt, %add3A_95, %lt3A : i32
          %convert_element_type3A_97 = arith.extui %lt3A_96 : i1 to i32
          %cond3A_98 = arith.constant 0 : i32
          %cond3A_99 = arith.cmpi ne, %convert_element_type3A_97, %cond3A_98 : i32
          scf.if %cond3A_99 {
            %ge3A = arith.constant 1 : i32
            %ge3A_138 = arith.cmpi sge, %add3A_93, %ge3A : i32
            %convert_element_type3A_139 = arith.extui %ge3A_138 : i1 to i32
            %cond3A_140 = arith.constant 0 : i32
            %cond3A_141 = arith.cmpi ne, %convert_element_type3A_139, %cond3A_140 : i32
            scf.if %cond3A_141 {
              %dma_wait3A_150 = arith.constant 0 : i32
              %dma_wait3A_151 = tpu.memref_slice %arg13[%add3A_90, %dma_wait3A_150] : memref<40x128xi32, #tpu.memory_space<vmem>> -> memref<1x128xi32, #tpu.memory_space<vmem>>
              %dma_wait3A_152 = tpu.memref_squeeze %dma_wait3A_151 : memref<1x128xi32, #tpu.memory_space<vmem>> -> memref<128xi32, #tpu.memory_space<vmem>>
              %dma_wait3A_153 = arith.constant 0 : i32
              %dma_wait3A_154 = arith.constant 0 : i32
              %dma_wait3A_155 = tpu.memref_slice %arg11[%dma_wait3A_153, %dma_wait3A_154] : memref<10240x128xf32, #tpu.memory_space<vmem_shared>> -> memref<10240x128xf32, #tpu.memory_space<vmem_shared>>
              tpu.wait_indirect_dma semaphore(%arg19 : memref<!tpu.dma_semaphore, #tpu.memory_space<semaphore_mem>>) src(%arg15 : memref<128x128xf32, #tpu.memory_space<vmem>>) dst(%dma_wait3A_155 : memref<10240x128xf32, #tpu.memory_space<vmem_shared>>)
            } else {
            }
            %add3A_142 = arith.constant 1 : i32
            %add3A_143 = arith.addi %add3A_90, %add3A_142 : i32
            %dma_start3A_144 = arith.constant 0 : i32
            %dma_start3A_145 = tpu.memref_slice %arg12[%add3A_143, %dma_start3A_144] : memref<40x128xi32, #tpu.memory_space<vmem>> -> memref<1x128xi32, #tpu.memory_space<vmem>>
            %dma_start3A_146 = tpu.memref_squeeze %dma_start3A_145 : memref<1x128xi32, #tpu.memory_space<vmem>> -> memref<128xi32, #tpu.memory_space<vmem>>
            %dma_start3A_147 = arith.constant 0 : i32
            %dma_start3A_148 = arith.constant 0 : i32
            %dma_start3A_149 = tpu.memref_slice %arg4[%dma_start3A_147, %dma_start3A_148] : memref<10240x128xf32, #tpu.memory_space<hbm>> -> memref<10240x128xf32, #tpu.memory_space<hbm>>
            tpu.enqueue_indirect_dma source(%dma_start3A_149 : memref<10240x128xf32, #tpu.memory_space<hbm>>) target(%arg15 : memref<128x128xf32, #tpu.memory_space<vmem>>) offsets(%dma_start3A_146 : memref<128xi32, #tpu.memory_space<vmem>>) semaphore(%arg17 : memref<!tpu.dma_semaphore, #tpu.memory_space<semaphore_mem>>)
          } else {
          }
          %dma_wait3A_100 = arith.constant 0 : i32
          %dma_wait3A_101 = tpu.memref_slice %arg12[%add3A_90, %dma_wait3A_100] : memref<40x128xi32, #tpu.memory_space<vmem>> -> memref<1x128xi32, #tpu.memory_space<vmem>>
          %dma_wait3A_102 = tpu.memref_squeeze %dma_wait3A_101 : memref<1x128xi32, #tpu.memory_space<vmem>> -> memref<128xi32, #tpu.memory_space<vmem>>
          %dma_wait3A_103 = arith.constant 0 : i32
          %dma_wait3A_104 = arith.constant 0 : i32
          %dma_wait3A_105 = tpu.memref_slice %arg4[%dma_wait3A_103, %dma_wait3A_104] : memref<10240x128xf32, #tpu.memory_space<hbm>> -> memref<10240x128xf32, #tpu.memory_space<hbm>>
          tpu.wait_indirect_dma semaphore(%arg16 : memref<!tpu.dma_semaphore, #tpu.memory_space<semaphore_mem>>) src(%dma_wait3A_105 : memref<10240x128xf32, #tpu.memory_space<hbm>>) dst(%arg14 : memref<128x128xf32, #tpu.memory_space<vmem>>)
          %dma_start3A_106 = arith.constant 0 : i32
          %dma_start3A_107 = tpu.memref_slice %arg13[%add3A_90, %dma_start3A_106] : memref<40x128xi32, #tpu.memory_space<vmem>> -> memref<1x128xi32, #tpu.memory_space<vmem>>
          %dma_start3A_108 = tpu.memref_squeeze %dma_start3A_107 : memref<1x128xi32, #tpu.memory_space<vmem>> -> memref<128xi32, #tpu.memory_space<vmem>>
          %dma_start3A_109 = arith.constant 0 : i32
          %dma_start3A_110 = arith.constant 0 : i32
          %dma_start3A_111 = tpu.memref_slice %arg11[%dma_start3A_109, %dma_start3A_110] : memref<10240x128xf32, #tpu.memory_space<vmem_shared>> -> memref<10240x128xf32, #tpu.memory_space<vmem_shared>>
          tpu.enqueue_indirect_dma source(%arg14 : memref<128x128xf32, #tpu.memory_space<vmem>>) target(%dma_start3A_111 : memref<10240x128xf32, #tpu.memory_space<vmem_shared>>) offsets(%dma_start3A_108 : memref<128xi32, #tpu.memory_space<vmem>>) semaphore(%arg18 : memref<!tpu.dma_semaphore, #tpu.memory_space<semaphore_mem>>) {add = true}
          %mul3A_112 = arith.constant 2 : i32
          %mul3A_113 = arith.muli %mul3A_112, %scan3A_86 : i32
          %add3A_114 = arith.constant 1 : i32
          %add3A_115 = arith.addi %mul3A_113, %add3A_114 : i32
          %mul3A_116 = arith.constant 40 : i32
          %mul3A_117 = arith.muli %scan3A_67, %mul3A_116 : i32
          %add3A_118 = arith.addi %mul3A_117, %add3A_115 : i32
          %add3A_119 = arith.constant 1 : i32
          %add3A_120 = arith.addi %add3A_115, %add3A_119 : i32
          %lt3A_121 = arith.constant 40 : i32
          %lt3A_122 = arith.cmpi slt, %add3A_120, %lt3A_121 : i32
          %convert_element_type3A_123 = arith.extui %lt3A_122 : i1 to i32
          %cond3A_124 = arith.constant 0 : i32
          %cond3A_125 = arith.cmpi ne, %convert_element_type3A_123, %cond3A_124 : i32
          scf.if %cond3A_125 {
            %ge3A = arith.constant 1 : i32
            %ge3A_138 = arith.cmpi sge, %add3A_118, %ge3A : i32
            %convert_element_type3A_139 = arith.extui %ge3A_138 : i1 to i32
            %cond3A_140 = arith.constant 0 : i32
            %cond3A_141 = arith.cmpi ne, %convert_element_type3A_139, %cond3A_140 : i32
            scf.if %cond3A_141 {
              %dma_wait3A_150 = arith.constant 0 : i32
              %dma_wait3A_151 = tpu.memref_slice %arg13[%add3A_115, %dma_wait3A_150] : memref<40x128xi32, #tpu.memory_space<vmem>> -> memref<1x128xi32, #tpu.memory_space<vmem>>
              %dma_wait3A_152 = tpu.memref_squeeze %dma_wait3A_151 : memref<1x128xi32, #tpu.memory_space<vmem>> -> memref<128xi32, #tpu.memory_space<vmem>>
              %dma_wait3A_153 = arith.constant 0 : i32
              %dma_wait3A_154 = arith.constant 0 : i32
              %dma_wait3A_155 = tpu.memref_slice %arg11[%dma_wait3A_153, %dma_wait3A_154] : memref<10240x128xf32, #tpu.memory_space<vmem_shared>> -> memref<10240x128xf32, #tpu.memory_space<vmem_shared>>
              tpu.wait_indirect_dma semaphore(%arg18 : memref<!tpu.dma_semaphore, #tpu.memory_space<semaphore_mem>>) src(%arg14 : memref<128x128xf32, #tpu.memory_space<vmem>>) dst(%dma_wait3A_155 : memref<10240x128xf32, #tpu.memory_space<vmem_shared>>)
            } else {
            }
            %add3A_142 = arith.constant 1 : i32
            %add3A_143 = arith.addi %add3A_115, %add3A_142 : i32
            %dma_start3A_144 = arith.constant 0 : i32
            %dma_start3A_145 = tpu.memref_slice %arg12[%add3A_143, %dma_start3A_144] : memref<40x128xi32, #tpu.memory_space<vmem>> -> memref<1x128xi32, #tpu.memory_space<vmem>>
            %dma_start3A_146 = tpu.memref_squeeze %dma_start3A_145 : memref<1x128xi32, #tpu.memory_space<vmem>> -> memref<128xi32, #tpu.memory_space<vmem>>
            %dma_start3A_147 = arith.constant 0 : i32
            %dma_start3A_148 = arith.constant 0 : i32
            %dma_start3A_149 = tpu.memref_slice %arg4[%dma_start3A_147, %dma_start3A_148] : memref<10240x128xf32, #tpu.memory_space<hbm>> -> memref<10240x128xf32, #tpu.memory_space<hbm>>
            tpu.enqueue_indirect_dma source(%dma_start3A_149 : memref<10240x128xf32, #tpu.memory_space<hbm>>) target(%arg14 : memref<128x128xf32, #tpu.memory_space<vmem>>) offsets(%dma_start3A_146 : memref<128xi32, #tpu.memory_space<vmem>>) semaphore(%arg16 : memref<!tpu.dma_semaphore, #tpu.memory_space<semaphore_mem>>)
          } else {
          }
          %dma_wait3A_126 = arith.constant 0 : i32
          %dma_wait3A_127 = tpu.memref_slice %arg12[%add3A_115, %dma_wait3A_126] : memref<40x128xi32, #tpu.memory_space<vmem>> -> memref<1x128xi32, #tpu.memory_space<vmem>>
          %dma_wait3A_128 = tpu.memref_squeeze %dma_wait3A_127 : memref<1x128xi32, #tpu.memory_space<vmem>> -> memref<128xi32, #tpu.memory_space<vmem>>
          %dma_wait3A_129 = arith.constant 0 : i32
          %dma_wait3A_130 = arith.constant 0 : i32
          %dma_wait3A_131 = tpu.memref_slice %arg4[%dma_wait3A_129, %dma_wait3A_130] : memref<10240x128xf32, #tpu.memory_space<hbm>> -> memref<10240x128xf32, #tpu.memory_space<hbm>>
          tpu.wait_indirect_dma semaphore(%arg17 : memref<!tpu.dma_semaphore, #tpu.memory_space<semaphore_mem>>) src(%dma_wait3A_131 : memref<10240x128xf32, #tpu.memory_space<hbm>>) dst(%arg15 : memref<128x128xf32, #tpu.memory_space<vmem>>)
          %dma_start3A_132 = arith.constant 0 : i32
          %dma_start3A_133 = tpu.memref_slice %arg13[%add3A_115, %dma_start3A_132] : memref<40x128xi32, #tpu.memory_space<vmem>> -> memref<1x128xi32, #tpu.memory_space<vmem>>
          %dma_start3A_134 = tpu.memref_squeeze %dma_start3A_133 : memref<1x128xi32, #tpu.memory_space<vmem>> -> memref<128xi32, #tpu.memory_space<vmem>>
          %dma_start3A_135 = arith.constant 0 : i32
          %dma_start3A_136 = arith.constant 0 : i32
          %dma_start3A_137 = tpu.memref_slice %arg11[%dma_start3A_135, %dma_start3A_136] : memref<10240x128xf32, #tpu.memory_space<vmem_shared>> -> memref<10240x128xf32, #tpu.memory_space<vmem_shared>>
          tpu.enqueue_indirect_dma source(%arg15 : memref<128x128xf32, #tpu.memory_space<vmem>>) target(%dma_start3A_137 : memref<10240x128xf32, #tpu.memory_space<vmem_shared>>) offsets(%dma_start3A_134 : memref<128xi32, #tpu.memory_space<vmem>>) semaphore(%arg19 : memref<!tpu.dma_semaphore, #tpu.memory_space<semaphore_mem>>) {add = true}
        }
        %scan3A_85 = arith.constant 20 : i32
      }
      %scan3A_47 = arith.constant 2 : i32
      %dma_wait3A_48 = arith.constant 0 : i32
      %dma_wait3A_49 = arith.constant 0 : i32
      %dma_wait3A_50 = tpu.memref_slice %arg13[%dma_wait3A_48, %dma_wait3A_49] : memref<40x128xi32, #tpu.memory_space<vmem>> -> memref<1x128xi32, #tpu.memory_space<vmem>>
      %dma_wait3A_51 = tpu.memref_squeeze %dma_wait3A_50 : memref<1x128xi32, #tpu.memory_space<vmem>> -> memref<128xi32, #tpu.memory_space<vmem>>
      %dma_wait3A_52 = arith.constant 0 : i32
      %dma_wait3A_53 = arith.constant 0 : i32
      %dma_wait3A_54 = tpu.memref_slice %arg11[%dma_wait3A_52, %dma_wait3A_53] : memref<10240x128xf32, #tpu.memory_space<vmem_shared>> -> memref<10240x128xf32, #tpu.memory_space<vmem_shared>>
      tpu.wait_indirect_dma semaphore(%arg18 : memref<!tpu.dma_semaphore, #tpu.memory_space<semaphore_mem>>) src(%arg14 : memref<128x128xf32, #tpu.memory_space<vmem>>) dst(%dma_wait3A_54 : memref<10240x128xf32, #tpu.memory_space<vmem_shared>>)
      %dma_wait3A_55 = arith.constant 0 : i32
      %dma_wait3A_56 = arith.constant 0 : i32
      %dma_wait3A_57 = tpu.memref_slice %arg13[%dma_wait3A_55, %dma_wait3A_56] : memref<40x128xi32, #tpu.memory_space<vmem>> -> memref<1x128xi32, #tpu.memory_space<vmem>>
      %dma_wait3A_58 = tpu.memref_squeeze %dma_wait3A_57 : memref<1x128xi32, #tpu.memory_space<vmem>> -> memref<128xi32, #tpu.memory_space<vmem>>
      %dma_wait3A_59 = arith.constant 0 : i32
      %dma_wait3A_60 = arith.constant 0 : i32
      %dma_wait3A_61 = tpu.memref_slice %arg11[%dma_wait3A_59, %dma_wait3A_60] : memref<10240x128xf32, #tpu.memory_space<vmem_shared>> -> memref<10240x128xf32, #tpu.memory_space<vmem_shared>>
      tpu.wait_indirect_dma semaphore(%arg19 : memref<!tpu.dma_semaphore, #tpu.memory_space<semaphore_mem>>) src(%arg15 : memref<128x128xf32, #tpu.memory_space<vmem>>) dst(%dma_wait3A_61 : memref<10240x128xf32, #tpu.memory_space<vmem_shared>>)
      %barrier3A_62 = arith.constant 0 : index
      tpu.barrier barrier_id(%barrier3A_62)
      %mul3A_63 = arith.constant 640 : i32
      %mul3A_64 = arith.muli %arg1, %mul3A_63 : i32
      %mul3A_65 = arith.constant 640 : i32
      %mul3A_66 = arith.muli %arg1, %mul3A_65 : i32
      "tpu.region"() ({
        %run_scoped3A = tpu.sem_alloc : memref<!tpu.dma_semaphore, #tpu.memory_space<semaphore_mem>>
        %dma_start3A = arith.constant 0 : i32
        %dma_start3A_67 = tpu.memref_slice %arg9[%mul3A_66, %dma_start3A] : memref<10240x128xf32, #tpu.memory_space<hbm>> -> memref<640x128xf32, #tpu.memory_space<hbm>>
        %dma_start3A_68 = arith.constant 0 : i32
        %dma_start3A_69 = tpu.memref_slice %arg11[%mul3A_64, %dma_start3A_68] : memref<10240x128xf32, #tpu.memory_space<vmem_shared>> -> memref<640x128xf32, #tpu.memory_space<vmem_shared>>
        tpu.enqueue_dma source(%dma_start3A_69 : memref<640x128xf32, #tpu.memory_space<vmem_shared>>) target(%dma_start3A_67 : memref<640x128xf32, #tpu.memory_space<hbm>>) target_semaphore(%run_scoped3A : memref<!tpu.dma_semaphore, #tpu.memory_space<semaphore_mem>>)
        %dma_wait3A_70 = arith.constant 0 : i32
        %dma_wait3A_71 = tpu.memref_slice %arg9[%mul3A_66, %dma_wait3A_70] : memref<10240x128xf32, #tpu.memory_space<hbm>> -> memref<640x128xf32, #tpu.memory_space<hbm>>
        %dma_wait3A_72 = arith.constant 0 : i32
        %dma_wait3A_73 = tpu.memref_slice %arg11[%mul3A_64, %dma_wait3A_72] : memref<10240x128xf32, #tpu.memory_space<vmem_shared>> -> memref<640x128xf32, #tpu.memory_space<vmem_shared>>
        tpu.wait_dma2 semaphore(%run_scoped3A : memref<!tpu.dma_semaphore, #tpu.memory_space<semaphore_mem>>) src(%dma_wait3A_73 : memref<640x128xf32, #tpu.memory_space<vmem_shared>>) dst(%dma_wait3A_71 : memref<640x128xf32, #tpu.memory_space<hbm>>)
        tpu.yield
      }) : () -> ()
    } else {
    }
    %eq3A_2 = arith.constant 1 : i32
    %eq3A_3 = arith.cmpi eq, %arg0, %eq3A_2 : i32
    %convert_element_type3A_4 = arith.extui %eq3A_3 : i1 to i32
    %cond3A_5 = arith.constant 0 : i32
    %cond3A_6 = arith.cmpi ne, %convert_element_type3A_4, %cond3A_5 : i32
    scf.if %cond3A_6 {
      %mul3A = arith.constant 160 : i32
      %mul3A_7 = arith.muli %arg1, %mul3A : i32
      %mul3A_8 = arith.constant 640 : i32
      %mul3A_9 = arith.muli %arg1, %mul3A_8 : i32
      %mul3A_10 = arith.constant 640 : i32
      %mul3A_11 = arith.muli %arg1, %mul3A_10 : i32
      "tpu.region"() ({
        %run_scoped3A = tpu.sem_alloc : memref<!tpu.dma_semaphore, #tpu.memory_space<semaphore_mem>>
        %dma_start3A = arith.constant 0 : i32
        %dma_start3A_68 = tpu.memref_slice %arg11[%mul3A_11, %dma_start3A] : memref<10240x128xf32, #tpu.memory_space<vmem_shared>> -> memref<640x128xf32, #tpu.memory_space<vmem_shared>>
        %dma_start3A_69 = arith.constant 0 : i32
        %dma_start3A_70 = tpu.memref_slice %arg3[%mul3A_9, %dma_start3A_69] : memref<10240x128xf32, #tpu.memory_space<hbm>> -> memref<640x128xf32, #tpu.memory_space<hbm>>
        tpu.enqueue_dma source(%dma_start3A_70 : memref<640x128xf32, #tpu.memory_space<hbm>>) target(%dma_start3A_68 : memref<640x128xf32, #tpu.memory_space<vmem_shared>>) target_semaphore(%run_scoped3A : memref<!tpu.dma_semaphore, #tpu.memory_space<semaphore_mem>>)
        %dma_wait3A_71 = arith.constant 0 : i32
        %dma_wait3A_72 = tpu.memref_slice %arg11[%mul3A_11, %dma_wait3A_71] : memref<10240x128xf32, #tpu.memory_space<vmem_shared>> -> memref<640x128xf32, #tpu.memory_space<vmem_shared>>
        %dma_wait3A_73 = arith.constant 0 : i32
        %dma_wait3A_74 = tpu.memref_slice %arg3[%mul3A_9, %dma_wait3A_73] : memref<10240x128xf32, #tpu.memory_space<hbm>> -> memref<640x128xf32, #tpu.memory_space<hbm>>
        tpu.wait_dma2 semaphore(%run_scoped3A : memref<!tpu.dma_semaphore, #tpu.memory_space<semaphore_mem>>) src(%dma_wait3A_74 : memref<640x128xf32, #tpu.memory_space<hbm>>) dst(%dma_wait3A_72 : memref<640x128xf32, #tpu.memory_space<vmem_shared>>)
        tpu.yield
      }) : () -> ()
      %barrier3A = arith.constant 0 : index
      tpu.barrier barrier_id(%barrier3A)
      %scan3A = arith.constant 0 : i32
      %scan3A_12 = arith.constant 0 : i32
      %scan3A_13 = arith.constant 4 : i32
      %scan3A_14 = arith.addi %scan3A_12, %scan3A_13 : i32
      %scan3A_15 = arith.constant 1 : i32
      scf.for %scan3A_68 = %scan3A_12 to %scan3A_14 step %scan3A_15  : i32 {
        %mul3A_69 = arith.constant 40 : i32
        %mul3A_70 = arith.muli %scan3A_68, %mul3A_69 : i32
        %add3A_71 = arith.addi %mul3A_7, %mul3A_70 : i32
        "tpu.region"() ({
          %run_scoped3A = tpu.sem_alloc : memref<!tpu.dma_semaphore, #tpu.memory_space<semaphore_mem>>
          %dma_start3A_88 = arith.constant 0 : i32
          %dma_start3A_89 = tpu.memref_slice %arg5[%add3A_71, %dma_start3A_88] : memref<2560x128xi32, #tpu.memory_space<hbm>> -> memref<40x128xi32, #tpu.memory_space<hbm>>
          %dma_start3A_90 = arith.constant 0 : i32
          %dma_start3A_91 = tpu.memref_slice %arg5[%add3A_71, %dma_start3A_90] : memref<2560x128xi32, #tpu.memory_space<hbm>> -> memref<40x128xi32, #tpu.memory_space<hbm>>
          tpu.enqueue_dma source(%dma_start3A_91 : memref<40x128xi32, #tpu.memory_space<hbm>>) target(%arg12 : memref<40x128xi32, #tpu.memory_space<vmem>>) target_semaphore(%run_scoped3A : memref<!tpu.dma_semaphore, #tpu.memory_space<semaphore_mem>>)
          %dma_wait3A_92 = arith.constant 0 : i32
          %dma_wait3A_93 = tpu.memref_slice %arg5[%add3A_71, %dma_wait3A_92] : memref<2560x128xi32, #tpu.memory_space<hbm>> -> memref<40x128xi32, #tpu.memory_space<hbm>>
          %dma_wait3A_94 = arith.constant 0 : i32
          %dma_wait3A_95 = tpu.memref_slice %arg5[%add3A_71, %dma_wait3A_94] : memref<2560x128xi32, #tpu.memory_space<hbm>> -> memref<40x128xi32, #tpu.memory_space<hbm>>
          tpu.wait_dma2 semaphore(%run_scoped3A : memref<!tpu.dma_semaphore, #tpu.memory_space<semaphore_mem>>) src(%dma_wait3A_95 : memref<40x128xi32, #tpu.memory_space<hbm>>) dst(%arg12 : memref<40x128xi32, #tpu.memory_space<vmem>>)
          tpu.yield
        }) : () -> ()
        "tpu.region"() ({
          %run_scoped3A = tpu.sem_alloc : memref<!tpu.dma_semaphore, #tpu.memory_space<semaphore_mem>>
          %dma_start3A_88 = arith.constant 0 : i32
          %dma_start3A_89 = tpu.memref_slice %arg6[%add3A_71, %dma_start3A_88] : memref<2560x128xi32, #tpu.memory_space<hbm>> -> memref<40x128xi32, #tpu.memory_space<hbm>>
          %dma_start3A_90 = arith.constant 0 : i32
          %dma_start3A_91 = tpu.memref_slice %arg6[%add3A_71, %dma_start3A_90] : memref<2560x128xi32, #tpu.memory_space<hbm>> -> memref<40x128xi32, #tpu.memory_space<hbm>>
          tpu.enqueue_dma source(%dma_start3A_91 : memref<40x128xi32, #tpu.memory_space<hbm>>) target(%arg13 : memref<40x128xi32, #tpu.memory_space<vmem>>) target_semaphore(%run_scoped3A : memref<!tpu.dma_semaphore, #tpu.memory_space<semaphore_mem>>)
          %dma_wait3A_92 = arith.constant 0 : i32
          %dma_wait3A_93 = tpu.memref_slice %arg6[%add3A_71, %dma_wait3A_92] : memref<2560x128xi32, #tpu.memory_space<hbm>> -> memref<40x128xi32, #tpu.memory_space<hbm>>
          %dma_wait3A_94 = arith.constant 0 : i32
          %dma_wait3A_95 = tpu.memref_slice %arg6[%add3A_71, %dma_wait3A_94] : memref<2560x128xi32, #tpu.memory_space<hbm>> -> memref<40x128xi32, #tpu.memory_space<hbm>>
          tpu.wait_dma2 semaphore(%run_scoped3A : memref<!tpu.dma_semaphore, #tpu.memory_space<semaphore_mem>>) src(%dma_wait3A_95 : memref<40x128xi32, #tpu.memory_space<hbm>>) dst(%arg13 : memref<40x128xi32, #tpu.memory_space<vmem>>)
          tpu.yield
        }) : () -> ()
        %gt3A = arith.constant 0 : i32
        %gt3A_72 = arith.cmpi sgt, %scan3A_68, %gt3A : i32
        %convert_element_type3A_73 = arith.extui %gt3A_72 : i1 to i32
        %cond3A_74 = arith.constant 0 : i32
        %cond3A_75 = arith.cmpi ne, %convert_element_type3A_73, %cond3A_74 : i32
        scf.if %cond3A_75 {
          %dma_wait3A_88 = arith.constant 0 : i32
          %dma_wait3A_89 = arith.constant 0 : i32
          %dma_wait3A_90 = tpu.memref_slice %arg13[%dma_wait3A_88, %dma_wait3A_89] : memref<40x128xi32, #tpu.memory_space<vmem>> -> memref<1x128xi32, #tpu.memory_space<vmem>>
          %dma_wait3A_91 = tpu.memref_squeeze %dma_wait3A_90 : memref<1x128xi32, #tpu.memory_space<vmem>> -> memref<128xi32, #tpu.memory_space<vmem>>
          %dma_wait3A_92 = arith.constant 0 : i32
          %dma_wait3A_93 = arith.constant 0 : i32
          %dma_wait3A_94 = tpu.memref_slice %arg11[%dma_wait3A_92, %dma_wait3A_93] : memref<10240x128xf32, #tpu.memory_space<vmem_shared>> -> memref<10240x128xf32, #tpu.memory_space<vmem_shared>>
          tpu.wait_indirect_dma semaphore(%arg18 : memref<!tpu.dma_semaphore, #tpu.memory_space<semaphore_mem>>) src(%arg14 : memref<128x128xf32, #tpu.memory_space<vmem>>) dst(%dma_wait3A_94 : memref<10240x128xf32, #tpu.memory_space<vmem_shared>>)
        } else {
        }
        %dma_start3A = arith.constant 0 : i32
        %dma_start3A_76 = arith.constant 0 : i32
        %dma_start3A_77 = tpu.memref_slice %arg12[%dma_start3A, %dma_start3A_76] : memref<40x128xi32, #tpu.memory_space<vmem>> -> memref<1x128xi32, #tpu.memory_space<vmem>>
        %dma_start3A_78 = tpu.memref_squeeze %dma_start3A_77 : memref<1x128xi32, #tpu.memory_space<vmem>> -> memref<128xi32, #tpu.memory_space<vmem>>
        %dma_start3A_79 = arith.constant 0 : i32
        %dma_start3A_80 = arith.constant 0 : i32
        %dma_start3A_81 = tpu.memref_slice %arg3[%dma_start3A_79, %dma_start3A_80] : memref<10240x128xf32, #tpu.memory_space<hbm>> -> memref<10240x128xf32, #tpu.memory_space<hbm>>
        tpu.enqueue_indirect_dma source(%dma_start3A_81 : memref<10240x128xf32, #tpu.memory_space<hbm>>) target(%arg14 : memref<128x128xf32, #tpu.memory_space<vmem>>) offsets(%dma_start3A_78 : memref<128xi32, #tpu.memory_space<vmem>>) semaphore(%arg16 : memref<!tpu.dma_semaphore, #tpu.memory_space<semaphore_mem>>)
        %scan3A_82 = arith.constant 0 : i32
        %scan3A_83 = arith.constant 0 : i32
        %scan3A_84 = arith.constant 20 : i32
        %scan3A_85 = arith.addi %scan3A_83, %scan3A_84 : i32
        %scan3A_86 = arith.constant 1 : i32
        scf.for %scan3A_88 = %scan3A_83 to %scan3A_85 step %scan3A_86  : i32 {
          %mul3A_89 = arith.constant 2 : i32
          %mul3A_90 = arith.muli %mul3A_89, %scan3A_88 : i32
          %add3A_91 = arith.constant 0 : i32
          %add3A_92 = arith.addi %mul3A_90, %add3A_91 : i32
          %mul3A_93 = arith.constant 40 : i32
          %mul3A_94 = arith.muli %scan3A_68, %mul3A_93 : i32
          %add3A_95 = arith.addi %mul3A_94, %add3A_92 : i32
          %add3A_96 = arith.constant 1 : i32
          %add3A_97 = arith.addi %add3A_92, %add3A_96 : i32
          %lt3A = arith.constant 40 : i32
          %lt3A_98 = arith.cmpi slt, %add3A_97, %lt3A : i32
          %convert_element_type3A_99 = arith.extui %lt3A_98 : i1 to i32
          %cond3A_100 = arith.constant 0 : i32
          %cond3A_101 = arith.cmpi ne, %convert_element_type3A_99, %cond3A_100 : i32
          scf.if %cond3A_101 {
            %ge3A = arith.constant 1 : i32
            %ge3A_140 = arith.cmpi sge, %add3A_95, %ge3A : i32
            %convert_element_type3A_141 = arith.extui %ge3A_140 : i1 to i32
            %cond3A_142 = arith.constant 0 : i32
            %cond3A_143 = arith.cmpi ne, %convert_element_type3A_141, %cond3A_142 : i32
            scf.if %cond3A_143 {
              %dma_wait3A_152 = arith.constant 0 : i32
              %dma_wait3A_153 = tpu.memref_slice %arg13[%add3A_92, %dma_wait3A_152] : memref<40x128xi32, #tpu.memory_space<vmem>> -> memref<1x128xi32, #tpu.memory_space<vmem>>
              %dma_wait3A_154 = tpu.memref_squeeze %dma_wait3A_153 : memref<1x128xi32, #tpu.memory_space<vmem>> -> memref<128xi32, #tpu.memory_space<vmem>>
              %dma_wait3A_155 = arith.constant 0 : i32
              %dma_wait3A_156 = arith.constant 0 : i32
              %dma_wait3A_157 = tpu.memref_slice %arg11[%dma_wait3A_155, %dma_wait3A_156] : memref<10240x128xf32, #tpu.memory_space<vmem_shared>> -> memref<10240x128xf32, #tpu.memory_space<vmem_shared>>
              tpu.wait_indirect_dma semaphore(%arg19 : memref<!tpu.dma_semaphore, #tpu.memory_space<semaphore_mem>>) src(%arg15 : memref<128x128xf32, #tpu.memory_space<vmem>>) dst(%dma_wait3A_157 : memref<10240x128xf32, #tpu.memory_space<vmem_shared>>)
            } else {
            }
            %add3A_144 = arith.constant 1 : i32
            %add3A_145 = arith.addi %add3A_92, %add3A_144 : i32
            %dma_start3A_146 = arith.constant 0 : i32
            %dma_start3A_147 = tpu.memref_slice %arg12[%add3A_145, %dma_start3A_146] : memref<40x128xi32, #tpu.memory_space<vmem>> -> memref<1x128xi32, #tpu.memory_space<vmem>>
            %dma_start3A_148 = tpu.memref_squeeze %dma_start3A_147 : memref<1x128xi32, #tpu.memory_space<vmem>> -> memref<128xi32, #tpu.memory_space<vmem>>
            %dma_start3A_149 = arith.constant 0 : i32
            %dma_start3A_150 = arith.constant 0 : i32
            %dma_start3A_151 = tpu.memref_slice %arg3[%dma_start3A_149, %dma_start3A_150] : memref<10240x128xf32, #tpu.memory_space<hbm>> -> memref<10240x128xf32, #tpu.memory_space<hbm>>
            tpu.enqueue_indirect_dma source(%dma_start3A_151 : memref<10240x128xf32, #tpu.memory_space<hbm>>) target(%arg15 : memref<128x128xf32, #tpu.memory_space<vmem>>) offsets(%dma_start3A_148 : memref<128xi32, #tpu.memory_space<vmem>>) semaphore(%arg17 : memref<!tpu.dma_semaphore, #tpu.memory_space<semaphore_mem>>)
          } else {
          }
          %dma_wait3A_102 = arith.constant 0 : i32
          %dma_wait3A_103 = tpu.memref_slice %arg12[%add3A_92, %dma_wait3A_102] : memref<40x128xi32, #tpu.memory_space<vmem>> -> memref<1x128xi32, #tpu.memory_space<vmem>>
          %dma_wait3A_104 = tpu.memref_squeeze %dma_wait3A_103 : memref<1x128xi32, #tpu.memory_space<vmem>> -> memref<128xi32, #tpu.memory_space<vmem>>
          %dma_wait3A_105 = arith.constant 0 : i32
          %dma_wait3A_106 = arith.constant 0 : i32
          %dma_wait3A_107 = tpu.memref_slice %arg3[%dma_wait3A_105, %dma_wait3A_106] : memref<10240x128xf32, #tpu.memory_space<hbm>> -> memref<10240x128xf32, #tpu.memory_space<hbm>>
          tpu.wait_indirect_dma semaphore(%arg16 : memref<!tpu.dma_semaphore, #tpu.memory_space<semaphore_mem>>) src(%dma_wait3A_107 : memref<10240x128xf32, #tpu.memory_space<hbm>>) dst(%arg14 : memref<128x128xf32, #tpu.memory_space<vmem>>)
          %dma_start3A_108 = arith.constant 0 : i32
          %dma_start3A_109 = tpu.memref_slice %arg13[%add3A_92, %dma_start3A_108] : memref<40x128xi32, #tpu.memory_space<vmem>> -> memref<1x128xi32, #tpu.memory_space<vmem>>
          %dma_start3A_110 = tpu.memref_squeeze %dma_start3A_109 : memref<1x128xi32, #tpu.memory_space<vmem>> -> memref<128xi32, #tpu.memory_space<vmem>>
          %dma_start3A_111 = arith.constant 0 : i32
          %dma_start3A_112 = arith.constant 0 : i32
          %dma_start3A_113 = tpu.memref_slice %arg11[%dma_start3A_111, %dma_start3A_112] : memref<10240x128xf32, #tpu.memory_space<vmem_shared>> -> memref<10240x128xf32, #tpu.memory_space<vmem_shared>>
          tpu.enqueue_indirect_dma source(%arg14 : memref<128x128xf32, #tpu.memory_space<vmem>>) target(%dma_start3A_113 : memref<10240x128xf32, #tpu.memory_space<vmem_shared>>) offsets(%dma_start3A_110 : memref<128xi32, #tpu.memory_space<vmem>>) semaphore(%arg18 : memref<!tpu.dma_semaphore, #tpu.memory_space<semaphore_mem>>) {add = true}
          %mul3A_114 = arith.constant 2 : i32
          %mul3A_115 = arith.muli %mul3A_114, %scan3A_88 : i32
          %add3A_116 = arith.constant 1 : i32
          %add3A_117 = arith.addi %mul3A_115, %add3A_116 : i32
          %mul3A_118 = arith.constant 40 : i32
          %mul3A_119 = arith.muli %scan3A_68, %mul3A_118 : i32
          %add3A_120 = arith.addi %mul3A_119, %add3A_117 : i32
          %add3A_121 = arith.constant 1 : i32
          %add3A_122 = arith.addi %add3A_117, %add3A_121 : i32
          %lt3A_123 = arith.constant 40 : i32
          %lt3A_124 = arith.cmpi slt, %add3A_122, %lt3A_123 : i32
          %convert_element_type3A_125 = arith.extui %lt3A_124 : i1 to i32
          %cond3A_126 = arith.constant 0 : i32
          %cond3A_127 = arith.cmpi ne, %convert_element_type3A_125, %cond3A_126 : i32
          scf.if %cond3A_127 {
            %ge3A = arith.constant 1 : i32
            %ge3A_140 = arith.cmpi sge, %add3A_120, %ge3A : i32
            %convert_element_type3A_141 = arith.extui %ge3A_140 : i1 to i32
            %cond3A_142 = arith.constant 0 : i32
            %cond3A_143 = arith.cmpi ne, %convert_element_type3A_141, %cond3A_142 : i32
            scf.if %cond3A_143 {
              %dma_wait3A_152 = arith.constant 0 : i32
              %dma_wait3A_153 = tpu.memref_slice %arg13[%add3A_117, %dma_wait3A_152] : memref<40x128xi32, #tpu.memory_space<vmem>> -> memref<1x128xi32, #tpu.memory_space<vmem>>
              %dma_wait3A_154 = tpu.memref_squeeze %dma_wait3A_153 : memref<1x128xi32, #tpu.memory_space<vmem>> -> memref<128xi32, #tpu.memory_space<vmem>>
              %dma_wait3A_155 = arith.constant 0 : i32
              %dma_wait3A_156 = arith.constant 0 : i32
              %dma_wait3A_157 = tpu.memref_slice %arg11[%dma_wait3A_155, %dma_wait3A_156] : memref<10240x128xf32, #tpu.memory_space<vmem_shared>> -> memref<10240x128xf32, #tpu.memory_space<vmem_shared>>
              tpu.wait_indirect_dma semaphore(%arg18 : memref<!tpu.dma_semaphore, #tpu.memory_space<semaphore_mem>>) src(%arg14 : memref<128x128xf32, #tpu.memory_space<vmem>>) dst(%dma_wait3A_157 : memref<10240x128xf32, #tpu.memory_space<vmem_shared>>)
            } else {
            }
            %add3A_144 = arith.constant 1 : i32
            %add3A_145 = arith.addi %add3A_117, %add3A_144 : i32
            %dma_start3A_146 = arith.constant 0 : i32
            %dma_start3A_147 = tpu.memref_slice %arg12[%add3A_145, %dma_start3A_146] : memref<40x128xi32, #tpu.memory_space<vmem>> -> memref<1x128xi32, #tpu.memory_space<vmem>>
            %dma_start3A_148 = tpu.memref_squeeze %dma_start3A_147 : memref<1x128xi32, #tpu.memory_space<vmem>> -> memref<128xi32, #tpu.memory_space<vmem>>
            %dma_start3A_149 = arith.constant 0 : i32
            %dma_start3A_150 = arith.constant 0 : i32
            %dma_start3A_151 = tpu.memref_slice %arg3[%dma_start3A_149, %dma_start3A_150] : memref<10240x128xf32, #tpu.memory_space<hbm>> -> memref<10240x128xf32, #tpu.memory_space<hbm>>
            tpu.enqueue_indirect_dma source(%dma_start3A_151 : memref<10240x128xf32, #tpu.memory_space<hbm>>) target(%arg14 : memref<128x128xf32, #tpu.memory_space<vmem>>) offsets(%dma_start3A_148 : memref<128xi32, #tpu.memory_space<vmem>>) semaphore(%arg16 : memref<!tpu.dma_semaphore, #tpu.memory_space<semaphore_mem>>)
          } else {
          }
          %dma_wait3A_128 = arith.constant 0 : i32
          %dma_wait3A_129 = tpu.memref_slice %arg12[%add3A_117, %dma_wait3A_128] : memref<40x128xi32, #tpu.memory_space<vmem>> -> memref<1x128xi32, #tpu.memory_space<vmem>>
          %dma_wait3A_130 = tpu.memref_squeeze %dma_wait3A_129 : memref<1x128xi32, #tpu.memory_space<vmem>> -> memref<128xi32, #tpu.memory_space<vmem>>
          %dma_wait3A_131 = arith.constant 0 : i32
          %dma_wait3A_132 = arith.constant 0 : i32
          %dma_wait3A_133 = tpu.memref_slice %arg3[%dma_wait3A_131, %dma_wait3A_132] : memref<10240x128xf32, #tpu.memory_space<hbm>> -> memref<10240x128xf32, #tpu.memory_space<hbm>>
          tpu.wait_indirect_dma semaphore(%arg17 : memref<!tpu.dma_semaphore, #tpu.memory_space<semaphore_mem>>) src(%dma_wait3A_133 : memref<10240x128xf32, #tpu.memory_space<hbm>>) dst(%arg15 : memref<128x128xf32, #tpu.memory_space<vmem>>)
          %dma_start3A_134 = arith.constant 0 : i32
          %dma_start3A_135 = tpu.memref_slice %arg13[%add3A_117, %dma_start3A_134] : memref<40x128xi32, #tpu.memory_space<vmem>> -> memref<1x128xi32, #tpu.memory_space<vmem>>
          %dma_start3A_136 = tpu.memref_squeeze %dma_start3A_135 : memref<1x128xi32, #tpu.memory_space<vmem>> -> memref<128xi32, #tpu.memory_space<vmem>>
          %dma_start3A_137 = arith.constant 0 : i32
          %dma_start3A_138 = arith.constant 0 : i32
          %dma_start3A_139 = tpu.memref_slice %arg11[%dma_start3A_137, %dma_start3A_138] : memref<10240x128xf32, #tpu.memory_space<vmem_shared>> -> memref<10240x128xf32, #tpu.memory_space<vmem_shared>>
          tpu.enqueue_indirect_dma source(%arg15 : memref<128x128xf32, #tpu.memory_space<vmem>>) target(%dma_start3A_139 : memref<10240x128xf32, #tpu.memory_space<vmem_shared>>) offsets(%dma_start3A_136 : memref<128xi32, #tpu.memory_space<vmem>>) semaphore(%arg19 : memref<!tpu.dma_semaphore, #tpu.memory_space<semaphore_mem>>) {add = true}
        }
        %scan3A_87 = arith.constant 20 : i32
      }
      %scan3A_16 = arith.constant 4 : i32
      %dma_wait3A = arith.constant 0 : i32
      %dma_wait3A_17 = arith.constant 0 : i32
      %dma_wait3A_18 = tpu.memref_slice %arg13[%dma_wait3A, %dma_wait3A_17] : memref<40x128xi32, #tpu.memory_space<vmem>> -> memref<1x128xi32, #tpu.memory_space<vmem>>
      %dma_wait3A_19 = tpu.memref_squeeze %dma_wait3A_18 : memref<1x128xi32, #tpu.memory_space<vmem>> -> memref<128xi32, #tpu.memory_space<vmem>>
      %dma_wait3A_20 = arith.constant 0 : i32
      %dma_wait3A_21 = arith.constant 0 : i32
      %dma_wait3A_22 = tpu.memref_slice %arg11[%dma_wait3A_20, %dma_wait3A_21] : memref<10240x128xf32, #tpu.memory_space<vmem_shared>> -> memref<10240x128xf32, #tpu.memory_space<vmem_shared>>
      tpu.wait_indirect_dma semaphore(%arg18 : memref<!tpu.dma_semaphore, #tpu.memory_space<semaphore_mem>>) src(%arg14 : memref<128x128xf32, #tpu.memory_space<vmem>>) dst(%dma_wait3A_22 : memref<10240x128xf32, #tpu.memory_space<vmem_shared>>)
      %dma_wait3A_23 = arith.constant 0 : i32
      %dma_wait3A_24 = arith.constant 0 : i32
      %dma_wait3A_25 = tpu.memref_slice %arg13[%dma_wait3A_23, %dma_wait3A_24] : memref<40x128xi32, #tpu.memory_space<vmem>> -> memref<1x128xi32, #tpu.memory_space<vmem>>
      %dma_wait3A_26 = tpu.memref_squeeze %dma_wait3A_25 : memref<1x128xi32, #tpu.memory_space<vmem>> -> memref<128xi32, #tpu.memory_space<vmem>>
      %dma_wait3A_27 = arith.constant 0 : i32
      %dma_wait3A_28 = arith.constant 0 : i32
      %dma_wait3A_29 = tpu.memref_slice %arg11[%dma_wait3A_27, %dma_wait3A_28] : memref<10240x128xf32, #tpu.memory_space<vmem_shared>> -> memref<10240x128xf32, #tpu.memory_space<vmem_shared>>
      tpu.wait_indirect_dma semaphore(%arg19 : memref<!tpu.dma_semaphore, #tpu.memory_space<semaphore_mem>>) src(%arg15 : memref<128x128xf32, #tpu.memory_space<vmem>>) dst(%dma_wait3A_29 : memref<10240x128xf32, #tpu.memory_space<vmem_shared>>)
      %barrier3A_30 = arith.constant 0 : index
      tpu.barrier barrier_id(%barrier3A_30)
      %mul3A_31 = arith.constant 640 : i32
      %mul3A_32 = arith.muli %arg1, %mul3A_31 : i32
      %mul3A_33 = arith.constant 640 : i32
      %mul3A_34 = arith.muli %arg1, %mul3A_33 : i32
      "tpu.region"() ({
        %run_scoped3A = tpu.sem_alloc : memref<!tpu.dma_semaphore, #tpu.memory_space<semaphore_mem>>
        %dma_start3A = arith.constant 0 : i32
        %dma_start3A_68 = tpu.memref_slice %arg8[%mul3A_34, %dma_start3A] : memref<10240x128xf32, #tpu.memory_space<hbm>> -> memref<640x128xf32, #tpu.memory_space<hbm>>
        %dma_start3A_69 = arith.constant 0 : i32
        %dma_start3A_70 = tpu.memref_slice %arg11[%mul3A_32, %dma_start3A_69] : memref<10240x128xf32, #tpu.memory_space<vmem_shared>> -> memref<640x128xf32, #tpu.memory_space<vmem_shared>>
        tpu.enqueue_dma source(%dma_start3A_70 : memref<640x128xf32, #tpu.memory_space<vmem_shared>>) target(%dma_start3A_68 : memref<640x128xf32, #tpu.memory_space<hbm>>) target_semaphore(%run_scoped3A : memref<!tpu.dma_semaphore, #tpu.memory_space<semaphore_mem>>)
        %dma_wait3A_71 = arith.constant 0 : i32
        %dma_wait3A_72 = tpu.memref_slice %arg8[%mul3A_34, %dma_wait3A_71] : memref<10240x128xf32, #tpu.memory_space<hbm>> -> memref<640x128xf32, #tpu.memory_space<hbm>>
        %dma_wait3A_73 = arith.constant 0 : i32
        %dma_wait3A_74 = tpu.memref_slice %arg11[%mul3A_32, %dma_wait3A_73] : memref<10240x128xf32, #tpu.memory_space<vmem_shared>> -> memref<640x128xf32, #tpu.memory_space<vmem_shared>>
        tpu.wait_dma2 semaphore(%run_scoped3A : memref<!tpu.dma_semaphore, #tpu.memory_space<semaphore_mem>>) src(%dma_wait3A_74 : memref<640x128xf32, #tpu.memory_space<vmem_shared>>) dst(%dma_wait3A_72 : memref<640x128xf32, #tpu.memory_space<hbm>>)
        tpu.yield
      }) : () -> ()
      %mul3A_35 = arith.constant 80 : i32
      %mul3A_36 = arith.muli %arg1, %mul3A_35 : i32
      %add3A = arith.constant 1280 : i32
      %add3A_37 = arith.addi %add3A, %mul3A_36 : i32
      %mul3A_38 = arith.constant 640 : i32
      %mul3A_39 = arith.muli %arg1, %mul3A_38 : i32
      %mul3A_40 = arith.constant 640 : i32
      %mul3A_41 = arith.muli %arg1, %mul3A_40 : i32
      "tpu.region"() ({
        %run_scoped3A = tpu.sem_alloc : memref<!tpu.dma_semaphore, #tpu.memory_space<semaphore_mem>>
        %dma_start3A = arith.constant 0 : i32
        %dma_start3A_68 = tpu.memref_slice %arg11[%mul3A_41, %dma_start3A] : memref<10240x128xf32, #tpu.memory_space<vmem_shared>> -> memref<640x128xf32, #tpu.memory_space<vmem_shared>>
        %dma_start3A_69 = arith.constant 0 : i32
        %dma_start3A_70 = tpu.memref_slice %arg4[%mul3A_39, %dma_start3A_69] : memref<10240x128xf32, #tpu.memory_space<hbm>> -> memref<640x128xf32, #tpu.memory_space<hbm>>
        tpu.enqueue_dma source(%dma_start3A_70 : memref<640x128xf32, #tpu.memory_space<hbm>>) target(%dma_start3A_68 : memref<640x128xf32, #tpu.memory_space<vmem_shared>>) target_semaphore(%run_scoped3A : memref<!tpu.dma_semaphore, #tpu.memory_space<semaphore_mem>>)
        %dma_wait3A_71 = arith.constant 0 : i32
        %dma_wait3A_72 = tpu.memref_slice %arg11[%mul3A_41, %dma_wait3A_71] : memref<10240x128xf32, #tpu.memory_space<vmem_shared>> -> memref<640x128xf32, #tpu.memory_space<vmem_shared>>
        %dma_wait3A_73 = arith.constant 0 : i32
        %dma_wait3A_74 = tpu.memref_slice %arg4[%mul3A_39, %dma_wait3A_73] : memref<10240x128xf32, #tpu.memory_space<hbm>> -> memref<640x128xf32, #tpu.memory_space<hbm>>
        tpu.wait_dma2 semaphore(%run_scoped3A : memref<!tpu.dma_semaphore, #tpu.memory_space<semaphore_mem>>) src(%dma_wait3A_74 : memref<640x128xf32, #tpu.memory_space<hbm>>) dst(%dma_wait3A_72 : memref<640x128xf32, #tpu.memory_space<vmem_shared>>)
        tpu.yield
      }) : () -> ()
      %barrier3A_42 = arith.constant 0 : index
      tpu.barrier barrier_id(%barrier3A_42)
      %scan3A_43 = arith.constant 0 : i32
      %scan3A_44 = arith.constant 0 : i32
      %scan3A_45 = arith.constant 2 : i32
      %scan3A_46 = arith.addi %scan3A_44, %scan3A_45 : i32
      %scan3A_47 = arith.constant 1 : i32
      scf.for %scan3A_68 = %scan3A_44 to %scan3A_46 step %scan3A_47  : i32 {
        %mul3A_69 = arith.constant 40 : i32
        %mul3A_70 = arith.muli %scan3A_68, %mul3A_69 : i32
        %add3A_71 = arith.addi %add3A_37, %mul3A_70 : i32
        "tpu.region"() ({
          %run_scoped3A = tpu.sem_alloc : memref<!tpu.dma_semaphore, #tpu.memory_space<semaphore_mem>>
          %dma_start3A_88 = arith.constant 0 : i32
          %dma_start3A_89 = tpu.memref_slice %arg5[%add3A_71, %dma_start3A_88] : memref<2560x128xi32, #tpu.memory_space<hbm>> -> memref<40x128xi32, #tpu.memory_space<hbm>>
          %dma_start3A_90 = arith.constant 0 : i32
          %dma_start3A_91 = tpu.memref_slice %arg5[%add3A_71, %dma_start3A_90] : memref<2560x128xi32, #tpu.memory_space<hbm>> -> memref<40x128xi32, #tpu.memory_space<hbm>>
          tpu.enqueue_dma source(%dma_start3A_91 : memref<40x128xi32, #tpu.memory_space<hbm>>) target(%arg12 : memref<40x128xi32, #tpu.memory_space<vmem>>) target_semaphore(%run_scoped3A : memref<!tpu.dma_semaphore, #tpu.memory_space<semaphore_mem>>)
          %dma_wait3A_92 = arith.constant 0 : i32
          %dma_wait3A_93 = tpu.memref_slice %arg5[%add3A_71, %dma_wait3A_92] : memref<2560x128xi32, #tpu.memory_space<hbm>> -> memref<40x128xi32, #tpu.memory_space<hbm>>
          %dma_wait3A_94 = arith.constant 0 : i32
          %dma_wait3A_95 = tpu.memref_slice %arg5[%add3A_71, %dma_wait3A_94] : memref<2560x128xi32, #tpu.memory_space<hbm>> -> memref<40x128xi32, #tpu.memory_space<hbm>>
          tpu.wait_dma2 semaphore(%run_scoped3A : memref<!tpu.dma_semaphore, #tpu.memory_space<semaphore_mem>>) src(%dma_wait3A_95 : memref<40x128xi32, #tpu.memory_space<hbm>>) dst(%arg12 : memref<40x128xi32, #tpu.memory_space<vmem>>)
          tpu.yield
        }) : () -> ()
        "tpu.region"() ({
          %run_scoped3A = tpu.sem_alloc : memref<!tpu.dma_semaphore, #tpu.memory_space<semaphore_mem>>
          %dma_start3A_88 = arith.constant 0 : i32
          %dma_start3A_89 = tpu.memref_slice %arg6[%add3A_71, %dma_start3A_88] : memref<2560x128xi32, #tpu.memory_space<hbm>> -> memref<40x128xi32, #tpu.memory_space<hbm>>
          %dma_start3A_90 = arith.constant 0 : i32
          %dma_start3A_91 = tpu.memref_slice %arg6[%add3A_71, %dma_start3A_90] : memref<2560x128xi32, #tpu.memory_space<hbm>> -> memref<40x128xi32, #tpu.memory_space<hbm>>
          tpu.enqueue_dma source(%dma_start3A_91 : memref<40x128xi32, #tpu.memory_space<hbm>>) target(%arg13 : memref<40x128xi32, #tpu.memory_space<vmem>>) target_semaphore(%run_scoped3A : memref<!tpu.dma_semaphore, #tpu.memory_space<semaphore_mem>>)
          %dma_wait3A_92 = arith.constant 0 : i32
          %dma_wait3A_93 = tpu.memref_slice %arg6[%add3A_71, %dma_wait3A_92] : memref<2560x128xi32, #tpu.memory_space<hbm>> -> memref<40x128xi32, #tpu.memory_space<hbm>>
          %dma_wait3A_94 = arith.constant 0 : i32
          %dma_wait3A_95 = tpu.memref_slice %arg6[%add3A_71, %dma_wait3A_94] : memref<2560x128xi32, #tpu.memory_space<hbm>> -> memref<40x128xi32, #tpu.memory_space<hbm>>
          tpu.wait_dma2 semaphore(%run_scoped3A : memref<!tpu.dma_semaphore, #tpu.memory_space<semaphore_mem>>) src(%dma_wait3A_95 : memref<40x128xi32, #tpu.memory_space<hbm>>) dst(%arg13 : memref<40x128xi32, #tpu.memory_space<vmem>>)
          tpu.yield
        }) : () -> ()
        %gt3A = arith.constant 0 : i32
        %gt3A_72 = arith.cmpi sgt, %scan3A_68, %gt3A : i32
        %convert_element_type3A_73 = arith.extui %gt3A_72 : i1 to i32
        %cond3A_74 = arith.constant 0 : i32
        %cond3A_75 = arith.cmpi ne, %convert_element_type3A_73, %cond3A_74 : i32
        scf.if %cond3A_75 {
          %dma_wait3A_88 = arith.constant 0 : i32
          %dma_wait3A_89 = arith.constant 0 : i32
          %dma_wait3A_90 = tpu.memref_slice %arg13[%dma_wait3A_88, %dma_wait3A_89] : memref<40x128xi32, #tpu.memory_space<vmem>> -> memref<1x128xi32, #tpu.memory_space<vmem>>
          %dma_wait3A_91 = tpu.memref_squeeze %dma_wait3A_90 : memref<1x128xi32, #tpu.memory_space<vmem>> -> memref<128xi32, #tpu.memory_space<vmem>>
          %dma_wait3A_92 = arith.constant 0 : i32
          %dma_wait3A_93 = arith.constant 0 : i32
          %dma_wait3A_94 = tpu.memref_slice %arg11[%dma_wait3A_92, %dma_wait3A_93] : memref<10240x128xf32, #tpu.memory_space<vmem_shared>> -> memref<10240x128xf32, #tpu.memory_space<vmem_shared>>
          tpu.wait_indirect_dma semaphore(%arg18 : memref<!tpu.dma_semaphore, #tpu.memory_space<semaphore_mem>>) src(%arg14 : memref<128x128xf32, #tpu.memory_space<vmem>>) dst(%dma_wait3A_94 : memref<10240x128xf32, #tpu.memory_space<vmem_shared>>)
        } else {
        }
        %dma_start3A = arith.constant 0 : i32
        %dma_start3A_76 = arith.constant 0 : i32
        %dma_start3A_77 = tpu.memref_slice %arg12[%dma_start3A, %dma_start3A_76] : memref<40x128xi32, #tpu.memory_space<vmem>> -> memref<1x128xi32, #tpu.memory_space<vmem>>
        %dma_start3A_78 = tpu.memref_squeeze %dma_start3A_77 : memref<1x128xi32, #tpu.memory_space<vmem>> -> memref<128xi32, #tpu.memory_space<vmem>>
        %dma_start3A_79 = arith.constant 0 : i32
        %dma_start3A_80 = arith.constant 0 : i32
        %dma_start3A_81 = tpu.memref_slice %arg4[%dma_start3A_79, %dma_start3A_80] : memref<10240x128xf32, #tpu.memory_space<hbm>> -> memref<10240x128xf32, #tpu.memory_space<hbm>>
        tpu.enqueue_indirect_dma source(%dma_start3A_81 : memref<10240x128xf32, #tpu.memory_space<hbm>>) target(%arg14 : memref<128x128xf32, #tpu.memory_space<vmem>>) offsets(%dma_start3A_78 : memref<128xi32, #tpu.memory_space<vmem>>) semaphore(%arg16 : memref<!tpu.dma_semaphore, #tpu.memory_space<semaphore_mem>>)
        %scan3A_82 = arith.constant 0 : i32
        %scan3A_83 = arith.constant 0 : i32
        %scan3A_84 = arith.constant 20 : i32
        %scan3A_85 = arith.addi %scan3A_83, %scan3A_84 : i32
        %scan3A_86 = arith.constant 1 : i32
        scf.for %scan3A_88 = %scan3A_83 to %scan3A_85 step %scan3A_86  : i32 {
          %mul3A_89 = arith.constant 2 : i32
          %mul3A_90 = arith.muli %mul3A_89, %scan3A_88 : i32
          %add3A_91 = arith.constant 0 : i32
          %add3A_92 = arith.addi %mul3A_90, %add3A_91 : i32
          %mul3A_93 = arith.constant 40 : i32
          %mul3A_94 = arith.muli %scan3A_68, %mul3A_93 : i32
          %add3A_95 = arith.addi %mul3A_94, %add3A_92 : i32
          %add3A_96 = arith.constant 1 : i32
          %add3A_97 = arith.addi %add3A_92, %add3A_96 : i32
          %lt3A = arith.constant 40 : i32
          %lt3A_98 = arith.cmpi slt, %add3A_97, %lt3A : i32
          %convert_element_type3A_99 = arith.extui %lt3A_98 : i1 to i32
          %cond3A_100 = arith.constant 0 : i32
          %cond3A_101 = arith.cmpi ne, %convert_element_type3A_99, %cond3A_100 : i32
          scf.if %cond3A_101 {
            %ge3A = arith.constant 1 : i32
            %ge3A_140 = arith.cmpi sge, %add3A_95, %ge3A : i32
            %convert_element_type3A_141 = arith.extui %ge3A_140 : i1 to i32
            %cond3A_142 = arith.constant 0 : i32
            %cond3A_143 = arith.cmpi ne, %convert_element_type3A_141, %cond3A_142 : i32
            scf.if %cond3A_143 {
              %dma_wait3A_152 = arith.constant 0 : i32
              %dma_wait3A_153 = tpu.memref_slice %arg13[%add3A_92, %dma_wait3A_152] : memref<40x128xi32, #tpu.memory_space<vmem>> -> memref<1x128xi32, #tpu.memory_space<vmem>>
              %dma_wait3A_154 = tpu.memref_squeeze %dma_wait3A_153 : memref<1x128xi32, #tpu.memory_space<vmem>> -> memref<128xi32, #tpu.memory_space<vmem>>
              %dma_wait3A_155 = arith.constant 0 : i32
              %dma_wait3A_156 = arith.constant 0 : i32
              %dma_wait3A_157 = tpu.memref_slice %arg11[%dma_wait3A_155, %dma_wait3A_156] : memref<10240x128xf32, #tpu.memory_space<vmem_shared>> -> memref<10240x128xf32, #tpu.memory_space<vmem_shared>>
              tpu.wait_indirect_dma semaphore(%arg19 : memref<!tpu.dma_semaphore, #tpu.memory_space<semaphore_mem>>) src(%arg15 : memref<128x128xf32, #tpu.memory_space<vmem>>) dst(%dma_wait3A_157 : memref<10240x128xf32, #tpu.memory_space<vmem_shared>>)
            } else {
            }
            %add3A_144 = arith.constant 1 : i32
            %add3A_145 = arith.addi %add3A_92, %add3A_144 : i32
            %dma_start3A_146 = arith.constant 0 : i32
            %dma_start3A_147 = tpu.memref_slice %arg12[%add3A_145, %dma_start3A_146] : memref<40x128xi32, #tpu.memory_space<vmem>> -> memref<1x128xi32, #tpu.memory_space<vmem>>
            %dma_start3A_148 = tpu.memref_squeeze %dma_start3A_147 : memref<1x128xi32, #tpu.memory_space<vmem>> -> memref<128xi32, #tpu.memory_space<vmem>>
            %dma_start3A_149 = arith.constant 0 : i32
            %dma_start3A_150 = arith.constant 0 : i32
            %dma_start3A_151 = tpu.memref_slice %arg4[%dma_start3A_149, %dma_start3A_150] : memref<10240x128xf32, #tpu.memory_space<hbm>> -> memref<10240x128xf32, #tpu.memory_space<hbm>>
            tpu.enqueue_indirect_dma source(%dma_start3A_151 : memref<10240x128xf32, #tpu.memory_space<hbm>>) target(%arg15 : memref<128x128xf32, #tpu.memory_space<vmem>>) offsets(%dma_start3A_148 : memref<128xi32, #tpu.memory_space<vmem>>) semaphore(%arg17 : memref<!tpu.dma_semaphore, #tpu.memory_space<semaphore_mem>>)
          } else {
          }
          %dma_wait3A_102 = arith.constant 0 : i32
          %dma_wait3A_103 = tpu.memref_slice %arg12[%add3A_92, %dma_wait3A_102] : memref<40x128xi32, #tpu.memory_space<vmem>> -> memref<1x128xi32, #tpu.memory_space<vmem>>
          %dma_wait3A_104 = tpu.memref_squeeze %dma_wait3A_103 : memref<1x128xi32, #tpu.memory_space<vmem>> -> memref<128xi32, #tpu.memory_space<vmem>>
          %dma_wait3A_105 = arith.constant 0 : i32
          %dma_wait3A_106 = arith.constant 0 : i32
          %dma_wait3A_107 = tpu.memref_slice %arg4[%dma_wait3A_105, %dma_wait3A_106] : memref<10240x128xf32, #tpu.memory_space<hbm>> -> memref<10240x128xf32, #tpu.memory_space<hbm>>
          tpu.wait_indirect_dma semaphore(%arg16 : memref<!tpu.dma_semaphore, #tpu.memory_space<semaphore_mem>>) src(%dma_wait3A_107 : memref<10240x128xf32, #tpu.memory_space<hbm>>) dst(%arg14 : memref<128x128xf32, #tpu.memory_space<vmem>>)
          %dma_start3A_108 = arith.constant 0 : i32
          %dma_start3A_109 = tpu.memref_slice %arg13[%add3A_92, %dma_start3A_108] : memref<40x128xi32, #tpu.memory_space<vmem>> -> memref<1x128xi32, #tpu.memory_space<vmem>>
          %dma_start3A_110 = tpu.memref_squeeze %dma_start3A_109 : memref<1x128xi32, #tpu.memory_space<vmem>> -> memref<128xi32, #tpu.memory_space<vmem>>
          %dma_start3A_111 = arith.constant 0 : i32
          %dma_start3A_112 = arith.constant 0 : i32
          %dma_start3A_113 = tpu.memref_slice %arg11[%dma_start3A_111, %dma_start3A_112] : memref<10240x128xf32, #tpu.memory_space<vmem_shared>> -> memref<10240x128xf32, #tpu.memory_space<vmem_shared>>
          tpu.enqueue_indirect_dma source(%arg14 : memref<128x128xf32, #tpu.memory_space<vmem>>) target(%dma_start3A_113 : memref<10240x128xf32, #tpu.memory_space<vmem_shared>>) offsets(%dma_start3A_110 : memref<128xi32, #tpu.memory_space<vmem>>) semaphore(%arg18 : memref<!tpu.dma_semaphore, #tpu.memory_space<semaphore_mem>>) {add = true}
          %mul3A_114 = arith.constant 2 : i32
          %mul3A_115 = arith.muli %mul3A_114, %scan3A_88 : i32
          %add3A_116 = arith.constant 1 : i32
          %add3A_117 = arith.addi %mul3A_115, %add3A_116 : i32
          %mul3A_118 = arith.constant 40 : i32
          %mul3A_119 = arith.muli %scan3A_68, %mul3A_118 : i32
          %add3A_120 = arith.addi %mul3A_119, %add3A_117 : i32
          %add3A_121 = arith.constant 1 : i32
          %add3A_122 = arith.addi %add3A_117, %add3A_121 : i32
          %lt3A_123 = arith.constant 40 : i32
          %lt3A_124 = arith.cmpi slt, %add3A_122, %lt3A_123 : i32
          %convert_element_type3A_125 = arith.extui %lt3A_124 : i1 to i32
          %cond3A_126 = arith.constant 0 : i32
          %cond3A_127 = arith.cmpi ne, %convert_element_type3A_125, %cond3A_126 : i32
          scf.if %cond3A_127 {
            %ge3A = arith.constant 1 : i32
            %ge3A_140 = arith.cmpi sge, %add3A_120, %ge3A : i32
            %convert_element_type3A_141 = arith.extui %ge3A_140 : i1 to i32
            %cond3A_142 = arith.constant 0 : i32
            %cond3A_143 = arith.cmpi ne, %convert_element_type3A_141, %cond3A_142 : i32
            scf.if %cond3A_143 {
              %dma_wait3A_152 = arith.constant 0 : i32
              %dma_wait3A_153 = tpu.memref_slice %arg13[%add3A_117, %dma_wait3A_152] : memref<40x128xi32, #tpu.memory_space<vmem>> -> memref<1x128xi32, #tpu.memory_space<vmem>>
              %dma_wait3A_154 = tpu.memref_squeeze %dma_wait3A_153 : memref<1x128xi32, #tpu.memory_space<vmem>> -> memref<128xi32, #tpu.memory_space<vmem>>
              %dma_wait3A_155 = arith.constant 0 : i32
              %dma_wait3A_156 = arith.constant 0 : i32
              %dma_wait3A_157 = tpu.memref_slice %arg11[%dma_wait3A_155, %dma_wait3A_156] : memref<10240x128xf32, #tpu.memory_space<vmem_shared>> -> memref<10240x128xf32, #tpu.memory_space<vmem_shared>>
              tpu.wait_indirect_dma semaphore(%arg18 : memref<!tpu.dma_semaphore, #tpu.memory_space<semaphore_mem>>) src(%arg14 : memref<128x128xf32, #tpu.memory_space<vmem>>) dst(%dma_wait3A_157 : memref<10240x128xf32, #tpu.memory_space<vmem_shared>>)
            } else {
            }
            %add3A_144 = arith.constant 1 : i32
            %add3A_145 = arith.addi %add3A_117, %add3A_144 : i32
            %dma_start3A_146 = arith.constant 0 : i32
            %dma_start3A_147 = tpu.memref_slice %arg12[%add3A_145, %dma_start3A_146] : memref<40x128xi32, #tpu.memory_space<vmem>> -> memref<1x128xi32, #tpu.memory_space<vmem>>
            %dma_start3A_148 = tpu.memref_squeeze %dma_start3A_147 : memref<1x128xi32, #tpu.memory_space<vmem>> -> memref<128xi32, #tpu.memory_space<vmem>>
            %dma_start3A_149 = arith.constant 0 : i32
            %dma_start3A_150 = arith.constant 0 : i32
            %dma_start3A_151 = tpu.memref_slice %arg4[%dma_start3A_149, %dma_start3A_150] : memref<10240x128xf32, #tpu.memory_space<hbm>> -> memref<10240x128xf32, #tpu.memory_space<hbm>>
            tpu.enqueue_indirect_dma source(%dma_start3A_151 : memref<10240x128xf32, #tpu.memory_space<hbm>>) target(%arg14 : memref<128x128xf32, #tpu.memory_space<vmem>>) offsets(%dma_start3A_148 : memref<128xi32, #tpu.memory_space<vmem>>) semaphore(%arg16 : memref<!tpu.dma_semaphore, #tpu.memory_space<semaphore_mem>>)
          } else {
          }
          %dma_wait3A_128 = arith.constant 0 : i32
          %dma_wait3A_129 = tpu.memref_slice %arg12[%add3A_117, %dma_wait3A_128] : memref<40x128xi32, #tpu.memory_space<vmem>> -> memref<1x128xi32, #tpu.memory_space<vmem>>
          %dma_wait3A_130 = tpu.memref_squeeze %dma_wait3A_129 : memref<1x128xi32, #tpu.memory_space<vmem>> -> memref<128xi32, #tpu.memory_space<vmem>>
          %dma_wait3A_131 = arith.constant 0 : i32
          %dma_wait3A_132 = arith.constant 0 : i32
          %dma_wait3A_133 = tpu.memref_slice %arg4[%dma_wait3A_131, %dma_wait3A_132] : memref<10240x128xf32, #tpu.memory_space<hbm>> -> memref<10240x128xf32, #tpu.memory_space<hbm>>
          tpu.wait_indirect_dma semaphore(%arg17 : memref<!tpu.dma_semaphore, #tpu.memory_space<semaphore_mem>>) src(%dma_wait3A_133 : memref<10240x128xf32, #tpu.memory_space<hbm>>) dst(%arg15 : memref<128x128xf32, #tpu.memory_space<vmem>>)
          %dma_start3A_134 = arith.constant 0 : i32
          %dma_start3A_135 = tpu.memref_slice %arg13[%add3A_117, %dma_start3A_134] : memref<40x128xi32, #tpu.memory_space<vmem>> -> memref<1x128xi32, #tpu.memory_space<vmem>>
          %dma_start3A_136 = tpu.memref_squeeze %dma_start3A_135 : memref<1x128xi32, #tpu.memory_space<vmem>> -> memref<128xi32, #tpu.memory_space<vmem>>
          %dma_start3A_137 = arith.constant 0 : i32
          %dma_start3A_138 = arith.constant 0 : i32
          %dma_start3A_139 = tpu.memref_slice %arg11[%dma_start3A_137, %dma_start3A_138] : memref<10240x128xf32, #tpu.memory_space<vmem_shared>> -> memref<10240x128xf32, #tpu.memory_space<vmem_shared>>
          tpu.enqueue_indirect_dma source(%arg15 : memref<128x128xf32, #tpu.memory_space<vmem>>) target(%dma_start3A_139 : memref<10240x128xf32, #tpu.memory_space<vmem_shared>>) offsets(%dma_start3A_136 : memref<128xi32, #tpu.memory_space<vmem>>) semaphore(%arg19 : memref<!tpu.dma_semaphore, #tpu.memory_space<semaphore_mem>>) {add = true}
        }
        %scan3A_87 = arith.constant 20 : i32
      }
      %scan3A_48 = arith.constant 2 : i32
      %dma_wait3A_49 = arith.constant 0 : i32
      %dma_wait3A_50 = arith.constant 0 : i32
      %dma_wait3A_51 = tpu.memref_slice %arg13[%dma_wait3A_49, %dma_wait3A_50] : memref<40x128xi32, #tpu.memory_space<vmem>> -> memref<1x128xi32, #tpu.memory_space<vmem>>
      %dma_wait3A_52 = tpu.memref_squeeze %dma_wait3A_51 : memref<1x128xi32, #tpu.memory_space<vmem>> -> memref<128xi32, #tpu.memory_space<vmem>>
      %dma_wait3A_53 = arith.constant 0 : i32
      %dma_wait3A_54 = arith.constant 0 : i32
      %dma_wait3A_55 = tpu.memref_slice %arg11[%dma_wait3A_53, %dma_wait3A_54] : memref<10240x128xf32, #tpu.memory_space<vmem_shared>> -> memref<10240x128xf32, #tpu.memory_space<vmem_shared>>
      tpu.wait_indirect_dma semaphore(%arg18 : memref<!tpu.dma_semaphore, #tpu.memory_space<semaphore_mem>>) src(%arg14 : memref<128x128xf32, #tpu.memory_space<vmem>>) dst(%dma_wait3A_55 : memref<10240x128xf32, #tpu.memory_space<vmem_shared>>)
      %dma_wait3A_56 = arith.constant 0 : i32
      %dma_wait3A_57 = arith.constant 0 : i32
      %dma_wait3A_58 = tpu.memref_slice %arg13[%dma_wait3A_56, %dma_wait3A_57] : memref<40x128xi32, #tpu.memory_space<vmem>> -> memref<1x128xi32, #tpu.memory_space<vmem>>
      %dma_wait3A_59 = tpu.memref_squeeze %dma_wait3A_58 : memref<1x128xi32, #tpu.memory_space<vmem>> -> memref<128xi32, #tpu.memory_space<vmem>>
      %dma_wait3A_60 = arith.constant 0 : i32
      %dma_wait3A_61 = arith.constant 0 : i32
      %dma_wait3A_62 = tpu.memref_slice %arg11[%dma_wait3A_60, %dma_wait3A_61] : memref<10240x128xf32, #tpu.memory_space<vmem_shared>> -> memref<10240x128xf32, #tpu.memory_space<vmem_shared>>
      tpu.wait_indirect_dma semaphore(%arg19 : memref<!tpu.dma_semaphore, #tpu.memory_space<semaphore_mem>>) src(%arg15 : memref<128x128xf32, #tpu.memory_space<vmem>>) dst(%dma_wait3A_62 : memref<10240x128xf32, #tpu.memory_space<vmem_shared>>)
      %barrier3A_63 = arith.constant 0 : index
      tpu.barrier barrier_id(%barrier3A_63)
      %mul3A_64 = arith.constant 640 : i32
      %mul3A_65 = arith.muli %arg1, %mul3A_64 : i32
      %mul3A_66 = arith.constant 640 : i32
      %mul3A_67 = arith.muli %arg1, %mul3A_66 : i32
      "tpu.region"() ({
        %run_scoped3A = tpu.sem_alloc : memref<!tpu.dma_semaphore, #tpu.memory_space<semaphore_mem>>
        %dma_start3A = arith.constant 0 : i32
        %dma_start3A_68 = tpu.memref_slice %arg10[%mul3A_67, %dma_start3A] : memref<10240x128xf32, #tpu.memory_space<hbm>> -> memref<640x128xf32, #tpu.memory_space<hbm>>
        %dma_start3A_69 = arith.constant 0 : i32
        %dma_start3A_70 = tpu.memref_slice %arg11[%mul3A_65, %dma_start3A_69] : memref<10240x128xf32, #tpu.memory_space<vmem_shared>> -> memref<640x128xf32, #tpu.memory_space<vmem_shared>>
        tpu.enqueue_dma source(%dma_start3A_70 : memref<640x128xf32, #tpu.memory_space<vmem_shared>>) target(%dma_start3A_68 : memref<640x128xf32, #tpu.memory_space<hbm>>) target_semaphore(%run_scoped3A : memref<!tpu.dma_semaphore, #tpu.memory_space<semaphore_mem>>)
        %dma_wait3A_71 = arith.constant 0 : i32
        %dma_wait3A_72 = tpu.memref_slice %arg10[%mul3A_67, %dma_wait3A_71] : memref<10240x128xf32, #tpu.memory_space<hbm>> -> memref<640x128xf32, #tpu.memory_space<hbm>>
        %dma_wait3A_73 = arith.constant 0 : i32
        %dma_wait3A_74 = tpu.memref_slice %arg11[%mul3A_65, %dma_wait3A_73] : memref<10240x128xf32, #tpu.memory_space<vmem_shared>> -> memref<640x128xf32, #tpu.memory_space<vmem_shared>>
        tpu.wait_dma2 semaphore(%run_scoped3A : memref<!tpu.dma_semaphore, #tpu.memory_space<semaphore_mem>>) src(%dma_wait3A_74 : memref<640x128xf32, #tpu.memory_space<vmem_shared>>) dst(%dma_wait3A_72 : memref<640x128xf32, #tpu.memory_space<hbm>>)
        tpu.yield
      }) : () -> ()
    } else {
    }
    return
  }
}

#map = affine_map<(d0, d1) -> (0, 0)>
module attributes {stable_mosaic.version = 14 : i64} {
  func.func @_agg_split_body(%arg0: i32, %arg1: i32, %arg2: memref<10240x128xf32, #tpu.memory_space<hbm>>, %arg3: memref<2560x128xi32, #tpu.memory_space<hbm>>, %arg4: memref<2560x128xi32, #tpu.memory_space<hbm>>, %arg5: memref<10240x128xf32, #tpu.memory_space<hbm>>, %arg6: memref<10240x128xf32, #tpu.memory_space<hbm>>, %arg7: memref<10240x128xf32, #tpu.memory_space<vmem_shared>>, %arg8: memref<40x128xi32, #tpu.memory_space<vmem>>, %arg9: memref<40x128xi32, #tpu.memory_space<vmem>>, %arg10: memref<128x128xf32, #tpu.memory_space<vmem>>, %arg11: memref<128x128xf32, #tpu.memory_space<vmem>>, %arg12: memref<!tpu.dma_semaphore, #tpu.memory_space<semaphore_mem>>, %arg13: memref<!tpu.dma_semaphore, #tpu.memory_space<semaphore_mem>>, %arg14: memref<!tpu.dma_semaphore, #tpu.memory_space<semaphore_mem>>, %arg15: memref<!tpu.dma_semaphore, #tpu.memory_space<semaphore_mem>>) attributes {dimension_semantics = [#tpu.dimension_semantics<core_parallel>, #tpu.dimension_semantics<subcore_parallel>], iteration_bounds = array<i64: 2, 16>, scalar_prefetch = 0 : i64, scratch_operands = 9 : i64, tpu.core_type = #tpu.core_type<sc_vector_subcore>, window_params = [{transform_indices = #map}, {transform_indices = #map}, {transform_indices = #map}, {transform_indices = #map}, {transform_indices = #map}]} {
    %mul3A = arith.constant 640 : i32
    %mul3A_0 = arith.muli %arg1, %mul3A : i32
    %mul3A_1 = arith.constant 640 : i32
    %mul3A_2 = arith.muli %arg1, %mul3A_1 : i32
    "tpu.region"() ({
      %run_scoped3A = tpu.sem_alloc : memref<!tpu.dma_semaphore, #tpu.memory_space<semaphore_mem>>
      %dma_start3A = arith.constant 0 : i32
      %dma_start3A_33 = tpu.memref_slice %arg7[%mul3A_2, %dma_start3A] : memref<10240x128xf32, #tpu.memory_space<vmem_shared>> -> memref<640x128xf32, #tpu.memory_space<vmem_shared>>
      %dma_start3A_34 = arith.constant 0 : i32
      %dma_start3A_35 = tpu.memref_slice %arg2[%mul3A_0, %dma_start3A_34] : memref<10240x128xf32, #tpu.memory_space<hbm>> -> memref<640x128xf32, #tpu.memory_space<hbm>>
      tpu.enqueue_dma source(%dma_start3A_35 : memref<640x128xf32, #tpu.memory_space<hbm>>) target(%dma_start3A_33 : memref<640x128xf32, #tpu.memory_space<vmem_shared>>) target_semaphore(%run_scoped3A : memref<!tpu.dma_semaphore, #tpu.memory_space<semaphore_mem>>)
      %dma_wait3A_36 = arith.constant 0 : i32
      %dma_wait3A_37 = tpu.memref_slice %arg7[%mul3A_2, %dma_wait3A_36] : memref<10240x128xf32, #tpu.memory_space<vmem_shared>> -> memref<640x128xf32, #tpu.memory_space<vmem_shared>>
      %dma_wait3A_38 = arith.constant 0 : i32
      %dma_wait3A_39 = tpu.memref_slice %arg2[%mul3A_0, %dma_wait3A_38] : memref<10240x128xf32, #tpu.memory_space<hbm>> -> memref<640x128xf32, #tpu.memory_space<hbm>>
      tpu.wait_dma2 semaphore(%run_scoped3A : memref<!tpu.dma_semaphore, #tpu.memory_space<semaphore_mem>>) src(%dma_wait3A_39 : memref<640x128xf32, #tpu.memory_space<hbm>>) dst(%dma_wait3A_37 : memref<640x128xf32, #tpu.memory_space<vmem_shared>>)
      tpu.yield
    }) : () -> ()
    %barrier3A = arith.constant 0 : index
    tpu.barrier barrier_id(%barrier3A)
    %mul3A_3 = arith.constant 1280 : i32
    %mul3A_4 = arith.muli %arg0, %mul3A_3 : i32
    %mul3A_5 = arith.constant 80 : i32
    %mul3A_6 = arith.muli %arg1, %mul3A_5 : i32
    %add3A = arith.addi %mul3A_4, %mul3A_6 : i32
    %scan3A = arith.constant 0 : i32
    %scan3A_7 = arith.constant 0 : i32
    %scan3A_8 = arith.constant 2 : i32
    %scan3A_9 = arith.addi %scan3A_7, %scan3A_8 : i32
    %scan3A_10 = arith.constant 1 : i32
    scf.for %scan3A_33 = %scan3A_7 to %scan3A_9 step %scan3A_10  : i32 {
      %mul3A_34 = arith.constant 40 : i32
      %mul3A_35 = arith.muli %scan3A_33, %mul3A_34 : i32
      %add3A_36 = arith.addi %add3A, %mul3A_35 : i32
      "tpu.region"() ({
        %run_scoped3A = tpu.sem_alloc : memref<!tpu.dma_semaphore, #tpu.memory_space<semaphore_mem>>
        %dma_start3A_53 = arith.constant 0 : i32
        %dma_start3A_54 = tpu.memref_slice %arg3[%add3A_36, %dma_start3A_53] : memref<2560x128xi32, #tpu.memory_space<hbm>> -> memref<40x128xi32, #tpu.memory_space<hbm>>
        %dma_start3A_55 = arith.constant 0 : i32
        %dma_start3A_56 = tpu.memref_slice %arg3[%add3A_36, %dma_start3A_55] : memref<2560x128xi32, #tpu.memory_space<hbm>> -> memref<40x128xi32, #tpu.memory_space<hbm>>
        tpu.enqueue_dma source(%dma_start3A_56 : memref<40x128xi32, #tpu.memory_space<hbm>>) target(%arg8 : memref<40x128xi32, #tpu.memory_space<vmem>>) target_semaphore(%run_scoped3A : memref<!tpu.dma_semaphore, #tpu.memory_space<semaphore_mem>>)
        %dma_wait3A_57 = arith.constant 0 : i32
        %dma_wait3A_58 = tpu.memref_slice %arg3[%add3A_36, %dma_wait3A_57] : memref<2560x128xi32, #tpu.memory_space<hbm>> -> memref<40x128xi32, #tpu.memory_space<hbm>>
        %dma_wait3A_59 = arith.constant 0 : i32
        %dma_wait3A_60 = tpu.memref_slice %arg3[%add3A_36, %dma_wait3A_59] : memref<2560x128xi32, #tpu.memory_space<hbm>> -> memref<40x128xi32, #tpu.memory_space<hbm>>
        tpu.wait_dma2 semaphore(%run_scoped3A : memref<!tpu.dma_semaphore, #tpu.memory_space<semaphore_mem>>) src(%dma_wait3A_60 : memref<40x128xi32, #tpu.memory_space<hbm>>) dst(%arg8 : memref<40x128xi32, #tpu.memory_space<vmem>>)
        tpu.yield
      }) : () -> ()
      "tpu.region"() ({
        %run_scoped3A = tpu.sem_alloc : memref<!tpu.dma_semaphore, #tpu.memory_space<semaphore_mem>>
        %dma_start3A_53 = arith.constant 0 : i32
        %dma_start3A_54 = tpu.memref_slice %arg4[%add3A_36, %dma_start3A_53] : memref<2560x128xi32, #tpu.memory_space<hbm>> -> memref<40x128xi32, #tpu.memory_space<hbm>>
        %dma_start3A_55 = arith.constant 0 : i32
        %dma_start3A_56 = tpu.memref_slice %arg4[%add3A_36, %dma_start3A_55] : memref<2560x128xi32, #tpu.memory_space<hbm>> -> memref<40x128xi32, #tpu.memory_space<hbm>>
        tpu.enqueue_dma source(%dma_start3A_56 : memref<40x128xi32, #tpu.memory_space<hbm>>) target(%arg9 : memref<40x128xi32, #tpu.memory_space<vmem>>) target_semaphore(%run_scoped3A : memref<!tpu.dma_semaphore, #tpu.memory_space<semaphore_mem>>)
        %dma_wait3A_57 = arith.constant 0 : i32
        %dma_wait3A_58 = tpu.memref_slice %arg4[%add3A_36, %dma_wait3A_57] : memref<2560x128xi32, #tpu.memory_space<hbm>> -> memref<40x128xi32, #tpu.memory_space<hbm>>
        %dma_wait3A_59 = arith.constant 0 : i32
        %dma_wait3A_60 = tpu.memref_slice %arg4[%add3A_36, %dma_wait3A_59] : memref<2560x128xi32, #tpu.memory_space<hbm>> -> memref<40x128xi32, #tpu.memory_space<hbm>>
        tpu.wait_dma2 semaphore(%run_scoped3A : memref<!tpu.dma_semaphore, #tpu.memory_space<semaphore_mem>>) src(%dma_wait3A_60 : memref<40x128xi32, #tpu.memory_space<hbm>>) dst(%arg9 : memref<40x128xi32, #tpu.memory_space<vmem>>)
        tpu.yield
      }) : () -> ()
      %gt3A = arith.constant 0 : i32
      %gt3A_37 = arith.cmpi sgt, %scan3A_33, %gt3A : i32
      %convert_element_type3A_38 = arith.extui %gt3A_37 : i1 to i32
      %cond3A_39 = arith.constant 0 : i32
      %cond3A_40 = arith.cmpi ne, %convert_element_type3A_38, %cond3A_39 : i32
      scf.if %cond3A_40 {
        %dma_wait3A_53 = arith.constant 0 : i32
        %dma_wait3A_54 = arith.constant 0 : i32
        %dma_wait3A_55 = tpu.memref_slice %arg9[%dma_wait3A_53, %dma_wait3A_54] : memref<40x128xi32, #tpu.memory_space<vmem>> -> memref<1x128xi32, #tpu.memory_space<vmem>>
        %dma_wait3A_56 = tpu.memref_squeeze %dma_wait3A_55 : memref<1x128xi32, #tpu.memory_space<vmem>> -> memref<128xi32, #tpu.memory_space<vmem>>
        %dma_wait3A_57 = arith.constant 0 : i32
        %dma_wait3A_58 = arith.constant 0 : i32
        %dma_wait3A_59 = tpu.memref_slice %arg7[%dma_wait3A_57, %dma_wait3A_58] : memref<10240x128xf32, #tpu.memory_space<vmem_shared>> -> memref<10240x128xf32, #tpu.memory_space<vmem_shared>>
        tpu.wait_indirect_dma semaphore(%arg14 : memref<!tpu.dma_semaphore, #tpu.memory_space<semaphore_mem>>) src(%arg10 : memref<128x128xf32, #tpu.memory_space<vmem>>) dst(%dma_wait3A_59 : memref<10240x128xf32, #tpu.memory_space<vmem_shared>>)
      } else {
      }
      %dma_start3A = arith.constant 0 : i32
      %dma_start3A_41 = arith.constant 0 : i32
      %dma_start3A_42 = tpu.memref_slice %arg8[%dma_start3A, %dma_start3A_41] : memref<40x128xi32, #tpu.memory_space<vmem>> -> memref<1x128xi32, #tpu.memory_space<vmem>>
      %dma_start3A_43 = tpu.memref_squeeze %dma_start3A_42 : memref<1x128xi32, #tpu.memory_space<vmem>> -> memref<128xi32, #tpu.memory_space<vmem>>
      %dma_start3A_44 = arith.constant 0 : i32
      %dma_start3A_45 = arith.constant 0 : i32
      %dma_start3A_46 = tpu.memref_slice %arg2[%dma_start3A_44, %dma_start3A_45] : memref<10240x128xf32, #tpu.memory_space<hbm>> -> memref<10240x128xf32, #tpu.memory_space<hbm>>
      tpu.enqueue_indirect_dma source(%dma_start3A_46 : memref<10240x128xf32, #tpu.memory_space<hbm>>) target(%arg10 : memref<128x128xf32, #tpu.memory_space<vmem>>) offsets(%dma_start3A_43 : memref<128xi32, #tpu.memory_space<vmem>>) semaphore(%arg12 : memref<!tpu.dma_semaphore, #tpu.memory_space<semaphore_mem>>)
      %scan3A_47 = arith.constant 0 : i32
      %scan3A_48 = arith.constant 0 : i32
      %scan3A_49 = arith.constant 20 : i32
      %scan3A_50 = arith.addi %scan3A_48, %scan3A_49 : i32
      %scan3A_51 = arith.constant 1 : i32
      scf.for %scan3A_53 = %scan3A_48 to %scan3A_50 step %scan3A_51  : i32 {
        %mul3A_54 = arith.constant 2 : i32
        %mul3A_55 = arith.muli %mul3A_54, %scan3A_53 : i32
        %add3A_56 = arith.constant 0 : i32
        %add3A_57 = arith.addi %mul3A_55, %add3A_56 : i32
        %mul3A_58 = arith.constant 40 : i32
        %mul3A_59 = arith.muli %scan3A_33, %mul3A_58 : i32
        %add3A_60 = arith.addi %mul3A_59, %add3A_57 : i32
        %add3A_61 = arith.constant 1 : i32
        %add3A_62 = arith.addi %add3A_57, %add3A_61 : i32
        %lt3A = arith.constant 40 : i32
        %lt3A_63 = arith.cmpi slt, %add3A_62, %lt3A : i32
        %convert_element_type3A_64 = arith.extui %lt3A_63 : i1 to i32
        %cond3A_65 = arith.constant 0 : i32
        %cond3A_66 = arith.cmpi ne, %convert_element_type3A_64, %cond3A_65 : i32
        scf.if %cond3A_66 {
          %ge3A = arith.constant 1 : i32
          %ge3A_105 = arith.cmpi sge, %add3A_60, %ge3A : i32
          %convert_element_type3A_106 = arith.extui %ge3A_105 : i1 to i32
          %cond3A_107 = arith.constant 0 : i32
          %cond3A_108 = arith.cmpi ne, %convert_element_type3A_106, %cond3A_107 : i32
          scf.if %cond3A_108 {
            %dma_wait3A_117 = arith.constant 0 : i32
            %dma_wait3A_118 = tpu.memref_slice %arg9[%add3A_57, %dma_wait3A_117] : memref<40x128xi32, #tpu.memory_space<vmem>> -> memref<1x128xi32, #tpu.memory_space<vmem>>
            %dma_wait3A_119 = tpu.memref_squeeze %dma_wait3A_118 : memref<1x128xi32, #tpu.memory_space<vmem>> -> memref<128xi32, #tpu.memory_space<vmem>>
            %dma_wait3A_120 = arith.constant 0 : i32
            %dma_wait3A_121 = arith.constant 0 : i32
            %dma_wait3A_122 = tpu.memref_slice %arg7[%dma_wait3A_120, %dma_wait3A_121] : memref<10240x128xf32, #tpu.memory_space<vmem_shared>> -> memref<10240x128xf32, #tpu.memory_space<vmem_shared>>
            tpu.wait_indirect_dma semaphore(%arg15 : memref<!tpu.dma_semaphore, #tpu.memory_space<semaphore_mem>>) src(%arg11 : memref<128x128xf32, #tpu.memory_space<vmem>>) dst(%dma_wait3A_122 : memref<10240x128xf32, #tpu.memory_space<vmem_shared>>)
          } else {
          }
          %add3A_109 = arith.constant 1 : i32
          %add3A_110 = arith.addi %add3A_57, %add3A_109 : i32
          %dma_start3A_111 = arith.constant 0 : i32
          %dma_start3A_112 = tpu.memref_slice %arg8[%add3A_110, %dma_start3A_111] : memref<40x128xi32, #tpu.memory_space<vmem>> -> memref<1x128xi32, #tpu.memory_space<vmem>>
          %dma_start3A_113 = tpu.memref_squeeze %dma_start3A_112 : memref<1x128xi32, #tpu.memory_space<vmem>> -> memref<128xi32, #tpu.memory_space<vmem>>
          %dma_start3A_114 = arith.constant 0 : i32
          %dma_start3A_115 = arith.constant 0 : i32
          %dma_start3A_116 = tpu.memref_slice %arg2[%dma_start3A_114, %dma_start3A_115] : memref<10240x128xf32, #tpu.memory_space<hbm>> -> memref<10240x128xf32, #tpu.memory_space<hbm>>
          tpu.enqueue_indirect_dma source(%dma_start3A_116 : memref<10240x128xf32, #tpu.memory_space<hbm>>) target(%arg11 : memref<128x128xf32, #tpu.memory_space<vmem>>) offsets(%dma_start3A_113 : memref<128xi32, #tpu.memory_space<vmem>>) semaphore(%arg13 : memref<!tpu.dma_semaphore, #tpu.memory_space<semaphore_mem>>)
        } else {
        }
        %dma_wait3A_67 = arith.constant 0 : i32
        %dma_wait3A_68 = tpu.memref_slice %arg8[%add3A_57, %dma_wait3A_67] : memref<40x128xi32, #tpu.memory_space<vmem>> -> memref<1x128xi32, #tpu.memory_space<vmem>>
        %dma_wait3A_69 = tpu.memref_squeeze %dma_wait3A_68 : memref<1x128xi32, #tpu.memory_space<vmem>> -> memref<128xi32, #tpu.memory_space<vmem>>
        %dma_wait3A_70 = arith.constant 0 : i32
        %dma_wait3A_71 = arith.constant 0 : i32
        %dma_wait3A_72 = tpu.memref_slice %arg2[%dma_wait3A_70, %dma_wait3A_71] : memref<10240x128xf32, #tpu.memory_space<hbm>> -> memref<10240x128xf32, #tpu.memory_space<hbm>>
        tpu.wait_indirect_dma semaphore(%arg12 : memref<!tpu.dma_semaphore, #tpu.memory_space<semaphore_mem>>) src(%dma_wait3A_72 : memref<10240x128xf32, #tpu.memory_space<hbm>>) dst(%arg10 : memref<128x128xf32, #tpu.memory_space<vmem>>)
        %dma_start3A_73 = arith.constant 0 : i32
        %dma_start3A_74 = tpu.memref_slice %arg9[%add3A_57, %dma_start3A_73] : memref<40x128xi32, #tpu.memory_space<vmem>> -> memref<1x128xi32, #tpu.memory_space<vmem>>
        %dma_start3A_75 = tpu.memref_squeeze %dma_start3A_74 : memref<1x128xi32, #tpu.memory_space<vmem>> -> memref<128xi32, #tpu.memory_space<vmem>>
        %dma_start3A_76 = arith.constant 0 : i32
        %dma_start3A_77 = arith.constant 0 : i32
        %dma_start3A_78 = tpu.memref_slice %arg7[%dma_start3A_76, %dma_start3A_77] : memref<10240x128xf32, #tpu.memory_space<vmem_shared>> -> memref<10240x128xf32, #tpu.memory_space<vmem_shared>>
        tpu.enqueue_indirect_dma source(%arg10 : memref<128x128xf32, #tpu.memory_space<vmem>>) target(%dma_start3A_78 : memref<10240x128xf32, #tpu.memory_space<vmem_shared>>) offsets(%dma_start3A_75 : memref<128xi32, #tpu.memory_space<vmem>>) semaphore(%arg14 : memref<!tpu.dma_semaphore, #tpu.memory_space<semaphore_mem>>) {add = true}
        %mul3A_79 = arith.constant 2 : i32
        %mul3A_80 = arith.muli %mul3A_79, %scan3A_53 : i32
        %add3A_81 = arith.constant 1 : i32
        %add3A_82 = arith.addi %mul3A_80, %add3A_81 : i32
        %mul3A_83 = arith.constant 40 : i32
        %mul3A_84 = arith.muli %scan3A_33, %mul3A_83 : i32
        %add3A_85 = arith.addi %mul3A_84, %add3A_82 : i32
        %add3A_86 = arith.constant 1 : i32
        %add3A_87 = arith.addi %add3A_82, %add3A_86 : i32
        %lt3A_88 = arith.constant 40 : i32
        %lt3A_89 = arith.cmpi slt, %add3A_87, %lt3A_88 : i32
        %convert_element_type3A_90 = arith.extui %lt3A_89 : i1 to i32
        %cond3A_91 = arith.constant 0 : i32
        %cond3A_92 = arith.cmpi ne, %convert_element_type3A_90, %cond3A_91 : i32
        scf.if %cond3A_92 {
          %ge3A = arith.constant 1 : i32
          %ge3A_105 = arith.cmpi sge, %add3A_85, %ge3A : i32
          %convert_element_type3A_106 = arith.extui %ge3A_105 : i1 to i32
          %cond3A_107 = arith.constant 0 : i32
          %cond3A_108 = arith.cmpi ne, %convert_element_type3A_106, %cond3A_107 : i32
          scf.if %cond3A_108 {
            %dma_wait3A_117 = arith.constant 0 : i32
            %dma_wait3A_118 = tpu.memref_slice %arg9[%add3A_82, %dma_wait3A_117] : memref<40x128xi32, #tpu.memory_space<vmem>> -> memref<1x128xi32, #tpu.memory_space<vmem>>
            %dma_wait3A_119 = tpu.memref_squeeze %dma_wait3A_118 : memref<1x128xi32, #tpu.memory_space<vmem>> -> memref<128xi32, #tpu.memory_space<vmem>>
            %dma_wait3A_120 = arith.constant 0 : i32
            %dma_wait3A_121 = arith.constant 0 : i32
            %dma_wait3A_122 = tpu.memref_slice %arg7[%dma_wait3A_120, %dma_wait3A_121] : memref<10240x128xf32, #tpu.memory_space<vmem_shared>> -> memref<10240x128xf32, #tpu.memory_space<vmem_shared>>
            tpu.wait_indirect_dma semaphore(%arg14 : memref<!tpu.dma_semaphore, #tpu.memory_space<semaphore_mem>>) src(%arg10 : memref<128x128xf32, #tpu.memory_space<vmem>>) dst(%dma_wait3A_122 : memref<10240x128xf32, #tpu.memory_space<vmem_shared>>)
          } else {
          }
          %add3A_109 = arith.constant 1 : i32
          %add3A_110 = arith.addi %add3A_82, %add3A_109 : i32
          %dma_start3A_111 = arith.constant 0 : i32
          %dma_start3A_112 = tpu.memref_slice %arg8[%add3A_110, %dma_start3A_111] : memref<40x128xi32, #tpu.memory_space<vmem>> -> memref<1x128xi32, #tpu.memory_space<vmem>>
          %dma_start3A_113 = tpu.memref_squeeze %dma_start3A_112 : memref<1x128xi32, #tpu.memory_space<vmem>> -> memref<128xi32, #tpu.memory_space<vmem>>
          %dma_start3A_114 = arith.constant 0 : i32
          %dma_start3A_115 = arith.constant 0 : i32
          %dma_start3A_116 = tpu.memref_slice %arg2[%dma_start3A_114, %dma_start3A_115] : memref<10240x128xf32, #tpu.memory_space<hbm>> -> memref<10240x128xf32, #tpu.memory_space<hbm>>
          tpu.enqueue_indirect_dma source(%dma_start3A_116 : memref<10240x128xf32, #tpu.memory_space<hbm>>) target(%arg10 : memref<128x128xf32, #tpu.memory_space<vmem>>) offsets(%dma_start3A_113 : memref<128xi32, #tpu.memory_space<vmem>>) semaphore(%arg12 : memref<!tpu.dma_semaphore, #tpu.memory_space<semaphore_mem>>)
        } else {
        }
        %dma_wait3A_93 = arith.constant 0 : i32
        %dma_wait3A_94 = tpu.memref_slice %arg8[%add3A_82, %dma_wait3A_93] : memref<40x128xi32, #tpu.memory_space<vmem>> -> memref<1x128xi32, #tpu.memory_space<vmem>>
        %dma_wait3A_95 = tpu.memref_squeeze %dma_wait3A_94 : memref<1x128xi32, #tpu.memory_space<vmem>> -> memref<128xi32, #tpu.memory_space<vmem>>
        %dma_wait3A_96 = arith.constant 0 : i32
        %dma_wait3A_97 = arith.constant 0 : i32
        %dma_wait3A_98 = tpu.memref_slice %arg2[%dma_wait3A_96, %dma_wait3A_97] : memref<10240x128xf32, #tpu.memory_space<hbm>> -> memref<10240x128xf32, #tpu.memory_space<hbm>>
        tpu.wait_indirect_dma semaphore(%arg13 : memref<!tpu.dma_semaphore, #tpu.memory_space<semaphore_mem>>) src(%dma_wait3A_98 : memref<10240x128xf32, #tpu.memory_space<hbm>>) dst(%arg11 : memref<128x128xf32, #tpu.memory_space<vmem>>)
        %dma_start3A_99 = arith.constant 0 : i32
        %dma_start3A_100 = tpu.memref_slice %arg9[%add3A_82, %dma_start3A_99] : memref<40x128xi32, #tpu.memory_space<vmem>> -> memref<1x128xi32, #tpu.memory_space<vmem>>
        %dma_start3A_101 = tpu.memref_squeeze %dma_start3A_100 : memref<1x128xi32, #tpu.memory_space<vmem>> -> memref<128xi32, #tpu.memory_space<vmem>>
        %dma_start3A_102 = arith.constant 0 : i32
        %dma_start3A_103 = arith.constant 0 : i32
        %dma_start3A_104 = tpu.memref_slice %arg7[%dma_start3A_102, %dma_start3A_103] : memref<10240x128xf32, #tpu.memory_space<vmem_shared>> -> memref<10240x128xf32, #tpu.memory_space<vmem_shared>>
        tpu.enqueue_indirect_dma source(%arg11 : memref<128x128xf32, #tpu.memory_space<vmem>>) target(%dma_start3A_104 : memref<10240x128xf32, #tpu.memory_space<vmem_shared>>) offsets(%dma_start3A_101 : memref<128xi32, #tpu.memory_space<vmem>>) semaphore(%arg15 : memref<!tpu.dma_semaphore, #tpu.memory_space<semaphore_mem>>) {add = true}
      }
      %scan3A_52 = arith.constant 20 : i32
    }
    %scan3A_11 = arith.constant 2 : i32
    %dma_wait3A = arith.constant 0 : i32
    %dma_wait3A_12 = arith.constant 0 : i32
    %dma_wait3A_13 = tpu.memref_slice %arg9[%dma_wait3A, %dma_wait3A_12] : memref<40x128xi32, #tpu.memory_space<vmem>> -> memref<1x128xi32, #tpu.memory_space<vmem>>
    %dma_wait3A_14 = tpu.memref_squeeze %dma_wait3A_13 : memref<1x128xi32, #tpu.memory_space<vmem>> -> memref<128xi32, #tpu.memory_space<vmem>>
    %dma_wait3A_15 = arith.constant 0 : i32
    %dma_wait3A_16 = arith.constant 0 : i32
    %dma_wait3A_17 = tpu.memref_slice %arg7[%dma_wait3A_15, %dma_wait3A_16] : memref<10240x128xf32, #tpu.memory_space<vmem_shared>> -> memref<10240x128xf32, #tpu.memory_space<vmem_shared>>
    tpu.wait_indirect_dma semaphore(%arg14 : memref<!tpu.dma_semaphore, #tpu.memory_space<semaphore_mem>>) src(%arg10 : memref<128x128xf32, #tpu.memory_space<vmem>>) dst(%dma_wait3A_17 : memref<10240x128xf32, #tpu.memory_space<vmem_shared>>)
    %dma_wait3A_18 = arith.constant 0 : i32
    %dma_wait3A_19 = arith.constant 0 : i32
    %dma_wait3A_20 = tpu.memref_slice %arg9[%dma_wait3A_18, %dma_wait3A_19] : memref<40x128xi32, #tpu.memory_space<vmem>> -> memref<1x128xi32, #tpu.memory_space<vmem>>
    %dma_wait3A_21 = tpu.memref_squeeze %dma_wait3A_20 : memref<1x128xi32, #tpu.memory_space<vmem>> -> memref<128xi32, #tpu.memory_space<vmem>>
    %dma_wait3A_22 = arith.constant 0 : i32
    %dma_wait3A_23 = arith.constant 0 : i32
    %dma_wait3A_24 = tpu.memref_slice %arg7[%dma_wait3A_22, %dma_wait3A_23] : memref<10240x128xf32, #tpu.memory_space<vmem_shared>> -> memref<10240x128xf32, #tpu.memory_space<vmem_shared>>
    tpu.wait_indirect_dma semaphore(%arg15 : memref<!tpu.dma_semaphore, #tpu.memory_space<semaphore_mem>>) src(%arg11 : memref<128x128xf32, #tpu.memory_space<vmem>>) dst(%dma_wait3A_24 : memref<10240x128xf32, #tpu.memory_space<vmem_shared>>)
    %barrier3A_25 = arith.constant 0 : index
    tpu.barrier barrier_id(%barrier3A_25)
    %eq3A = arith.constant 0 : i32
    %eq3A_26 = arith.cmpi eq, %arg0, %eq3A : i32
    %convert_element_type3A = arith.extui %eq3A_26 : i1 to i32
    %cond3A = arith.constant 0 : i32
    %cond3A_27 = arith.cmpi ne, %convert_element_type3A, %cond3A : i32
    scf.if %cond3A_27 {
      %mul3A_33 = arith.constant 640 : i32
      %mul3A_34 = arith.muli %arg1, %mul3A_33 : i32
      %mul3A_35 = arith.constant 640 : i32
      %mul3A_36 = arith.muli %arg1, %mul3A_35 : i32
      "tpu.region"() ({
        %run_scoped3A = tpu.sem_alloc : memref<!tpu.dma_semaphore, #tpu.memory_space<semaphore_mem>>
        %dma_start3A = arith.constant 0 : i32
        %dma_start3A_37 = tpu.memref_slice %arg5[%mul3A_36, %dma_start3A] : memref<10240x128xf32, #tpu.memory_space<hbm>> -> memref<640x128xf32, #tpu.memory_space<hbm>>
        %dma_start3A_38 = arith.constant 0 : i32
        %dma_start3A_39 = tpu.memref_slice %arg7[%mul3A_34, %dma_start3A_38] : memref<10240x128xf32, #tpu.memory_space<vmem_shared>> -> memref<640x128xf32, #tpu.memory_space<vmem_shared>>
        tpu.enqueue_dma source(%dma_start3A_39 : memref<640x128xf32, #tpu.memory_space<vmem_shared>>) target(%dma_start3A_37 : memref<640x128xf32, #tpu.memory_space<hbm>>) target_semaphore(%run_scoped3A : memref<!tpu.dma_semaphore, #tpu.memory_space<semaphore_mem>>)
        %dma_wait3A_40 = arith.constant 0 : i32
        %dma_wait3A_41 = tpu.memref_slice %arg5[%mul3A_36, %dma_wait3A_40] : memref<10240x128xf32, #tpu.memory_space<hbm>> -> memref<640x128xf32, #tpu.memory_space<hbm>>
        %dma_wait3A_42 = arith.constant 0 : i32
        %dma_wait3A_43 = tpu.memref_slice %arg7[%mul3A_34, %dma_wait3A_42] : memref<10240x128xf32, #tpu.memory_space<vmem_shared>> -> memref<640x128xf32, #tpu.memory_space<vmem_shared>>
        tpu.wait_dma2 semaphore(%run_scoped3A : memref<!tpu.dma_semaphore, #tpu.memory_space<semaphore_mem>>) src(%dma_wait3A_43 : memref<640x128xf32, #tpu.memory_space<vmem_shared>>) dst(%dma_wait3A_41 : memref<640x128xf32, #tpu.memory_space<hbm>>)
        tpu.yield
      }) : () -> ()
    } else {
    }
    %eq3A_28 = arith.constant 1 : i32
    %eq3A_29 = arith.cmpi eq, %arg0, %eq3A_28 : i32
    %convert_element_type3A_30 = arith.extui %eq3A_29 : i1 to i32
    %cond3A_31 = arith.constant 0 : i32
    %cond3A_32 = arith.cmpi ne, %convert_element_type3A_30, %cond3A_31 : i32
    scf.if %cond3A_32 {
      %mul3A_33 = arith.constant 640 : i32
      %mul3A_34 = arith.muli %arg1, %mul3A_33 : i32
      %mul3A_35 = arith.constant 640 : i32
      %mul3A_36 = arith.muli %arg1, %mul3A_35 : i32
      "tpu.region"() ({
        %run_scoped3A = tpu.sem_alloc : memref<!tpu.dma_semaphore, #tpu.memory_space<semaphore_mem>>
        %dma_start3A = arith.constant 0 : i32
        %dma_start3A_37 = tpu.memref_slice %arg6[%mul3A_36, %dma_start3A] : memref<10240x128xf32, #tpu.memory_space<hbm>> -> memref<640x128xf32, #tpu.memory_space<hbm>>
        %dma_start3A_38 = arith.constant 0 : i32
        %dma_start3A_39 = tpu.memref_slice %arg7[%mul3A_34, %dma_start3A_38] : memref<10240x128xf32, #tpu.memory_space<vmem_shared>> -> memref<640x128xf32, #tpu.memory_space<vmem_shared>>
        tpu.enqueue_dma source(%dma_start3A_39 : memref<640x128xf32, #tpu.memory_space<vmem_shared>>) target(%dma_start3A_37 : memref<640x128xf32, #tpu.memory_space<hbm>>) target_semaphore(%run_scoped3A : memref<!tpu.dma_semaphore, #tpu.memory_space<semaphore_mem>>)
        %dma_wait3A_40 = arith.constant 0 : i32
        %dma_wait3A_41 = tpu.memref_slice %arg6[%mul3A_36, %dma_wait3A_40] : memref<10240x128xf32, #tpu.memory_space<hbm>> -> memref<640x128xf32, #tpu.memory_space<hbm>>
        %dma_wait3A_42 = arith.constant 0 : i32
        %dma_wait3A_43 = tpu.memref_slice %arg7[%mul3A_34, %dma_wait3A_42] : memref<10240x128xf32, #tpu.memory_space<vmem_shared>> -> memref<640x128xf32, #tpu.memory_space<vmem_shared>>
        tpu.wait_dma2 semaphore(%run_scoped3A : memref<!tpu.dma_semaphore, #tpu.memory_space<semaphore_mem>>) src(%dma_wait3A_43 : memref<640x128xf32, #tpu.memory_space<vmem_shared>>) dst(%dma_wait3A_41 : memref<640x128xf32, #tpu.memory_space<hbm>>)
        tpu.yield
      }) : () -> ()
    } else {
    }
    return
  }
}

#map = affine_map<(d0, d1) -> (0, 0)>
module attributes {stable_mosaic.version = 14 : i64} {
  func.func @_agg_split_body(%arg0: i32, %arg1: i32, %arg2: memref<10240x128xf32, #tpu.memory_space<hbm>>, %arg3: memref<2560x128xi32, #tpu.memory_space<hbm>>, %arg4: memref<2560x128xi32, #tpu.memory_space<hbm>>, %arg5: memref<10240x128xf32, #tpu.memory_space<hbm>>, %arg6: memref<10240x128xf32, #tpu.memory_space<hbm>>, %arg7: memref<10240x128xf32, #tpu.memory_space<vmem_shared>>, %arg8: memref<40x128xi32, #tpu.memory_space<vmem>>, %arg9: memref<40x128xi32, #tpu.memory_space<vmem>>, %arg10: memref<128x128xf32, #tpu.memory_space<vmem>>, %arg11: memref<128x128xf32, #tpu.memory_space<vmem>>, %arg12: memref<!tpu.dma_semaphore, #tpu.memory_space<semaphore_mem>>, %arg13: memref<!tpu.dma_semaphore, #tpu.memory_space<semaphore_mem>>, %arg14: memref<!tpu.dma_semaphore, #tpu.memory_space<semaphore_mem>>, %arg15: memref<!tpu.dma_semaphore, #tpu.memory_space<semaphore_mem>>) attributes {dimension_semantics = [#tpu.dimension_semantics<core_parallel>, #tpu.dimension_semantics<subcore_parallel>], iteration_bounds = array<i64: 2, 16>, scalar_prefetch = 0 : i64, scratch_operands = 9 : i64, tpu.core_type = #tpu.core_type<sc_vector_subcore>, window_params = [{transform_indices = #map}, {transform_indices = #map}, {transform_indices = #map}, {transform_indices = #map}, {transform_indices = #map}]} {
    %mul3A = arith.constant 640 : i32
    %mul3A_0 = arith.muli %arg1, %mul3A : i32
    %mul3A_1 = arith.constant 640 : i32
    %mul3A_2 = arith.muli %arg1, %mul3A_1 : i32
    "tpu.region"() ({
      %run_scoped3A = tpu.sem_alloc : memref<!tpu.dma_semaphore, #tpu.memory_space<semaphore_mem>>
      %dma_start3A = arith.constant 0 : i32
      %dma_start3A_33 = tpu.memref_slice %arg7[%mul3A_2, %dma_start3A] : memref<10240x128xf32, #tpu.memory_space<vmem_shared>> -> memref<640x128xf32, #tpu.memory_space<vmem_shared>>
      %dma_start3A_34 = arith.constant 0 : i32
      %dma_start3A_35 = tpu.memref_slice %arg2[%mul3A_0, %dma_start3A_34] : memref<10240x128xf32, #tpu.memory_space<hbm>> -> memref<640x128xf32, #tpu.memory_space<hbm>>
      tpu.enqueue_dma source(%dma_start3A_35 : memref<640x128xf32, #tpu.memory_space<hbm>>) target(%dma_start3A_33 : memref<640x128xf32, #tpu.memory_space<vmem_shared>>) target_semaphore(%run_scoped3A : memref<!tpu.dma_semaphore, #tpu.memory_space<semaphore_mem>>)
      %dma_wait3A_36 = arith.constant 0 : i32
      %dma_wait3A_37 = tpu.memref_slice %arg7[%mul3A_2, %dma_wait3A_36] : memref<10240x128xf32, #tpu.memory_space<vmem_shared>> -> memref<640x128xf32, #tpu.memory_space<vmem_shared>>
      %dma_wait3A_38 = arith.constant 0 : i32
      %dma_wait3A_39 = tpu.memref_slice %arg2[%mul3A_0, %dma_wait3A_38] : memref<10240x128xf32, #tpu.memory_space<hbm>> -> memref<640x128xf32, #tpu.memory_space<hbm>>
      tpu.wait_dma2 semaphore(%run_scoped3A : memref<!tpu.dma_semaphore, #tpu.memory_space<semaphore_mem>>) src(%dma_wait3A_39 : memref<640x128xf32, #tpu.memory_space<hbm>>) dst(%dma_wait3A_37 : memref<640x128xf32, #tpu.memory_space<vmem_shared>>)
      tpu.yield
    }) : () -> ()
    %barrier3A = arith.constant 0 : index
    tpu.barrier barrier_id(%barrier3A)
    %mul3A_3 = arith.constant 1280 : i32
    %mul3A_4 = arith.muli %arg0, %mul3A_3 : i32
    %mul3A_5 = arith.constant 80 : i32
    %mul3A_6 = arith.muli %arg1, %mul3A_5 : i32
    %add3A = arith.addi %mul3A_4, %mul3A_6 : i32
    %scan3A = arith.constant 0 : i32
    %scan3A_7 = arith.constant 0 : i32
    %scan3A_8 = arith.constant 2 : i32
    %scan3A_9 = arith.addi %scan3A_7, %scan3A_8 : i32
    %scan3A_10 = arith.constant 1 : i32
    scf.for %scan3A_33 = %scan3A_7 to %scan3A_9 step %scan3A_10  : i32 {
      %mul3A_34 = arith.constant 40 : i32
      %mul3A_35 = arith.muli %scan3A_33, %mul3A_34 : i32
      %add3A_36 = arith.addi %add3A, %mul3A_35 : i32
      "tpu.region"() ({
        %run_scoped3A = tpu.sem_alloc : memref<!tpu.dma_semaphore, #tpu.memory_space<semaphore_mem>>
        %dma_start3A_53 = arith.constant 0 : i32
        %dma_start3A_54 = tpu.memref_slice %arg3[%add3A_36, %dma_start3A_53] : memref<2560x128xi32, #tpu.memory_space<hbm>> -> memref<40x128xi32, #tpu.memory_space<hbm>>
        %dma_start3A_55 = arith.constant 0 : i32
        %dma_start3A_56 = tpu.memref_slice %arg3[%add3A_36, %dma_start3A_55] : memref<2560x128xi32, #tpu.memory_space<hbm>> -> memref<40x128xi32, #tpu.memory_space<hbm>>
        tpu.enqueue_dma source(%dma_start3A_56 : memref<40x128xi32, #tpu.memory_space<hbm>>) target(%arg8 : memref<40x128xi32, #tpu.memory_space<vmem>>) target_semaphore(%run_scoped3A : memref<!tpu.dma_semaphore, #tpu.memory_space<semaphore_mem>>)
        %dma_wait3A_57 = arith.constant 0 : i32
        %dma_wait3A_58 = tpu.memref_slice %arg3[%add3A_36, %dma_wait3A_57] : memref<2560x128xi32, #tpu.memory_space<hbm>> -> memref<40x128xi32, #tpu.memory_space<hbm>>
        %dma_wait3A_59 = arith.constant 0 : i32
        %dma_wait3A_60 = tpu.memref_slice %arg3[%add3A_36, %dma_wait3A_59] : memref<2560x128xi32, #tpu.memory_space<hbm>> -> memref<40x128xi32, #tpu.memory_space<hbm>>
        tpu.wait_dma2 semaphore(%run_scoped3A : memref<!tpu.dma_semaphore, #tpu.memory_space<semaphore_mem>>) src(%dma_wait3A_60 : memref<40x128xi32, #tpu.memory_space<hbm>>) dst(%arg8 : memref<40x128xi32, #tpu.memory_space<vmem>>)
        tpu.yield
      }) : () -> ()
      "tpu.region"() ({
        %run_scoped3A = tpu.sem_alloc : memref<!tpu.dma_semaphore, #tpu.memory_space<semaphore_mem>>
        %dma_start3A_53 = arith.constant 0 : i32
        %dma_start3A_54 = tpu.memref_slice %arg4[%add3A_36, %dma_start3A_53] : memref<2560x128xi32, #tpu.memory_space<hbm>> -> memref<40x128xi32, #tpu.memory_space<hbm>>
        %dma_start3A_55 = arith.constant 0 : i32
        %dma_start3A_56 = tpu.memref_slice %arg4[%add3A_36, %dma_start3A_55] : memref<2560x128xi32, #tpu.memory_space<hbm>> -> memref<40x128xi32, #tpu.memory_space<hbm>>
        tpu.enqueue_dma source(%dma_start3A_56 : memref<40x128xi32, #tpu.memory_space<hbm>>) target(%arg9 : memref<40x128xi32, #tpu.memory_space<vmem>>) target_semaphore(%run_scoped3A : memref<!tpu.dma_semaphore, #tpu.memory_space<semaphore_mem>>)
        %dma_wait3A_57 = arith.constant 0 : i32
        %dma_wait3A_58 = tpu.memref_slice %arg4[%add3A_36, %dma_wait3A_57] : memref<2560x128xi32, #tpu.memory_space<hbm>> -> memref<40x128xi32, #tpu.memory_space<hbm>>
        %dma_wait3A_59 = arith.constant 0 : i32
        %dma_wait3A_60 = tpu.memref_slice %arg4[%add3A_36, %dma_wait3A_59] : memref<2560x128xi32, #tpu.memory_space<hbm>> -> memref<40x128xi32, #tpu.memory_space<hbm>>
        tpu.wait_dma2 semaphore(%run_scoped3A : memref<!tpu.dma_semaphore, #tpu.memory_space<semaphore_mem>>) src(%dma_wait3A_60 : memref<40x128xi32, #tpu.memory_space<hbm>>) dst(%arg9 : memref<40x128xi32, #tpu.memory_space<vmem>>)
        tpu.yield
      }) : () -> ()
      %gt3A = arith.constant 0 : i32
      %gt3A_37 = arith.cmpi sgt, %scan3A_33, %gt3A : i32
      %convert_element_type3A_38 = arith.extui %gt3A_37 : i1 to i32
      %cond3A_39 = arith.constant 0 : i32
      %cond3A_40 = arith.cmpi ne, %convert_element_type3A_38, %cond3A_39 : i32
      scf.if %cond3A_40 {
        %dma_wait3A_53 = arith.constant 0 : i32
        %dma_wait3A_54 = arith.constant 0 : i32
        %dma_wait3A_55 = tpu.memref_slice %arg9[%dma_wait3A_53, %dma_wait3A_54] : memref<40x128xi32, #tpu.memory_space<vmem>> -> memref<1x128xi32, #tpu.memory_space<vmem>>
        %dma_wait3A_56 = tpu.memref_squeeze %dma_wait3A_55 : memref<1x128xi32, #tpu.memory_space<vmem>> -> memref<128xi32, #tpu.memory_space<vmem>>
        %dma_wait3A_57 = arith.constant 0 : i32
        %dma_wait3A_58 = arith.constant 0 : i32
        %dma_wait3A_59 = tpu.memref_slice %arg7[%dma_wait3A_57, %dma_wait3A_58] : memref<10240x128xf32, #tpu.memory_space<vmem_shared>> -> memref<10240x128xf32, #tpu.memory_space<vmem_shared>>
        tpu.wait_indirect_dma semaphore(%arg14 : memref<!tpu.dma_semaphore, #tpu.memory_space<semaphore_mem>>) src(%arg10 : memref<128x128xf32, #tpu.memory_space<vmem>>) dst(%dma_wait3A_59 : memref<10240x128xf32, #tpu.memory_space<vmem_shared>>)
      } else {
      }
      %dma_start3A = arith.constant 0 : i32
      %dma_start3A_41 = arith.constant 0 : i32
      %dma_start3A_42 = tpu.memref_slice %arg8[%dma_start3A, %dma_start3A_41] : memref<40x128xi32, #tpu.memory_space<vmem>> -> memref<1x128xi32, #tpu.memory_space<vmem>>
      %dma_start3A_43 = tpu.memref_squeeze %dma_start3A_42 : memref<1x128xi32, #tpu.memory_space<vmem>> -> memref<128xi32, #tpu.memory_space<vmem>>
      %dma_start3A_44 = arith.constant 0 : i32
      %dma_start3A_45 = arith.constant 0 : i32
      %dma_start3A_46 = tpu.memref_slice %arg2[%dma_start3A_44, %dma_start3A_45] : memref<10240x128xf32, #tpu.memory_space<hbm>> -> memref<10240x128xf32, #tpu.memory_space<hbm>>
      tpu.enqueue_indirect_dma source(%dma_start3A_46 : memref<10240x128xf32, #tpu.memory_space<hbm>>) target(%arg10 : memref<128x128xf32, #tpu.memory_space<vmem>>) offsets(%dma_start3A_43 : memref<128xi32, #tpu.memory_space<vmem>>) semaphore(%arg12 : memref<!tpu.dma_semaphore, #tpu.memory_space<semaphore_mem>>)
      %scan3A_47 = arith.constant 0 : i32
      %scan3A_48 = arith.constant 0 : i32
      %scan3A_49 = arith.constant 20 : i32
      %scan3A_50 = arith.addi %scan3A_48, %scan3A_49 : i32
      %scan3A_51 = arith.constant 1 : i32
      scf.for %scan3A_53 = %scan3A_48 to %scan3A_50 step %scan3A_51  : i32 {
        %mul3A_54 = arith.constant 2 : i32
        %mul3A_55 = arith.muli %mul3A_54, %scan3A_53 : i32
        %add3A_56 = arith.constant 0 : i32
        %add3A_57 = arith.addi %mul3A_55, %add3A_56 : i32
        %mul3A_58 = arith.constant 40 : i32
        %mul3A_59 = arith.muli %scan3A_33, %mul3A_58 : i32
        %add3A_60 = arith.addi %mul3A_59, %add3A_57 : i32
        %add3A_61 = arith.constant 1 : i32
        %add3A_62 = arith.addi %add3A_57, %add3A_61 : i32
        %lt3A = arith.constant 40 : i32
        %lt3A_63 = arith.cmpi slt, %add3A_62, %lt3A : i32
        %convert_element_type3A_64 = arith.extui %lt3A_63 : i1 to i32
        %cond3A_65 = arith.constant 0 : i32
        %cond3A_66 = arith.cmpi ne, %convert_element_type3A_64, %cond3A_65 : i32
        scf.if %cond3A_66 {
          %ge3A = arith.constant 1 : i32
          %ge3A_105 = arith.cmpi sge, %add3A_60, %ge3A : i32
          %convert_element_type3A_106 = arith.extui %ge3A_105 : i1 to i32
          %cond3A_107 = arith.constant 0 : i32
          %cond3A_108 = arith.cmpi ne, %convert_element_type3A_106, %cond3A_107 : i32
          scf.if %cond3A_108 {
            %dma_wait3A_117 = arith.constant 0 : i32
            %dma_wait3A_118 = tpu.memref_slice %arg9[%add3A_57, %dma_wait3A_117] : memref<40x128xi32, #tpu.memory_space<vmem>> -> memref<1x128xi32, #tpu.memory_space<vmem>>
            %dma_wait3A_119 = tpu.memref_squeeze %dma_wait3A_118 : memref<1x128xi32, #tpu.memory_space<vmem>> -> memref<128xi32, #tpu.memory_space<vmem>>
            %dma_wait3A_120 = arith.constant 0 : i32
            %dma_wait3A_121 = arith.constant 0 : i32
            %dma_wait3A_122 = tpu.memref_slice %arg7[%dma_wait3A_120, %dma_wait3A_121] : memref<10240x128xf32, #tpu.memory_space<vmem_shared>> -> memref<10240x128xf32, #tpu.memory_space<vmem_shared>>
            tpu.wait_indirect_dma semaphore(%arg15 : memref<!tpu.dma_semaphore, #tpu.memory_space<semaphore_mem>>) src(%arg11 : memref<128x128xf32, #tpu.memory_space<vmem>>) dst(%dma_wait3A_122 : memref<10240x128xf32, #tpu.memory_space<vmem_shared>>)
          } else {
          }
          %add3A_109 = arith.constant 1 : i32
          %add3A_110 = arith.addi %add3A_57, %add3A_109 : i32
          %dma_start3A_111 = arith.constant 0 : i32
          %dma_start3A_112 = tpu.memref_slice %arg8[%add3A_110, %dma_start3A_111] : memref<40x128xi32, #tpu.memory_space<vmem>> -> memref<1x128xi32, #tpu.memory_space<vmem>>
          %dma_start3A_113 = tpu.memref_squeeze %dma_start3A_112 : memref<1x128xi32, #tpu.memory_space<vmem>> -> memref<128xi32, #tpu.memory_space<vmem>>
          %dma_start3A_114 = arith.constant 0 : i32
          %dma_start3A_115 = arith.constant 0 : i32
          %dma_start3A_116 = tpu.memref_slice %arg2[%dma_start3A_114, %dma_start3A_115] : memref<10240x128xf32, #tpu.memory_space<hbm>> -> memref<10240x128xf32, #tpu.memory_space<hbm>>
          tpu.enqueue_indirect_dma source(%dma_start3A_116 : memref<10240x128xf32, #tpu.memory_space<hbm>>) target(%arg11 : memref<128x128xf32, #tpu.memory_space<vmem>>) offsets(%dma_start3A_113 : memref<128xi32, #tpu.memory_space<vmem>>) semaphore(%arg13 : memref<!tpu.dma_semaphore, #tpu.memory_space<semaphore_mem>>)
        } else {
        }
        %dma_wait3A_67 = arith.constant 0 : i32
        %dma_wait3A_68 = tpu.memref_slice %arg8[%add3A_57, %dma_wait3A_67] : memref<40x128xi32, #tpu.memory_space<vmem>> -> memref<1x128xi32, #tpu.memory_space<vmem>>
        %dma_wait3A_69 = tpu.memref_squeeze %dma_wait3A_68 : memref<1x128xi32, #tpu.memory_space<vmem>> -> memref<128xi32, #tpu.memory_space<vmem>>
        %dma_wait3A_70 = arith.constant 0 : i32
        %dma_wait3A_71 = arith.constant 0 : i32
        %dma_wait3A_72 = tpu.memref_slice %arg2[%dma_wait3A_70, %dma_wait3A_71] : memref<10240x128xf32, #tpu.memory_space<hbm>> -> memref<10240x128xf32, #tpu.memory_space<hbm>>
        tpu.wait_indirect_dma semaphore(%arg12 : memref<!tpu.dma_semaphore, #tpu.memory_space<semaphore_mem>>) src(%dma_wait3A_72 : memref<10240x128xf32, #tpu.memory_space<hbm>>) dst(%arg10 : memref<128x128xf32, #tpu.memory_space<vmem>>)
        %dma_start3A_73 = arith.constant 0 : i32
        %dma_start3A_74 = tpu.memref_slice %arg9[%add3A_57, %dma_start3A_73] : memref<40x128xi32, #tpu.memory_space<vmem>> -> memref<1x128xi32, #tpu.memory_space<vmem>>
        %dma_start3A_75 = tpu.memref_squeeze %dma_start3A_74 : memref<1x128xi32, #tpu.memory_space<vmem>> -> memref<128xi32, #tpu.memory_space<vmem>>
        %dma_start3A_76 = arith.constant 0 : i32
        %dma_start3A_77 = arith.constant 0 : i32
        %dma_start3A_78 = tpu.memref_slice %arg7[%dma_start3A_76, %dma_start3A_77] : memref<10240x128xf32, #tpu.memory_space<vmem_shared>> -> memref<10240x128xf32, #tpu.memory_space<vmem_shared>>
        tpu.enqueue_indirect_dma source(%arg10 : memref<128x128xf32, #tpu.memory_space<vmem>>) target(%dma_start3A_78 : memref<10240x128xf32, #tpu.memory_space<vmem_shared>>) offsets(%dma_start3A_75 : memref<128xi32, #tpu.memory_space<vmem>>) semaphore(%arg14 : memref<!tpu.dma_semaphore, #tpu.memory_space<semaphore_mem>>) {add = true}
        %mul3A_79 = arith.constant 2 : i32
        %mul3A_80 = arith.muli %mul3A_79, %scan3A_53 : i32
        %add3A_81 = arith.constant 1 : i32
        %add3A_82 = arith.addi %mul3A_80, %add3A_81 : i32
        %mul3A_83 = arith.constant 40 : i32
        %mul3A_84 = arith.muli %scan3A_33, %mul3A_83 : i32
        %add3A_85 = arith.addi %mul3A_84, %add3A_82 : i32
        %add3A_86 = arith.constant 1 : i32
        %add3A_87 = arith.addi %add3A_82, %add3A_86 : i32
        %lt3A_88 = arith.constant 40 : i32
        %lt3A_89 = arith.cmpi slt, %add3A_87, %lt3A_88 : i32
        %convert_element_type3A_90 = arith.extui %lt3A_89 : i1 to i32
        %cond3A_91 = arith.constant 0 : i32
        %cond3A_92 = arith.cmpi ne, %convert_element_type3A_90, %cond3A_91 : i32
        scf.if %cond3A_92 {
          %ge3A = arith.constant 1 : i32
          %ge3A_105 = arith.cmpi sge, %add3A_85, %ge3A : i32
          %convert_element_type3A_106 = arith.extui %ge3A_105 : i1 to i32
          %cond3A_107 = arith.constant 0 : i32
          %cond3A_108 = arith.cmpi ne, %convert_element_type3A_106, %cond3A_107 : i32
          scf.if %cond3A_108 {
            %dma_wait3A_117 = arith.constant 0 : i32
            %dma_wait3A_118 = tpu.memref_slice %arg9[%add3A_82, %dma_wait3A_117] : memref<40x128xi32, #tpu.memory_space<vmem>> -> memref<1x128xi32, #tpu.memory_space<vmem>>
            %dma_wait3A_119 = tpu.memref_squeeze %dma_wait3A_118 : memref<1x128xi32, #tpu.memory_space<vmem>> -> memref<128xi32, #tpu.memory_space<vmem>>
            %dma_wait3A_120 = arith.constant 0 : i32
            %dma_wait3A_121 = arith.constant 0 : i32
            %dma_wait3A_122 = tpu.memref_slice %arg7[%dma_wait3A_120, %dma_wait3A_121] : memref<10240x128xf32, #tpu.memory_space<vmem_shared>> -> memref<10240x128xf32, #tpu.memory_space<vmem_shared>>
            tpu.wait_indirect_dma semaphore(%arg14 : memref<!tpu.dma_semaphore, #tpu.memory_space<semaphore_mem>>) src(%arg10 : memref<128x128xf32, #tpu.memory_space<vmem>>) dst(%dma_wait3A_122 : memref<10240x128xf32, #tpu.memory_space<vmem_shared>>)
          } else {
          }
          %add3A_109 = arith.constant 1 : i32
          %add3A_110 = arith.addi %add3A_82, %add3A_109 : i32
          %dma_start3A_111 = arith.constant 0 : i32
          %dma_start3A_112 = tpu.memref_slice %arg8[%add3A_110, %dma_start3A_111] : memref<40x128xi32, #tpu.memory_space<vmem>> -> memref<1x128xi32, #tpu.memory_space<vmem>>
          %dma_start3A_113 = tpu.memref_squeeze %dma_start3A_112 : memref<1x128xi32, #tpu.memory_space<vmem>> -> memref<128xi32, #tpu.memory_space<vmem>>
          %dma_start3A_114 = arith.constant 0 : i32
          %dma_start3A_115 = arith.constant 0 : i32
          %dma_start3A_116 = tpu.memref_slice %arg2[%dma_start3A_114, %dma_start3A_115] : memref<10240x128xf32, #tpu.memory_space<hbm>> -> memref<10240x128xf32, #tpu.memory_space<hbm>>
          tpu.enqueue_indirect_dma source(%dma_start3A_116 : memref<10240x128xf32, #tpu.memory_space<hbm>>) target(%arg10 : memref<128x128xf32, #tpu.memory_space<vmem>>) offsets(%dma_start3A_113 : memref<128xi32, #tpu.memory_space<vmem>>) semaphore(%arg12 : memref<!tpu.dma_semaphore, #tpu.memory_space<semaphore_mem>>)
        } else {
        }
        %dma_wait3A_93 = arith.constant 0 : i32
        %dma_wait3A_94 = tpu.memref_slice %arg8[%add3A_82, %dma_wait3A_93] : memref<40x128xi32, #tpu.memory_space<vmem>> -> memref<1x128xi32, #tpu.memory_space<vmem>>
        %dma_wait3A_95 = tpu.memref_squeeze %dma_wait3A_94 : memref<1x128xi32, #tpu.memory_space<vmem>> -> memref<128xi32, #tpu.memory_space<vmem>>
        %dma_wait3A_96 = arith.constant 0 : i32
        %dma_wait3A_97 = arith.constant 0 : i32
        %dma_wait3A_98 = tpu.memref_slice %arg2[%dma_wait3A_96, %dma_wait3A_97] : memref<10240x128xf32, #tpu.memory_space<hbm>> -> memref<10240x128xf32, #tpu.memory_space<hbm>>
        tpu.wait_indirect_dma semaphore(%arg13 : memref<!tpu.dma_semaphore, #tpu.memory_space<semaphore_mem>>) src(%dma_wait3A_98 : memref<10240x128xf32, #tpu.memory_space<hbm>>) dst(%arg11 : memref<128x128xf32, #tpu.memory_space<vmem>>)
        %dma_start3A_99 = arith.constant 0 : i32
        %dma_start3A_100 = tpu.memref_slice %arg9[%add3A_82, %dma_start3A_99] : memref<40x128xi32, #tpu.memory_space<vmem>> -> memref<1x128xi32, #tpu.memory_space<vmem>>
        %dma_start3A_101 = tpu.memref_squeeze %dma_start3A_100 : memref<1x128xi32, #tpu.memory_space<vmem>> -> memref<128xi32, #tpu.memory_space<vmem>>
        %dma_start3A_102 = arith.constant 0 : i32
        %dma_start3A_103 = arith.constant 0 : i32
        %dma_start3A_104 = tpu.memref_slice %arg7[%dma_start3A_102, %dma_start3A_103] : memref<10240x128xf32, #tpu.memory_space<vmem_shared>> -> memref<10240x128xf32, #tpu.memory_space<vmem_shared>>
        tpu.enqueue_indirect_dma source(%arg11 : memref<128x128xf32, #tpu.memory_space<vmem>>) target(%dma_start3A_104 : memref<10240x128xf32, #tpu.memory_space<vmem_shared>>) offsets(%dma_start3A_101 : memref<128xi32, #tpu.memory_space<vmem>>) semaphore(%arg15 : memref<!tpu.dma_semaphore, #tpu.memory_space<semaphore_mem>>) {add = true}
      }
      %scan3A_52 = arith.constant 20 : i32
    }
    %scan3A_11 = arith.constant 2 : i32
    %dma_wait3A = arith.constant 0 : i32
    %dma_wait3A_12 = arith.constant 0 : i32
    %dma_wait3A_13 = tpu.memref_slice %arg9[%dma_wait3A, %dma_wait3A_12] : memref<40x128xi32, #tpu.memory_space<vmem>> -> memref<1x128xi32, #tpu.memory_space<vmem>>
    %dma_wait3A_14 = tpu.memref_squeeze %dma_wait3A_13 : memref<1x128xi32, #tpu.memory_space<vmem>> -> memref<128xi32, #tpu.memory_space<vmem>>
    %dma_wait3A_15 = arith.constant 0 : i32
    %dma_wait3A_16 = arith.constant 0 : i32
    %dma_wait3A_17 = tpu.memref_slice %arg7[%dma_wait3A_15, %dma_wait3A_16] : memref<10240x128xf32, #tpu.memory_space<vmem_shared>> -> memref<10240x128xf32, #tpu.memory_space<vmem_shared>>
    tpu.wait_indirect_dma semaphore(%arg14 : memref<!tpu.dma_semaphore, #tpu.memory_space<semaphore_mem>>) src(%arg10 : memref<128x128xf32, #tpu.memory_space<vmem>>) dst(%dma_wait3A_17 : memref<10240x128xf32, #tpu.memory_space<vmem_shared>>)
    %dma_wait3A_18 = arith.constant 0 : i32
    %dma_wait3A_19 = arith.constant 0 : i32
    %dma_wait3A_20 = tpu.memref_slice %arg9[%dma_wait3A_18, %dma_wait3A_19] : memref<40x128xi32, #tpu.memory_space<vmem>> -> memref<1x128xi32, #tpu.memory_space<vmem>>
    %dma_wait3A_21 = tpu.memref_squeeze %dma_wait3A_20 : memref<1x128xi32, #tpu.memory_space<vmem>> -> memref<128xi32, #tpu.memory_space<vmem>>
    %dma_wait3A_22 = arith.constant 0 : i32
    %dma_wait3A_23 = arith.constant 0 : i32
    %dma_wait3A_24 = tpu.memref_slice %arg7[%dma_wait3A_22, %dma_wait3A_23] : memref<10240x128xf32, #tpu.memory_space<vmem_shared>> -> memref<10240x128xf32, #tpu.memory_space<vmem_shared>>
    tpu.wait_indirect_dma semaphore(%arg15 : memref<!tpu.dma_semaphore, #tpu.memory_space<semaphore_mem>>) src(%arg11 : memref<128x128xf32, #tpu.memory_space<vmem>>) dst(%dma_wait3A_24 : memref<10240x128xf32, #tpu.memory_space<vmem_shared>>)
    %barrier3A_25 = arith.constant 0 : index
    tpu.barrier barrier_id(%barrier3A_25)
    %eq3A = arith.constant 0 : i32
    %eq3A_26 = arith.cmpi eq, %arg0, %eq3A : i32
    %convert_element_type3A = arith.extui %eq3A_26 : i1 to i32
    %cond3A = arith.constant 0 : i32
    %cond3A_27 = arith.cmpi ne, %convert_element_type3A, %cond3A : i32
    scf.if %cond3A_27 {
      %mul3A_33 = arith.constant 640 : i32
      %mul3A_34 = arith.muli %arg1, %mul3A_33 : i32
      %mul3A_35 = arith.constant 640 : i32
      %mul3A_36 = arith.muli %arg1, %mul3A_35 : i32
      "tpu.region"() ({
        %run_scoped3A = tpu.sem_alloc : memref<!tpu.dma_semaphore, #tpu.memory_space<semaphore_mem>>
        %dma_start3A = arith.constant 0 : i32
        %dma_start3A_37 = tpu.memref_slice %arg5[%mul3A_36, %dma_start3A] : memref<10240x128xf32, #tpu.memory_space<hbm>> -> memref<640x128xf32, #tpu.memory_space<hbm>>
        %dma_start3A_38 = arith.constant 0 : i32
        %dma_start3A_39 = tpu.memref_slice %arg7[%mul3A_34, %dma_start3A_38] : memref<10240x128xf32, #tpu.memory_space<vmem_shared>> -> memref<640x128xf32, #tpu.memory_space<vmem_shared>>
        tpu.enqueue_dma source(%dma_start3A_39 : memref<640x128xf32, #tpu.memory_space<vmem_shared>>) target(%dma_start3A_37 : memref<640x128xf32, #tpu.memory_space<hbm>>) target_semaphore(%run_scoped3A : memref<!tpu.dma_semaphore, #tpu.memory_space<semaphore_mem>>)
        %dma_wait3A_40 = arith.constant 0 : i32
        %dma_wait3A_41 = tpu.memref_slice %arg5[%mul3A_36, %dma_wait3A_40] : memref<10240x128xf32, #tpu.memory_space<hbm>> -> memref<640x128xf32, #tpu.memory_space<hbm>>
        %dma_wait3A_42 = arith.constant 0 : i32
        %dma_wait3A_43 = tpu.memref_slice %arg7[%mul3A_34, %dma_wait3A_42] : memref<10240x128xf32, #tpu.memory_space<vmem_shared>> -> memref<640x128xf32, #tpu.memory_space<vmem_shared>>
        tpu.wait_dma2 semaphore(%run_scoped3A : memref<!tpu.dma_semaphore, #tpu.memory_space<semaphore_mem>>) src(%dma_wait3A_43 : memref<640x128xf32, #tpu.memory_space<vmem_shared>>) dst(%dma_wait3A_41 : memref<640x128xf32, #tpu.memory_space<hbm>>)
        tpu.yield
      }) : () -> ()
    } else {
    }
    %eq3A_28 = arith.constant 1 : i32
    %eq3A_29 = arith.cmpi eq, %arg0, %eq3A_28 : i32
    %convert_element_type3A_30 = arith.extui %eq3A_29 : i1 to i32
    %cond3A_31 = arith.constant 0 : i32
    %cond3A_32 = arith.cmpi ne, %convert_element_type3A_30, %cond3A_31 : i32
    scf.if %cond3A_32 {
      %mul3A_33 = arith.constant 640 : i32
      %mul3A_34 = arith.muli %arg1, %mul3A_33 : i32
      %mul3A_35 = arith.constant 640 : i32
      %mul3A_36 = arith.muli %arg1, %mul3A_35 : i32
      "tpu.region"() ({
        %run_scoped3A = tpu.sem_alloc : memref<!tpu.dma_semaphore, #tpu.memory_space<semaphore_mem>>
        %dma_start3A = arith.constant 0 : i32
        %dma_start3A_37 = tpu.memref_slice %arg6[%mul3A_36, %dma_start3A] : memref<10240x128xf32, #tpu.memory_space<hbm>> -> memref<640x128xf32, #tpu.memory_space<hbm>>
        %dma_start3A_38 = arith.constant 0 : i32
        %dma_start3A_39 = tpu.memref_slice %arg7[%mul3A_34, %dma_start3A_38] : memref<10240x128xf32, #tpu.memory_space<vmem_shared>> -> memref<640x128xf32, #tpu.memory_space<vmem_shared>>
        tpu.enqueue_dma source(%dma_start3A_39 : memref<640x128xf32, #tpu.memory_space<vmem_shared>>) target(%dma_start3A_37 : memref<640x128xf32, #tpu.memory_space<hbm>>) target_semaphore(%run_scoped3A : memref<!tpu.dma_semaphore, #tpu.memory_space<semaphore_mem>>)
        %dma_wait3A_40 = arith.constant 0 : i32
        %dma_wait3A_41 = tpu.memref_slice %arg6[%mul3A_36, %dma_wait3A_40] : memref<10240x128xf32, #tpu.memory_space<hbm>> -> memref<640x128xf32, #tpu.memory_space<hbm>>
        %dma_wait3A_42 = arith.constant 0 : i32
        %dma_wait3A_43 = tpu.memref_slice %arg7[%mul3A_34, %dma_wait3A_42] : memref<10240x128xf32, #tpu.memory_space<vmem_shared>> -> memref<640x128xf32, #tpu.memory_space<vmem_shared>>
        tpu.wait_dma2 semaphore(%run_scoped3A : memref<!tpu.dma_semaphore, #tpu.memory_space<semaphore_mem>>) src(%dma_wait3A_43 : memref<640x128xf32, #tpu.memory_space<vmem_shared>>) dst(%dma_wait3A_41 : memref<640x128xf32, #tpu.memory_space<hbm>>)
        tpu.yield
      }) : () -> ()
    } else {
    }
    return
  }
}

module attributes {stable_mosaic.version = 14 : i64} {
  func.func @_k2_body(%arg0: i32, %arg1: memref<1024x128xf32, #tpu.memory_space<vmem>>, %arg2: memref<1024x128xf32, #tpu.memory_space<vmem>>, %arg3: memref<1024x128xf32, #tpu.memory_space<vmem>>, %arg4: memref<1024x1xf32, #tpu.memory_space<vmem>>, %arg5: memref<128x128xf32, #tpu.memory_space<vmem>>, %arg6: memref<1x128xf32, #tpu.memory_space<vmem>>, %arg7: memref<1024x128xf32, #tpu.memory_space<vmem>>) attributes {dimension_semantics = [#tpu.dimension_semantics<arbitrary>], iteration_bounds = array<i64: 10>, scalar_prefetch = 0 : i64, scratch_operands = 0 : i64, tpu.core_type = #tpu.core_type<tc>, window_params = [{transform_indices = @transform_0, window_bounds = array<i64: 1024, 128>}, {transform_indices = @transform_1, window_bounds = array<i64: 1024, 128>}, {transform_indices = @transform_2, window_bounds = array<i64: 1024, 128>}, {transform_indices = @transform_3, window_bounds = array<i64: 1024, 1>}, {pipeline_mode = #tpu.pipeline_mode<synchronous>, transform_indices = @transform_4, window_bounds = array<i64: 128, 128>}, {pipeline_mode = #tpu.pipeline_mode<synchronous>, transform_indices = @transform_5, window_bounds = array<i64: 1, 128>}, {transform_indices = @transform_6, window_bounds = array<i64: 1024, 128>}]} {
    %get3A = arith.constant 0 : index
    %get3A_0 = arith.constant 0 : index
    %get3A_1 = vector.load %arg4[%get3A, %get3A_0] : memref<1024x1xf32, #tpu.memory_space<vmem>>, vector<1024x1xf32>
    %get3A_2 = arith.constant 0 : index
    %get3A_3 = arith.constant 0 : index
    %get3A_4 = vector.load %arg1[%get3A_2, %get3A_3] : memref<1024x128xf32, #tpu.memory_space<vmem>>, vector<1024x128xf32>
    %get3A_5 = arith.constant 0 : index
    %get3A_6 = arith.constant 0 : index
    %get3A_7 = vector.load %arg2[%get3A_5, %get3A_6] : memref<1024x128xf32, #tpu.memory_space<vmem>>, vector<1024x128xf32>
    %add3A = arith.addf %get3A_4, %get3A_7 : vector<1024x128xf32>
    %get3A_8 = arith.constant 0 : index
    %get3A_9 = arith.constant 0 : index
    %get3A_10 = vector.load %arg3[%get3A_8, %get3A_9] : memref<1024x128xf32, #tpu.memory_space<vmem>>, vector<1024x128xf32>
    %sub3A = arith.subf %add3A, %get3A_10 : vector<1024x128xf32>
    %mul3A = vector.broadcast %get3A_1 : vector<1024x1xf32> to vector<1024x128xf32>
    %mul3A_11 = arith.mulf %sub3A, %mul3A : vector<1024x128xf32>
    %get3A_12 = arith.constant 0 : index
    %get3A_13 = arith.constant 0 : index
    %get3A_14 = vector.load %arg5[%get3A_12, %get3A_13] : memref<128x128xf32, #tpu.memory_space<vmem>>, vector<128x128xf32>
    %dot_general3A = arith.constant dense<0.000000e+00> : vector<1024x128xf32>
    %dot_general3A_15 = tpu.matmul %mul3A_11, %get3A_14, %dot_general3A {dimension_numbers = #tpu.dot_dimension_numbers<[1], [0], [0], [1], [0, 0, 1, 1], [], []>, transpose_lhs_hint = false} : vector<1024x128xf32>, vector<128x128xf32>, vector<1024x128xf32> -> vector<1024x128xf32>
    %get3A_16 = arith.constant 0 : index
    %get3A_17 = arith.constant 0 : index
    %get3A_18 = vector.load %arg6[%get3A_16, %get3A_17] : memref<1x128xf32, #tpu.memory_space<vmem>>, vector<1x128xf32>
    %add3A_19 = vector.broadcast %get3A_18 : vector<1x128xf32> to vector<1024x128xf32>
    %add3A_20 = arith.addf %dot_general3A_15, %add3A_19 : vector<1024x128xf32>
    %max3A = arith.constant 0.000000e+00 : f32
    %max3A_21 = vector.broadcast %max3A : f32 to vector<1024x128xf32>
    %max3A_22 = arith.maximumf %add3A_20, %max3A_21 : vector<1024x128xf32>
    %mul3A_23 = vector.broadcast %get3A_1 : vector<1024x1xf32> to vector<1024x128xf32>
    %mul3A_24 = arith.mulf %max3A_22, %mul3A_23 : vector<1024x128xf32>
    %mul3A_25 = arith.constant 1024 : i32
    %mul3A_26 = arith.muli %arg0, %mul3A_25 : i32
    %iota3A = tpu.iota {dimensions = array<i32: 0>} : vector<1024x1xi32>
    %add3A_27 = vector.broadcast %mul3A_26 : i32 to vector<1024x1xi32>
    %add3A_28 = arith.addi %add3A_27, %iota3A : vector<1024x1xi32>
    %lt3A = arith.constant 10000 : i32
    %lt3A_29 = vector.broadcast %lt3A : i32 to vector<1024x1xi32>
    %lt3A_30 = arith.cmpi slt, %add3A_28, %lt3A_29 : vector<1024x1xi32>
    %convert_element_type3A = arith.extui %lt3A_30 : vector<1024x1xi1> to vector<1024x1xi32>
    %convert_element_type3A_31 = arith.sitofp %convert_element_type3A : vector<1024x1xi32> to vector<1024x1xf32>
    %mul3A_32 = vector.broadcast %convert_element_type3A_31 : vector<1024x1xf32> to vector<1024x128xf32>
    %mul3A_33 = arith.mulf %mul3A_24, %mul3A_32 : vector<1024x128xf32>
    %swap3A = arith.constant 0 : index
    %swap3A_34 = arith.constant 0 : index
    %swap3A_35 = vector.load %arg7[%swap3A, %swap3A_34] : memref<1024x128xf32, #tpu.memory_space<vmem>>, vector<1024x128xf32>
    tpu.vector_store %arg7[%swap3A, %swap3A_34], %mul3A_33 {strides = array<i32>} : memref<1024x128xf32, #tpu.memory_space<vmem>>, vector<1024x128xf32>,
    return
  }
  func.func @transform_0(%arg0: i32) -> (i32, i32) {
    %c0_i32 = arith.constant 0 : i32
    %c0_i32_0 = arith.constant 0 : i32
    return %arg0, %c0_i32 : i32, i32
  }
  func.func @transform_1(%arg0: i32) -> (i32, i32) {
    %c0_i32 = arith.constant 0 : i32
    %c0_i32_0 = arith.constant 0 : i32
    return %arg0, %c0_i32 : i32, i32
  }
  func.func @transform_2(%arg0: i32) -> (i32, i32) {
    %c0_i32 = arith.constant 0 : i32
    %c0_i32_0 = arith.constant 0 : i32
    return %arg0, %c0_i32 : i32, i32
  }
  func.func @transform_3(%arg0: i32) -> (i32, i32) {
    %c0_i32 = arith.constant 0 : i32
    %c0_i32_0 = arith.constant 0 : i32
    return %arg0, %c0_i32 : i32, i32
  }
  func.func @transform_4(%arg0: i32) -> (i32, i32) {
    %c0_i32 = arith.constant 0 : i32
    %c0_i32_0 = arith.constant 0 : i32
    %c0_i32_1 = arith.constant 0 : i32
    return %c0_i32, %c0_i32_0 : i32, i32
  }
  func.func @transform_5(%arg0: i32) -> (i32, i32) {
    %c0_i32 = arith.constant 0 : i32
    %c0_i32_0 = arith.constant 0 : i32
    %c0_i32_1 = arith.constant 0 : i32
    return %c0_i32, %c0_i32_0 : i32, i32
  }
  func.func @transform_6(%arg0: i32) -> (i32, i32) {
    %c0_i32 = arith.constant 0 : i32
    %c0_i32_0 = arith.constant 0 : i32
    return %arg0, %c0_i32 : i32, i32
  }
}

module attributes {stable_mosaic.version = 14 : i64} {
  func.func @_k1_body(%arg0: i32, %arg1: memref<1024x1xf32, #tpu.memory_space<vmem>>, %arg2: memref<1024x1xf32, #tpu.memory_space<vmem>>, %arg3: memref<1024x128xf32, #tpu.memory_space<vmem>>, %arg4: memref<1024x1xf32, #tpu.memory_space<vmem>>, %arg5: memref<1024x128xf32, #tpu.memory_space<vmem>>) attributes {dimension_semantics = [#tpu.dimension_semantics<arbitrary>], iteration_bounds = array<i64: 10>, scalar_prefetch = 0 : i64, scratch_operands = 0 : i64, tpu.core_type = #tpu.core_type<tc>, window_params = [{transform_indices = @transform_0, window_bounds = array<i64: 1024, 1>}, {transform_indices = @transform_1, window_bounds = array<i64: 1024, 1>}, {transform_indices = @transform_2, window_bounds = array<i64: 1024, 128>}, {transform_indices = @transform_3, window_bounds = array<i64: 1024, 1>}, {transform_indices = @transform_4, window_bounds = array<i64: 1024, 128>}]} {
    %get3A = arith.constant 0 : index
    %get3A_0 = arith.constant 0 : index
    %get3A_1 = vector.load %arg1[%get3A, %get3A_0] : memref<1024x1xf32, #tpu.memory_space<vmem>>, vector<1024x1xf32>
    %get3A_2 = arith.constant 0 : index
    %get3A_3 = arith.constant 0 : index
    %get3A_4 = vector.load %arg2[%get3A_2, %get3A_3] : memref<1024x1xf32, #tpu.memory_space<vmem>>, vector<1024x1xf32>
    %add3A = arith.addf %get3A_1, %get3A_4 : vector<1024x1xf32>
    %add3A_5 = arith.constant 1.000000e+00 : f32
    %add3A_6 = vector.broadcast %add3A_5 : f32 to vector<1024x1xf32>
    %add3A_7 = arith.addf %add3A, %add3A_6 : vector<1024x1xf32>
    %max3A = arith.constant 1.000000e+00 : f32
    %max3A_8 = vector.broadcast %max3A : f32 to vector<1024x1xf32>
    %max3A_9 = arith.maximumf %add3A_7, %max3A_8 : vector<1024x1xf32>
    %rsqrt3A = math.rsqrt %max3A_9 : vector<1024x1xf32>
    %swap3A = arith.constant 0 : index
    %swap3A_10 = arith.constant 0 : index
    %swap3A_11 = vector.load %arg4[%swap3A, %swap3A_10] : memref<1024x1xf32, #tpu.memory_space<vmem>>, vector<1024x1xf32>
    tpu.vector_store %arg4[%swap3A, %swap3A_10], %rsqrt3A {strides = array<i32>} : memref<1024x1xf32, #tpu.memory_space<vmem>>, vector<1024x1xf32>,
    %get3A_12 = arith.constant 0 : index
    %get3A_13 = arith.constant 0 : index
    %get3A_14 = vector.load %arg3[%get3A_12, %get3A_13] : memref<1024x128xf32, #tpu.memory_space<vmem>>, vector<1024x128xf32>
    %mul3A = vector.broadcast %rsqrt3A : vector<1024x1xf32> to vector<1024x128xf32>
    %mul3A_15 = arith.mulf %get3A_14, %mul3A : vector<1024x128xf32>
    %mul3A_16 = arith.constant 1024 : i32
    %mul3A_17 = arith.muli %arg0, %mul3A_16 : i32
    %iota3A = tpu.iota {dimensions = array<i32: 0>} : vector<1024x1xi32>
    %add3A_18 = vector.broadcast %mul3A_17 : i32 to vector<1024x1xi32>
    %add3A_19 = arith.addi %add3A_18, %iota3A : vector<1024x1xi32>
    %lt3A = arith.constant 10000 : i32
    %lt3A_20 = vector.broadcast %lt3A : i32 to vector<1024x1xi32>
    %lt3A_21 = arith.cmpi slt, %add3A_19, %lt3A_20 : vector<1024x1xi32>
    %convert_element_type3A = arith.extui %lt3A_21 : vector<1024x1xi1> to vector<1024x1xi32>
    %convert_element_type3A_22 = arith.sitofp %convert_element_type3A : vector<1024x1xi32> to vector<1024x1xf32>
    %mul3A_23 = vector.broadcast %convert_element_type3A_22 : vector<1024x1xf32> to vector<1024x128xf32>
    %mul3A_24 = arith.mulf %mul3A_15, %mul3A_23 : vector<1024x128xf32>
    %swap3A_25 = arith.constant 0 : index
    %swap3A_26 = arith.constant 0 : index
    %swap3A_27 = vector.load %arg5[%swap3A_25, %swap3A_26] : memref<1024x128xf32, #tpu.memory_space<vmem>>, vector<1024x128xf32>
    tpu.vector_store %arg5[%swap3A_25, %swap3A_26], %mul3A_24 {strides = array<i32>} : memref<1024x128xf32, #tpu.memory_space<vmem>>, vector<1024x128xf32>,
    return
  }
  func.func @transform_0(%arg0: i32) -> (i32, i32) {
    %c0_i32 = arith.constant 0 : i32
    %c0_i32_0 = arith.constant 0 : i32
    return %arg0, %c0_i32 : i32, i32
  }
  func.func @transform_1(%arg0: i32) -> (i32, i32) {
    %c0_i32 = arith.constant 0 : i32
    %c0_i32_0 = arith.constant 0 : i32
    return %arg0, %c0_i32 : i32, i32
  }
  func.func @transform_2(%arg0: i32) -> (i32, i32) {
    %c0_i32 = arith.constant 0 : i32
    %c0_i32_0 = arith.constant 0 : i32
    return %arg0, %c0_i32 : i32, i32
  }
  func.func @transform_3(%arg0: i32) -> (i32, i32) {
    %c0_i32 = arith.constant 0 : i32
    %c0_i32_0 = arith.constant 0 : i32
    return %arg0, %c0_i32 : i32, i32
  }
  func.func @transform_4(%arg0: i32) -> (i32, i32) {
    %c0_i32 = arith.constant 0 : i32
    %c0_i32_0 = arith.constant 0 : i32
    return %arg0, %c0_i32 : i32, i32
  }
}

module attributes {stable_mosaic.version = 14 : i64} {
  func.func @_k3_body(%arg0: i32, %arg1: memref<1024x128xf32, #tpu.memory_space<vmem>>, %arg2: memref<1024x128xf32, #tpu.memory_space<vmem>>, %arg3: memref<1024x128xf32, #tpu.memory_space<vmem>>, %arg4: memref<1024x1xf32, #tpu.memory_space<vmem>>, %arg5: memref<128x640xf32, #tpu.memory_space<vmem>>, %arg6: memref<1x640xf32, #tpu.memory_space<vmem>>, %arg7: memref<640x320xf32, #tpu.memory_space<vmem>>, %arg8: memref<1024x128xf32, #tpu.memory_space<vmem>>, %arg9: memref<1024x128xf32, #tpu.memory_space<vmem>>, %arg10: memref<1024x128xf32, #tpu.memory_space<vmem>>) attributes {dimension_semantics = [#tpu.dimension_semantics<arbitrary>], iteration_bounds = array<i64: 10>, scalar_prefetch = 0 : i64, scratch_operands = 0 : i64, tpu.core_type = #tpu.core_type<tc>, window_params = [{transform_indices = @transform_0, window_bounds = array<i64: 1024, 128>}, {transform_indices = @transform_1, window_bounds = array<i64: 1024, 128>}, {transform_indices = @transform_2, window_bounds = array<i64: 1024, 128>}, {transform_indices = @transform_3, window_bounds = array<i64: 1024, 1>}, {pipeline_mode = #tpu.pipeline_mode<synchronous>, transform_indices = @transform_4, window_bounds = array<i64: 128, 640>}, {pipeline_mode = #tpu.pipeline_mode<synchronous>, transform_indices = @transform_5, window_bounds = array<i64: 1, 640>}, {pipeline_mode = #tpu.pipeline_mode<synchronous>, transform_indices = @transform_6, window_bounds = array<i64: 640, 320>}, {transform_indices = @transform_7, window_bounds = array<i64: 1024, 128>}, {transform_indices = @transform_8, window_bounds = array<i64: 1024, 128>}, {transform_indices = @transform_9, window_bounds = array<i64: 1024, 128>}]} {
    %get3A = arith.constant 0 : index
    %get3A_0 = arith.constant 0 : index
    %get3A_1 = vector.load %arg4[%get3A, %get3A_0] : memref<1024x1xf32, #tpu.memory_space<vmem>>, vector<1024x1xf32>
    %get3A_2 = arith.constant 0 : index
    %get3A_3 = arith.constant 0 : index
    %get3A_4 = vector.load %arg1[%get3A_2, %get3A_3] : memref<1024x128xf32, #tpu.memory_space<vmem>>, vector<1024x128xf32>
    %get3A_5 = arith.constant 0 : index
    %get3A_6 = arith.constant 0 : index
    %get3A_7 = vector.load %arg2[%get3A_5, %get3A_6] : memref<1024x128xf32, #tpu.memory_space<vmem>>, vector<1024x128xf32>
    %add3A = arith.addf %get3A_4, %get3A_7 : vector<1024x128xf32>
    %get3A_8 = arith.constant 0 : index
    %get3A_9 = arith.constant 0 : index
    %get3A_10 = vector.load %arg3[%get3A_8, %get3A_9] : memref<1024x128xf32, #tpu.memory_space<vmem>>, vector<1024x128xf32>
    %sub3A = arith.subf %add3A, %get3A_10 : vector<1024x128xf32>
    %mul3A = vector.broadcast %get3A_1 : vector<1024x1xf32> to vector<1024x128xf32>
    %mul3A_11 = arith.mulf %sub3A, %mul3A : vector<1024x128xf32>
    %get3A_12 = arith.constant 0 : index
    %get3A_13 = arith.constant 0 : index
    %get3A_14 = vector.load %arg5[%get3A_12, %get3A_13] : memref<128x640xf32, #tpu.memory_space<vmem>>, vector<128x640xf32>
    %dot_general3A = arith.constant dense<0.000000e+00> : vector<1024x640xf32>
    %dot_general3A_15 = tpu.matmul %mul3A_11, %get3A_14, %dot_general3A {dimension_numbers = #tpu.dot_dimension_numbers<[1], [0], [0], [1], [0, 0, 1, 1], [], []>, transpose_lhs_hint = false} : vector<1024x128xf32>, vector<128x640xf32>, vector<1024x640xf32> -> vector<1024x640xf32>
    %get3A_16 = arith.constant 0 : index
    %get3A_17 = arith.constant 0 : index
    %get3A_18 = vector.load %arg6[%get3A_16, %get3A_17] : memref<1x640xf32, #tpu.memory_space<vmem>>, vector<1x640xf32>
    %add3A_19 = vector.broadcast %get3A_18 : vector<1x640xf32> to vector<1024x640xf32>
    %add3A_20 = arith.addf %dot_general3A_15, %add3A_19 : vector<1024x640xf32>
    %max3A = arith.constant 0.000000e+00 : f32
    %max3A_21 = vector.broadcast %max3A : f32 to vector<1024x640xf32>
    %max3A_22 = arith.maximumf %add3A_20, %max3A_21 : vector<1024x640xf32>
    %get3A_23 = arith.constant 0 : index
    %get3A_24 = arith.constant 0 : index
    %get3A_25 = vector.load %arg7[%get3A_23, %get3A_24] : memref<640x320xf32, #tpu.memory_space<vmem>>, vector<640x320xf32>
    %dot_general3A_26 = arith.constant dense<0.000000e+00> : vector<1024x320xf32>
    %dot_general3A_27 = tpu.matmul %max3A_22, %get3A_25, %dot_general3A_26 {dimension_numbers = #tpu.dot_dimension_numbers<[1], [0], [0], [1], [0, 0, 1, 1], [], []>, transpose_lhs_hint = false} : vector<1024x640xf32>, vector<640x320xf32>, vector<1024x320xf32> -> vector<1024x320xf32>
    %mul3A_28 = vector.broadcast %get3A_1 : vector<1024x1xf32> to vector<1024x320xf32>
    %mul3A_29 = arith.mulf %dot_general3A_27, %mul3A_28 : vector<1024x320xf32>
    %mul3A_30 = arith.constant 1024 : i32
    %mul3A_31 = arith.muli %arg0, %mul3A_30 : i32
    %iota3A = tpu.iota {dimensions = array<i32: 0>} : vector<1024x1xi32>
    %add3A_32 = vector.broadcast %mul3A_31 : i32 to vector<1024x1xi32>
    %add3A_33 = arith.addi %add3A_32, %iota3A : vector<1024x1xi32>
    %lt3A = arith.constant 10000 : i32
    %lt3A_34 = vector.broadcast %lt3A : i32 to vector<1024x1xi32>
    %lt3A_35 = arith.cmpi slt, %add3A_33, %lt3A_34 : vector<1024x1xi32>
    %convert_element_type3A = arith.extui %lt3A_35 : vector<1024x1xi1> to vector<1024x1xi32>
    %convert_element_type3A_36 = arith.sitofp %convert_element_type3A : vector<1024x1xi32> to vector<1024x1xf32>
    %mul3A_37 = vector.broadcast %convert_element_type3A_36 : vector<1024x1xf32> to vector<1024x320xf32>
    %mul3A_38 = arith.mulf %mul3A_29, %mul3A_37 : vector<1024x320xf32>
    %slice3A = vector.extract_strided_slice %mul3A_38 {offsets = [0, 0], sizes = [1024, 128], strides = [1, 1]} : vector<1024x320xf32> to vector<1024x128xf32>
    %swap3A = arith.constant 0 : index
    %swap3A_39 = arith.constant 0 : index
    %swap3A_40 = vector.load %arg8[%swap3A, %swap3A_39] : memref<1024x128xf32, #tpu.memory_space<vmem>>, vector<1024x128xf32>
    tpu.vector_store %arg8[%swap3A, %swap3A_39], %slice3A {strides = array<i32>} : memref<1024x128xf32, #tpu.memory_space<vmem>>, vector<1024x128xf32>,
    %slice3A_41 = vector.extract_strided_slice %mul3A_38 {offsets = [0, 128], sizes = [1024, 128], strides = [1, 1]} : vector<1024x320xf32> to vector<1024x128xf32>
    %swap3A_42 = arith.constant 0 : index
    %swap3A_43 = arith.constant 0 : index
    %swap3A_44 = vector.load %arg9[%swap3A_42, %swap3A_43] : memref<1024x128xf32, #tpu.memory_space<vmem>>, vector<1024x128xf32>
    tpu.vector_store %arg9[%swap3A_42, %swap3A_43], %slice3A_41 {strides = array<i32>} : memref<1024x128xf32, #tpu.memory_space<vmem>>, vector<1024x128xf32>,
    %slice3A_45 = vector.extract_strided_slice %mul3A_38 {offsets = [0, 192], sizes = [1024, 128], strides = [1, 1]} : vector<1024x320xf32> to vector<1024x128xf32>
    %swap3A_46 = arith.constant 0 : index
    %swap3A_47 = arith.constant 0 : index
    %swap3A_48 = vector.load %arg10[%swap3A_46, %swap3A_47] : memref<1024x128xf32, #tpu.memory_space<vmem>>, vector<1024x128xf32>
    tpu.vector_store %arg10[%swap3A_46, %swap3A_47], %slice3A_45 {strides = array<i32>} : memref<1024x128xf32, #tpu.memory_space<vmem>>, vector<1024x128xf32>,
    return
  }
  func.func @transform_0(%arg0: i32) -> (i32, i32) {
    %c0_i32 = arith.constant 0 : i32
    %c0_i32_0 = arith.constant 0 : i32
    return %arg0, %c0_i32 : i32, i32
  }
  func.func @transform_1(%arg0: i32) -> (i32, i32) {
    %c0_i32 = arith.constant 0 : i32
    %c0_i32_0 = arith.constant 0 : i32
    return %arg0, %c0_i32 : i32, i32
  }
  func.func @transform_2(%arg0: i32) -> (i32, i32) {
    %c0_i32 = arith.constant 0 : i32
    %c0_i32_0 = arith.constant 0 : i32
    return %arg0, %c0_i32 : i32, i32
  }
  func.func @transform_3(%arg0: i32) -> (i32, i32) {
    %c0_i32 = arith.constant 0 : i32
    %c0_i32_0 = arith.constant 0 : i32
    return %arg0, %c0_i32 : i32, i32
  }
  func.func @transform_4(%arg0: i32) -> (i32, i32) {
    %c0_i32 = arith.constant 0 : i32
    %c0_i32_0 = arith.constant 0 : i32
    %c0_i32_1 = arith.constant 0 : i32
    return %c0_i32, %c0_i32_0 : i32, i32
  }
  func.func @transform_5(%arg0: i32) -> (i32, i32) {
    %c0_i32 = arith.constant 0 : i32
    %c0_i32_0 = arith.constant 0 : i32
    %c0_i32_1 = arith.constant 0 : i32
    return %c0_i32, %c0_i32_0 : i32, i32
  }
  func.func @transform_6(%arg0: i32) -> (i32, i32) {
    %c0_i32 = arith.constant 0 : i32
    %c0_i32_0 = arith.constant 0 : i32
    %c0_i32_1 = arith.constant 0 : i32
    return %c0_i32, %c0_i32_0 : i32, i32
  }
  func.func @transform_7(%arg0: i32) -> (i32, i32) {
    %c0_i32 = arith.constant 0 : i32
    %c0_i32_0 = arith.constant 0 : i32
    return %arg0, %c0_i32 : i32, i32
  }
  func.func @transform_8(%arg0: i32) -> (i32, i32) {
    %c0_i32 = arith.constant 0 : i32
    %c0_i32_0 = arith.constant 0 : i32
    return %arg0, %c0_i32 : i32, i32
  }
  func.func @transform_9(%arg0: i32) -> (i32, i32) {
    %c0_i32 = arith.constant 0 : i32
    %c0_i32_0 = arith.constant 0 : i32
    return %arg0, %c0_i32 : i32, i32
  }
}

module attributes {stable_mosaic.version = 14 : i64} {
  func.func @_k45_body(%arg0: i32, %arg1: memref<1024x128xf32, #tpu.memory_space<vmem>>, %arg2: memref<1024x128xf32, #tpu.memory_space<vmem>>, %arg3: memref<1024x128xf32, #tpu.memory_space<vmem>>, %arg4: memref<1024x128xf32, #tpu.memory_space<vmem>>, %arg5: memref<1024x128xf32, #tpu.memory_space<vmem>>, %arg6: memref<1024x1xf32, #tpu.memory_space<vmem>>, %arg7: memref<1x320xf32, #tpu.memory_space<vmem>>, %arg8: memref<1024x1xi32, #tpu.memory_space<vmem>>, %arg9: memref<32x128xf32, #tpu.memory_space<vmem>>, %arg10: memref<320x1024xf32, #tpu.memory_space<vmem>>, %arg11: memref<1x1024xf32, #tpu.memory_space<vmem>>, %arg12: memref<1024x128xf32, #tpu.memory_space<vmem>>, %arg13: memref<1x128xf32, #tpu.memory_space<vmem>>, %arg14: memref<128x1024xf32, #tpu.memory_space<vmem>>, %arg15: memref<128x1024xf32, #tpu.memory_space<vmem>>, %arg16: memref<1x1024xf32, #tpu.memory_space<vmem>>, %arg17: memref<1024x512xf32, #tpu.memory_space<vmem>>, %arg18: memref<1x512xf32, #tpu.memory_space<vmem>>, %arg19: memref<512x1xf32, #tpu.memory_space<vmem>>, %arg20: memref<1x1xf32, #tpu.memory_space<vmem>>, %arg21: memref<32x1xf32, #tpu.memory_space<vmem>>, %arg22: memref<32x320xf32, #tpu.memory_space<vmem>>, %arg23: memref<32x128xf32, #tpu.memory_space<vmem>>) attributes {dimension_semantics = [#tpu.dimension_semantics<arbitrary>], iteration_bounds = array<i64: 11>, scalar_prefetch = 0 : i64, scratch_operands = 2 : i64, tpu.core_type = #tpu.core_type<tc>, window_params = [{transform_indices = @transform_0, window_bounds = array<i64: 1024, 128>}, {transform_indices = @transform_1, window_bounds = array<i64: 1024, 128>}, {transform_indices = @transform_2, window_bounds = array<i64: 1024, 128>}, {transform_indices = @transform_3, window_bounds = array<i64: 1024, 128>}, {transform_indices = @transform_4, window_bounds = array<i64: 1024, 128>}, {transform_indices = @transform_5, window_bounds = array<i64: 1024, 1>}, {pipeline_mode = #tpu.pipeline_mode<synchronous>, transform_indices = @transform_6, window_bounds = array<i64: 1, 320>}, {transform_indices = @transform_7, window_bounds = array<i64: 1024, 1>}, {pipeline_mode = #tpu.pipeline_mode<synchronous>, transform_indices = @transform_8, window_bounds = array<i64: 32, 128>}, {pipeline_mode = #tpu.pipeline_mode<synchronous>, transform_indices = @transform_9, window_bounds = array<i64: 320, 1024>}, {pipeline_mode = #tpu.pipeline_mode<synchronous>, transform_indices = @transform_10, window_bounds = array<i64: 1, 1024>}, {pipeline_mode = #tpu.pipeline_mode<synchronous>, transform_indices = @transform_11, window_bounds = array<i64: 1024, 128>}, {pipeline_mode = #tpu.pipeline_mode<synchronous>, transform_indices = @transform_12, window_bounds = array<i64: 1, 128>}, {pipeline_mode = #tpu.pipeline_mode<synchronous>, transform_indices = @transform_13, window_bounds = array<i64: 128, 1024>}, {pipeline_mode = #tpu.pipeline_mode<synchronous>, transform_indices = @transform_14, window_bounds = array<i64: 128, 1024>}, {pipeline_mode = #tpu.pipeline_mode<synchronous>, transform_indices = @transform_15, window_bounds = array<i64: 1, 1024>}, {pipeline_mode = #tpu.pipeline_mode<synchronous>, transform_indices = @transform_16, window_bounds = array<i64: 1024, 512>}, {pipeline_mode = #tpu.pipeline_mode<synchronous>, transform_indices = @transform_17, window_bounds = array<i64: 1, 512>}, {pipeline_mode = #tpu.pipeline_mode<synchronous>, transform_indices = @transform_18, window_bounds = array<i64: 512, 1>}, {pipeline_mode = #tpu.pipeline_mode<synchronous>, transform_indices = @transform_19, window_bounds = array<i64: 1, 1>}, {pipeline_mode = #tpu.pipeline_mode<synchronous>, transform_indices = @transform_20, window_bounds = array<i64: 32, 1>}]} {
    %lt3A = arith.constant 10 : i32
    %lt3A_0 = arith.cmpi slt, %arg0, %lt3A : i32
    %convert_element_type3A = arith.extui %lt3A_0 : i1 to i32
    %cond3A = arith.constant 0 : i32
    %cond3A_1 = arith.cmpi ne, %convert_element_type3A, %cond3A : i32
    scf.if %cond3A_1 {
      %get3A = arith.constant 0 : index
      %get3A_6 = arith.constant 0 : index
      %get3A_7 = vector.load %arg6[%get3A, %get3A_6] : memref<1024x1xf32, #tpu.memory_space<vmem>>, vector<1024x1xf32>
      %get3A_8 = arith.constant 0 : index
      %get3A_9 = arith.constant 0 : index
      %get3A_10 = vector.load %arg3[%get3A_8, %get3A_9] : memref<1024x128xf32, #tpu.memory_space<vmem>>, vector<1024x128xf32>
      %get3A_11 = arith.constant 0 : index
      %get3A_12 = arith.constant 0 : index
      %get3A_13 = vector.load %arg4[%get3A_11, %get3A_12] : memref<1024x128xf32, #tpu.memory_space<vmem>>, vector<1024x128xf32>
      %add3A = arith.addf %get3A_10, %get3A_13 : vector<1024x128xf32>
      %get3A_14 = arith.constant 0 : index
      %get3A_15 = arith.constant 0 : index
      %get3A_16 = vector.load %arg5[%get3A_14, %get3A_15] : memref<1024x128xf32, #tpu.memory_space<vmem>>, vector<1024x128xf32>
      %sub3A = arith.subf %add3A, %get3A_16 : vector<1024x128xf32>
      %get3A_17 = arith.constant 0 : index
      %get3A_18 = arith.constant 0 : index
      %get3A_19 = vector.load %arg1[%get3A_17, %get3A_18] : memref<1024x128xf32, #tpu.memory_space<vmem>>, vector<1024x128xf32>
      %get3A_20 = arith.constant 0 : index
      %get3A_21 = arith.constant 0 : index
      %get3A_22 = vector.load %arg2[%get3A_20, %get3A_21] : memref<1024x128xf32, #tpu.memory_space<vmem>>, vector<1024x64xf32>
      %concatenate3A = tpu.concatenate %get3A_19, %get3A_22, %sub3A in 1 : vector<1024x128xf32>, vector<1024x64xf32>, vector<1024x128xf32> -> vector<1024x320xf32>
      %mul3A = vector.broadcast %get3A_7 : vector<1024x1xf32> to vector<1024x320xf32>
      %mul3A_23 = arith.mulf %concatenate3A, %mul3A : vector<1024x320xf32>
      %get3A_24 = arith.constant 0 : index
      %get3A_25 = arith.constant 0 : index
      %get3A_26 = vector.load %arg7[%get3A_24, %get3A_25] : memref<1x320xf32, #tpu.memory_space<vmem>>, vector<1x320xf32>
      %add3A_27 = vector.broadcast %get3A_26 : vector<1x320xf32> to vector<1024x320xf32>
      %add3A_28 = arith.addf %mul3A_23, %add3A_27 : vector<1024x320xf32>
      %max3A = arith.constant 0.000000e+00 : f32
      %max3A_29 = vector.broadcast %max3A : f32 to vector<1024x320xf32>
      %max3A_30 = arith.maximumf %add3A_28, %max3A_29 : vector<1024x320xf32>
      %iota3A = tpu.iota {dimensions = array<i32: 1>} : vector<1024x32xi32>
      %get3A_31 = arith.constant 0 : index
      %get3A_32 = arith.constant 0 : index
      %get3A_33 = vector.load %arg8[%get3A_31, %get3A_32] : memref<1024x1xi32, #tpu.memory_space<vmem>>, vector<1024x1xi32>
      %eq3A_34 = vector.broadcast %get3A_33 : vector<1024x1xi32> to vector<1024x32xi32>
      %eq3A_35 = arith.cmpi eq, %eq3A_34, %iota3A : vector<1024x32xi32>
      %convert_element_type3A_36 = arith.extui %eq3A_35 : vector<1024x32xi1> to vector<1024x32xi32>
      %convert_element_type3A_37 = arith.sitofp %convert_element_type3A_36 : vector<1024x32xi32> to vector<1024x32xf32>
      %dot_general3A = arith.constant dense<0.000000e+00> : vector<32x320xf32>
      %dot_general3A_38 = tpu.matmul %convert_element_type3A_37, %max3A_30, %dot_general3A {dimension_numbers = #tpu.dot_dimension_numbers<[0], [0], [1], [1], [0, 1, 1, 1], [], []>, transpose_lhs_hint = false} : vector<1024x32xf32>, vector<1024x320xf32>, vector<32x320xf32> -> vector<32x320xf32>
      %broadcast_in_dim3A = arith.constant 1.000000e+00 : f32
      %broadcast_in_dim3A_39 = vector.broadcast %broadcast_in_dim3A : f32 to vector<1024x128xf32>
      %dot_general3A_40 = arith.constant dense<0.000000e+00> : vector<32x128xf32>
      %dot_general3A_41 = tpu.matmul %convert_element_type3A_37, %broadcast_in_dim3A_39, %dot_general3A_40 {dimension_numbers = #tpu.dot_dimension_numbers<[0], [0], [1], [1], [0, 1, 1, 1], [], []>, transpose_lhs_hint = false} : vector<1024x32xf32>, vector<1024x128xf32>, vector<32x128xf32> -> vector<32x128xf32>
      %eq3A_42 = arith.constant 0 : i32
      %eq3A_43 = arith.cmpi eq, %arg0, %eq3A_42 : i32
      %convert_element_type3A_44 = arith.extui %eq3A_43 : i1 to i32
      %cond3A_45 = arith.constant 0 : i32
      %cond3A_46 = arith.cmpi ne, %convert_element_type3A_44, %cond3A_45 : i32
      scf.if %cond3A_46 {
        %swap3A = arith.constant 0 : index
        %swap3A_51 = arith.constant 0 : index
        %swap3A_52 = vector.load %arg22[%swap3A, %swap3A_51] : memref<32x320xf32, #tpu.memory_space<vmem>>, vector<32x320xf32>
        tpu.vector_store %arg22[%swap3A, %swap3A_51], %dot_general3A_38 {strides = array<i32>} : memref<32x320xf32, #tpu.memory_space<vmem>>, vector<32x320xf32>,
        %swap3A_53 = arith.constant 0 : index
        %swap3A_54 = arith.constant 0 : index
        %swap3A_55 = vector.load %arg23[%swap3A_53, %swap3A_54] : memref<32x128xf32, #tpu.memory_space<vmem>>, vector<32x128xf32>
        tpu.vector_store %arg23[%swap3A_53, %swap3A_54], %dot_general3A_41 {strides = array<i32>} : memref<32x128xf32, #tpu.memory_space<vmem>>, vector<32x128xf32>,
      } else {
      }
      %gt3A = arith.constant 0 : i32
      %gt3A_47 = arith.cmpi sgt, %arg0, %gt3A : i32
      %convert_element_type3A_48 = arith.extui %gt3A_47 : i1 to i32
      %cond3A_49 = arith.constant 0 : i32
      %cond3A_50 = arith.cmpi ne, %convert_element_type3A_48, %cond3A_49 : i32
      scf.if %cond3A_50 {
        %get3A_51 = arith.constant 0 : index
        %get3A_52 = arith.constant 0 : index
        %get3A_53 = vector.load %arg22[%get3A_51, %get3A_52] : memref<32x320xf32, #tpu.memory_space<vmem>>, vector<32x320xf32>
        %add3A_54 = arith.addf %get3A_53, %dot_general3A_38 : vector<32x320xf32>
        %swap3A = arith.constant 0 : index
        %swap3A_55 = arith.constant 0 : index
        %swap3A_56 = vector.load %arg22[%swap3A, %swap3A_55] : memref<32x320xf32, #tpu.memory_space<vmem>>, vector<32x320xf32>
        tpu.vector_store %arg22[%swap3A, %swap3A_55], %add3A_54 {strides = array<i32>} : memref<32x320xf32, #tpu.memory_space<vmem>>, vector<32x320xf32>,
        %get3A_57 = arith.constant 0 : index
        %get3A_58 = arith.constant 0 : index
        %get3A_59 = vector.load %arg23[%get3A_57, %get3A_58] : memref<32x128xf32, #tpu.memory_space<vmem>>, vector<32x128xf32>
        %add3A_60 = arith.addf %get3A_59, %dot_general3A_41 : vector<32x128xf32>
        %swap3A_61 = arith.constant 0 : index
        %swap3A_62 = arith.constant 0 : index
        %swap3A_63 = vector.load %arg23[%swap3A_61, %swap3A_62] : memref<32x128xf32, #tpu.memory_space<vmem>>, vector<32x128xf32>
        tpu.vector_store %arg23[%swap3A_61, %swap3A_62], %add3A_60 {strides = array<i32>} : memref<32x128xf32, #tpu.memory_space<vmem>>, vector<32x128xf32>,
      } else {
      }
    } else {
    }
    %eq3A = arith.constant 10 : i32
    %eq3A_2 = arith.cmpi eq, %arg0, %eq3A : i32
    %convert_element_type3A_3 = arith.extui %eq3A_2 : i1 to i32
    %cond3A_4 = arith.constant 0 : i32
    %cond3A_5 = arith.cmpi ne, %convert_element_type3A_3, %cond3A_4 : i32
    scf.if %cond3A_5 {
      %get3A = arith.constant 0 : index
      %get3A_6 = arith.constant 0 : index
      %get3A_7 = vector.load %arg23[%get3A, %get3A_6] : memref<32x128xf32, #tpu.memory_space<vmem>>, vector<32x1xf32>
      %max3A = arith.constant 1.000000e+00 : f32
      %max3A_8 = vector.broadcast %max3A : f32 to vector<32x1xf32>
      %max3A_9 = arith.maximumf %get3A_7, %max3A_8 : vector<32x1xf32>
      %get3A_10 = arith.constant 0 : index
      %get3A_11 = arith.constant 0 : index
      %get3A_12 = vector.load %arg22[%get3A_10, %get3A_11] : memref<32x320xf32, #tpu.memory_space<vmem>>, vector<32x320xf32>
      %div3A = vector.broadcast %max3A_9 : vector<32x1xf32> to vector<32x320xf32>
      %div3A_13 = arith.divf %get3A_12, %div3A : vector<32x320xf32>
      %get3A_14 = arith.constant 0 : index
      %get3A_15 = arith.constant 0 : index
      %get3A_16 = vector.load %arg10[%get3A_14, %get3A_15] : memref<320x1024xf32, #tpu.memory_space<vmem>>, vector<320x1024xf32>
      %dot_general3A = arith.constant dense<0.000000e+00> : vector<32x1024xf32>
      %dot_general3A_17 = tpu.matmul %div3A_13, %get3A_16, %dot_general3A {dimension_numbers = #tpu.dot_dimension_numbers<[1], [0], [0], [1], [0, 0, 1, 1], [], []>, transpose_lhs_hint = false} : vector<32x320xf32>, vector<320x1024xf32>, vector<32x1024xf32> -> vector<32x1024xf32>
      %get3A_18 = arith.constant 0 : index
      %get3A_19 = arith.constant 0 : index
      %get3A_20 = vector.load %arg11[%get3A_18, %get3A_19] : memref<1x1024xf32, #tpu.memory_space<vmem>>, vector<1x1024xf32>
      %add3A = vector.broadcast %get3A_20 : vector<1x1024xf32> to vector<32x1024xf32>
      %add3A_21 = arith.addf %dot_general3A_17, %add3A : vector<32x1024xf32>
      %max3A_22 = arith.constant 0.000000e+00 : f32
      %max3A_23 = vector.broadcast %max3A_22 : f32 to vector<32x1024xf32>
      %max3A_24 = arith.maximumf %add3A_21, %max3A_23 : vector<32x1024xf32>
      %get3A_25 = arith.constant 0 : index
      %get3A_26 = arith.constant 0 : index
      %get3A_27 = vector.load %arg12[%get3A_25, %get3A_26] : memref<1024x128xf32, #tpu.memory_space<vmem>>, vector<1024x128xf32>
      %dot_general3A_28 = arith.constant dense<0.000000e+00> : vector<32x128xf32>
      %dot_general3A_29 = tpu.matmul %max3A_24, %get3A_27, %dot_general3A_28 {dimension_numbers = #tpu.dot_dimension_numbers<[1], [0], [0], [1], [0, 0, 1, 1], [], []>, transpose_lhs_hint = false} : vector<32x1024xf32>, vector<1024x128xf32>, vector<32x128xf32> -> vector<32x128xf32>
      %get3A_30 = arith.constant 0 : index
      %get3A_31 = arith.constant 0 : index
      %get3A_32 = vector.load %arg13[%get3A_30, %get3A_31] : memref<1x128xf32, #tpu.memory_space<vmem>>, vector<1x128xf32>
      %add3A_33 = vector.broadcast %get3A_32 : vector<1x128xf32> to vector<32x128xf32>
      %add3A_34 = arith.addf %dot_general3A_29, %add3A_33 : vector<32x128xf32>
      %get3A_35 = arith.constant 0 : index
      %get3A_36 = arith.constant 0 : index
      %get3A_37 = vector.load %arg9[%get3A_35, %get3A_36] : memref<32x128xf32, #tpu.memory_space<vmem>>, vector<32x128xf32>
      %get3A_38 = arith.constant 0 : index
      %get3A_39 = arith.constant 0 : index
      %get3A_40 = vector.load %arg14[%get3A_38, %get3A_39] : memref<128x1024xf32, #tpu.memory_space<vmem>>, vector<128x1024xf32>
      %dot_general3A_41 = arith.constant dense<0.000000e+00> : vector<32x1024xf32>
      %dot_general3A_42 = tpu.matmul %get3A_37, %get3A_40, %dot_general3A_41 {dimension_numbers = #tpu.dot_dimension_numbers<[1], [0], [0], [1], [0, 0, 1, 1], [], []>, transpose_lhs_hint = false} : vector<32x128xf32>, vector<128x1024xf32>, vector<32x1024xf32> -> vector<32x1024xf32>
      %get3A_43 = arith.constant 0 : index
      %get3A_44 = arith.constant 0 : index
      %get3A_45 = vector.load %arg15[%get3A_43, %get3A_44] : memref<128x1024xf32, #tpu.memory_space<vmem>>, vector<128x1024xf32>
      %dot_general3A_46 = arith.constant dense<0.000000e+00> : vector<32x1024xf32>
      %dot_general3A_47 = tpu.matmul %add3A_34, %get3A_45, %dot_general3A_46 {dimension_numbers = #tpu.dot_dimension_numbers<[1], [0], [0], [1], [0, 0, 1, 1], [], []>, transpose_lhs_hint = false} : vector<32x128xf32>, vector<128x1024xf32>, vector<32x1024xf32> -> vector<32x1024xf32>
      %add3A_48 = arith.addf %dot_general3A_42, %dot_general3A_47 : vector<32x1024xf32>
      %get3A_49 = arith.constant 0 : index
      %get3A_50 = arith.constant 0 : index
      %get3A_51 = vector.load %arg16[%get3A_49, %get3A_50] : memref<1x1024xf32, #tpu.memory_space<vmem>>, vector<1x1024xf32>
      %add3A_52 = vector.broadcast %get3A_51 : vector<1x1024xf32> to vector<32x1024xf32>
      %add3A_53 = arith.addf %add3A_48, %add3A_52 : vector<32x1024xf32>
      %max3A_54 = arith.constant 0.000000e+00 : f32
      %max3A_55 = vector.broadcast %max3A_54 : f32 to vector<32x1024xf32>
      %max3A_56 = arith.maximumf %add3A_53, %max3A_55 : vector<32x1024xf32>
      %get3A_57 = arith.constant 0 : index
      %get3A_58 = arith.constant 0 : index
      %get3A_59 = vector.load %arg17[%get3A_57, %get3A_58] : memref<1024x512xf32, #tpu.memory_space<vmem>>, vector<1024x512xf32>
      %dot_general3A_60 = arith.constant dense<0.000000e+00> : vector<32x512xf32>
      %dot_general3A_61 = tpu.matmul %max3A_56, %get3A_59, %dot_general3A_60 {dimension_numbers = #tpu.dot_dimension_numbers<[1], [0], [0], [1], [0, 0, 1, 1], [], []>, transpose_lhs_hint = false} : vector<32x1024xf32>, vector<1024x512xf32>, vector<32x512xf32> -> vector<32x512xf32>
      %get3A_62 = arith.constant 0 : index
      %get3A_63 = arith.constant 0 : index
      %get3A_64 = vector.load %arg18[%get3A_62, %get3A_63] : memref<1x512xf32, #tpu.memory_space<vmem>>, vector<1x512xf32>
      %add3A_65 = vector.broadcast %get3A_64 : vector<1x512xf32> to vector<32x512xf32>
      %add3A_66 = arith.addf %dot_general3A_61, %add3A_65 : vector<32x512xf32>
      %max3A_67 = arith.constant 0.000000e+00 : f32
      %max3A_68 = vector.broadcast %max3A_67 : f32 to vector<32x512xf32>
      %max3A_69 = arith.maximumf %add3A_66, %max3A_68 : vector<32x512xf32>
      %get3A_70 = arith.constant 0 : index
      %get3A_71 = arith.constant 0 : index
      %get3A_72 = vector.load %arg19[%get3A_70, %get3A_71] : memref<512x1xf32, #tpu.memory_space<vmem>>, vector<512x1xf32>
      %dot_general3A_73 = arith.constant dense<0.000000e+00> : vector<32x1xf32>
      %dot_general3A_74 = tpu.matmul %max3A_69, %get3A_72, %dot_general3A_73 {dimension_numbers = #tpu.dot_dimension_numbers<[1], [0], [0], [1], [0, 0, 1, 1], [], []>, transpose_lhs_hint = false} : vector<32x512xf32>, vector<512x1xf32>, vector<32x1xf32> -> vector<32x1xf32>
      %get3A_75 = arith.constant 0 : index
      %get3A_76 = arith.constant 0 : index
      %get3A_77 = vector.load %arg20[%get3A_75, %get3A_76] : memref<1x1xf32, #tpu.memory_space<vmem>>, vector<1x1xf32>
      %add3A_78 = vector.broadcast %get3A_77 : vector<1x1xf32> to vector<32x1xf32>
      %add3A_79 = arith.addf %dot_general3A_74, %add3A_78 : vector<32x1xf32>
      %swap3A = arith.constant 0 : index
      %swap3A_80 = arith.constant 0 : index
      %swap3A_81 = vector.load %arg21[%swap3A, %swap3A_80] : memref<32x1xf32, #tpu.memory_space<vmem>>, vector<32x1xf32>
      tpu.vector_store %arg21[%swap3A, %swap3A_80], %add3A_79 {strides = array<i32>} : memref<32x1xf32, #tpu.memory_space<vmem>>, vector<32x1xf32>,
    } else {
    }
    return
  }
  func.func @transform_0(%arg0: i32) -> (i32, i32) {
    %min3A = arith.constant 9 : i32
    %min3A_0 = arith.minsi %arg0, %min3A : i32
    %c0_i32 = arith.constant 0 : i32
    %c0_i32_1 = arith.constant 0 : i32
    return %min3A_0, %c0_i32 : i32, i32
  }
  func.func @transform_1(%arg0: i32) -> (i32, i32) {
    %min3A = arith.constant 9 : i32
    %min3A_0 = arith.minsi %arg0, %min3A : i32
    %c0_i32 = arith.constant 0 : i32
    %c0_i32_1 = arith.constant 0 : i32
    return %min3A_0, %c0_i32 : i32, i32
  }
  func.func @transform_2(%arg0: i32) -> (i32, i32) {
    %min3A = arith.constant 9 : i32
    %min3A_0 = arith.minsi %arg0, %min3A : i32
    %c0_i32 = arith.constant 0 : i32
    %c0_i32_1 = arith.constant 0 : i32
    return %min3A_0, %c0_i32 : i32, i32
  }
  func.func @transform_3(%arg0: i32) -> (i32, i32) {
    %min3A = arith.constant 9 : i32
    %min3A_0 = arith.minsi %arg0, %min3A : i32
    %c0_i32 = arith.constant 0 : i32
    %c0_i32_1 = arith.constant 0 : i32
    return %min3A_0, %c0_i32 : i32, i32
  }
  func.func @transform_4(%arg0: i32) -> (i32, i32) {
    %min3A = arith.constant 9 : i32
    %min3A_0 = arith.minsi %arg0, %min3A : i32
    %c0_i32 = arith.constant 0 : i32
    %c0_i32_1 = arith.constant 0 : i32
    return %min3A_0, %c0_i32 : i32, i32
  }
  func.func @transform_5(%arg0: i32) -> (i32, i32) {
    %min3A = arith.constant 9 : i32
    %min3A_0 = arith.minsi %arg0, %min3A : i32
    %c0_i32 = arith.constant 0 : i32
    %c0_i32_1 = arith.constant 0 : i32
    return %min3A_0, %c0_i32 : i32, i32
  }
  func.func @transform_6(%arg0: i32) -> (i32, i32) {
    %c0_i32 = arith.constant 0 : i32
    %c0_i32_0 = arith.constant 0 : i32
    %c0_i32_1 = arith.constant 0 : i32
    return %c0_i32, %c0_i32_0 : i32, i32
  }
  func.func @transform_7(%arg0: i32) -> (i32, i32) {
    %min3A = arith.constant 9 : i32
    %min3A_0 = arith.minsi %arg0, %min3A : i32
    %c0_i32 = arith.constant 0 : i32
    %c0_i32_1 = arith.constant 0 : i32
    return %min3A_0, %c0_i32 : i32, i32
  }
  func.func @transform_8(%arg0: i32) -> (i32, i32) {
    %c0_i32 = arith.constant 0 : i32
    %c0_i32_0 = arith.constant 0 : i32
    %c0_i32_1 = arith.constant 0 : i32
    return %c0_i32, %c0_i32_0 : i32, i32
  }
  func.func @transform_9(%arg0: i32) -> (i32, i32) {
    %c0_i32 = arith.constant 0 : i32
    %c0_i32_0 = arith.constant 0 : i32
    %c0_i32_1 = arith.constant 0 : i32
    return %c0_i32, %c0_i32_0 : i32, i32
  }
  func.func @transform_10(%arg0: i32) -> (i32, i32) {
    %c0_i32 = arith.constant 0 : i32
    %c0_i32_0 = arith.constant 0 : i32
    %c0_i32_1 = arith.constant 0 : i32
    return %c0_i32, %c0_i32_0 : i32, i32
  }
  func.func @transform_11(%arg0: i32) -> (i32, i32) {
    %c0_i32 = arith.constant 0 : i32
    %c0_i32_0 = arith.constant 0 : i32
    %c0_i32_1 = arith.constant 0 : i32
    return %c0_i32, %c0_i32_0 : i32, i32
  }
  func.func @transform_12(%arg0: i32) -> (i32, i32) {
    %c0_i32 = arith.constant 0 : i32
    %c0_i32_0 = arith.constant 0 : i32
    %c0_i32_1 = arith.constant 0 : i32
    return %c0_i32, %c0_i32_0 : i32, i32
  }
  func.func @transform_13(%arg0: i32) -> (i32, i32) {
    %c0_i32 = arith.constant 0 : i32
    %c0_i32_0 = arith.constant 0 : i32
    %c0_i32_1 = arith.constant 0 : i32
    return %c0_i32, %c0_i32_0 : i32, i32
  }
  func.func @transform_14(%arg0: i32) -> (i32, i32) {
    %c0_i32 = arith.constant 0 : i32
    %c0_i32_0 = arith.constant 0 : i32
    %c0_i32_1 = arith.constant 0 : i32
    return %c0_i32, %c0_i32_0 : i32, i32
  }
  func.func @transform_15(%arg0: i32) -> (i32, i32) {
    %c0_i32 = arith.constant 0 : i32
    %c0_i32_0 = arith.constant 0 : i32
    %c0_i32_1 = arith.constant 0 : i32
    return %c0_i32, %c0_i32_0 : i32, i32
  }
  func.func @transform_16(%arg0: i32) -> (i32, i32) {
    %c0_i32 = arith.constant 0 : i32
    %c0_i32_0 = arith.constant 0 : i32
    %c0_i32_1 = arith.constant 0 : i32
    return %c0_i32, %c0_i32_0 : i32, i32
  }
  func.func @transform_17(%arg0: i32) -> (i32, i32) {
    %c0_i32 = arith.constant 0 : i32
    %c0_i32_0 = arith.constant 0 : i32
    %c0_i32_1 = arith.constant 0 : i32
    return %c0_i32, %c0_i32_0 : i32, i32
  }
  func.func @transform_18(%arg0: i32) -> (i32, i32) {
    %c0_i32 = arith.constant 0 : i32
    %c0_i32_0 = arith.constant 0 : i32
    %c0_i32_1 = arith.constant 0 : i32
    return %c0_i32, %c0_i32_0 : i32, i32
  }
  func.func @transform_19(%arg0: i32) -> (i32, i32) {
    %c0_i32 = arith.constant 0 : i32
    %c0_i32_0 = arith.constant 0 : i32
    %c0_i32_1 = arith.constant 0 : i32
    return %c0_i32, %c0_i32_0 : i32, i32
  }
  func.func @transform_20(%arg0: i32) -> (i32, i32) {
    %c0_i32 = arith.constant 0 : i32
    %c0_i32_0 = arith.constant 0 : i32
    %c0_i32_1 = arith.constant 0 : i32
    return %c0_i32, %c0_i32_0 : i32, i32
  }
}

</mosaic_0001>

<sc_bundles>
// kernel: kernel.10.cloned.1.call-start
scs
__scs_entry_jumppad:
0x0: {  	(pc) =	sbr.rel $0x88, $3  }
0x1: {  	(tag) =	ssettag $0x0;
	lr =	simm.s32 $0x1  }
0x2: {  	[smem:$0x3F8D] =	sst lr;
	_ =	strace $0xD0000000  }
0x3: {  	_ = 	snop  }
0x4: {  	_ = 	snop  }
0x5: {  	_ = 	snop  }
0x6: {  	_ = 	snop  }
0x7: {  	_ = 	snop  }
__scs_overlays_trampoline_lowered:
0x8: {  	[smem:$0x3F9C] =	sst s0  }
0x9: {  	[smem:$0x3F9D] =	sst s1  }
0xa: {  	[smem:$0x3F9E] =	sst s2  }
0xb: {  	[smem:$0x3F9F] =	sst s3  }
0xc: {  	[smem:$0x3FA0] =	sst s4  }
0xd: {  	[smem:$0x3FA1] =	sst s5  }
0xe: {  	[smem:$0x3FA2] =	sst s6  }
0xf: {  	[smem:$0x3FA3] =	sst s7  }
0x10: {  	[smem:$0x3FA4] =	sst s8  }
0x11: {  	[smem:$0x3FA5] =	sst s9;
	s0 =	simm.s32 @!p0 $0x0  }
0x12: {  	s1 =	sld [smem:$0x3F8B];
	s0 =	simm.s32 @p0 $0x1  }
0x13: {  	[smem:$0x3FA6] =	sst s0;
	s0 =	simm.s32 @!p1 $0x0  }
0x14: {  	s2 =	sld [smem:$0x3F8A];
	s0 =	simm.s32 @p1 $0x1  }
0x15: {  	[smem:$0x3FA7] =	sst s0;
	s0 =	simm.s32 @!p2 $0x0  }
0x16: {  	s3 =	sld [smem:$0x3FDB];
	s0 =	simm.s32 @p2 $0x1  }
0x17: {  	s4 =	simm.s32 $0x1BF5;
	[smem:$0x3FA9] =	sst s0  }
0x18: {  	s0 =	sld [smem:$0x3F8C];
	_ =	swait.ge [sflag:s4], $0x0  }
0x19: {  	s7 =	sld [smem:$0x3F8D]  }
0x1a: {  	s8 =	sadd.s32 $0xFFFFE003, lr  }
0x1b: {  	s9 =	sadd.s32 $0xFFFFFEF7, lr;
	s5 =	simm.s32 $0xFFFFFFFF;
	p2 =	slt.u32 s8, $0xFFFFF086  }
0x1c: {  	p1 =	slt.u32 s9, $0xF7A;
	s5 =	simm.s32 @!p2 $0x0  }
0x1d: {  	s5 =	simm.s32 @p1 $0x1;
	p0 =	seq.s32 s7, s2  }
0x1e: {  	s7 =	smul.u32 @!p0 $0xF7A, s2;
	p2 =	seq.s32 @!p0 s5, $0x0  }
0x1f: {  	s9 =	smul.u32 $0xF7A, s1;
	s8 =	simm.s32 @!p0 $0x1BF5;
	p2 =	por !p2, p0  }
0x20: {  	[sflag:s8] =	ssyncset.s32 @!p0 $0xFFFFF086;
	s6 =	sadd.s32 @!p0 s3, s7;
	s7 =	simm.s32 @!p0 $0x108  }
0x21: {  	s3 =	sadd.s32 s3, s9;
	s6 =	sadd.s32 @!p0 $0x88, s6;
	s7 =	simm.s32 @p2 $0x1082  }
0x22: {  	[simem:s7], [sflag:s8] =	dma.local @!p0 [hbm:s6], $0xF7A  }
0x23: {  	s9 =	sor.u32 $0xD0000000, s2;
	s6 =	simm.s32 $0x108;
	_ =	swait.ge @!p0 [sflag:s8], $0x0  }
0x24: {  	s3 =	sadd.s32 $0x88, s3;
	s6 =	simm.s32 @!p1 $0x1082;
	[sflag:s4] =	ssyncset.s32 $0xFFFFF086  }
0x25: {  	[simem:s6], [sflag:s4] =	dma.local [hbm:s3], $0xF7A  }
0x26: {  	[smem:$0x3F8D] =	sst s1;
	(tag) =	ssettag s2;
	_ =	strace s9  }
0x27: {  	s1 =	sld [smem:$0x3F9D]  }
0x28: {  	s2 =	sld [smem:$0x3F9E]  }
0x29: {  	s4 =	sld [smem:$0x3FA0]  }
0x2a: {  	p0 =	seq.s32 s5, $0x0;
	s5 =	sld [smem:$0x3FA1]  }
0x2b: {  	s6 =	sld [smem:$0x3FA2]  }
0x2c: {  	s7 =	sld [smem:$0x3FA3]  }
0x2d: {  	s3 =	simm.s32 $0x108;
	s8 =	sld [smem:$0x3FA4]  }
0x2e: {  	s3 =	simm.s32 @!p0 $0x1082;
	s9 =	sld [smem:$0x3FA5]  }
0x2f: {  	lr =	sadd.s32 s0, s3;
	s0 =	sld [smem:$0x3F9C]  }
0x30: {  	s3 =	sld [smem:$0x3F9F]  }
0x31: {  	[smem:$0x3FA8] =	sst s10  }
0x32: {  	s10 =	sld [smem:$0x3FA6];
	_ =	sdelay $0x3  }
0x33: {  	p0 =	seq.s32 s10, $0x1;
	s10 =	sld [smem:$0x3FA8];
	_ =	sdelay $0x3  }
0x34: {  	[smem:$0x3FA8] =	sst s10  }
0x35: {  	s10 =	sld [smem:$0x3FA7];
	_ =	sdelay $0x3  }
0x36: {  	p1 =	seq.s32 s10, $0x1;
	s10 =	sld [smem:$0x3FA8];
	_ =	sdelay $0x3  }
0x37: {  	[smem:$0x3FA8] =	sst s10  }
0x38: {  	s10 =	sld [smem:$0x3FA9]  }
0x39: {  	_ = 	snop;
	(pc) =	sbr.ind lr, $3  }
0x3a: {  	_ = 	snop  }
0x3b: {  	_ = 	snop  }
0x3c: {  	p2 =	seq.s32 s10, $0x1;
	s10 =	sld [smem:$0x3FA8]  }
0x3d: {  	_ =	shalt  }
0x3e: {  	_ =	shalt  }
0x3f: {  	_ =	shalt  }
0x40: {  	_ =	shalt  }
0x41: {  	_ =	shalt  }
0x42: {  	_ =	shalt  }
0x43: {  	_ =	shalt  }
0x44: {  	_ =	shalt  }
0x45: {  	_ =	shalt  }
0x46: {  	_ =	shalt  }
0x47: {  	_ =	shalt  }
0x48: {  	_ =	shalt  }
0x49: {  	_ =	shalt  }
0x4a: {  	_ =	shalt  }
0x4b: {  	_ =	shalt  }
0x4c: {  	_ =	shalt  }
0x4d: {  	_ =	shalt  }
0x4e: {  	_ =	shalt  }
0x4f: {  	_ =	shalt  }
0x50: {  	_ =	shalt  }
0x51: {  	_ =	shalt  }
0x52: {  	_ =	shalt  }
0x53: {  	_ =	shalt  }
0x54: {  	_ =	shalt  }
0x55: {  	_ =	shalt  }
0x56: {  	_ =	shalt  }
0x57: {  	_ =	shalt  }
0x58: {  	_ =	shalt  }
0x59: {  	_ =	shalt  }
0x5a: {  	_ =	shalt  }
0x5b: {  	_ =	shalt  }
0x5c: {  	_ =	shalt  }
0x5d: {  	_ =	shalt  }
0x5e: {  	_ =	shalt  }
0x5f: {  	_ =	shalt  }
0x60: {  	_ =	shalt  }
0x61: {  	_ =	shalt  }
0x62: {  	_ =	shalt  }
0x63: {  	_ =	shalt  }
0x64: {  	_ =	shalt  }
0x65: {  	_ =	shalt  }
0x66: {  	_ =	shalt  }
0x67: {  	_ =	shalt  }
0x68: {  	_ =	shalt  }
0x69: {  	_ =	shalt  }
0x6a: {  	_ =	shalt  }
0x6b: {  	_ =	shalt  }
0x6c: {  	_ =	shalt  }
0x6d: {  	_ =	shalt  }
0x6e: {  	_ =	shalt  }
0x6f: {  	_ =	shalt  }
0x70: {  	_ =	shalt  }
0x71: {  	_ =	shalt  }
0x72: {  	_ =	shalt  }
0x73: {  	_ =	shalt  }
0x74: {  	_ =	shalt  }
0x75: {  	_ =	shalt  }
0x76: {  	_ =	shalt  }
0x77: {  	_ =	shalt  }
0x78: {  	_ =	shalt  }
0x79: {  	_ =	shalt  }
0x7a: {  	_ =	shalt  }
0x7b: {  	_ =	shalt  }
0x7c: {  	_ =	shalt  }
0x7d: {  	_ =	shalt  }
0x7e: {  	_ =	shalt  }
0x7f: {  	_ =	shalt  }
0x80: {  	_ =	shalt  }
0x81: {  	_ =	shalt  }
0x82: {  	_ =	shalt  }
0x83: {  	_ =	shalt  }
0x84: {  	_ =	shalt  }
0x85: {  	_ =	shalt  }
0x86: {  	_ =	shalt  }
0x87: {  	_ =	shalt  }
.Lfunc_end0:
.L_simem_size_0:
called_computation_lowered:
.L_overlay_start_0:
0x88: {  	s2 =	sld [smem:$0x3FD9]  }
0x89: {  	s3 =	sld [smem:$0x3FFE];
	_ =	sdelay $0x1  }
0x8a: {  	s1 =	srdreg.scid  }
0x8b: {  	s0 =	sand.u32 $0x1, s1  }
0x8c: {  	s16 =	sshll.u32 s0, $0xA;
	s2 =	sadd.s32 s3, s2  }
0x8d: {  	s2 =	sadd.s32 s2, s16  }
0x8e: {  	[smem:$0x3FB4] =	sst s2  }
0x8f: {  	_ = 	snop  }
0x90: {  	(tm) =	ssettm $0x1  }
0x91: {  	s17 =	sld [smem:$0x3FFB];
	_ =	sdelay $0x3  }
0x92: {  	_ =	strace s17  }
0x93: {  	s2 =	sld [smem:$0x3FFC];
	_ =	sdelay $0x3  }
0x94: {  	_ =	strace s2  }
0x95: {  	s2 =	sld [smem:$0x3FFD];
	_ =	sdelay $0x3  }
0x96: {  	_ =	strace s2  }
0x97: {  	_ =	strace $0x8FFFFFFF  }
0x98: {  	s18 =	sld [smem:$0x3FDB];
	_ =	sdelay $0x1  }
0x99: {  	s19 =	simm.s32 $_scs_section_size  }
0x9a: {  	s4 =	simm.s32 $_size__tile_overlayer_lowered;
	s5 =	simm.s32 $_tile_overlayer_lowered  }
0x9b: {  	s22 =	simm.s32 $0x1BFF;
	s21 =	sshll.u32 s5, $0x1;
	s2 =	sadd.s32 s19, s18  }
0x9c: {  	s6 =	simm.s32 $0x0;
	s20 =	sshll.u32 s4, $0x1;
	s4 =	sadd.s32 s21, s2  }
0x9d: {  	[timem:s6], [sflag:s22] =	dma.local [hbm:s4], s20  }
0x9e: {  	_ =	swait.ge [sflag:s22], s20  }
0x9f: {  	s3 =	ssub.s32 $0x0, s20;
	[sflag:s22] =	ssyncset.done $0x0  }
0xa0: {  	[sflag:s22] =	ssyncadd.s32 s3;
	_ =	sdelay $0x1  }
0xa1: {  	s23 =	simm.s32 $0x1B8B  }
0xa2: {  	_ =	swait.ge [sflag:s23], $0x1  }
0xa3: {  	[sflag:s23] =	ssyncset.done $0x0  }
0xa4: {  	s25 =	simm.s32 $0x1B8E;
	s24 =	sld [smem:$0x3FFE];
	[sflag:s23] =	ssyncadd.s32 $0xFFFFFFFF  }
0xa5: {  	s26 =	simm.s32 $execute0_lowered;
	[smem:$0x3FD2] =	sst s25  }
0xa6: {  	s4 =	sshll.u32 s26, $0x1;
	_ =	strace $0x80000046;
	[dreg:$0x1] =	wrdreg $0xFFFFFFFF  }
0xa7: {  	s28 =	simm.s32 $_size_execute0_lowered;
	s2 =	sadd.s32 s2, s4;
	[dreg:$0x0] =	wrdreg $0x0  }
0xa8: {  	s4 =	sshll.u32 s28, $0x1;
	[dreg:$0x2] =	wrdreg s2  }
0xa9: {  	[dreg:$0x3] =	wrdreg s4  }
0xaa: {  	[dreg:$0x4] =	wrdreg $0xC0  }
0xab: {  	_ =	task [dreg:s6], $0x5FFFF  }
0xac: {  	[dreg:$0x1] =	wrdreg $0xFFFFFFFF  }
0xad: {  	[dreg:$0x0] =	wrdreg $0x60  }
0xae: {  	[dreg:$0x2] =	wrdreg s24  }
0xaf: {  	[dreg:$0x3] =	wrdreg $0x0  }
0xb0: {  	[dreg:$0x4] =	wrdreg $0x9  }
0xb1: {  	_ =	task.clear_ibuf [dreg:s6], $0x5FFFF;
	_ =	strace $0x90000046  }
0xb2: {  	s29 =	simm.s32 $0x9;
	_ =	strace $0x80000048  }
0xb3: {  	_ =	swait.ge [sflag:s29], $0x1  }
0xb4: {  	[sflag:s29] =	ssyncadd.s32 $0xFFFFFFFF  }
0xb5: {  	_ =	strace $0x90000048  }
0xb6: {  	_ =	sfence  }
0xb7: {  	s30 =	sld [smem:$0x0];
	_ =	sdelay $0x2  }
0xb8: {  	s31 =	sshll.u32 s1, $0xD;
	s1 =	sshrl.u32 s1, $0x2  }
0xb9: {  	s3 =	sand.u32 $0x4000, s31;
	s1 =	sadd.s32 s1, s30  }
0xba: {  	s0 =	sor.u32 s3, s0;
	s1 =	sshll.u32 s1, $0x11  }
0xbb: {  	s0 =	sor.u32 s1, s0  }
0xbc: {  	s0 =	sadd.s32 $0x8F2B, s0  }
0xbd: {  	[sflag:s0] =	ssyncadd.remote.s32 $0x1  }
0xbe: {  	_ =	sfence.sel $0xFFFF  }
0xbf: {  	[dreg:$0x0] =	wrdreg $0xFFFFFFFF;
	(pc) =	sbr.abs _section_cstart, $3  }
0xc0: {  	[dreg:$0x1] =	wrdreg $0xFFFFFFFF  }
0xc1: {  	_ =	task.clear_ibuf [dreg:s6], $0x2FFFF;
	_ =	strace $0x9FFFFFFF  }
0xc2: {  	(tm) =	ssettm $0x7FFFFFFF  }
0xc3: {  	_ =	shalt  }
tec
execute0_lowered:
.L_overlay_start_1:
0x0: {  	(tag) =	ssettag $0x1  }
0x1: {  	s4 =	rddreg [dreg:$0x0]  }
0x2: {  	s0 =	srdreg.scid;
	s2 =	rddreg [dreg:$0x1]  }
0x3: {  	s1 =	stileid.u32;
	s3 =	simm.s32 $0x0;
	s11 =	simm.s32 $0x1B400  }
0x4: {  	s12 =	simm.s32 $0x80;
	s13 =	simm.s32 $0x2A80;
	s14 =	simm.s32 $0x1  }
0x5: {  	s5 =	sand.u32 $0x1, s0;
	s0 =	rddreg [dreg:$0x2];
	s7 =	smul.u32 $0x500, s1  }
0x6: {  	s15 =	simm.s32 $0x0;
	[smem:$0x7FF] =	sst s3;
	s8 =	smul.u32 $0x280, s1  }
0x7: {  	s31 =	sshll.u32 s1, $0x6;
	s6 =	smul.u32 $0x5000, s5;
	_ =	strace $0x80000047  }
0x8: {  	s9 =	ssub.s32 $0x2, s5;
	p0 =	seq.s32 s5, $0x1;
	s5 =	sor.u32 $0x1C02, s31  }
0x9: {  	s26 =	sshrl.u32 s8, $0x3;
	s28 =	sshrl.u32 s9, $0x1;
	s30 =	sadd.s32 s8, s2  }
0xa: {  	s11 =	simm.s32 @!p0 $0x1AE00;
	s6 =	sadd.s32 s7, s6;
	s10 =	sadd.s32 s26, s4  }
0xb: {  	s29 =	ssub.s32 s9, s28;
	s9 =	sshrl.u32 s30, $0x3;
	s6 =	sadd.s32 s6, s4  }
0xc: {  	s4 =	sadd.s32 $0x1A800, s10;
	s7 =	smax.u32 s29, $0x1;
	s8 =	sadd.s32 s11, s10  }
0xd: {  	v0 =	vimm.f32 $1.000000000e+00;
	s10 =	simm.s32 $0x2;
	s11 =	simm.s32 $0x280;
	s6 =	sadd.s32 $0x10800, s6  }
.LBB2_1:
0xe: {  	[tilespmem:$0x2A80] =	vst v0  }
0xf: {  	[tilespmem:$0x2A90] =	vst v0  }
0x10: {  	[tilespmem:$0x2AA0] =	vst v0  }
0x11: {  	[tilespmem:$0x2AB0] =	vst v0  }
0x12: {  	[tilespmem:$0x2AC0] =	vst v0  }
0x13: {  	[tilespmem:$0x2AD0] =	vst v0  }
0x14: {  	[tilespmem:$0x2AE0] =	vst v0  }
0x15: {  	[tilespmem:$0x2AF0] =	vst v0  }
0x16: {  	[spmem:s9], [sflag:s5] =	dma.local [hbm:s4], $0x50  }
0x17: {  	_ =	swait.ge [sflag:s10], $0x50  }
0x18: {  	[sflag:s10] =	ssyncset.done $0x0  }
0x19: {  	[sflag:s10] =	ssyncadd.s32 $0xFFFFFFB0  }
0x1a: {  	[tilespmem:s11], [sflag:$0x2] =	stream.linear.gather [hbm4b:s6+s3], $0x2800, $0x38;
	[tilespmem:$0x2B00] =	vst v63  }
0x1b: {  	_ =	swait.ge [sflag:s10], $0x2800  }
0x1c: {  	[sflag:s10] =	ssyncset.done $0x0  }
0x1d: {  	[sflag:s10] =	ssyncadd.s32 $0xFFFFD800  }
0x1e: {  	s16 =	simm.s32 $0x0;
	[bflag:$0x0] =	sbarrier.arrive $0xFFFF  }
.LBB2_2:
0x1f: {  	p0 =	sne.s32 s16, $0x9E00  }
.Ltmp0:
0x20: {  	_ = 	snop;
	(pc) =	sbr.rel @p0 .LBB2_2-.Ltmp0, $4  }
0x21: {  	_ = 	snop  }
0x22: {  	s17 =	sshra.s32 s16, $0x2  }
0x23: {  	s16 =	sadd.s32 $0x200, s16;
	s17 =	sadd.s32 $0x280, s17  }
0x24: {  	[spmem:s2] =	stream.indirect.scatter.add.f32 [tilespmem:s13], [sflag:$0x1], $0x1, s17, s12, $0xb8;
	[tilespmem:$0x2B00] =	vst v63  }
0x25: {  	_ =	swait.ge [sflag:s14], $0x80  }
0x26: {  	s16 =	simm.s32 $0x4F;
	[sflag:s14] =	ssyncset.done $0x0  }
.LBB2_4:
0x27: {  	p0 =	sne.s32 s16, $0x1;
	s16 =	sadd.s32 $0xFFFFFFFF, s16;
	[sflag:s14] =	ssyncadd.s32 $0xFFFFFF80  }
.Ltmp1:
0x28: {  	(pc) =	sbr.rel @p0 .LBB2_4-.Ltmp1, $3  }
0x29: {  	_ =	sdelay $0x1  }
0x2a: {  	_ =	swait.ge [sflag:s14], $0x80  }
0x2b: {  	[sflag:s14] =	ssyncset.done $0x0  }
0x2c: {  	s15 =	sadd.s32 $0x1, s15  }
0x2d: {  	[sflag:s14] =	ssyncadd.s32 $0xFFFFFF80;
	p0 =	sne.s32 s15, s7  }
.Ltmp2:
0x2e: {  	[bflag:$0x0] =	sbarrier.arrive $0xFFFF;
	(pc) =	sbr.rel @p0 .LBB2_1-.Ltmp2, $4  }
0x2f: {  	[hbm:s8], [sflag:s5] =	dma.local [spmem:s9], $0x50  }
0x30: {  	_ =	swait.ge [sflag:s10], $0x50  }
0x31: {  	[sflag:s10] =	ssyncset.done $0x0  }
0x32: {  	[sflag:s10] =	ssyncadd.s32 $0xFFFFFFB0  }
0x33: {  	_ =	sfence.sel $0x180000  }
0x34: {  	[bflag:$0x0] =	sbarrier.arrive $0xFFFF  }
0x35: {  	p0 =	sne.s32 s1, $0x0;
	_ =	strace $0x90000047  }
0x36: {  	s0 =	sadd.s32 @!p0 $0x100000, s0;
	[bflag:$0x2] =	sbarrier.arrive $0xFFFF  }
0x37: {  	[sflag:s0] =	ssyncadd.tile.s32 @!p0 $0x1;
	_ =	shalt  }
.Lfunc_end2:
_tile_overlayer_lowered:
.L_overlay_start_2:
0x38: {  	(tag) =	ssettag $0x2  }
0x39: {  	s0 =	rddreg [dreg:$0x0];
	s2 =	stileid.u32  }
0x3a: {  	s1 =	rddreg [dreg:$0x1];
	p0 =	sne.s32 s2, $0x0  }
0x3b: {  	s3 =	rddreg [dreg:$0x2];
	[bflag:$0x3] =	sbarrier.arrive $0xFFFF;
	s2 =	simm.s32 @!p0 $0x1C02  }
0x3c: {  	[timem:s3], [sflag:s2] =	dma.local @!p0 [hbm:s0], s1  }
0x3d: {  	s0 =	simm.s32 @!p0 $0x2  }
0x3e: {  	_ =	swait.ge @!p0 [sflag:s0], s1  }
0x3f: {  	s1 =	ssub.s32 @!p0 $0x0, s1;
	[sflag:s0] =	ssyncset.done @!p0 $0x0  }
0x40: {  	[sflag:s0] =	ssyncadd.s32 @!p0 s1  }
0x41: {  	[bflag:$0x3] =	sbarrier.arrive $0xFFFF  }
0x42: {  	_ =	shalt  }

// kernel: kernel.13.cloned.1.call-start
scs
__scs_entry_jumppad:
0x0: {  	(pc) =	sbr.rel $0x88, $3  }
0x1: {  	(tag) =	ssettag $0x0;
	lr =	simm.s32 $0x1  }
0x2: {  	[smem:$0x3F8D] =	sst lr;
	_ =	strace $0xD0000000  }
0x3: {  	_ = 	snop  }
0x4: {  	_ = 	snop  }
0x5: {  	_ = 	snop  }
0x6: {  	_ = 	snop  }
0x7: {  	_ = 	snop  }
__scs_overlays_trampoline_lowered:
0x8: {  	[smem:$0x3F9C] =	sst s0  }
0x9: {  	[smem:$0x3F9D] =	sst s1  }
0xa: {  	[smem:$0x3F9E] =	sst s2  }
0xb: {  	[smem:$0x3F9F] =	sst s3  }
0xc: {  	[smem:$0x3FA0] =	sst s4  }
0xd: {  	[smem:$0x3FA1] =	sst s5  }
0xe: {  	[smem:$0x3FA2] =	sst s6  }
0xf: {  	[smem:$0x3FA3] =	sst s7  }
0x10: {  	[smem:$0x3FA4] =	sst s8  }
0x11: {  	[smem:$0x3FA5] =	sst s9;
	s0 =	simm.s32 @!p0 $0x0  }
0x12: {  	s1 =	sld [smem:$0x3F8B];
	s0 =	simm.s32 @p0 $0x1  }
0x13: {  	[smem:$0x3FA6] =	sst s0;
	s0 =	simm.s32 @!p1 $0x0  }
0x14: {  	s2 =	sld [smem:$0x3F8A];
	s0 =	simm.s32 @p1 $0x1  }
0x15: {  	[smem:$0x3FA7] =	sst s0;
	s0 =	simm.s32 @!p2 $0x0  }
0x16: {  	s3 =	sld [smem:$0x3FDB];
	s0 =	simm.s32 @p2 $0x1  }
0x17: {  	s4 =	simm.s32 $0x1BF5;
	[smem:$0x3FA9] =	sst s0  }
0x18: {  	s0 =	sld [smem:$0x3F8C];
	_ =	swait.ge [sflag:s4], $0x0  }
0x19: {  	s7 =	sld [smem:$0x3F8D]  }
0x1a: {  	s8 =	sadd.s32 $0xFFFFE003, lr  }
0x1b: {  	s9 =	sadd.s32 $0xFFFFFEF7, lr;
	s5 =	simm.s32 $0xFFFFFFFF;
	p2 =	slt.u32 s8, $0xFFFFF086  }
0x1c: {  	p1 =	slt.u32 s9, $0xF7A;
	s5 =	simm.s32 @!p2 $0x0  }
0x1d: {  	s5 =	simm.s32 @p1 $0x1;
	p0 =	seq.s32 s7, s2  }
0x1e: {  	s7 =	smul.u32 @!p0 $0xF7A, s2;
	p2 =	seq.s32 @!p0 s5, $0x0  }
0x1f: {  	s9 =	smul.u32 $0xF7A, s1;
	s8 =	simm.s32 @!p0 $0x1BF5;
	p2 =	por !p2, p0  }
0x20: {  	[sflag:s8] =	ssyncset.s32 @!p0 $0xFFFFF086;
	s6 =	sadd.s32 @!p0 s3, s7;
	s7 =	simm.s32 @!p0 $0x108  }
0x21: {  	s3 =	sadd.s32 s3, s9;
	s6 =	sadd.s32 @!p0 $0x88, s6;
	s7 =	simm.s32 @p2 $0x1082  }
0x22: {  	[simem:s7], [sflag:s8] =	dma.local @!p0 [hbm:s6], $0xF7A  }
0x23: {  	s9 =	sor.u32 $0xD0000000, s2;
	s6 =	simm.s32 $0x108;
	_ =	swait.ge @!p0 [sflag:s8], $0x0  }
0x24: {  	s3 =	sadd.s32 $0x88, s3;
	s6 =	simm.s32 @!p1 $0x1082;
	[sflag:s4] =	ssyncset.s32 $0xFFFFF086  }
0x25: {  	[simem:s6], [sflag:s4] =	dma.local [hbm:s3], $0xF7A  }
0x26: {  	[smem:$0x3F8D] =	sst s1;
	(tag) =	ssettag s2;
	_ =	strace s9  }
0x27: {  	s1 =	sld [smem:$0x3F9D]  }
0x28: {  	s2 =	sld [smem:$0x3F9E]  }
0x29: {  	s4 =	sld [smem:$0x3FA0]  }
0x2a: {  	p0 =	seq.s32 s5, $0x0;
	s5 =	sld [smem:$0x3FA1]  }
0x2b: {  	s6 =	sld [smem:$0x3FA2]  }
0x2c: {  	s7 =	sld [smem:$0x3FA3]  }
0x2d: {  	s3 =	simm.s32 $0x108;
	s8 =	sld [smem:$0x3FA4]  }
0x2e: {  	s3 =	simm.s32 @!p0 $0x1082;
	s9 =	sld [smem:$0x3FA5]  }
0x2f: {  	lr =	sadd.s32 s0, s3;
	s0 =	sld [smem:$0x3F9C]  }
0x30: {  	s3 =	sld [smem:$0x3F9F]  }
0x31: {  	[smem:$0x3FA8] =	sst s10  }
0x32: {  	s10 =	sld [smem:$0x3FA6];
	_ =	sdelay $0x3  }
0x33: {  	p0 =	seq.s32 s10, $0x1;
	s10 =	sld [smem:$0x3FA8];
	_ =	sdelay $0x3  }
0x34: {  	[smem:$0x3FA8] =	sst s10  }
0x35: {  	s10 =	sld [smem:$0x3FA7];
	_ =	sdelay $0x3  }
0x36: {  	p1 =	seq.s32 s10, $0x1;
	s10 =	sld [smem:$0x3FA8];
	_ =	sdelay $0x3  }
0x37: {  	[smem:$0x3FA8] =	sst s10  }
0x38: {  	s10 =	sld [smem:$0x3FA9]  }
0x39: {  	_ = 	snop;
	(pc) =	sbr.ind lr, $3  }
0x3a: {  	_ = 	snop  }
0x3b: {  	_ = 	snop  }
0x3c: {  	p2 =	seq.s32 s10, $0x1;
	s10 =	sld [smem:$0x3FA8]  }
0x3d: {  	_ =	shalt  }
0x3e: {  	_ =	shalt  }
0x3f: {  	_ =	shalt  }
0x40: {  	_ =	shalt  }
0x41: {  	_ =	shalt  }
0x42: {  	_ =	shalt  }
0x43: {  	_ =	shalt  }
0x44: {  	_ =	shalt  }
0x45: {  	_ =	shalt  }
0x46: {  	_ =	shalt  }
0x47: {  	_ =	shalt  }
0x48: {  	_ =	shalt  }
0x49: {  	_ =	shalt  }
0x4a: {  	_ =	shalt  }
0x4b: {  	_ =	shalt  }
0x4c: {  	_ =	shalt  }
0x4d: {  	_ =	shalt  }
0x4e: {  	_ =	shalt  }
0x4f: {  	_ =	shalt  }
0x50: {  	_ =	shalt  }
0x51: {  	_ =	shalt  }
0x52: {  	_ =	shalt  }
0x53: {  	_ =	shalt  }
0x54: {  	_ =	shalt  }
0x55: {  	_ =	shalt  }
0x56: {  	_ =	shalt  }
0x57: {  	_ =	shalt  }
0x58: {  	_ =	shalt  }
0x59: {  	_ =	shalt  }
0x5a: {  	_ =	shalt  }
0x5b: {  	_ =	shalt  }
0x5c: {  	_ =	shalt  }
0x5d: {  	_ =	shalt  }
0x5e: {  	_ =	shalt  }
0x5f: {  	_ =	shalt  }
0x60: {  	_ =	shalt  }
0x61: {  	_ =	shalt  }
0x62: {  	_ =	shalt  }
0x63: {  	_ =	shalt  }
0x64: {  	_ =	shalt  }
0x65: {  	_ =	shalt  }
0x66: {  	_ =	shalt  }
0x67: {  	_ =	shalt  }
0x68: {  	_ =	shalt  }
0x69: {  	_ =	shalt  }
0x6a: {  	_ =	shalt  }
0x6b: {  	_ =	shalt  }
0x6c: {  	_ =	shalt  }
0x6d: {  	_ =	shalt  }
0x6e: {  	_ =	shalt  }
0x6f: {  	_ =	shalt  }
0x70: {  	_ =	shalt  }
0x71: {  	_ =	shalt  }
0x72: {  	_ =	shalt  }
0x73: {  	_ =	shalt  }
0x74: {  	_ =	shalt  }
0x75: {  	_ =	shalt  }
0x76: {  	_ =	shalt  }
0x77: {  	_ =	shalt  }
0x78: {  	_ =	shalt  }
0x79: {  	_ =	shalt  }
0x7a: {  	_ =	shalt  }
0x7b: {  	_ =	shalt  }
0x7c: {  	_ =	shalt  }
0x7d: {  	_ =	shalt  }
0x7e: {  	_ =	shalt  }
0x7f: {  	_ =	shalt  }
0x80: {  	_ =	shalt  }
0x81: {  	_ =	shalt  }
0x82: {  	_ =	shalt  }
0x83: {  	_ =	shalt  }
0x84: {  	_ =	shalt  }
0x85: {  	_ =	shalt  }
0x86: {  	_ =	shalt  }
0x87: {  	_ =	shalt  }
.Lfunc_end0:
.L_simem_size_0:
called_computation.1_lowered:
.L_overlay_start_0:
0x88: {  	s2 =	sld [smem:$0x3FD9]  }
0x89: {  	s3 =	sld [smem:$0x3FFE];
	_ =	sdelay $0x1  }
0x8a: {  	s1 =	srdreg.scid  }
0x8b: {  	s0 =	sand.u32 $0x1, s1  }
0x8c: {  	s16 =	sshll.u32 s0, $0xA;
	s2 =	sadd.s32 s3, s2  }
0x8d: {  	s2 =	sadd.s32 s2, s16  }
0x8e: {  	[smem:$0x3FB4] =	sst s2  }
0x8f: {  	_ = 	snop  }
0x90: {  	(tm) =	ssettm $0x1  }
0x91: {  	s17 =	sld [smem:$0x3FFB];
	_ =	sdelay $0x3  }
0x92: {  	_ =	strace s17  }
0x93: {  	s2 =	sld [smem:$0x3FFC];
	_ =	sdelay $0x3  }
0x94: {  	_ =	strace s2  }
0x95: {  	s2 =	sld [smem:$0x3FFD];
	_ =	sdelay $0x3  }
0x96: {  	_ =	strace s2  }
0x97: {  	_ =	strace $0x8FFFFFFF  }
0x98: {  	s18 =	sld [smem:$0x3FDB];
	_ =	sdelay $0x1  }
0x99: {  	s19 =	simm.s32 $_scs_section_size  }
0x9a: {  	s4 =	simm.s32 $_size__tile_overlayer_lowered;
	s5 =	simm.s32 $_tile_overlayer_lowered  }
0x9b: {  	s22 =	simm.s32 $0x1BFF;
	s21 =	sshll.u32 s5, $0x1;
	s2 =	sadd.s32 s19, s18  }
0x9c: {  	s6 =	simm.s32 $0x0;
	s20 =	sshll.u32 s4, $0x1;
	s4 =	sadd.s32 s21, s2  }
0x9d: {  	[timem:s6], [sflag:s22] =	dma.local [hbm:s4], s20  }
0x9e: {  	_ =	swait.ge [sflag:s22], s20  }
0x9f: {  	s3 =	ssub.s32 $0x0, s20;
	[sflag:s22] =	ssyncset.done $0x0  }
0xa0: {  	[sflag:s22] =	ssyncadd.s32 s3;
	_ =	sdelay $0x1  }
0xa1: {  	s23 =	simm.s32 $0x1B8B  }
0xa2: {  	_ =	swait.ge [sflag:s23], $0x1  }
0xa3: {  	[sflag:s23] =	ssyncset.done $0x0  }
0xa4: {  	s25 =	simm.s32 $0x1B8E;
	s24 =	sld [smem:$0x3FFE];
	[sflag:s23] =	ssyncadd.s32 $0xFFFFFFFF  }
0xa5: {  	s26 =	simm.s32 $execute0_lowered;
	[smem:$0x3FD2] =	sst s25  }
0xa6: {  	s4 =	sshll.u32 s26, $0x1;
	_ =	strace $0x80000049;
	[dreg:$0x1] =	wrdreg $0xFFFFFFFF  }
0xa7: {  	s28 =	simm.s32 $_size_execute0_lowered;
	s2 =	sadd.s32 s2, s4;
	[dreg:$0x0] =	wrdreg $0x0  }
0xa8: {  	s4 =	sshll.u32 s28, $0x1;
	[dreg:$0x2] =	wrdreg s2  }
0xa9: {  	[dreg:$0x3] =	wrdreg s4  }
0xaa: {  	[dreg:$0x4] =	wrdreg $0xC0  }
0xab: {  	_ =	task [dreg:s6], $0x5FFFF  }
0xac: {  	[dreg:$0x1] =	wrdreg $0xFFFFFFFF  }
0xad: {  	[dreg:$0x0] =	wrdreg $0x60  }
0xae: {  	[dreg:$0x2] =	wrdreg s24  }
0xaf: {  	[dreg:$0x3] =	wrdreg $0x0  }
0xb0: {  	[dreg:$0x4] =	wrdreg $0x9  }
0xb1: {  	_ =	task.clear_ibuf [dreg:s6], $0x5FFFF;
	_ =	strace $0x90000049  }
0xb2: {  	s29 =	simm.s32 $0x9;
	_ =	strace $0x8000004B  }
0xb3: {  	_ =	swait.ge [sflag:s29], $0x1  }
0xb4: {  	[sflag:s29] =	ssyncadd.s32 $0xFFFFFFFF  }
0xb5: {  	_ =	strace $0x9000004B  }
0xb6: {  	_ =	sfence  }
0xb7: {  	s30 =	sld [smem:$0x0];
	_ =	sdelay $0x2  }
0xb8: {  	s31 =	sshll.u32 s1, $0xD;
	s1 =	sshrl.u32 s1, $0x2  }
0xb9: {  	s3 =	sand.u32 $0x4000, s31;
	s1 =	sadd.s32 s1, s30  }
0xba: {  	s0 =	sor.u32 s3, s0;
	s1 =	sshll.u32 s1, $0x11  }
0xbb: {  	s0 =	sor.u32 s1, s0  }
0xbc: {  	s0 =	sadd.s32 $0x8F2B, s0  }
0xbd: {  	[sflag:s0] =	ssyncadd.remote.s32 $0x1  }
0xbe: {  	_ =	sfence.sel $0xFFFF  }
0xbf: {  	[dreg:$0x0] =	wrdreg $0xFFFFFFFF;
	(pc) =	sbr.abs _section_cstart, $3  }
0xc0: {  	[dreg:$0x1] =	wrdreg $0xFFFFFFFF  }
0xc1: {  	_ =	task.clear_ibuf [dreg:s6], $0x2FFFF;
	_ =	strace $0x9FFFFFFF  }
0xc2: {  	(tm) =	ssettm $0x7FFFFFFF  }
0xc3: {  	_ =	shalt  }
tec
execute0_lowered:
.L_overlay_start_1:
0x0: {  	(tag) =	ssettag $0x1  }
0x1: {  	s10 =	rddreg [dreg:$0x0]  }
0x2: {  	s1 =	rddreg [dreg:$0x1];
	s3 =	simm.s32 $0x0  }
0x3: {  	s0 =	stileid.u32;
	s5 =	srdreg.scid;
	s16 =	simm.s32 $0x92800  }
0x4: {  	s17 =	simm.s32 $0x80;
	s18 =	simm.s32 $0x16800;
	s19 =	simm.s32 $0x1A800  }
0x5: {  	s20 =	simm.s32 $0x1;
	s21 =	simm.s32 $0x3;
	s22 =	simm.s32 $0x2  }
0x6: {  	s23 =	simm.s32 $0x4;
	s24 =	simm.s32 $0x15380;
	s25 =	simm.s32 $0x16700  }
0x7: {  	s26 =	simm.s32 $0x16780;
	s28 =	simm.s32 $0x0;
	[smem:$0x7FF] =	sst s3  }
0x8: {  	s4 =	sadd.s32 $0x1A800, s10;
	s6 =	smul.u32 $0x50000, s0;
	s11 =	sadd.s32 $0x6800, s10  }
0x9: {  	s7 =	sand.u32 $0x1, s5;
	s12 =	smul.u32 $0x2800, s0;
	s13 =	sadd.s32 $0x10800, s10  }
0xa: {  	s14 =	smul.u32 $0x50, s0;
	s31 =	sshll.u32 s0, $0x6;
	_ =	strace $0x8000004A  }
0xb: {  	s5 =	ssub.s32 $0x2, s7;
	s8 =	smul.u32 $0x500, s7;
	p0 =	seq.s32 s7, $0x1  }
0xc: {  	s9 =	sshrl.u32 s5, $0x1;
	s6 =	sshrl.u32 s6, $0x2;
	s16 =	simm.s32 @!p0 $0x6A800  }
0xd: {  	s9 =	ssub.s32 s5, s9;
	s15 =	sadd.s32 s6, s1;
	s5 =	sadd.s32 s4, s12  }
0xe: {  	s6 =	sor.u32 $0x1C05, s31;
	s8 =	sadd.s32 s14, s8;
	s16 =	sadd.s32 s16, s10  }
0xf: {  	s14 =	sshll.u32 s8, $0x4;
	s7 =	smax.u32 s9, $0x1;
	s12 =	sadd.s32 s16, s12  }
0x10: {  	s8 =	sadd.s32 s11, s14;
	s9 =	sadd.s32 s13, s14;
	s14 =	sadd.s32 $0x280, s14  }
0x11: {  	s16 =	simm.s32 $0x15400;
	s10 =	sadd.s32 s11, s14;
	s11 =	sadd.s32 s13, s14  }
0x12: {  	s13 =	sshrl.u32 s15, $0x3;
	s14 =	simm.s32 $0x5;
	s15 =	simm.s32 $0x14000  }
.LBB2_1:
0x13: {  	[spmem:s13], [sflag:s6] =	dma.local [hbm:s5], $0x2800  }
0x14: {  	_ =	swait.ge [sflag:s14], $0x2800  }
0x15: {  	[sflag:s14] =	ssyncset.done $0x0  }
0x16: {  	[sflag:s14] =	ssyncadd.s32 $0xFFFFD800  }
0x17: {  	[bflag:$0x0] =	sbarrier.arrive $0xFFFF  }
0x18: {  	[tilespmem:s15], [sflag:$0x5] =	stream.linear.gather [hbm4b:s8+s3], $0x1400, $0x38;
	[tilespmem:$0x1E800] =	vst v63  }
0x19: {  	_ =	swait.ge [sflag:s14], $0x1400  }
0x1a: {  	[sflag:s14] =	ssyncset.done $0x0  }
0x1b: {  	[sflag:s14] =	ssyncadd.s32 $0xFFFFEC00  }
0x1c: {  	[tilespmem:s16], [sflag:$0x5] =	stream.linear.gather [hbm4b:s9+s3], $0x1400, $0x38;
	[tilespmem:$0x1E800] =	vst v63  }
0x1d: {  	_ =	swait.ge [sflag:s14], $0x1400  }
0x1e: {  	p0 =	por $0x1, $0x1;
	[sflag:s14] =	ssyncset.done $0x0  }
0x1f: {  	s29 =	simm.s32 @!p0 $0x4;
	[sflag:s14] =	ssyncadd.s32 $0xFFFFEC00  }
0x20: {  	[tilespmem:s18], [sflag:$0x1] =	stream.indirect.gather [hbm4b:s4+s17], $0x80, s15, s17, $0xb8;
	[tilespmem:$0x1E800] =	vst v63  }
0x21: {  	_ =	swait.ge @!p0 [sflag:s29], $0x4000  }
0x22: {  	[sflag:s29] =	ssyncset.done @!p0 $0x0  }
0x23: {  	[sflag:s29] =	ssyncadd.s32 @!p0 $0xFFFFC000;
	s29 =	simm.s32 $0x14080  }
0x24: {  	[tilespmem:s19], [sflag:$0x2] =	stream.indirect.gather [hbm4b:s4+s17], $0x80, s29, s17, $0xb8;
	[tilespmem:$0x1E800] =	vst v63  }
0x25: {  	_ =	swait.ge [sflag:s20], $0x4000  }
0x26: {  	[sflag:s20] =	ssyncset.done $0x0  }
0x27: {  	s29 =	simm.s32 $0x15400;
	[sflag:s20] =	ssyncadd.s32 $0xFFFFC000  }
0x28: {  	[spmem:s1] =	stream.indirect.scatter.add.f32 [tilespmem:s18], [sflag:$0x3], $0x80, s29, s17, $0xb8;
	[tilespmem:$0x1E800] =	vst v63  }
0x29: {  	_ =	swait.ge [sflag:s21], $0x4000  }
0x2a: {  	[sflag:s21] =	ssyncset.done $0x0  }
0x2b: {  	s29 =	simm.s32 $0x14100;
	[sflag:s21] =	ssyncadd.s32 $0xFFFFC000  }
0x2c: {  	[tilespmem:s18], [sflag:$0x1] =	stream.indirect.gather [hbm4b:s4+s17], $0x80, s29, s17, $0xb8;
	[tilespmem:$0x1E800] =	vst v63  }
0x2d: {  	s30 =	simm.s32 $0x800;
	p1 =	por $0x0, $0x0;
	_ =	swait.ge [sflag:s22], $0x4000  }
0x2e: {  	s31 =	simm.s32 $0x15480;
	s29 =	simm.s32 $0x400;
	[sflag:s22] =	ssyncset.done $0x0  }
.LBB2_2:
0x2f: {  	s0 =	simm.s32 @!p1 $0x4  }
0x30: {  	[sflag:s22] =	ssyncadd.s32 $0xFFFFC000;
	s2 =	smov.u32 s30;
	s30 =	sadd.s32 $0x400, s30  }
0x31: {  	[spmem:s1] =	stream.indirect.scatter.add.f32 [tilespmem:s19], [sflag:$0x4], $0x80, s31, s17, $0xb8;
	[tilespmem:$0x1E800] =	vst v63  }
0x32: {  	p0 =	sne.s32 s30, $0x4C00;
	_ =	swait.ge @!p1 [sflag:s0], $0x4000  }
0x33: {  	s31 =	sshra.s32 s29, $0x2;
	s29 =	smov.u32 s2;
	[sflag:s0] =	ssyncset.done @!p1 $0x0  }
0x34: {  	[sflag:s0] =	ssyncadd.s32 @!p1 $0xFFFFC000;
	s0 =	sadd.s32 $0x14080, s31  }
0x35: {  	[tilespmem:s19], [sflag:$0x2] =	stream.indirect.gather [hbm4b:s4+s17], $0x80, s0, s17, $0xb8;
	[tilespmem:$0x1E800] =	vst v63  }
0x36: {  	_ =	swait.ge [sflag:s20], $0x4000  }
0x37: {  	[sflag:s20] =	ssyncset.done $0x0  }
0x38: {  	s0 =	sadd.s32 $0x15400, s31;
	[sflag:s20] =	ssyncadd.s32 $0xFFFFC000  }
0x39: {  	[spmem:s1] =	stream.indirect.scatter.add.f32 [tilespmem:s18], [sflag:$0x3], $0x80, s0, s17, $0xb8;
	[tilespmem:$0x1E800] =	vst v63  }
0x3a: {  	_ =	swait.ge [sflag:s21], $0x4000  }
.Ltmp0:
0x3b: {  	[sflag:s21] =	ssyncset.done $0x0;
	(pc) =	sbr.rel @p0 .LBB2_2-.Ltmp0, $4  }
0x3c: {  	s0 =	sadd.s32 $0x14100, s31;
	[sflag:s21] =	ssyncadd.s32 $0xFFFFC000  }
0x3d: {  	[tilespmem:s18], [sflag:$0x1] =	stream.indirect.gather [hbm4b:s4+s17], $0x80, s0, s17, $0xb8;
	[tilespmem:$0x1E800] =	vst v63  }
0x3e: {  	_ =	swait.ge [sflag:s22], $0x4000  }
0x3f: {  	p1 =	seq.s32 s29, $0x0;
	s31 =	sadd.s32 $0x15480, s31;
	[sflag:s22] =	ssyncset.done $0x0  }
0x40: {  	s0 =	simm.s32 @!p1 $0x4;
	[sflag:s22] =	ssyncadd.s32 $0xFFFFC000  }
0x41: {  	[spmem:s1] =	stream.indirect.scatter.add.f32 [tilespmem:s19], [sflag:$0x4], $0x80, s31, s17, $0xb8;
	[tilespmem:$0x1E800] =	vst v63  }
0x42: {  	_ =	swait.ge @!p1 [sflag:s0], $0x4000  }
0x43: {  	s2 =	sshra.s32 s29, $0x2;
	[sflag:s0] =	ssyncset.done @!p1 $0x0  }
0x44: {  	s31 =	sadd.s32 $0x14080, s2;
	[sflag:s0] =	ssyncadd.s32 @!p1 $0xFFFFC000  }
0x45: {  	[tilespmem:s19], [sflag:$0x2] =	stream.indirect.gather [hbm4b:s4+s17], $0x80, s31, s17, $0xb8;
	[tilespmem:$0x1E800] =	vst v63  }
0x46: {  	_ =	swait.ge [sflag:s20], $0x4000  }
0x47: {  	[sflag:s20] =	ssyncset.done $0x0  }
0x48: {  	s31 =	sadd.s32 $0x15400, s2;
	[sflag:s20] =	ssyncadd.s32 $0xFFFFC000  }
0x49: {  	[spmem:s1] =	stream.indirect.scatter.add.f32 [tilespmem:s18], [sflag:$0x3], $0x80, s31, s17, $0xb8;
	[tilespmem:$0x1E800] =	vst v63  }
0x4a: {  	_ =	swait.ge [sflag:s21], $0x4000  }
0x4b: {  	[sflag:s21] =	ssyncset.done $0x0  }
0x4c: {  	s31 =	sadd.s32 $0x14100, s2;
	[sflag:s21] =	ssyncadd.s32 $0xFFFFC000  }
0x4d: {  	[tilespmem:s18], [sflag:$0x1] =	stream.indirect.gather [hbm4b:s4+s17], $0x80, s31, s17, $0xb8;
	[tilespmem:$0x1E800] =	vst v63  }
0x4e: {  	_ =	swait.ge [sflag:s22], $0x4000  }
0x4f: {  	[sflag:s22] =	ssyncset.done $0x0  }
0x50: {  	s31 =	sadd.s32 $0x15480, s2;
	[sflag:s22] =	ssyncadd.s32 $0xFFFFC000  }
0x51: {  	[spmem:s1] =	stream.indirect.scatter.add.f32 [tilespmem:s19], [sflag:$0x4], $0x80, s31, s17, $0xb8;
	[tilespmem:$0x1E800] =	vst v63  }
0x52: {  	_ =	swait.ge [sflag:s23], $0x4000  }
0x53: {  	[sflag:s23] =	ssyncset.done $0x0  }
0x54: {  	[sflag:s23] =	ssyncadd.s32 $0xFFFFC000  }
0x55: {  	[tilespmem:s19], [sflag:$0x2] =	stream.indirect.gather [hbm4b:s4+s17], $0x80, s24, s17, $0xb8;
	[tilespmem:$0x1E800] =	vst v63  }
0x56: {  	_ =	swait.ge [sflag:s20], $0x4000  }
0x57: {  	[sflag:s20] =	ssyncset.done $0x0  }
0x58: {  	[sflag:s20] =	ssyncadd.s32 $0xFFFFC000  }
0x59: {  	[spmem:s1] =	stream.indirect.scatter.add.f32 [tilespmem:s18], [sflag:$0x3], $0x80, s25, s17, $0xb8;
	[tilespmem:$0x1E800] =	vst v63  }
0x5a: {  	_ =	swait.ge [sflag:s22], $0x4000  }
0x5b: {  	[sflag:s22] =	ssyncset.done $0x0  }
0x5c: {  	[sflag:s22] =	ssyncadd.s32 $0xFFFFC000  }
0x5d: {  	[spmem:s1] =	stream.indirect.scatter.add.f32 [tilespmem:s19], [sflag:$0x4], $0x80, s26, s17, $0xb8;
	[tilespmem:$0x1E800] =	vst v63  }
0x5e: {  	s2 =	simm.s32 $0x0  }
0x5f: {  	[tilespmem:s15], [sflag:$0x5] =	stream.linear.gather [hbm4b:s10+s2], $0x1400, $0x38;
	[tilespmem:$0x1E800] =	vst v63  }
0x60: {  	_ =	swait.ge [sflag:s14], $0x1400  }
0x61: {  	[sflag:s14] =	ssyncset.done $0x0  }
0x62: {  	[sflag:s14] =	ssyncadd.s32 $0xFFFFEC00  }
0x63: {  	[tilespmem:s16], [sflag:$0x5] =	stream.linear.gather [hbm4b:s11+s2], $0x1400, $0x38;
	[tilespmem:$0x1E800] =	vst v63  }
0x64: {  	_ =	swait.ge [sflag:s14], $0x1400  }
0x65: {  	[sflag:s14] =	ssyncset.done $0x0  }
0x66: {  	[sflag:s14] =	ssyncadd.s32 $0xFFFFEC00  }
0x67: {  	_ =	swait.ge [sflag:s21], $0x4000  }
0x68: {  	[sflag:s21] =	ssyncset.done $0x0  }
0x69: {  	[sflag:s21] =	ssyncadd.s32 $0xFFFFC000  }
0x6a: {  	[tilespmem:s18], [sflag:$0x1] =	stream.indirect.gather [hbm4b:s4+s17], $0x80, s15, s17, $0xb8;
	[tilespmem:$0x1E800] =	vst v63  }
0x6b: {  	_ =	swait.ge [sflag:s23], $0x4000  }
0x6c: {  	[sflag:s23] =	ssyncset.done $0x0  }
0x6d: {  	s31 =	simm.s32 $0x14080;
	[sflag:s23] =	ssyncadd.s32 $0xFFFFC000  }
0x6e: {  	[tilespmem:s19], [sflag:$0x2] =	stream.indirect.gather [hbm4b:s4+s17], $0x80, s31, s17, $0xb8;
	[tilespmem:$0x1E800] =	vst v63  }
0x6f: {  	_ =	swait.ge [sflag:s20], $0x4000  }
0x70: {  	[sflag:s20] =	ssyncset.done $0x0  }
0x71: {  	s2 =	simm.s32 $0x15400;
	[sflag:s20] =	ssyncadd.s32 $0xFFFFC000  }
0x72: {  	[spmem:s1] =	stream.indirect.scatter.add.f32 [tilespmem:s18], [sflag:$0x3], $0x80, s2, s17, $0xb8;
	[tilespmem:$0x1E800] =	vst v63  }
0x73: {  	_ =	swait.ge [sflag:s21], $0x4000  }
0x74: {  	[sflag:s21] =	ssyncset.done $0x0  }
0x75: {  	s31 =	simm.s32 $0x14100;
	[sflag:s21] =	ssyncadd.s32 $0xFFFFC000  }
0x76: {  	[tilespmem:s18], [sflag:$0x1] =	stream.indirect.gather [hbm4b:s4+s17], $0x80, s31, s17, $0xb8;
	[tilespmem:$0x1E800] =	vst v63  }
0x77: {  	_ =	swait.ge [sflag:s22], $0x4000  }
0x78: {  	[sflag:s22] =	ssyncset.done $0x0  }
0x79: {  	s29 =	simm.s32 $0x400;
	s30 =	simm.s32 $0x15480;
	[sflag:s22] =	ssyncadd.s32 $0xFFFFC000  }
.LBB2_4:
0x7a: {  	[spmem:s1] =	stream.indirect.scatter.add.f32 [tilespmem:s19], [sflag:$0x4], $0x80, s30, s17, $0xb8;
	[tilespmem:$0x1E800] =	vst v63  }
0x7b: {  	s0 =	smov.u32 s29  }
0x7c: {  	p0 =	sne.s32 s29, $0x4800;
	s29 =	sadd.s32 $0x400, s29;
	_ =	swait.ge [sflag:s23], $0x4000  }
0x7d: {  	s0 =	sshra.s32 s0, $0x2;
	[sflag:s23] =	ssyncset.done $0x0  }
0x7e: {  	s2 =	sadd.s32 $0x14080, s0;
	[sflag:s23] =	ssyncadd.s32 $0xFFFFC000  }
0x7f: {  	[tilespmem:s19], [sflag:$0x2] =	stream.indirect.gather [hbm4b:s4+s17], $0x80, s2, s17, $0xb8;
	[tilespmem:$0x1E800] =	vst v63  }
0x80: {  	_ =	swait.ge [sflag:s20], $0x4000  }
0x81: {  	[sflag:s20] =	ssyncset.done $0x0  }
0x82: {  	s2 =	sadd.s32 $0x15400, s0;
	[sflag:s20] =	ssyncadd.s32 $0xFFFFC000  }
0x83: {  	[spmem:s1] =	stream.indirect.scatter.add.f32 [tilespmem:s18], [sflag:$0x3], $0x80, s2, s17, $0xb8;
	[tilespmem:$0x1E800] =	vst v63  }
0x84: {  	_ =	swait.ge [sflag:s21], $0x4000  }
0x85: {  	[sflag:s21] =	ssyncset.done $0x0  }
.Ltmp1:
0x86: {  	s2 =	sadd.s32 $0x14100, s0;
	[sflag:s21] =	ssyncadd.s32 $0xFFFFC000;
	(pc) =	sbr.rel @p0 .LBB2_4-.Ltmp1, $4  }
0x87: {  	[tilespmem:s18], [sflag:$0x1] =	stream.indirect.gather [hbm4b:s4+s17], $0x80, s2, s17, $0xb8;
	[tilespmem:$0x1E800] =	vst v63  }
0x88: {  	_ =	swait.ge [sflag:s22], $0x4000  }
0x89: {  	[sflag:s22] =	ssyncset.done $0x0  }
0x8a: {  	s30 =	sadd.s32 $0x15480, s0;
	[sflag:s22] =	ssyncadd.s32 $0xFFFFC000  }
0x8b: {  	[spmem:s1] =	stream.indirect.scatter.add.f32 [tilespmem:s19], [sflag:$0x4], $0x80, s30, s17, $0xb8;
	[tilespmem:$0x1E800] =	vst v63  }
0x8c: {  	_ =	swait.ge [sflag:s23], $0x4000  }
0x8d: {  	[sflag:s23] =	ssyncset.done $0x0  }
0x8e: {  	[sflag:s23] =	ssyncadd.s32 $0xFFFFC000  }
0x8f: {  	[tilespmem:s19], [sflag:$0x2] =	stream.indirect.gather [hbm4b:s4+s17], $0x80, s24, s17, $0xb8;
	[tilespmem:$0x1E800] =	vst v63  }
0x90: {  	_ =	swait.ge [sflag:s20], $0x4000  }
0x91: {  	[sflag:s20] =	ssyncset.done $0x0  }
0x92: {  	[sflag:s20] =	ssyncadd.s32 $0xFFFFC000  }
0x93: {  	[spmem:s1] =	stream.indirect.scatter.add.f32 [tilespmem:s18], [sflag:$0x3], $0x80, s25, s17, $0xb8;
	[tilespmem:$0x1E800] =	vst v63  }
0x94: {  	_ =	swait.ge [sflag:s22], $0x4000  }
0x95: {  	[sflag:s22] =	ssyncset.done $0x0  }
0x96: {  	[sflag:s22] =	ssyncadd.s32 $0xFFFFC000  }
0x97: {  	[spmem:s1] =	stream.indirect.scatter.add.f32 [tilespmem:s19], [sflag:$0x4], $0x80, s26, s17, $0xb8;
	[tilespmem:$0x1E800] =	vst v63  }
0x98: {  	_ =	swait.ge [sflag:s21], $0x4000  }
0x99: {  	[sflag:s21] =	ssyncset.done $0x0  }
0x9a: {  	[sflag:s21] =	ssyncadd.s32 $0xFFFFC000  }
0x9b: {  	_ =	swait.ge [sflag:s23], $0x4000  }
0x9c: {  	s28 =	sadd.s32 $0x1, s28;
	[sflag:s23] =	ssyncset.done $0x0  }
0x9d: {  	p0 =	sne.s32 s28, s7;
	[sflag:s23] =	ssyncadd.s32 $0xFFFFC000  }
.Ltmp2:
0x9e: {  	[bflag:$0x0] =	sbarrier.arrive $0xFFFF;
	(pc) =	sbr.rel @p0 .LBB2_1-.Ltmp2, $4  }
0x9f: {  	[hbm:s12], [sflag:s6] =	dma.local [spmem:s13], $0x2800  }
0xa0: {  	_ =	swait.ge [sflag:s14], $0x2800  }
0xa1: {  	[sflag:s14] =	ssyncset.done $0x0  }
0xa2: {  	[sflag:s14] =	ssyncadd.s32 $0xFFFFD800  }
0xa3: {  	_ =	sfence.sel $0x180000  }
0xa4: {  	[bflag:$0x0] =	sbarrier.arrive $0xFFFF  }
0xa5: {  	_ =	strace $0x9000004A  }
0xa6: {  	s0 =	stileid.u32;
	[bflag:$0x2] =	sbarrier.arrive $0xFFFF  }
0xa7: {  	p0 =	sne.s32 s0, $0x0;
	s0 =	rddreg [dreg:$0x2]  }
0xa8: {  	s0 =	sadd.s32 @!p0 $0x100000, s0  }
0xa9: {  	[sflag:s0] =	ssyncadd.tile.s32 @!p0 $0x1;
	_ =	shalt  }
.Lfunc_end2:
_tile_overlayer_lowered:
.L_overlay_start_2:
0xaa: {  	(tag) =	ssettag $0x2  }
0xab: {  	s0 =	rddreg [dreg:$0x0];
	s2 =	stileid.u32  }
0xac: {  	s1 =	rddreg [dreg:$0x1];
	p0 =	sne.s32 s2, $0x0  }
0xad: {  	s3 =	rddreg [dreg:$0x2];
	[bflag:$0x3] =	sbarrier.arrive $0xFFFF;
	s2 =	simm.s32 @!p0 $0x1C05  }
0xae: {  	[timem:s3], [sflag:s2] =	dma.local @!p0 [hbm:s0], s1  }
0xaf: {  	s0 =	simm.s32 @!p0 $0x5  }
0xb0: {  	_ =	swait.ge @!p0 [sflag:s0], s1  }
0xb1: {  	s1 =	ssub.s32 @!p0 $0x0, s1;
	[sflag:s0] =	ssyncset.done @!p0 $0x0  }
0xb2: {  	[sflag:s0] =	ssyncadd.s32 @!p0 s1  }
0xb3: {  	[bflag:$0x3] =	sbarrier.arrive $0xFFFF  }
0xb4: {  	_ =	shalt  }

// kernel: kernel.16.cloned.1.call-start
scs
__scs_entry_jumppad:
0x0: {  	(pc) =	sbr.rel $0x88, $3  }
0x1: {  	(tag) =	ssettag $0x0;
	lr =	simm.s32 $0x1  }
0x2: {  	[smem:$0x3F8D] =	sst lr;
	_ =	strace $0xD0000000  }
0x3: {  	_ = 	snop  }
0x4: {  	_ = 	snop  }
0x5: {  	_ = 	snop  }
0x6: {  	_ = 	snop  }
0x7: {  	_ = 	snop  }
__scs_overlays_trampoline_lowered:
0x8: {  	[smem:$0x3F9C] =	sst s0  }
0x9: {  	[smem:$0x3F9D] =	sst s1  }
0xa: {  	[smem:$0x3F9E] =	sst s2  }
0xb: {  	[smem:$0x3F9F] =	sst s3  }
0xc: {  	[smem:$0x3FA0] =	sst s4  }
0xd: {  	[smem:$0x3FA1] =	sst s5  }
0xe: {  	[smem:$0x3FA2] =	sst s6  }
0xf: {  	[smem:$0x3FA3] =	sst s7  }
0x10: {  	[smem:$0x3FA4] =	sst s8  }
0x11: {  	[smem:$0x3FA5] =	sst s9;
	s0 =	simm.s32 @!p0 $0x0  }
0x12: {  	s1 =	sld [smem:$0x3F8B];
	s0 =	simm.s32 @p0 $0x1  }
0x13: {  	[smem:$0x3FA6] =	sst s0;
	s0 =	simm.s32 @!p1 $0x0  }
0x14: {  	s2 =	sld [smem:$0x3F8A];
	s0 =	simm.s32 @p1 $0x1  }
0x15: {  	[smem:$0x3FA7] =	sst s0;
	s0 =	simm.s32 @!p2 $0x0  }
0x16: {  	s3 =	sld [smem:$0x3FDB];
	s0 =	simm.s32 @p2 $0x1  }
0x17: {  	s4 =	simm.s32 $0x1BF5;
	[smem:$0x3FA9] =	sst s0  }
0x18: {  	s0 =	sld [smem:$0x3F8C];
	_ =	swait.ge [sflag:s4], $0x0  }
0x19: {  	s7 =	sld [smem:$0x3F8D]  }
0x1a: {  	s8 =	sadd.s32 $0xFFFFE003, lr  }
0x1b: {  	s9 =	sadd.s32 $0xFFFFFEF7, lr;
	s5 =	simm.s32 $0xFFFFFFFF;
	p2 =	slt.u32 s8, $0xFFFFF086  }
0x1c: {  	p1 =	slt.u32 s9, $0xF7A;
	s5 =	simm.s32 @!p2 $0x0  }
0x1d: {  	s5 =	simm.s32 @p1 $0x1;
	p0 =	seq.s32 s7, s2  }
0x1e: {  	s7 =	smul.u32 @!p0 $0xF7A, s2;
	p2 =	seq.s32 @!p0 s5, $0x0  }
0x1f: {  	s9 =	smul.u32 $0xF7A, s1;
	s8 =	simm.s32 @!p0 $0x1BF5;
	p2 =	por !p2, p0  }
0x20: {  	[sflag:s8] =	ssyncset.s32 @!p0 $0xFFFFF086;
	s6 =	sadd.s32 @!p0 s3, s7;
	s7 =	simm.s32 @!p0 $0x108  }
0x21: {  	s3 =	sadd.s32 s3, s9;
	s6 =	sadd.s32 @!p0 $0x88, s6;
	s7 =	simm.s32 @p2 $0x1082  }
0x22: {  	[simem:s7], [sflag:s8] =	dma.local @!p0 [hbm:s6], $0xF7A  }
0x23: {  	s9 =	sor.u32 $0xD0000000, s2;
	s6 =	simm.s32 $0x108;
	_ =	swait.ge @!p0 [sflag:s8], $0x0  }
0x24: {  	s3 =	sadd.s32 $0x88, s3;
	s6 =	simm.s32 @!p1 $0x1082;
	[sflag:s4] =	ssyncset.s32 $0xFFFFF086  }
0x25: {  	[simem:s6], [sflag:s4] =	dma.local [hbm:s3], $0xF7A  }
0x26: {  	[smem:$0x3F8D] =	sst s1;
	(tag) =	ssettag s2;
	_ =	strace s9  }
0x27: {  	s1 =	sld [smem:$0x3F9D]  }
0x28: {  	s2 =	sld [smem:$0x3F9E]  }
0x29: {  	s4 =	sld [smem:$0x3FA0]  }
0x2a: {  	p0 =	seq.s32 s5, $0x0;
	s5 =	sld [smem:$0x3FA1]  }
0x2b: {  	s6 =	sld [smem:$0x3FA2]  }
0x2c: {  	s7 =	sld [smem:$0x3FA3]  }
0x2d: {  	s3 =	simm.s32 $0x108;
	s8 =	sld [smem:$0x3FA4]  }
0x2e: {  	s3 =	simm.s32 @!p0 $0x1082;
	s9 =	sld [smem:$0x3FA5]  }
0x2f: {  	lr =	sadd.s32 s0, s3;
	s0 =	sld [smem:$0x3F9C]  }
0x30: {  	s3 =	sld [smem:$0x3F9F]  }
0x31: {  	[smem:$0x3FA8] =	sst s10  }
0x32: {  	s10 =	sld [smem:$0x3FA6];
	_ =	sdelay $0x3  }
0x33: {  	p0 =	seq.s32 s10, $0x1;
	s10 =	sld [smem:$0x3FA8];
	_ =	sdelay $0x3  }
0x34: {  	[smem:$0x3FA8] =	sst s10  }
0x35: {  	s10 =	sld [smem:$0x3FA7];
	_ =	sdelay $0x3  }
0x36: {  	p1 =	seq.s32 s10, $0x1;
	s10 =	sld [smem:$0x3FA8];
	_ =	sdelay $0x3  }
0x37: {  	[smem:$0x3FA8] =	sst s10  }
0x38: {  	s10 =	sld [smem:$0x3FA9]  }
0x39: {  	_ = 	snop;
	(pc) =	sbr.ind lr, $3  }
0x3a: {  	_ = 	snop  }
0x3b: {  	_ = 	snop  }
0x3c: {  	p2 =	seq.s32 s10, $0x1;
	s10 =	sld [smem:$0x3FA8]  }
0x3d: {  	_ =	shalt  }
0x3e: {  	_ =	shalt  }
0x3f: {  	_ =	shalt  }
0x40: {  	_ =	shalt  }
0x41: {  	_ =	shalt  }
0x42: {  	_ =	shalt  }
0x43: {  	_ =	shalt  }
0x44: {  	_ =	shalt  }
0x45: {  	_ =	shalt  }
0x46: {  	_ =	shalt  }
0x47: {  	_ =	shalt  }
0x48: {  	_ =	shalt  }
0x49: {  	_ =	shalt  }
0x4a: {  	_ =	shalt  }
0x4b: {  	_ =	shalt  }
0x4c: {  	_ =	shalt  }
0x4d: {  	_ =	shalt  }
0x4e: {  	_ =	shalt  }
0x4f: {  	_ =	shalt  }
0x50: {  	_ =	shalt  }
0x51: {  	_ =	shalt  }
0x52: {  	_ =	shalt  }
0x53: {  	_ =	shalt  }
0x54: {  	_ =	shalt  }
0x55: {  	_ =	shalt  }
0x56: {  	_ =	shalt  }
0x57: {  	_ =	shalt  }
0x58: {  	_ =	shalt  }
0x59: {  	_ =	shalt  }
0x5a: {  	_ =	shalt  }
0x5b: {  	_ =	shalt  }
0x5c: {  	_ =	shalt  }
0x5d: {  	_ =	shalt  }
0x5e: {  	_ =	shalt  }
0x5f: {  	_ =	shalt  }
0x60: {  	_ =	shalt  }
0x61: {  	_ =	shalt  }
0x62: {  	_ =	shalt  }
0x63: {  	_ =	shalt  }
0x64: {  	_ =	shalt  }
0x65: {  	_ =	shalt  }
0x66: {  	_ =	shalt  }
0x67: {  	_ =	shalt  }
0x68: {  	_ =	shalt  }
0x69: {  	_ =	shalt  }
0x6a: {  	_ =	shalt  }
0x6b: {  	_ =	shalt  }
0x6c: {  	_ =	shalt  }
0x6d: {  	_ =	shalt  }
0x6e: {  	_ =	shalt  }
0x6f: {  	_ =	shalt  }
0x70: {  	_ =	shalt  }
0x71: {  	_ =	shalt  }
0x72: {  	_ =	shalt  }
0x73: {  	_ =	shalt  }
0x74: {  	_ =	shalt  }
0x75: {  	_ =	shalt  }
0x76: {  	_ =	shalt  }
0x77: {  	_ =	shalt  }
0x78: {  	_ =	shalt  }
0x79: {  	_ =	shalt  }
0x7a: {  	_ =	shalt  }
0x7b: {  	_ =	shalt  }
0x7c: {  	_ =	shalt  }
0x7d: {  	_ =	shalt  }
0x7e: {  	_ =	shalt  }
0x7f: {  	_ =	shalt  }
0x80: {  	_ =	shalt  }
0x81: {  	_ =	shalt  }
0x82: {  	_ =	shalt  }
0x83: {  	_ =	shalt  }
0x84: {  	_ =	shalt  }
0x85: {  	_ =	shalt  }
0x86: {  	_ =	shalt  }
0x87: {  	_ =	shalt  }
.Lfunc_end0:
.L_simem_size_0:
called_computation.2_lowered:
.L_overlay_start_0:
0x88: {  	s2 =	sld [smem:$0x3FD9]  }
0x89: {  	s3 =	sld [smem:$0x3FFE];
	_ =	sdelay $0x1  }
0x8a: {  	s1 =	srdreg.scid  }
0x8b: {  	s0 =	sand.u32 $0x1, s1  }
0x8c: {  	s16 =	sshll.u32 s0, $0xA;
	s2 =	sadd.s32 s3, s2  }
0x8d: {  	s2 =	sadd.s32 s2, s16  }
0x8e: {  	[smem:$0x3FB4] =	sst s2  }
0x8f: {  	_ = 	snop  }
0x90: {  	(tm) =	ssettm $0x1  }
0x91: {  	s17 =	sld [smem:$0x3FFB];
	_ =	sdelay $0x3  }
0x92: {  	_ =	strace s17  }
0x93: {  	s2 =	sld [smem:$0x3FFC];
	_ =	sdelay $0x3  }
0x94: {  	_ =	strace s2  }
0x95: {  	s2 =	sld [smem:$0x3FFD];
	_ =	sdelay $0x3  }
0x96: {  	_ =	strace s2  }
0x97: {  	_ =	strace $0x8FFFFFFF  }
0x98: {  	s18 =	sld [smem:$0x3FDB];
	_ =	sdelay $0x1  }
0x99: {  	s19 =	simm.s32 $_scs_section_size  }
0x9a: {  	s4 =	simm.s32 $_size__tile_overlayer_lowered;
	s5 =	simm.s32 $_tile_overlayer_lowered  }
0x9b: {  	s22 =	simm.s32 $0x1BFF;
	s21 =	sshll.u32 s5, $0x1;
	s2 =	sadd.s32 s19, s18  }
0x9c: {  	s6 =	simm.s32 $0x0;
	s20 =	sshll.u32 s4, $0x1;
	s4 =	sadd.s32 s21, s2  }
0x9d: {  	[timem:s6], [sflag:s22] =	dma.local [hbm:s4], s20  }
0x9e: {  	_ =	swait.ge [sflag:s22], s20  }
0x9f: {  	s3 =	ssub.s32 $0x0, s20;
	[sflag:s22] =	ssyncset.done $0x0  }
0xa0: {  	[sflag:s22] =	ssyncadd.s32 s3;
	_ =	sdelay $0x1  }
0xa1: {  	s23 =	simm.s32 $0x1B8B  }
0xa2: {  	_ =	swait.ge [sflag:s23], $0x1  }
0xa3: {  	[sflag:s23] =	ssyncset.done $0x0  }
0xa4: {  	s25 =	simm.s32 $0x1B8E;
	s24 =	sld [smem:$0x3FFE];
	[sflag:s23] =	ssyncadd.s32 $0xFFFFFFFF  }
0xa5: {  	s26 =	simm.s32 $execute0_lowered;
	[smem:$0x3FD2] =	sst s25  }
0xa6: {  	s4 =	sshll.u32 s26, $0x1;
	_ =	strace $0x8000004C;
	[dreg:$0x1] =	wrdreg $0xFFFFFFFF  }
0xa7: {  	s28 =	simm.s32 $_size_execute0_lowered;
	s2 =	sadd.s32 s2, s4;
	[dreg:$0x0] =	wrdreg $0x0  }
0xa8: {  	s4 =	sshll.u32 s28, $0x1;
	[dreg:$0x2] =	wrdreg s2  }
0xa9: {  	[dreg:$0x3] =	wrdreg s4  }
0xaa: {  	[dreg:$0x4] =	wrdreg $0xC0  }
0xab: {  	_ =	task [dreg:s6], $0x5FFFF  }
0xac: {  	[dreg:$0x1] =	wrdreg $0xFFFFFFFF  }
0xad: {  	[dreg:$0x0] =	wrdreg $0x60  }
0xae: {  	[dreg:$0x2] =	wrdreg s24  }
0xaf: {  	[dreg:$0x3] =	wrdreg $0x0  }
0xb0: {  	[dreg:$0x4] =	wrdreg $0x9  }
0xb1: {  	_ =	task.clear_ibuf [dreg:s6], $0x5FFFF;
	_ =	strace $0x9000004C  }
0xb2: {  	s29 =	simm.s32 $0x9;
	_ =	strace $0x8000004E  }
0xb3: {  	_ =	swait.ge [sflag:s29], $0x1  }
0xb4: {  	[sflag:s29] =	ssyncadd.s32 $0xFFFFFFFF  }
0xb5: {  	_ =	strace $0x9000004E  }
0xb6: {  	_ =	sfence  }
0xb7: {  	s30 =	sld [smem:$0x0];
	_ =	sdelay $0x2  }
0xb8: {  	s31 =	sshll.u32 s1, $0xD;
	s1 =	sshrl.u32 s1, $0x2  }
0xb9: {  	s3 =	sand.u32 $0x4000, s31;
	s1 =	sadd.s32 s1, s30  }
0xba: {  	s0 =	sor.u32 s3, s0;
	s1 =	sshll.u32 s1, $0x11  }
0xbb: {  	s0 =	sor.u32 s1, s0  }
0xbc: {  	s0 =	sadd.s32 $0x8F2B, s0  }
0xbd: {  	[sflag:s0] =	ssyncadd.remote.s32 $0x1  }
0xbe: {  	_ =	sfence.sel $0xFFFF  }
0xbf: {  	[dreg:$0x0] =	wrdreg $0xFFFFFFFF;
	(pc) =	sbr.abs _section_cstart, $3  }
0xc0: {  	[dreg:$0x1] =	wrdreg $0xFFFFFFFF  }
0xc1: {  	_ =	task.clear_ibuf [dreg:s6], $0x2FFFF;
	_ =	strace $0x9FFFFFFF  }
0xc2: {  	(tm) =	ssettm $0x7FFFFFFF  }
0xc3: {  	_ =	shalt  }
tec
execute0_lowered:
.L_overlay_start_1:
0x0: {  	(tag) =	ssettag $0x1  }
0x1: {  	s10 =	rddreg [dreg:$0x0]  }
0x2: {  	s1 =	rddreg [dreg:$0x1];
	s3 =	simm.s32 $0x0  }
0x3: {  	s0 =	stileid.u32;
	s5 =	srdreg.scid;
	s16 =	simm.s32 $0x92800  }
0x4: {  	s17 =	simm.s32 $0x80;
	s18 =	simm.s32 $0x16800;
	s19 =	simm.s32 $0x1A800  }
0x5: {  	s20 =	simm.s32 $0x1;
	s21 =	simm.s32 $0x3;
	s22 =	simm.s32 $0x2  }
0x6: {  	s23 =	simm.s32 $0x4;
	s24 =	simm.s32 $0x15380;
	s25 =	simm.s32 $0x16700  }
0x7: {  	s26 =	simm.s32 $0x16780;
	s28 =	simm.s32 $0x0;
	[smem:$0x7FF] =	sst s3  }
0x8: {  	s4 =	sadd.s32 $0x1A800, s10;
	s6 =	smul.u32 $0x50000, s0;
	s11 =	sadd.s32 $0x6800, s10  }
0x9: {  	s7 =	sand.u32 $0x1, s5;
	s12 =	smul.u32 $0x2800, s0;
	s13 =	sadd.s32 $0x10800, s10  }
0xa: {  	s14 =	smul.u32 $0x50, s0;
	s31 =	sshll.u32 s0, $0x6;
	_ =	strace $0x8000004D  }
0xb: {  	s5 =	ssub.s32 $0x2, s7;
	s8 =	smul.u32 $0x500, s7;
	p0 =	seq.s32 s7, $0x1  }
0xc: {  	s9 =	sshrl.u32 s5, $0x1;
	s6 =	sshrl.u32 s6, $0x2;
	s16 =	simm.s32 @!p0 $0x6A800  }
0xd: {  	s9 =	ssub.s32 s5, s9;
	s15 =	sadd.s32 s6, s1;
	s5 =	sadd.s32 s4, s12  }
0xe: {  	s6 =	sor.u32 $0x1C05, s31;
	s8 =	sadd.s32 s14, s8;
	s16 =	sadd.s32 s16, s10  }
0xf: {  	s14 =	sshll.u32 s8, $0x4;
	s7 =	smax.u32 s9, $0x1;
	s12 =	sadd.s32 s16, s12  }
0x10: {  	s8 =	sadd.s32 s11, s14;
	s9 =	sadd.s32 s13, s14;
	s14 =	sadd.s32 $0x280, s14  }
0x11: {  	s16 =	simm.s32 $0x15400;
	s10 =	sadd.s32 s11, s14;
	s11 =	sadd.s32 s13, s14  }
0x12: {  	s13 =	sshrl.u32 s15, $0x3;
	s14 =	simm.s32 $0x5;
	s15 =	simm.s32 $0x14000  }
.LBB2_1:
0x13: {  	[spmem:s13], [sflag:s6] =	dma.local [hbm:s5], $0x2800  }
0x14: {  	_ =	swait.ge [sflag:s14], $0x2800  }
0x15: {  	[sflag:s14] =	ssyncset.done $0x0  }
0x16: {  	[sflag:s14] =	ssyncadd.s32 $0xFFFFD800  }
0x17: {  	[bflag:$0x0] =	sbarrier.arrive $0xFFFF  }
0x18: {  	[tilespmem:s15], [sflag:$0x5] =	stream.linear.gather [hbm4b:s8+s3], $0x1400, $0x38;
	[tilespmem:$0x1E800] =	vst v63  }
0x19: {  	_ =	swait.ge [sflag:s14], $0x1400  }
0x1a: {  	[sflag:s14] =	ssyncset.done $0x0  }
0x1b: {  	[sflag:s14] =	ssyncadd.s32 $0xFFFFEC00  }
0x1c: {  	[tilespmem:s16], [sflag:$0x5] =	stream.linear.gather [hbm4b:s9+s3], $0x1400, $0x38;
	[tilespmem:$0x1E800] =	vst v63  }
0x1d: {  	_ =	swait.ge [sflag:s14], $0x1400  }
0x1e: {  	p0 =	por $0x1, $0x1;
	[sflag:s14] =	ssyncset.done $0x0  }
0x1f: {  	s29 =	simm.s32 @!p0 $0x4;
	[sflag:s14] =	ssyncadd.s32 $0xFFFFEC00  }
0x20: {  	[tilespmem:s18], [sflag:$0x1] =	stream.indirect.gather [hbm4b:s4+s17], $0x80, s15, s17, $0xb8;
	[tilespmem:$0x1E800] =	vst v63  }
0x21: {  	_ =	swait.ge @!p0 [sflag:s29], $0x4000  }
0x22: {  	[sflag:s29] =	ssyncset.done @!p0 $0x0  }
0x23: {  	[sflag:s29] =	ssyncadd.s32 @!p0 $0xFFFFC000;
	s29 =	simm.s32 $0x14080  }
0x24: {  	[tilespmem:s19], [sflag:$0x2] =	stream.indirect.gather [hbm4b:s4+s17], $0x80, s29, s17, $0xb8;
	[tilespmem:$0x1E800] =	vst v63  }
0x25: {  	_ =	swait.ge [sflag:s20], $0x4000  }
0x26: {  	[sflag:s20] =	ssyncset.done $0x0  }
0x27: {  	s29 =	simm.s32 $0x15400;
	[sflag:s20] =	ssyncadd.s32 $0xFFFFC000  }
0x28: {  	[spmem:s1] =	stream.indirect.scatter.add.f32 [tilespmem:s18], [sflag:$0x3], $0x80, s29, s17, $0xb8;
	[tilespmem:$0x1E800] =	vst v63  }
0x29: {  	_ =	swait.ge [sflag:s21], $0x4000  }
0x2a: {  	[sflag:s21] =	ssyncset.done $0x0  }
0x2b: {  	s29 =	simm.s32 $0x14100;
	[sflag:s21] =	ssyncadd.s32 $0xFFFFC000  }
0x2c: {  	[tilespmem:s18], [sflag:$0x1] =	stream.indirect.gather [hbm4b:s4+s17], $0x80, s29, s17, $0xb8;
	[tilespmem:$0x1E800] =	vst v63  }
0x2d: {  	s30 =	simm.s32 $0x800;
	p1 =	por $0x0, $0x0;
	_ =	swait.ge [sflag:s22], $0x4000  }
0x2e: {  	s31 =	simm.s32 $0x15480;
	s29 =	simm.s32 $0x400;
	[sflag:s22] =	ssyncset.done $0x0  }
.LBB2_2:
0x2f: {  	s0 =	simm.s32 @!p1 $0x4  }
0x30: {  	[sflag:s22] =	ssyncadd.s32 $0xFFFFC000;
	s2 =	smov.u32 s30;
	s30 =	sadd.s32 $0x400, s30  }
0x31: {  	[spmem:s1] =	stream.indirect.scatter.add.f32 [tilespmem:s19], [sflag:$0x4], $0x80, s31, s17, $0xb8;
	[tilespmem:$0x1E800] =	vst v63  }
0x32: {  	p0 =	sne.s32 s30, $0x4C00;
	_ =	swait.ge @!p1 [sflag:s0], $0x4000  }
0x33: {  	s31 =	sshra.s32 s29, $0x2;
	s29 =	smov.u32 s2;
	[sflag:s0] =	ssyncset.done @!p1 $0x0  }
0x34: {  	[sflag:s0] =	ssyncadd.s32 @!p1 $0xFFFFC000;
	s0 =	sadd.s32 $0x14080, s31  }
0x35: {  	[tilespmem:s19], [sflag:$0x2] =	stream.indirect.gather [hbm4b:s4+s17], $0x80, s0, s17, $0xb8;
	[tilespmem:$0x1E800] =	vst v63  }
0x36: {  	_ =	swait.ge [sflag:s20], $0x4000  }
0x37: {  	[sflag:s20] =	ssyncset.done $0x0  }
0x38: {  	s0 =	sadd.s32 $0x15400, s31;
	[sflag:s20] =	ssyncadd.s32 $0xFFFFC000  }
0x39: {  	[spmem:s1] =	stream.indirect.scatter.add.f32 [tilespmem:s18], [sflag:$0x3], $0x80, s0, s17, $0xb8;
	[tilespmem:$0x1E800] =	vst v63  }
0x3a: {  	_ =	swait.ge [sflag:s21], $0x4000  }
.Ltmp0:
0x3b: {  	[sflag:s21] =	ssyncset.done $0x0;
	(pc) =	sbr.rel @p0 .LBB2_2-.Ltmp0, $4  }
0x3c: {  	s0 =	sadd.s32 $0x14100, s31;
	[sflag:s21] =	ssyncadd.s32 $0xFFFFC000  }
0x3d: {  	[tilespmem:s18], [sflag:$0x1] =	stream.indirect.gather [hbm4b:s4+s17], $0x80, s0, s17, $0xb8;
	[tilespmem:$0x1E800] =	vst v63  }
0x3e: {  	_ =	swait.ge [sflag:s22], $0x4000  }
0x3f: {  	p1 =	seq.s32 s29, $0x0;
	s31 =	sadd.s32 $0x15480, s31;
	[sflag:s22] =	ssyncset.done $0x0  }
0x40: {  	s0 =	simm.s32 @!p1 $0x4;
	[sflag:s22] =	ssyncadd.s32 $0xFFFFC000  }
0x41: {  	[spmem:s1] =	stream.indirect.scatter.add.f32 [tilespmem:s19], [sflag:$0x4], $0x80, s31, s17, $0xb8;
	[tilespmem:$0x1E800] =	vst v63  }
0x42: {  	_ =	swait.ge @!p1 [sflag:s0], $0x4000  }
0x43: {  	s2 =	sshra.s32 s29, $0x2;
	[sflag:s0] =	ssyncset.done @!p1 $0x0  }
0x44: {  	s31 =	sadd.s32 $0x14080, s2;
	[sflag:s0] =	ssyncadd.s32 @!p1 $0xFFFFC000  }
0x45: {  	[tilespmem:s19], [sflag:$0x2] =	stream.indirect.gather [hbm4b:s4+s17], $0x80, s31, s17, $0xb8;
	[tilespmem:$0x1E800] =	vst v63  }
0x46: {  	_ =	swait.ge [sflag:s20], $0x4000  }
0x47: {  	[sflag:s20] =	ssyncset.done $0x0  }
0x48: {  	s31 =	sadd.s32 $0x15400, s2;
	[sflag:s20] =	ssyncadd.s32 $0xFFFFC000  }
0x49: {  	[spmem:s1] =	stream.indirect.scatter.add.f32 [tilespmem:s18], [sflag:$0x3], $0x80, s31, s17, $0xb8;
	[tilespmem:$0x1E800] =	vst v63  }
0x4a: {  	_ =	swait.ge [sflag:s21], $0x4000  }
0x4b: {  	[sflag:s21] =	ssyncset.done $0x0  }
0x4c: {  	s31 =	sadd.s32 $0x14100, s2;
	[sflag:s21] =	ssyncadd.s32 $0xFFFFC000  }
0x4d: {  	[tilespmem:s18], [sflag:$0x1] =	stream.indirect.gather [hbm4b:s4+s17], $0x80, s31, s17, $0xb8;
	[tilespmem:$0x1E800] =	vst v63  }
0x4e: {  	_ =	swait.ge [sflag:s22], $0x4000  }
0x4f: {  	[sflag:s22] =	ssyncset.done $0x0  }
0x50: {  	s31 =	sadd.s32 $0x15480, s2;
	[sflag:s22] =	ssyncadd.s32 $0xFFFFC000  }
0x51: {  	[spmem:s1] =	stream.indirect.scatter.add.f32 [tilespmem:s19], [sflag:$0x4], $0x80, s31, s17, $0xb8;
	[tilespmem:$0x1E800] =	vst v63  }
0x52: {  	_ =	swait.ge [sflag:s23], $0x4000  }
0x53: {  	[sflag:s23] =	ssyncset.done $0x0  }
0x54: {  	[sflag:s23] =	ssyncadd.s32 $0xFFFFC000  }
0x55: {  	[tilespmem:s19], [sflag:$0x2] =	stream.indirect.gather [hbm4b:s4+s17], $0x80, s24, s17, $0xb8;
	[tilespmem:$0x1E800] =	vst v63  }
0x56: {  	_ =	swait.ge [sflag:s20], $0x4000  }
0x57: {  	[sflag:s20] =	ssyncset.done $0x0  }
0x58: {  	[sflag:s20] =	ssyncadd.s32 $0xFFFFC000  }
0x59: {  	[spmem:s1] =	stream.indirect.scatter.add.f32 [tilespmem:s18], [sflag:$0x3], $0x80, s25, s17, $0xb8;
	[tilespmem:$0x1E800] =	vst v63  }
0x5a: {  	_ =	swait.ge [sflag:s22], $0x4000  }
0x5b: {  	[sflag:s22] =	ssyncset.done $0x0  }
0x5c: {  	[sflag:s22] =	ssyncadd.s32 $0xFFFFC000  }
0x5d: {  	[spmem:s1] =	stream.indirect.scatter.add.f32 [tilespmem:s19], [sflag:$0x4], $0x80, s26, s17, $0xb8;
	[tilespmem:$0x1E800] =	vst v63  }
0x5e: {  	s2 =	simm.s32 $0x0  }
0x5f: {  	[tilespmem:s15], [sflag:$0x5] =	stream.linear.gather [hbm4b:s10+s2], $0x1400, $0x38;
	[tilespmem:$0x1E800] =	vst v63  }
0x60: {  	_ =	swait.ge [sflag:s14], $0x1400  }
0x61: {  	[sflag:s14] =	ssyncset.done $0x0  }
0x62: {  	[sflag:s14] =	ssyncadd.s32 $0xFFFFEC00  }
0x63: {  	[tilespmem:s16], [sflag:$0x5] =	stream.linear.gather [hbm4b:s11+s2], $0x1400, $0x38;
	[tilespmem:$0x1E800] =	vst v63  }
0x64: {  	_ =	swait.ge [sflag:s14], $0x1400  }
0x65: {  	[sflag:s14] =	ssyncset.done $0x0  }
0x66: {  	[sflag:s14] =	ssyncadd.s32 $0xFFFFEC00  }
0x67: {  	_ =	swait.ge [sflag:s21], $0x4000  }
0x68: {  	[sflag:s21] =	ssyncset.done $0x0  }
0x69: {  	[sflag:s21] =	ssyncadd.s32 $0xFFFFC000  }
0x6a: {  	[tilespmem:s18], [sflag:$0x1] =	stream.indirect.gather [hbm4b:s4+s17], $0x80, s15, s17, $0xb8;
	[tilespmem:$0x1E800] =	vst v63  }
0x6b: {  	_ =	swait.ge [sflag:s23], $0x4000  }
0x6c: {  	[sflag:s23] =	ssyncset.done $0x0  }
0x6d: {  	s31 =	simm.s32 $0x14080;
	[sflag:s23] =	ssyncadd.s32 $0xFFFFC000  }
0x6e: {  	[tilespmem:s19], [sflag:$0x2] =	stream.indirect.gather [hbm4b:s4+s17], $0x80, s31, s17, $0xb8;
	[tilespmem:$0x1E800] =	vst v63  }
0x6f: {  	_ =	swait.ge [sflag:s20], $0x4000  }
0x70: {  	[sflag:s20] =	ssyncset.done $0x0  }
0x71: {  	s2 =	simm.s32 $0x15400;
	[sflag:s20] =	ssyncadd.s32 $0xFFFFC000  }
0x72: {  	[spmem:s1] =	stream.indirect.scatter.add.f32 [tilespmem:s18], [sflag:$0x3], $0x80, s2, s17, $0xb8;
	[tilespmem:$0x1E800] =	vst v63  }
0x73: {  	_ =	swait.ge [sflag:s21], $0x4000  }
0x74: {  	[sflag:s21] =	ssyncset.done $0x0  }
0x75: {  	s31 =	simm.s32 $0x14100;
	[sflag:s21] =	ssyncadd.s32 $0xFFFFC000  }
0x76: {  	[tilespmem:s18], [sflag:$0x1] =	stream.indirect.gather [hbm4b:s4+s17], $0x80, s31, s17, $0xb8;
	[tilespmem:$0x1E800] =	vst v63  }
0x77: {  	_ =	swait.ge [sflag:s22], $0x4000  }
0x78: {  	[sflag:s22] =	ssyncset.done $0x0  }
0x79: {  	s29 =	simm.s32 $0x400;
	s30 =	simm.s32 $0x15480;
	[sflag:s22] =	ssyncadd.s32 $0xFFFFC000  }
.LBB2_4:
0x7a: {  	[spmem:s1] =	stream.indirect.scatter.add.f32 [tilespmem:s19], [sflag:$0x4], $0x80, s30, s17, $0xb8;
	[tilespmem:$0x1E800] =	vst v63  }
0x7b: {  	s0 =	smov.u32 s29  }
0x7c: {  	p0 =	sne.s32 s29, $0x4800;
	s29 =	sadd.s32 $0x400, s29;
	_ =	swait.ge [sflag:s23], $0x4000  }
0x7d: {  	s0 =	sshra.s32 s0, $0x2;
	[sflag:s23] =	ssyncset.done $0x0  }
0x7e: {  	s2 =	sadd.s32 $0x14080, s0;
	[sflag:s23] =	ssyncadd.s32 $0xFFFFC000  }
0x7f: {  	[tilespmem:s19], [sflag:$0x2] =	stream.indirect.gather [hbm4b:s4+s17], $0x80, s2, s17, $0xb8;
	[tilespmem:$0x1E800] =	vst v63  }
0x80: {  	_ =	swait.ge [sflag:s20], $0x4000  }
0x81: {  	[sflag:s20] =	ssyncset.done $0x0  }
0x82: {  	s2 =	sadd.s32 $0x15400, s0;
	[sflag:s20] =	ssyncadd.s32 $0xFFFFC000  }
0x83: {  	[spmem:s1] =	stream.indirect.scatter.add.f32 [tilespmem:s18], [sflag:$0x3], $0x80, s2, s17, $0xb8;
	[tilespmem:$0x1E800] =	vst v63  }
0x84: {  	_ =	swait.ge [sflag:s21], $0x4000  }
0x85: {  	[sflag:s21] =	ssyncset.done $0x0  }
.Ltmp1:
0x86: {  	s2 =	sadd.s32 $0x14100, s0;
	[sflag:s21] =	ssyncadd.s32 $0xFFFFC000;
	(pc) =	sbr.rel @p0 .LBB2_4-.Ltmp1, $4  }
0x87: {  	[tilespmem:s18], [sflag:$0x1] =	stream.indirect.gather [hbm4b:s4+s17], $0x80, s2, s17, $0xb8;
	[tilespmem:$0x1E800] =	vst v63  }
0x88: {  	_ =	swait.ge [sflag:s22], $0x4000  }
0x89: {  	[sflag:s22] =	ssyncset.done $0x0  }
0x8a: {  	s30 =	sadd.s32 $0x15480, s0;
	[sflag:s22] =	ssyncadd.s32 $0xFFFFC000  }
0x8b: {  	[spmem:s1] =	stream.indirect.scatter.add.f32 [tilespmem:s19], [sflag:$0x4], $0x80, s30, s17, $0xb8;
	[tilespmem:$0x1E800] =	vst v63  }
0x8c: {  	_ =	swait.ge [sflag:s23], $0x4000  }
0x8d: {  	[sflag:s23] =	ssyncset.done $0x0  }
0x8e: {  	[sflag:s23] =	ssyncadd.s32 $0xFFFFC000  }
0x8f: {  	[tilespmem:s19], [sflag:$0x2] =	stream.indirect.gather [hbm4b:s4+s17], $0x80, s24, s17, $0xb8;
	[tilespmem:$0x1E800] =	vst v63  }
0x90: {  	_ =	swait.ge [sflag:s20], $0x4000  }
0x91: {  	[sflag:s20] =	ssyncset.done $0x0  }
0x92: {  	[sflag:s20] =	ssyncadd.s32 $0xFFFFC000  }
0x93: {  	[spmem:s1] =	stream.indirect.scatter.add.f32 [tilespmem:s18], [sflag:$0x3], $0x80, s25, s17, $0xb8;
	[tilespmem:$0x1E800] =	vst v63  }
0x94: {  	_ =	swait.ge [sflag:s22], $0x4000  }
0x95: {  	[sflag:s22] =	ssyncset.done $0x0  }
0x96: {  	[sflag:s22] =	ssyncadd.s32 $0xFFFFC000  }
0x97: {  	[spmem:s1] =	stream.indirect.scatter.add.f32 [tilespmem:s19], [sflag:$0x4], $0x80, s26, s17, $0xb8;
	[tilespmem:$0x1E800] =	vst v63  }
0x98: {  	_ =	swait.ge [sflag:s21], $0x4000  }
0x99: {  	[sflag:s21] =	ssyncset.done $0x0  }
0x9a: {  	[sflag:s21] =	ssyncadd.s32 $0xFFFFC000  }
0x9b: {  	_ =	swait.ge [sflag:s23], $0x4000  }
0x9c: {  	s28 =	sadd.s32 $0x1, s28;
	[sflag:s23] =	ssyncset.done $0x0  }
0x9d: {  	p0 =	sne.s32 s28, s7;
	[sflag:s23] =	ssyncadd.s32 $0xFFFFC000  }
.Ltmp2:
0x9e: {  	[bflag:$0x0] =	sbarrier.arrive $0xFFFF;
	(pc) =	sbr.rel @p0 .LBB2_1-.Ltmp2, $4  }
0x9f: {  	[hbm:s12], [sflag:s6] =	dma.local [spmem:s13], $0x2800  }
0xa0: {  	_ =	swait.ge [sflag:s14], $0x2800  }
0xa1: {  	[sflag:s14] =	ssyncset.done $0x0  }
0xa2: {  	[sflag:s14] =	ssyncadd.s32 $0xFFFFD800  }
0xa3: {  	_ =	sfence.sel $0x180000  }
0xa4: {  	[bflag:$0x0] =	sbarrier.arrive $0xFFFF  }
0xa5: {  	_ =	strace $0x9000004D  }
0xa6: {  	s0 =	stileid.u32;
	[bflag:$0x2] =	sbarrier.arrive $0xFFFF  }
0xa7: {  	p0 =	sne.s32 s0, $0x0;
	s0 =	rddreg [dreg:$0x2]  }
0xa8: {  	s0 =	sadd.s32 @!p0 $0x100000, s0  }
0xa9: {  	[sflag:s0] =	ssyncadd.tile.s32 @!p0 $0x1;
	_ =	shalt  }
.Lfunc_end2:
_tile_overlayer_lowered:
.L_overlay_start_2:
0xaa: {  	(tag) =	ssettag $0x2  }
0xab: {  	s0 =	rddreg [dreg:$0x0];
	s2 =	stileid.u32  }
0xac: {  	s1 =	rddreg [dreg:$0x1];
	p0 =	sne.s32 s2, $0x0  }
0xad: {  	s3 =	rddreg [dreg:$0x2];
	[bflag:$0x3] =	sbarrier.arrive $0xFFFF;
	s2 =	simm.s32 @!p0 $0x1C05  }
0xae: {  	[timem:s3], [sflag:s2] =	dma.local @!p0 [hbm:s0], s1  }
0xaf: {  	s0 =	simm.s32 @!p0 $0x5  }
0xb0: {  	_ =	swait.ge @!p0 [sflag:s0], s1  }
0xb1: {  	s1 =	ssub.s32 @!p0 $0x0, s1;
	[sflag:s0] =	ssyncset.done @!p0 $0x0  }
0xb2: {  	[sflag:s0] =	ssyncadd.s32 @!p0 s1  }
0xb3: {  	[bflag:$0x3] =	sbarrier.arrive $0xFFFF  }
0xb4: {  	_ =	shalt  }

// kernel: kernel.19.cloned.1.call-start
scs
__scs_entry_jumppad:
0x0: {  	(pc) =	sbr.rel $0x88, $3  }
0x1: {  	(tag) =	ssettag $0x0;
	lr =	simm.s32 $0x1  }
0x2: {  	[smem:$0x3F8D] =	sst lr;
	_ =	strace $0xD0000000  }
0x3: {  	_ = 	snop  }
0x4: {  	_ = 	snop  }
0x5: {  	_ = 	snop  }
0x6: {  	_ = 	snop  }
0x7: {  	_ = 	snop  }
__scs_overlays_trampoline_lowered:
0x8: {  	[smem:$0x3F9C] =	sst s0  }
0x9: {  	[smem:$0x3F9D] =	sst s1  }
0xa: {  	[smem:$0x3F9E] =	sst s2  }
0xb: {  	[smem:$0x3F9F] =	sst s3  }
0xc: {  	[smem:$0x3FA0] =	sst s4  }
0xd: {  	[smem:$0x3FA1] =	sst s5  }
0xe: {  	[smem:$0x3FA2] =	sst s6  }
0xf: {  	[smem:$0x3FA3] =	sst s7  }
0x10: {  	[smem:$0x3FA4] =	sst s8  }
0x11: {  	[smem:$0x3FA5] =	sst s9;
	s0 =	simm.s32 @!p0 $0x0  }
0x12: {  	s1 =	sld [smem:$0x3F8B];
	s0 =	simm.s32 @p0 $0x1  }
0x13: {  	[smem:$0x3FA6] =	sst s0;
	s0 =	simm.s32 @!p1 $0x0  }
0x14: {  	s2 =	sld [smem:$0x3F8A];
	s0 =	simm.s32 @p1 $0x1  }
0x15: {  	[smem:$0x3FA7] =	sst s0;
	s0 =	simm.s32 @!p2 $0x0  }
0x16: {  	s3 =	sld [smem:$0x3FDB];
	s0 =	simm.s32 @p2 $0x1  }
0x17: {  	s4 =	simm.s32 $0x1BF5;
	[smem:$0x3FA9] =	sst s0  }
0x18: {  	s0 =	sld [smem:$0x3F8C];
	_ =	swait.ge [sflag:s4], $0x0  }
0x19: {  	s7 =	sld [smem:$0x3F8D]  }
0x1a: {  	s8 =	sadd.s32 $0xFFFFE003, lr  }
0x1b: {  	s9 =	sadd.s32 $0xFFFFFEF7, lr;
	s5 =	simm.s32 $0xFFFFFFFF;
	p2 =	slt.u32 s8, $0xFFFFF086  }
0x1c: {  	p1 =	slt.u32 s9, $0xF7A;
	s5 =	simm.s32 @!p2 $0x0  }
0x1d: {  	s5 =	simm.s32 @p1 $0x1;
	p0 =	seq.s32 s7, s2  }
0x1e: {  	s7 =	smul.u32 @!p0 $0xF7A, s2;
	p2 =	seq.s32 @!p0 s5, $0x0  }
0x1f: {  	s9 =	smul.u32 $0xF7A, s1;
	s8 =	simm.s32 @!p0 $0x1BF5;
	p2 =	por !p2, p0  }
0x20: {  	[sflag:s8] =	ssyncset.s32 @!p0 $0xFFFFF086;
	s6 =	sadd.s32 @!p0 s3, s7;
	s7 =	simm.s32 @!p0 $0x108  }
0x21: {  	s3 =	sadd.s32 s3, s9;
	s6 =	sadd.s32 @!p0 $0x88, s6;
	s7 =	simm.s32 @p2 $0x1082  }
0x22: {  	[simem:s7], [sflag:s8] =	dma.local @!p0 [hbm:s6], $0xF7A  }
0x23: {  	s9 =	sor.u32 $0xD0000000, s2;
	s6 =	simm.s32 $0x108;
	_ =	swait.ge @!p0 [sflag:s8], $0x0  }
0x24: {  	s3 =	sadd.s32 $0x88, s3;
	s6 =	simm.s32 @!p1 $0x1082;
	[sflag:s4] =	ssyncset.s32 $0xFFFFF086  }
0x25: {  	[simem:s6], [sflag:s4] =	dma.local [hbm:s3], $0xF7A  }
0x26: {  	[smem:$0x3F8D] =	sst s1;
	(tag) =	ssettag s2;
	_ =	strace s9  }
0x27: {  	s1 =	sld [smem:$0x3F9D]  }
0x28: {  	s2 =	sld [smem:$0x3F9E]  }
0x29: {  	s4 =	sld [smem:$0x3FA0]  }
0x2a: {  	p0 =	seq.s32 s5, $0x0;
	s5 =	sld [smem:$0x3FA1]  }
0x2b: {  	s6 =	sld [smem:$0x3FA2]  }
0x2c: {  	s7 =	sld [smem:$0x3FA3]  }
0x2d: {  	s3 =	simm.s32 $0x108;
	s8 =	sld [smem:$0x3FA4]  }
0x2e: {  	s3 =	simm.s32 @!p0 $0x1082;
	s9 =	sld [smem:$0x3FA5]  }
0x2f: {  	lr =	sadd.s32 s0, s3;
	s0 =	sld [smem:$0x3F9C]  }
0x30: {  	s3 =	sld [smem:$0x3F9F]  }
0x31: {  	[smem:$0x3FA8] =	sst s10  }
0x32: {  	s10 =	sld [smem:$0x3FA6];
	_ =	sdelay $0x3  }
0x33: {  	p0 =	seq.s32 s10, $0x1;
	s10 =	sld [smem:$0x3FA8];
	_ =	sdelay $0x3  }
0x34: {  	[smem:$0x3FA8] =	sst s10  }
0x35: {  	s10 =	sld [smem:$0x3FA7];
	_ =	sdelay $0x3  }
0x36: {  	p1 =	seq.s32 s10, $0x1;
	s10 =	sld [smem:$0x3FA8];
	_ =	sdelay $0x3  }
0x37: {  	[smem:$0x3FA8] =	sst s10  }
0x38: {  	s10 =	sld [smem:$0x3FA9]  }
0x39: {  	_ = 	snop;
	(pc) =	sbr.ind lr, $3  }
0x3a: {  	_ = 	snop  }
0x3b: {  	_ = 	snop  }
0x3c: {  	p2 =	seq.s32 s10, $0x1;
	s10 =	sld [smem:$0x3FA8]  }
0x3d: {  	_ =	shalt  }
0x3e: {  	_ =	shalt  }
0x3f: {  	_ =	shalt  }
0x40: {  	_ =	shalt  }
0x41: {  	_ =	shalt  }
0x42: {  	_ =	shalt  }
0x43: {  	_ =	shalt  }
0x44: {  	_ =	shalt  }
0x45: {  	_ =	shalt  }
0x46: {  	_ =	shalt  }
0x47: {  	_ =	shalt  }
0x48: {  	_ =	shalt  }
0x49: {  	_ =	shalt  }
0x4a: {  	_ =	shalt  }
0x4b: {  	_ =	shalt  }
0x4c: {  	_ =	shalt  }
0x4d: {  	_ =	shalt  }
0x4e: {  	_ =	shalt  }
0x4f: {  	_ =	shalt  }
0x50: {  	_ =	shalt  }
0x51: {  	_ =	shalt  }
0x52: {  	_ =	shalt  }
0x53: {  	_ =	shalt  }
0x54: {  	_ =	shalt  }
0x55: {  	_ =	shalt  }
0x56: {  	_ =	shalt  }
0x57: {  	_ =	shalt  }
0x58: {  	_ =	shalt  }
0x59: {  	_ =	shalt  }
0x5a: {  	_ =	shalt  }
0x5b: {  	_ =	shalt  }
0x5c: {  	_ =	shalt  }
0x5d: {  	_ =	shalt  }
0x5e: {  	_ =	shalt  }
0x5f: {  	_ =	shalt  }
0x60: {  	_ =	shalt  }
0x61: {  	_ =	shalt  }
0x62: {  	_ =	shalt  }
0x63: {  	_ =	shalt  }
0x64: {  	_ =	shalt  }
0x65: {  	_ =	shalt  }
0x66: {  	_ =	shalt  }
0x67: {  	_ =	shalt  }
0x68: {  	_ =	shalt  }
0x69: {  	_ =	shalt  }
0x6a: {  	_ =	shalt  }
0x6b: {  	_ =	shalt  }
0x6c: {  	_ =	shalt  }
0x6d: {  	_ =	shalt  }
0x6e: {  	_ =	shalt  }
0x6f: {  	_ =	shalt  }
0x70: {  	_ =	shalt  }
0x71: {  	_ =	shalt  }
0x72: {  	_ =	shalt  }
0x73: {  	_ =	shalt  }
0x74: {  	_ =	shalt  }
0x75: {  	_ =	shalt  }
0x76: {  	_ =	shalt  }
0x77: {  	_ =	shalt  }
0x78: {  	_ =	shalt  }
0x79: {  	_ =	shalt  }
0x7a: {  	_ =	shalt  }
0x7b: {  	_ =	shalt  }
0x7c: {  	_ =	shalt  }
0x7d: {  	_ =	shalt  }
0x7e: {  	_ =	shalt  }
0x7f: {  	_ =	shalt  }
0x80: {  	_ =	shalt  }
0x81: {  	_ =	shalt  }
0x82: {  	_ =	shalt  }
0x83: {  	_ =	shalt  }
0x84: {  	_ =	shalt  }
0x85: {  	_ =	shalt  }
0x86: {  	_ =	shalt  }
0x87: {  	_ =	shalt  }
.Lfunc_end0:
.L_simem_size_0:
called_computation.3_lowered:
.L_overlay_start_0:
0x88: {  	s2 =	sld [smem:$0x3FD9]  }
0x89: {  	s3 =	sld [smem:$0x3FFE];
	_ =	sdelay $0x1  }
0x8a: {  	s1 =	srdreg.scid  }
0x8b: {  	s0 =	sand.u32 $0x1, s1  }
0x8c: {  	s16 =	sshll.u32 s0, $0xA;
	s2 =	sadd.s32 s3, s2  }
0x8d: {  	s2 =	sadd.s32 s2, s16  }
0x8e: {  	[smem:$0x3FB4] =	sst s2  }
0x8f: {  	_ = 	snop  }
0x90: {  	(tm) =	ssettm $0x1  }
0x91: {  	s17 =	sld [smem:$0x3FFB];
	_ =	sdelay $0x3  }
0x92: {  	_ =	strace s17  }
0x93: {  	s2 =	sld [smem:$0x3FFC];
	_ =	sdelay $0x3  }
0x94: {  	_ =	strace s2  }
0x95: {  	s2 =	sld [smem:$0x3FFD];
	_ =	sdelay $0x3  }
0x96: {  	_ =	strace s2  }
0x97: {  	_ =	strace $0x8FFFFFFF  }
0x98: {  	s18 =	sld [smem:$0x3FDB];
	_ =	sdelay $0x1  }
0x99: {  	s19 =	simm.s32 $_scs_section_size  }
0x9a: {  	s4 =	simm.s32 $_size__tile_overlayer_lowered;
	s5 =	simm.s32 $_tile_overlayer_lowered  }
0x9b: {  	s22 =	simm.s32 $0x1BFF;
	s21 =	sshll.u32 s5, $0x1;
	s2 =	sadd.s32 s19, s18  }
0x9c: {  	s6 =	simm.s32 $0x0;
	s20 =	sshll.u32 s4, $0x1;
	s4 =	sadd.s32 s21, s2  }
0x9d: {  	[timem:s6], [sflag:s22] =	dma.local [hbm:s4], s20  }
0x9e: {  	_ =	swait.ge [sflag:s22], s20  }
0x9f: {  	s3 =	ssub.s32 $0x0, s20;
	[sflag:s22] =	ssyncset.done $0x0  }
0xa0: {  	[sflag:s22] =	ssyncadd.s32 s3;
	_ =	sdelay $0x1  }
0xa1: {  	s23 =	simm.s32 $0x1B8B  }
0xa2: {  	_ =	swait.ge [sflag:s23], $0x1  }
0xa3: {  	[sflag:s23] =	ssyncset.done $0x0  }
0xa4: {  	s25 =	simm.s32 $0x1B8E;
	s24 =	sld [smem:$0x3FFE];
	[sflag:s23] =	ssyncadd.s32 $0xFFFFFFFF  }
0xa5: {  	s26 =	simm.s32 $execute0_lowered;
	[smem:$0x3FD2] =	sst s25  }
0xa6: {  	s4 =	sshll.u32 s26, $0x1;
	_ =	strace $0x8000004F;
	[dreg:$0x1] =	wrdreg $0xFFFFFFFF  }
0xa7: {  	s28 =	simm.s32 $_size_execute0_lowered;
	s2 =	sadd.s32 s2, s4;
	[dreg:$0x0] =	wrdreg $0x0  }
0xa8: {  	s4 =	sshll.u32 s28, $0x1;
	[dreg:$0x2] =	wrdreg s2  }
0xa9: {  	[dreg:$0x3] =	wrdreg s4  }
0xaa: {  	[dreg:$0x4] =	wrdreg $0xC0  }
0xab: {  	_ =	task [dreg:s6], $0x5FFFF  }
0xac: {  	[dreg:$0x1] =	wrdreg $0xFFFFFFFF  }
0xad: {  	[dreg:$0x0] =	wrdreg $0x60  }
0xae: {  	[dreg:$0x2] =	wrdreg s24  }
0xaf: {  	[dreg:$0x3] =	wrdreg $0x0  }
0xb0: {  	[dreg:$0x4] =	wrdreg $0x9  }
0xb1: {  	_ =	task.clear_ibuf [dreg:s6], $0x5FFFF;
	_ =	strace $0x9000004F  }
0xb2: {  	s29 =	simm.s32 $0x9;
	_ =	strace $0x80000051  }
0xb3: {  	_ =	swait.ge [sflag:s29], $0x1  }
0xb4: {  	[sflag:s29] =	ssyncadd.s32 $0xFFFFFFFF  }
0xb5: {  	_ =	strace $0x90000051  }
0xb6: {  	_ =	sfence  }
0xb7: {  	s30 =	sld [smem:$0x0];
	_ =	sdelay $0x2  }
0xb8: {  	s31 =	sshll.u32 s1, $0xD;
	s1 =	sshrl.u32 s1, $0x2  }
0xb9: {  	s3 =	sand.u32 $0x4000, s31;
	s1 =	sadd.s32 s1, s30  }
0xba: {  	s0 =	sor.u32 s3, s0;
	s1 =	sshll.u32 s1, $0x11  }
0xbb: {  	s0 =	sor.u32 s1, s0  }
0xbc: {  	s0 =	sadd.s32 $0x8F2B, s0  }
0xbd: {  	[sflag:s0] =	ssyncadd.remote.s32 $0x1  }
0xbe: {  	_ =	sfence.sel $0xFFFF  }
0xbf: {  	[dreg:$0x0] =	wrdreg $0xFFFFFFFF;
	(pc) =	sbr.abs _section_cstart, $3  }
0xc0: {  	[dreg:$0x1] =	wrdreg $0xFFFFFFFF  }
0xc1: {  	_ =	task.clear_ibuf [dreg:s6], $0x2FFFF;
	_ =	strace $0x9FFFFFFF  }
0xc2: {  	(tm) =	ssettm $0x7FFFFFFF  }
0xc3: {  	_ =	shalt  }
tec
execute0_lowered:
.L_overlay_start_1:
0x0: {  	(tag) =	ssettag $0x1  }
0x1: {  	s0 =	rddreg [dreg:$0x0]  }
0x2: {  	s1 =	rddreg [dreg:$0x1];
	s2 =	simm.s32 $0x0  }
0x3: {  	s14 =	stileid.u32;
	s3 =	srdreg.scid;
	s29 =	simm.s32 $0x5  }
0x4: {  	s30 =	simm.s32 $0x14000;
	[smem:$0x7FF] =	sst s2;
	s4 =	sadd.s32 $0x6A800, s0  }
0x5: {  	s5 =	sadd.s32 $0x92800, s0;
	s6 =	sadd.s32 $0x1A800, s0;
	s15 =	smul.u32 $0x2800, s14  }
0x6: {  	s3 =	sand.u32 $0x1, s3;
	s8 =	sadd.s32 $0x6800, s0;
	s13 =	smul.u32 $0x50000, s14  }
0x7: {  	s9 =	sadd.s32 $0x10800, s0;
	s12 =	sadd.s32 $0x10A800, s0;
	s17 =	smul.u32 $0x500, s14  }
0x8: {  	_ =	strace $0x80000050;
	s7 =	ssub.s32 $0x2, s3;
	[dreg:$0x4] =	wrdreg s12  }
0x9: {  	p0 =	seq.s32 s3, $0x1;
	s12 =	smul.u32 $0xA0, s14;
	s14 =	simm.s32 $0x16800  }
0xa: {  	s10 =	sadd.s32 s15, s0;
	s0 =	sadd.s32 $0x132800, s0;
	[dreg:$0x3] =	wrdreg s15  }
0xb: {  	s11 =	sshrl.u32 s7, $0x1;
	s16 =	sadd.s32 s4, s15;
	[dreg:$0x5] =	wrdreg s0  }
0xc: {  	s13 =	sshrl.u32 s13, $0x2;
	s20 =	sadd.s32 s8, s17;
	[dreg:$0x7] =	wrdreg s16  }
0xd: {  	s21 =	sadd.s32 s9, s17;
	s22 =	sadd.s32 $0x280, s17;
	[dreg:$0xb] =	wrdreg s20  }
0xe: {  	s24 =	sadd.s32 $0x5000, s17;
	s28 =	sadd.s32 s6, s15;
	[dreg:$0xc] =	wrdreg s21  }
0xf: {  	s26 =	sadd.s32 $0x5280, s17;
	s31 =	sadd.s32 s5, s15;
	[dreg:$0x13] =	wrdreg s28  }
0x10: {  	s15 =	simm.s32 $0x1;
	s3 =	sadd.s32 s13, s1;
	[dreg:$0x14] =	wrdreg s31  }
0x11: {  	s11 =	ssub.s32 s7, s11;
	s18 =	sadd.s32 $0xBA800, s10;
	[dreg:$0x6] =	wrdreg s3  }
0x12: {  	s19 =	sadd.s32 $0xE2800, s10;
	s23 =	sadd.s32 s8, s22;
	[dreg:$0x8] =	wrdreg s18  }
0x13: {  	s25 =	sadd.s32 s8, s24;
	s10 =	simm.s32 $0x1A800;
	[dreg:$0x9] =	wrdreg s19  }
0x14: {  	s16 =	simm.s32 $0x2;
	s20 =	simm.s32 $0x16700;
	[dreg:$0xd] =	wrdreg s23  }
0x15: {  	s21 =	simm.s32 $0x16780;
	s0 =	smax.u32 s11, $0x1;
	[dreg:$0xf] =	wrdreg s25  }
.Ltmp0:
0x16: {  	s3 =	sadd.s32 s8, s26;
	[dreg:$0xa] =	wrdreg s0;
	(pc) =	sbr.rel .LBB2_1-.Ltmp0, $4  }
0x17: {  	s13 =	simm.s32 $0x0;
	s0 =	sadd.s32 s9, s22;
	[dreg:$0x11] =	wrdreg s3  }
0x18: {  	s11 =	simm.s32 $0x3;
	[dreg:$0xe] =	wrdreg s0;
	s0 =	sadd.s32 s9, s24  }
0x19: {  	s18 =	simm.s32 $0x4;
	[dreg:$0x10] =	wrdreg s0;
	s0 =	sadd.s32 s9, s26  }
0x1a: {  	s19 =	simm.s32 $0x15380;
	[dreg:$0x12] =	wrdreg s0;
	s0 =	simm.s32 $0x80  }
.LBB2_20:
0x1b: {  	_ =	swait.ge [sflag:s11], $0x4000  }
0x1c: {  	[sflag:s11] =	ssyncset.done $0x0  }
0x1d: {  	[sflag:s11] =	ssyncadd.s32 $0xFFFFC000  }
0x1e: {  	_ =	swait.ge [sflag:s18], $0x4000  }
0x1f: {  	[sflag:s18] =	ssyncset.done $0x0  }
0x20: {  	s7 =	rddreg [dreg:$0x3];
	[sflag:s18] =	ssyncadd.s32 $0xFFFFC000  }
0x21: {  	s3 =	sadd.s32 s3, s7;
	[bflag:$0x0] =	sbarrier.arrive $0xFFFF  }
0x22: {  	[hbm:s3], [sflag:s24] =	dma.local [spmem:s23], $0x2800  }
0x23: {  	_ =	swait.ge [sflag:s29], $0x2800  }
0x24: {  	s13 =	sadd.s32 $0x1, s13;
	s31 =	rddreg [dreg:$0xa]  }
0x25: {  	p1 =	sne.s32 s13, s31  }
.Ltmp1:
0x26: {  	_ = 	snop;
	(pc) =	sbr.rel @!p1 .LBB2_21-.Ltmp1, $3  }
0x27: {  	_ =	sdelay $0x1  }
0x28: {  	[sflag:s29] =	ssyncset.done $0x0  }
0x29: {  	[sflag:s29] =	ssyncadd.s32 $0xFFFFD800  }
.LBB2_1:
.Ltmp2:
0x2a: {  	(pc) =	sbr.rel @!p0 .LBB2_2-.Ltmp2, $4  }
0x2b: {  	_ = 	snop  }
0x2c: {  	s3 =	stileid.u32;
	s7 =	rddreg [dreg:$0x6]  }
0x2d: {  	[dreg:$0x15] =	wrdreg s13;
	s3 =	sshll.u32 s3, $0x6;
	s7 =	sshrl.u32 s7, $0x3  }
0x2e: {  	s13 =	sor.u32 $0x1C05, s3;
	[dreg:$0x16] =	wrdreg s7  }
0x2f: {  	s13 =	sor.u32 $0x1C05, s3;
	s31 =	rddreg [dreg:$0x14]  }
0x30: {  	[dreg:$0x17] =	wrdreg s13  }
0x31: {  	[spmem:s7], [sflag:s13] =	dma.local [hbm:s31], $0x2800  }
0x32: {  	_ =	swait.ge [sflag:s29], $0x2800  }
0x33: {  	[sflag:s29] =	ssyncset.done $0x0  }
0x34: {  	[sflag:s29] =	ssyncadd.s32 $0xFFFFD800  }
0x35: {  	s25 =	simm.s32 $0x0;
	s28 =	simm.s32 $0x0;
	[bflag:$0x0] =	sbarrier.arrive $0xFFFF  }
.LBB2_12:
0x36: {  	s3 =	smul.u32 $0x28, s28;
	_ =	sdelay $0x1  }
0x37: {  	s7 =	sadd.s32 s12, s3  }
0x38: {  	s7 =	sshll.u32 s7, $0x4  }
0x39: {  	s13 =	sadd.s32 s8, s7  }
0x3a: {  	[tilespmem:s30], [sflag:$0x5] =	stream.linear.gather [hbm4b:s13+s2], $0x1400, $0x38;
	[tilespmem:$0x1E800] =	vst v63  }
0x3b: {  	_ =	swait.ge [sflag:s29], $0x1400  }
0x3c: {  	[sflag:s29] =	ssyncset.done $0x0  }
0x3d: {  	s31 =	simm.s32 $0x15400;
	s7 =	sadd.s32 s9, s7;
	[sflag:s29] =	ssyncadd.s32 $0xFFFFEC00  }
0x3e: {  	[tilespmem:s31], [sflag:$0x5] =	stream.linear.gather [hbm4b:s7+s2], $0x1400, $0x38;
	[tilespmem:$0x1E800] =	vst v63  }
0x3f: {  	_ =	swait.ge [sflag:s29], $0x1400  }
0x40: {  	p1 =	seq.s32 s28, $0x0;
	[sflag:s29] =	ssyncset.done $0x0  }
0x41: {  	s7 =	simm.s32 @!p1 $0x3;
	[sflag:s29] =	ssyncadd.s32 $0xFFFFEC00  }
0x42: {  	_ =	swait.ge @!p1 [sflag:s7], $0x4000  }
0x43: {  	s17 =	sor.u32 s3, s25;
	[sflag:s7] =	ssyncset.done @!p1 $0x0  }
0x44: {  	[sflag:s7] =	ssyncadd.s32 @!p1 $0xFFFFC000;
	p1 =	seq.s32 s17, $0x0  }
0x45: {  	[tilespmem:s14], [sflag:$0x1] =	stream.indirect.gather [hbm4b:s5+s0], $0x80, s30, s0, $0xb8;
	[tilespmem:$0x1E800] =	vst v63  }
0x46: {  	s7 =	simm.s32 @!p1 $0x4  }
0x47: {  	_ =	swait.ge @!p1 [sflag:s7], $0x4000  }
0x48: {  	[sflag:s7] =	ssyncset.done @!p1 $0x0  }
0x49: {  	s22 =	simm.s32 $0x14080;
	[sflag:s7] =	ssyncadd.s32 @!p1 $0xFFFFC000  }
0x4a: {  	[tilespmem:s10], [sflag:$0x2] =	stream.indirect.gather [hbm4b:s5+s0], $0x80, s22, s0, $0xb8;
	[tilespmem:$0x1E800] =	vst v63  }
0x4b: {  	_ =	swait.ge [sflag:s15], $0x4000  }
0x4c: {  	[sflag:s15] =	ssyncset.done $0x0  }
0x4d: {  	s23 =	simm.s32 $0x15400;
	[sflag:s15] =	ssyncadd.s32 $0xFFFFC000  }
0x4e: {  	[spmem:s1] =	stream.indirect.scatter.add.f32 [tilespmem:s14], [sflag:$0x3], $0x80, s23, s0, $0xb8;
	[tilespmem:$0x1E800] =	vst v63  }
0x4f: {  	_ =	swait.ge [sflag:s11], $0x4000  }
0x50: {  	s24 =	simm.s32 $0x14100;
	s26 =	simm.s32 $0x2;
	[sflag:s11] =	ssyncset.done $0x0  }
0x51: {  	s13 =	simm.s32 $0x14200;
	s17 =	simm.s32 $0x1;
	[sflag:s11] =	ssyncadd.s32 $0xFFFFC000  }
0x52: {  	[tilespmem:s14], [sflag:$0x1] =	stream.indirect.gather [hbm4b:s5+s0], $0x80, s24, s0, $0xb8;
	[tilespmem:$0x1E800] =	vst v63  }
0x53: {  	s31 =	sor.u32 s3, s17;
	s17 =	simm.s32 $0x15500;
	_ =	swait.ge [sflag:s16], $0x4000  }
0x54: {  	p2 =	seq.s32 s31, $0x0;
	s7 =	simm.s32 $0x15480;
	[sflag:s16] =	ssyncset.done $0x0  }
.LBB2_13:
0x55: {  	s22 =	simm.s32 @!p2 $0x4;
	[sflag:s16] =	ssyncadd.s32 $0xFFFFC000;
	s23 =	smov.u32 s26  }
0x56: {  	s26 =	sadd.s32 $0x1, s26;
	s24 =	smov.u32 s13;
	s31 =	smov.u32 s17  }
0x57: {  	[spmem:s1] =	stream.indirect.scatter.add.f32 [tilespmem:s10], [sflag:$0x4], $0x80, s7, s0, $0xb8;
	[tilespmem:$0x1E800] =	vst v63  }
0x58: {  	p1 =	sne.s32 s26, $0x13;
	_ =	swait.ge @!p2 [sflag:s22], $0x4000  }
0x59: {  	[sflag:s22] =	ssyncset.done @!p2 $0x0  }
0x5a: {  	s7 =	sadd.s32 $0xFFFFFF80, s13;
	[sflag:s22] =	ssyncadd.s32 @!p2 $0xFFFFC000  }
0x5b: {  	[tilespmem:s10], [sflag:$0x2] =	stream.indirect.gather [hbm4b:s5+s0], $0x80, s7, s0, $0xb8;
	[tilespmem:$0x1E800] =	vst v63  }
0x5c: {  	_ =	swait.ge [sflag:s15], $0x4000  }
0x5d: {  	[sflag:s15] =	ssyncset.done $0x0  }
0x5e: {  	[sflag:s15] =	ssyncadd.s32 $0xFFFFC000  }
0x5f: {  	[spmem:s1] =	stream.indirect.scatter.add.f32 [tilespmem:s14], [sflag:$0x3], $0x80, s17, s0, $0xb8;
	[tilespmem:$0x1E800] =	vst v63  }
0x60: {  	_ =	swait.ge [sflag:s11], $0x4000  }
.Ltmp3:
0x61: {  	[sflag:s11] =	ssyncset.done $0x0;
	(pc) =	sbr.rel @p1 .LBB2_13-.Ltmp3, $4  }
0x62: {  	s13 =	sadd.s32 $0x100, s13;
	[sflag:s11] =	ssyncadd.s32 $0xFFFFC000  }
0x63: {  	[tilespmem:s14], [sflag:$0x1] =	stream.indirect.gather [hbm4b:s5+s0], $0x80, s24, s0, $0xb8;
	[tilespmem:$0x1E800] =	vst v63  }
0x64: {  	s7 =	sor.u32 s3, s23;
	s17 =	sadd.s32 $0x100, s17;
	_ =	swait.ge [sflag:s16], $0x4000  }
0x65: {  	p2 =	seq.s32 s7, $0x0;
	s7 =	sadd.s32 $0x80, s31;
	[sflag:s16] =	ssyncset.done $0x0  }
0x66: {  	s3 =	simm.s32 @!p2 $0x4;
	[sflag:s16] =	ssyncadd.s32 $0xFFFFC000  }
0x67: {  	[spmem:s1] =	stream.indirect.scatter.add.f32 [tilespmem:s10], [sflag:$0x4], $0x80, s7, s0, $0xb8;
	[tilespmem:$0x1E800] =	vst v63  }
0x68: {  	_ =	swait.ge @!p2 [sflag:s3], $0x4000  }
0x69: {  	[sflag:s3] =	ssyncset.done @!p2 $0x0  }
0x6a: {  	s26 =	sadd.s32 $0xFFFFFF80, s13;
	[sflag:s3] =	ssyncadd.s32 @!p2 $0xFFFFC000  }
0x6b: {  	[tilespmem:s10], [sflag:$0x2] =	stream.indirect.gather [hbm4b:s5+s0], $0x80, s26, s0, $0xb8;
	[tilespmem:$0x1E800] =	vst v63  }
0x6c: {  	_ =	swait.ge [sflag:s15], $0x4000  }
0x6d: {  	[sflag:s15] =	ssyncset.done $0x0  }
0x6e: {  	[sflag:s15] =	ssyncadd.s32 $0xFFFFC000  }
0x6f: {  	[spmem:s1] =	stream.indirect.scatter.add.f32 [tilespmem:s14], [sflag:$0x3], $0x80, s17, s0, $0xb8;
	[tilespmem:$0x1E800] =	vst v63  }
0x70: {  	_ =	swait.ge [sflag:s11], $0x4000  }
0x71: {  	[sflag:s11] =	ssyncset.done $0x0  }
0x72: {  	[sflag:s11] =	ssyncadd.s32 $0xFFFFC000  }
0x73: {  	[tilespmem:s14], [sflag:$0x1] =	stream.indirect.gather [hbm4b:s5+s0], $0x80, s13, s0, $0xb8;
	[tilespmem:$0x1E800] =	vst v63  }
0x74: {  	_ =	swait.ge [sflag:s16], $0x4000  }
0x75: {  	[sflag:s16] =	ssyncset.done $0x0  }
0x76: {  	s31 =	sadd.s32 $0x80, s17;
	[sflag:s16] =	ssyncadd.s32 $0xFFFFC000  }
0x77: {  	[spmem:s1] =	stream.indirect.scatter.add.f32 [tilespmem:s10], [sflag:$0x4], $0x80, s31, s0, $0xb8;
	[tilespmem:$0x1E800] =	vst v63  }
0x78: {  	_ =	swait.ge [sflag:s18], $0x4000  }
0x79: {  	[sflag:s18] =	ssyncset.done $0x0  }
0x7a: {  	[sflag:s18] =	ssyncadd.s32 $0xFFFFC000  }
0x7b: {  	[tilespmem:s10], [sflag:$0x2] =	stream.indirect.gather [hbm4b:s5+s0], $0x80, s19, s0, $0xb8;
	[tilespmem:$0x1E800] =	vst v63  }
0x7c: {  	_ =	swait.ge [sflag:s15], $0x4000  }
0x7d: {  	s28 =	sadd.s32 $0x1, s28;
	[sflag:s15] =	ssyncset.done $0x0  }
0x7e: {  	p1 =	sne.s32 s28, $0x4;
	[sflag:s15] =	ssyncadd.s32 $0xFFFFC000  }
0x7f: {  	[spmem:s1] =	stream.indirect.scatter.add.f32 [tilespmem:s14], [sflag:$0x3], $0x80, s20, s0, $0xb8;
	[tilespmem:$0x1E800] =	vst v63  }
.Ltmp4:
0x80: {  	_ = 	snop;
	(pc) =	sbr.rel @p1 .LBB2_12-.Ltmp4, $4  }
0x81: {  	_ =	swait.ge [sflag:s16], $0x4000  }
0x82: {  	[sflag:s16] =	ssyncset.done $0x0  }
0x83: {  	[sflag:s16] =	ssyncadd.s32 $0xFFFFC000  }
0x84: {  	[spmem:s1] =	stream.indirect.scatter.add.f32 [tilespmem:s10], [sflag:$0x4], $0x80, s21, s0, $0xb8;
	[tilespmem:$0x1E800] =	vst v63  }
0x85: {  	_ =	swait.ge [sflag:s11], $0x4000  }
0x86: {  	[sflag:s11] =	ssyncset.done $0x0  }
0x87: {  	[sflag:s11] =	ssyncadd.s32 $0xFFFFC000  }
0x88: {  	_ =	swait.ge [sflag:s18], $0x4000  }
0x89: {  	[sflag:s18] =	ssyncset.done $0x0  }
0x8a: {  	[sflag:s18] =	ssyncadd.s32 $0xFFFFC000  }
0x8b: {  	[bflag:$0x0] =	sbarrier.arrive $0xFFFF  }
0x8c: {  	s3 =	rddreg [dreg:$0x9]  }
0x8d: {  	s23 =	rddreg [dreg:$0x16]  }
0x8e: {  	s24 =	rddreg [dreg:$0x17]  }
0x8f: {  	[hbm:s3], [sflag:s24] =	dma.local [spmem:s23], $0x2800  }
0x90: {  	_ =	swait.ge [sflag:s29], $0x2800  }
0x91: {  	[sflag:s29] =	ssyncset.done $0x0  }
0x92: {  	s17 =	rddreg [dreg:$0x13];
	[sflag:s29] =	ssyncadd.s32 $0xFFFFD800  }
0x93: {  	[spmem:s23], [sflag:s24] =	dma.local [hbm:s17], $0x2800  }
0x94: {  	_ =	swait.ge [sflag:s29], $0x2800  }
0x95: {  	[sflag:s29] =	ssyncset.done $0x0  }
0x96: {  	[sflag:s29] =	ssyncadd.s32 $0xFFFFD800  }
0x97: {  	[bflag:$0x0] =	sbarrier.arrive $0xFFFF  }
0x98: {  	s22 =	simm.s32 $0x0;
	s7 =	rddreg [dreg:$0xf]  }
0x99: {  	[tilespmem:s30], [sflag:$0x5] =	stream.linear.gather [hbm4b:s7+s22], $0x1400, $0x38;
	[tilespmem:$0x1E800] =	vst v63  }
0x9a: {  	_ =	swait.ge [sflag:s29], $0x1400  }
0x9b: {  	[sflag:s29] =	ssyncset.done $0x0  }
0x9c: {  	s13 =	simm.s32 $0x15400;
	s25 =	rddreg [dreg:$0x10];
	[sflag:s29] =	ssyncadd.s32 $0xFFFFEC00  }
0x9d: {  	[tilespmem:s13], [sflag:$0x5] =	stream.linear.gather [hbm4b:s25+s22], $0x1400, $0x38;
	[tilespmem:$0x1E800] =	vst v63  }
0x9e: {  	_ =	swait.ge [sflag:s29], $0x1400  }
0x9f: {  	p1 =	por $0x1, $0x1;
	[sflag:s29] =	ssyncset.done $0x0  }
0xa0: {  	s3 =	simm.s32 @!p1 $0x4;
	[sflag:s29] =	ssyncadd.s32 $0xFFFFEC00  }
0xa1: {  	[tilespmem:s14], [sflag:$0x1] =	stream.indirect.gather [hbm4b:s6+s0], $0x80, s30, s0, $0xb8;
	[tilespmem:$0x1E800] =	vst v63  }
0xa2: {  	_ =	swait.ge @!p1 [sflag:s3], $0x4000  }
0xa3: {  	[sflag:s3] =	ssyncset.done @!p1 $0x0  }
0xa4: {  	s26 =	simm.s32 $0x14080;
	[sflag:s3] =	ssyncadd.s32 @!p1 $0xFFFFC000  }
0xa5: {  	[tilespmem:s10], [sflag:$0x2] =	stream.indirect.gather [hbm4b:s6+s0], $0x80, s26, s0, $0xb8;
	[tilespmem:$0x1E800] =	vst v63  }
0xa6: {  	_ =	swait.ge [sflag:s15], $0x4000  }
0xa7: {  	[sflag:s15] =	ssyncset.done $0x0  }
0xa8: {  	s28 =	simm.s32 $0x15400;
	[sflag:s15] =	ssyncadd.s32 $0xFFFFC000  }
0xa9: {  	[spmem:s1] =	stream.indirect.scatter.add.f32 [tilespmem:s14], [sflag:$0x3], $0x80, s28, s0, $0xb8;
	[tilespmem:$0x1E800] =	vst v63  }
0xaa: {  	_ =	swait.ge [sflag:s11], $0x4000  }
0xab: {  	[sflag:s11] =	ssyncset.done $0x0  }
0xac: {  	s31 =	simm.s32 $0x14100;
	[sflag:s11] =	ssyncadd.s32 $0xFFFFC000  }
0xad: {  	[tilespmem:s14], [sflag:$0x1] =	stream.indirect.gather [hbm4b:s6+s0], $0x80, s31, s0, $0xb8;
	[tilespmem:$0x1E800] =	vst v63  }
0xae: {  	p2 =	por $0x0, $0x0;
	s7 =	simm.s32 $0x15480;
	_ =	swait.ge [sflag:s16], $0x4000  }
0xaf: {  	s13 =	simm.s32 $0x800;
	s3 =	simm.s32 $0x400;
	[sflag:s16] =	ssyncset.done $0x0  }
.LBB2_16:
0xb0: {  	s17 =	simm.s32 @!p2 $0x4  }
0xb1: {  	[sflag:s16] =	ssyncadd.s32 $0xFFFFC000;
	s22 =	smov.u32 s13;
	s13 =	sadd.s32 $0x400, s13  }
0xb2: {  	[spmem:s1] =	stream.indirect.scatter.add.f32 [tilespmem:s10], [sflag:$0x4], $0x80, s7, s0, $0xb8;
	[tilespmem:$0x1E800] =	vst v63  }
0xb3: {  	p1 =	sne.s32 s13, $0x4C00;
	_ =	swait.ge @!p2 [sflag:s17], $0x4000  }
0xb4: {  	s7 =	sshra.s32 s3, $0x2;
	s3 =	smov.u32 s22;
	[sflag:s17] =	ssyncset.done @!p2 $0x0  }
0xb5: {  	[sflag:s17] =	ssyncadd.s32 @!p2 $0xFFFFC000;
	s17 =	sadd.s32 $0x14080, s7  }
0xb6: {  	[tilespmem:s10], [sflag:$0x2] =	stream.indirect.gather [hbm4b:s6+s0], $0x80, s17, s0, $0xb8;
	[tilespmem:$0x1E800] =	vst v63  }
0xb7: {  	_ =	swait.ge [sflag:s15], $0x4000  }
0xb8: {  	[sflag:s15] =	ssyncset.done $0x0  }
0xb9: {  	s17 =	sadd.s32 $0x15400, s7;
	[sflag:s15] =	ssyncadd.s32 $0xFFFFC000  }
0xba: {  	[spmem:s1] =	stream.indirect.scatter.add.f32 [tilespmem:s14], [sflag:$0x3], $0x80, s17, s0, $0xb8;
	[tilespmem:$0x1E800] =	vst v63  }
0xbb: {  	_ =	swait.ge [sflag:s11], $0x4000  }
.Ltmp5:
0xbc: {  	[sflag:s11] =	ssyncset.done $0x0;
	(pc) =	sbr.rel @p1 .LBB2_16-.Ltmp5, $4  }
0xbd: {  	s17 =	sadd.s32 $0x14100, s7;
	[sflag:s11] =	ssyncadd.s32 $0xFFFFC000  }
0xbe: {  	[tilespmem:s14], [sflag:$0x1] =	stream.indirect.gather [hbm4b:s6+s0], $0x80, s17, s0, $0xb8;
	[tilespmem:$0x1E800] =	vst v63  }
0xbf: {  	_ =	swait.ge [sflag:s16], $0x4000  }
0xc0: {  	p2 =	seq.s32 s3, $0x0;
	s7 =	sadd.s32 $0x15480, s7;
	[sflag:s16] =	ssyncset.done $0x0  }
0xc1: {  	s13 =	simm.s32 @!p2 $0x4;
	[sflag:s16] =	ssyncadd.s32 $0xFFFFC000  }
0xc2: {  	[spmem:s1] =	stream.indirect.scatter.add.f32 [tilespmem:s10], [sflag:$0x4], $0x80, s7, s0, $0xb8;
	[tilespmem:$0x1E800] =	vst v63  }
0xc3: {  	_ =	swait.ge @!p2 [sflag:s13], $0x4000  }
0xc4: {  	s3 =	sshra.s32 s3, $0x2;
	[sflag:s13] =	ssyncset.done @!p2 $0x0  }
0xc5: {  	s26 =	sadd.s32 $0x14080, s3;
	[sflag:s13] =	ssyncadd.s32 @!p2 $0xFFFFC000  }
0xc6: {  	[tilespmem:s10], [sflag:$0x2] =	stream.indirect.gather [hbm4b:s6+s0], $0x80, s26, s0, $0xb8;
	[tilespmem:$0x1E800] =	vst v63  }
0xc7: {  	_ =	swait.ge [sflag:s15], $0x4000  }
0xc8: {  	[sflag:s15] =	ssyncset.done $0x0  }
0xc9: {  	s28 =	sadd.s32 $0x15400, s3;
	[sflag:s15] =	ssyncadd.s32 $0xFFFFC000  }
0xca: {  	[spmem:s1] =	stream.indirect.scatter.add.f32 [tilespmem:s14], [sflag:$0x3], $0x80, s28, s0, $0xb8;
	[tilespmem:$0x1E800] =	vst v63  }
0xcb: {  	_ =	swait.ge [sflag:s11], $0x4000  }
0xcc: {  	[sflag:s11] =	ssyncset.done $0x0  }
0xcd: {  	s31 =	sadd.s32 $0x14100, s3;
	[sflag:s11] =	ssyncadd.s32 $0xFFFFC000  }
0xce: {  	[tilespmem:s14], [sflag:$0x1] =	stream.indirect.gather [hbm4b:s6+s0], $0x80, s31, s0, $0xb8;
	[tilespmem:$0x1E800] =	vst v63  }
0xcf: {  	_ =	swait.ge [sflag:s16], $0x4000  }
0xd0: {  	[sflag:s16] =	ssyncset.done $0x0  }
0xd1: {  	s3 =	sadd.s32 $0x15480, s3;
	[sflag:s16] =	ssyncadd.s32 $0xFFFFC000  }
0xd2: {  	[spmem:s1] =	stream.indirect.scatter.add.f32 [tilespmem:s10], [sflag:$0x4], $0x80, s3, s0, $0xb8;
	[tilespmem:$0x1E800] =	vst v63  }
0xd3: {  	_ =	swait.ge [sflag:s18], $0x4000  }
0xd4: {  	[sflag:s18] =	ssyncset.done $0x0  }
0xd5: {  	[sflag:s18] =	ssyncadd.s32 $0xFFFFC000  }
0xd6: {  	[tilespmem:s10], [sflag:$0x2] =	stream.indirect.gather [hbm4b:s6+s0], $0x80, s19, s0, $0xb8;
	[tilespmem:$0x1E800] =	vst v63  }
0xd7: {  	_ =	swait.ge [sflag:s15], $0x4000  }
0xd8: {  	[sflag:s15] =	ssyncset.done $0x0  }
0xd9: {  	[sflag:s15] =	ssyncadd.s32 $0xFFFFC000  }
0xda: {  	[spmem:s1] =	stream.indirect.scatter.add.f32 [tilespmem:s14], [sflag:$0x3], $0x80, s20, s0, $0xb8;
	[tilespmem:$0x1E800] =	vst v63  }
0xdb: {  	_ =	swait.ge [sflag:s16], $0x4000  }
0xdc: {  	[sflag:s16] =	ssyncset.done $0x0  }
0xdd: {  	[sflag:s16] =	ssyncadd.s32 $0xFFFFC000  }
0xde: {  	[spmem:s1] =	stream.indirect.scatter.add.f32 [tilespmem:s10], [sflag:$0x4], $0x80, s21, s0, $0xb8;
	[tilespmem:$0x1E800] =	vst v63  }
0xdf: {  	s13 =	simm.s32 $0x0;
	s17 =	rddreg [dreg:$0x11]  }
0xe0: {  	[tilespmem:s30], [sflag:$0x5] =	stream.linear.gather [hbm4b:s17+s13], $0x1400, $0x38;
	[tilespmem:$0x1E800] =	vst v63  }
0xe1: {  	_ =	swait.ge [sflag:s29], $0x1400  }
0xe2: {  	[sflag:s29] =	ssyncset.done $0x0  }
0xe3: {  	s25 =	simm.s32 $0x15400;
	s22 =	rddreg [dreg:$0x12];
	[sflag:s29] =	ssyncadd.s32 $0xFFFFEC00  }
0xe4: {  	[tilespmem:s25], [sflag:$0x5] =	stream.linear.gather [hbm4b:s22+s13], $0x1400, $0x38;
	[tilespmem:$0x1E800] =	vst v63  }
0xe5: {  	_ =	swait.ge [sflag:s29], $0x1400  }
0xe6: {  	[sflag:s29] =	ssyncset.done $0x0  }
0xe7: {  	[sflag:s29] =	ssyncadd.s32 $0xFFFFEC00  }
0xe8: {  	_ =	swait.ge [sflag:s11], $0x4000  }
0xe9: {  	[sflag:s11] =	ssyncset.done $0x0  }
0xea: {  	[sflag:s11] =	ssyncadd.s32 $0xFFFFC000  }
0xeb: {  	[tilespmem:s14], [sflag:$0x1] =	stream.indirect.gather [hbm4b:s6+s0], $0x80, s30, s0, $0xb8;
	[tilespmem:$0x1E800] =	vst v63  }
0xec: {  	_ =	swait.ge [sflag:s18], $0x4000  }
0xed: {  	[sflag:s18] =	ssyncset.done $0x0  }
0xee: {  	s26 =	simm.s32 $0x14080;
	[sflag:s18] =	ssyncadd.s32 $0xFFFFC000  }
0xef: {  	[tilespmem:s10], [sflag:$0x2] =	stream.indirect.gather [hbm4b:s6+s0], $0x80, s26, s0, $0xb8;
	[tilespmem:$0x1E800] =	vst v63  }
0xf0: {  	_ =	swait.ge [sflag:s15], $0x4000  }
0xf1: {  	[sflag:s15] =	ssyncset.done $0x0  }
0xf2: {  	s28 =	simm.s32 $0x15400;
	[sflag:s15] =	ssyncadd.s32 $0xFFFFC000  }
0xf3: {  	[spmem:s1] =	stream.indirect.scatter.add.f32 [tilespmem:s14], [sflag:$0x3], $0x80, s28, s0, $0xb8;
	[tilespmem:$0x1E800] =	vst v63  }
0xf4: {  	_ =	swait.ge [sflag:s11], $0x4000  }
0xf5: {  	[sflag:s11] =	ssyncset.done $0x0  }
0xf6: {  	s31 =	simm.s32 $0x14100;
	[sflag:s11] =	ssyncadd.s32 $0xFFFFC000  }
0xf7: {  	[tilespmem:s14], [sflag:$0x1] =	stream.indirect.gather [hbm4b:s6+s0], $0x80, s31, s0, $0xb8;
	[tilespmem:$0x1E800] =	vst v63  }
0xf8: {  	_ =	swait.ge [sflag:s16], $0x4000  }
0xf9: {  	[sflag:s16] =	ssyncset.done $0x0  }
0xfa: {  	s7 =	simm.s32 $0x15480;
	s3 =	simm.s32 $0x400;
	[sflag:s16] =	ssyncadd.s32 $0xFFFFC000  }
.LBB2_18:
0xfb: {  	[spmem:s1] =	stream.indirect.scatter.add.f32 [tilespmem:s10], [sflag:$0x4], $0x80, s7, s0, $0xb8;
	[tilespmem:$0x1E800] =	vst v63  }
0xfc: {  	s7 =	smov.u32 s3  }
0xfd: {  	p1 =	sne.s32 s3, $0x4800;
	s3 =	sadd.s32 $0x400, s3;
	_ =	swait.ge [sflag:s18], $0x4000  }
0xfe: {  	s7 =	sshra.s32 s7, $0x2;
	[sflag:s18] =	ssyncset.done $0x0  }
0xff: {  	s13 =	sadd.s32 $0x14080, s7;
	[sflag:s18] =	ssyncadd.s32 $0xFFFFC000  }
0x100: {  	[tilespmem:s10], [sflag:$0x2] =	stream.indirect.gather [hbm4b:s6+s0], $0x80, s13, s0, $0xb8;
	[tilespmem:$0x1E800] =	vst v63  }
0x101: {  	_ =	swait.ge [sflag:s15], $0x4000  }
0x102: {  	[sflag:s15] =	ssyncset.done $0x0  }
0x103: {  	s13 =	sadd.s32 $0x15400, s7;
	[sflag:s15] =	ssyncadd.s32 $0xFFFFC000  }
0x104: {  	[spmem:s1] =	stream.indirect.scatter.add.f32 [tilespmem:s14], [sflag:$0x3], $0x80, s13, s0, $0xb8;
	[tilespmem:$0x1E800] =	vst v63  }
0x105: {  	_ =	swait.ge [sflag:s11], $0x4000  }
0x106: {  	[sflag:s11] =	ssyncset.done $0x0  }
.Ltmp6:
0x107: {  	s13 =	sadd.s32 $0x14100, s7;
	[sflag:s11] =	ssyncadd.s32 $0xFFFFC000;
	(pc) =	sbr.rel @p1 .LBB2_18-.Ltmp6, $4  }
0x108: {  	[tilespmem:s14], [sflag:$0x1] =	stream.indirect.gather [hbm4b:s6+s0], $0x80, s13, s0, $0xb8;
	[tilespmem:$0x1E800] =	vst v63  }
0x109: {  	_ =	swait.ge [sflag:s16], $0x4000  }
0x10a: {  	[sflag:s16] =	ssyncset.done $0x0  }
0x10b: {  	s7 =	sadd.s32 $0x15480, s7;
	[sflag:s16] =	ssyncadd.s32 $0xFFFFC000  }
0x10c: {  	[spmem:s1] =	stream.indirect.scatter.add.f32 [tilespmem:s10], [sflag:$0x4], $0x80, s7, s0, $0xb8;
	[tilespmem:$0x1E800] =	vst v63  }
0x10d: {  	_ =	swait.ge [sflag:s18], $0x4000  }
0x10e: {  	[sflag:s18] =	ssyncset.done $0x0  }
0x10f: {  	[sflag:s18] =	ssyncadd.s32 $0xFFFFC000  }
0x110: {  	[tilespmem:s10], [sflag:$0x2] =	stream.indirect.gather [hbm4b:s6+s0], $0x80, s19, s0, $0xb8;
	[tilespmem:$0x1E800] =	vst v63  }
0x111: {  	_ =	swait.ge [sflag:s15], $0x4000  }
0x112: {  	[sflag:s15] =	ssyncset.done $0x0  }
0x113: {  	[sflag:s15] =	ssyncadd.s32 $0xFFFFC000  }
0x114: {  	[spmem:s1] =	stream.indirect.scatter.add.f32 [tilespmem:s14], [sflag:$0x3], $0x80, s20, s0, $0xb8;
	[tilespmem:$0x1E800] =	vst v63  }
.Ltmp7:
0x115: {  	_ = 	snop;
	(pc) =	sbr.rel .LBB2_20-.Ltmp7, $4  }
0x116: {  	_ =	swait.ge [sflag:s16], $0x4000  }
0x117: {  	[sflag:s16] =	ssyncset.done $0x0;
	s3 =	rddreg [dreg:$0x5]  }
0x118: {  	s13 =	rddreg [dreg:$0x15];
	[sflag:s16] =	ssyncadd.s32 $0xFFFFC000  }
0x119: {  	[spmem:s1] =	stream.indirect.scatter.add.f32 [tilespmem:s10], [sflag:$0x4], $0x80, s21, s0, $0xb8;
	[tilespmem:$0x1E800] =	vst v63  }
.LBB2_2:
0x11a: {  	s3 =	rddreg [dreg:$0x7]  }
0x11b: {  	[dreg:$0x17] =	wrdreg s13  }
0x11c: {  	[spmem:s7], [sflag:s13] =	dma.local [hbm:s3], $0x2800  }
0x11d: {  	_ =	swait.ge [sflag:s29], $0x2800  }
0x11e: {  	[sflag:s29] =	ssyncset.done $0x0  }
0x11f: {  	[sflag:s29] =	ssyncadd.s32 $0xFFFFD800  }
0x120: {  	s25 =	simm.s32 $0x0;
	s28 =	simm.s32 $0x0;
	[bflag:$0x0] =	sbarrier.arrive $0xFFFF  }
.LBB2_3:
0x121: {  	s3 =	smul.u32 $0x28, s28;
	_ =	sdelay $0x1  }
0x122: {  	s7 =	sadd.s32 s12, s3  }
0x123: {  	s7 =	sshll.u32 s7, $0x4  }
0x124: {  	s13 =	sadd.s32 s8, s7  }
0x125: {  	[tilespmem:s30], [sflag:$0x5] =	stream.linear.gather [hbm4b:s13+s2], $0x1400, $0x38;
	[tilespmem:$0x1E800] =	vst v63  }
0x126: {  	_ =	swait.ge [sflag:s29], $0x1400  }
0x127: {  	[sflag:s29] =	ssyncset.done $0x0  }
0x128: {  	s31 =	simm.s32 $0x15400;
	s7 =	sadd.s32 s9, s7;
	[sflag:s29] =	ssyncadd.s32 $0xFFFFEC00  }
0x129: {  	[tilespmem:s31], [sflag:$0x5] =	stream.linear.gather [hbm4b:s7+s2], $0x1400, $0x38;
	[tilespmem:$0x1E800] =	vst v63  }
0x12a: {  	_ =	swait.ge [sflag:s29], $0x1400  }
0x12b: {  	p1 =	seq.s32 s28, $0x0;
	[sflag:s29] =	ssyncset.done $0x0  }
0x12c: {  	s7 =	simm.s32 @!p1 $0x3;
	[sflag:s29] =	ssyncadd.s32 $0xFFFFEC00  }
0x12d: {  	_ =	swait.ge @!p1 [sflag:s7], $0x4000  }
0x12e: {  	s17 =	sor.u32 s3, s25;
	[sflag:s7] =	ssyncset.done @!p1 $0x0  }
0x12f: {  	[sflag:s7] =	ssyncadd.s32 @!p1 $0xFFFFC000;
	p1 =	seq.s32 s17, $0x0  }
0x130: {  	[tilespmem:s14], [sflag:$0x1] =	stream.indirect.gather [hbm4b:s4+s0], $0x80, s30, s0, $0xb8;
	[tilespmem:$0x1E800] =	vst v63  }
0x131: {  	s7 =	simm.s32 @!p1 $0x4  }
0x132: {  	_ =	swait.ge @!p1 [sflag:s7], $0x4000  }
0x133: {  	[sflag:s7] =	ssyncset.done @!p1 $0x0  }
0x134: {  	s22 =	simm.s32 $0x14080;
	[sflag:s7] =	ssyncadd.s32 @!p1 $0xFFFFC000  }
0x135: {  	[tilespmem:s10], [sflag:$0x2] =	stream.indirect.gather [hbm4b:s4+s0], $0x80, s22, s0, $0xb8;
	[tilespmem:$0x1E800] =	vst v63  }
0x136: {  	_ =	swait.ge [sflag:s15], $0x4000  }
0x137: {  	[sflag:s15] =	ssyncset.done $0x0  }
0x138: {  	s23 =	simm.s32 $0x15400;
	[sflag:s15] =	ssyncadd.s32 $0xFFFFC000  }
0x139: {  	[spmem:s1] =	stream.indirect.scatter.add.f32 [tilespmem:s14], [sflag:$0x3], $0x80, s23, s0, $0xb8;
	[tilespmem:$0x1E800] =	vst v63  }
0x13a: {  	_ =	swait.ge [sflag:s11], $0x4000  }
0x13b: {  	s24 =	simm.s32 $0x14100;
	s26 =	simm.s32 $0x2;
	[sflag:s11] =	ssyncset.done $0x0  }
0x13c: {  	s13 =	simm.s32 $0x14200;
	s17 =	simm.s32 $0x1;
	[sflag:s11] =	ssyncadd.s32 $0xFFFFC000  }
0x13d: {  	[tilespmem:s14], [sflag:$0x1] =	stream.indirect.gather [hbm4b:s4+s0], $0x80, s24, s0, $0xb8;
	[tilespmem:$0x1E800] =	vst v63  }
0x13e: {  	s31 =	sor.u32 s3, s17;
	s17 =	simm.s32 $0x15500;
	_ =	swait.ge [sflag:s16], $0x4000  }
0x13f: {  	p2 =	seq.s32 s31, $0x0;
	s7 =	simm.s32 $0x15480;
	[sflag:s16] =	ssyncset.done $0x0  }
.LBB2_4:
0x140: {  	s23 =	simm.s32 @!p2 $0x4;
	[sflag:s16] =	ssyncadd.s32 $0xFFFFC000;
	s24 =	smov.u32 s26  }
0x141: {  	s26 =	sadd.s32 $0x1, s26;
	s22 =	smov.u32 s13;
	s31 =	smov.u32 s17  }
0x142: {  	[spmem:s1] =	stream.indirect.scatter.add.f32 [tilespmem:s10], [sflag:$0x4], $0x80, s7, s0, $0xb8;
	[tilespmem:$0x1E800] =	vst v63  }
0x143: {  	p1 =	sne.s32 s26, $0x13;
	_ =	swait.ge @!p2 [sflag:s23], $0x4000  }
0x144: {  	[sflag:s23] =	ssyncset.done @!p2 $0x0  }
0x145: {  	s7 =	sadd.s32 $0xFFFFFF80, s13;
	[sflag:s23] =	ssyncadd.s32 @!p2 $0xFFFFC000  }
0x146: {  	[tilespmem:s10], [sflag:$0x2] =	stream.indirect.gather [hbm4b:s4+s0], $0x80, s7, s0, $0xb8;
	[tilespmem:$0x1E800] =	vst v63  }
0x147: {  	_ =	swait.ge [sflag:s15], $0x4000  }
0x148: {  	[sflag:s15] =	ssyncset.done $0x0  }
0x149: {  	[sflag:s15] =	ssyncadd.s32 $0xFFFFC000  }
0x14a: {  	[spmem:s1] =	stream.indirect.scatter.add.f32 [tilespmem:s14], [sflag:$0x3], $0x80, s17, s0, $0xb8;
	[tilespmem:$0x1E800] =	vst v63  }
0x14b: {  	_ =	swait.ge [sflag:s11], $0x4000  }
.Ltmp8:
0x14c: {  	[sflag:s11] =	ssyncset.done $0x0;
	(pc) =	sbr.rel @p1 .LBB2_4-.Ltmp8, $4  }
0x14d: {  	s13 =	sadd.s32 $0x100, s13;
	[sflag:s11] =	ssyncadd.s32 $0xFFFFC000  }
0x14e: {  	[tilespmem:s14], [sflag:$0x1] =	stream.indirect.gather [hbm4b:s4+s0], $0x80, s22, s0, $0xb8;
	[tilespmem:$0x1E800] =	vst v63  }
0x14f: {  	s7 =	sor.u32 s3, s24;
	s17 =	sadd.s32 $0x100, s17;
	_ =	swait.ge [sflag:s16], $0x4000  }
0x150: {  	p2 =	seq.s32 s7, $0x0;
	s7 =	sadd.s32 $0x80, s31;
	[sflag:s16] =	ssyncset.done $0x0  }
0x151: {  	s3 =	simm.s32 @!p2 $0x4;
	[sflag:s16] =	ssyncadd.s32 $0xFFFFC000  }
0x152: {  	[spmem:s1] =	stream.indirect.scatter.add.f32 [tilespmem:s10], [sflag:$0x4], $0x80, s7, s0, $0xb8;
	[tilespmem:$0x1E800] =	vst v63  }
0x153: {  	_ =	swait.ge @!p2 [sflag:s3], $0x4000  }
0x154: {  	[sflag:s3] =	ssyncset.done @!p2 $0x0  }
0x155: {  	s26 =	sadd.s32 $0xFFFFFF80, s13;
	[sflag:s3] =	ssyncadd.s32 @!p2 $0xFFFFC000  }
0x156: {  	[tilespmem:s10], [sflag:$0x2] =	stream.indirect.gather [hbm4b:s4+s0], $0x80, s26, s0, $0xb8;
	[tilespmem:$0x1E800] =	vst v63  }
0x157: {  	_ =	swait.ge [sflag:s15], $0x4000  }
0x158: {  	[sflag:s15] =	ssyncset.done $0x0  }
0x159: {  	[sflag:s15] =	ssyncadd.s32 $0xFFFFC000  }
0x15a: {  	[spmem:s1] =	stream.indirect.scatter.add.f32 [tilespmem:s14], [sflag:$0x3], $0x80, s17, s0, $0xb8;
	[tilespmem:$0x1E800] =	vst v63  }
0x15b: {  	_ =	swait.ge [sflag:s11], $0x4000  }
0x15c: {  	[sflag:s11] =	ssyncset.done $0x0  }
0x15d: {  	[sflag:s11] =	ssyncadd.s32 $0xFFFFC000  }
0x15e: {  	[tilespmem:s14], [sflag:$0x1] =	stream.indirect.gather [hbm4b:s4+s0], $0x80, s13, s0, $0xb8;
	[tilespmem:$0x1E800] =	vst v63  }
0x15f: {  	_ =	swait.ge [sflag:s16], $0x4000  }
0x160: {  	[sflag:s16] =	ssyncset.done $0x0  }
0x161: {  	s31 =	sadd.s32 $0x80, s17;
	[sflag:s16] =	ssyncadd.s32 $0xFFFFC000  }
0x162: {  	[spmem:s1] =	stream.indirect.scatter.add.f32 [tilespmem:s10], [sflag:$0x4], $0x80, s31, s0, $0xb8;
	[tilespmem:$0x1E800] =	vst v63  }
0x163: {  	_ =	swait.ge [sflag:s18], $0x4000  }
0x164: {  	[sflag:s18] =	ssyncset.done $0x0  }
0x165: {  	[sflag:s18] =	ssyncadd.s32 $0xFFFFC000  }
0x166: {  	[tilespmem:s10], [sflag:$0x2] =	stream.indirect.gather [hbm4b:s4+s0], $0x80, s19, s0, $0xb8;
	[tilespmem:$0x1E800] =	vst v63  }
0x167: {  	_ =	swait.ge [sflag:s15], $0x4000  }
0x168: {  	s28 =	sadd.s32 $0x1, s28;
	[sflag:s15] =	ssyncset.done $0x0  }
0x169: {  	p1 =	sne.s32 s28, $0x4;
	[sflag:s15] =	ssyncadd.s32 $0xFFFFC000  }
0x16a: {  	[spmem:s1] =	stream.indirect.scatter.add.f32 [tilespmem:s14], [sflag:$0x3], $0x80, s20, s0, $0xb8;
	[tilespmem:$0x1E800] =	vst v63  }
.Ltmp9:
0x16b: {  	_ = 	snop;
	(pc) =	sbr.rel @p1 .LBB2_3-.Ltmp9, $4  }
0x16c: {  	_ =	swait.ge [sflag:s16], $0x4000  }
0x16d: {  	[sflag:s16] =	ssyncset.done $0x0  }
0x16e: {  	[sflag:s16] =	ssyncadd.s32 $0xFFFFC000  }
0x16f: {  	[spmem:s1] =	stream.indirect.scatter.add.f32 [tilespmem:s10], [sflag:$0x4], $0x80, s21, s0, $0xb8;
	[tilespmem:$0x1E800] =	vst v63  }
0x170: {  	_ =	swait.ge [sflag:s11], $0x4000  }
0x171: {  	[sflag:s11] =	ssyncset.done $0x0  }
0x172: {  	[sflag:s11] =	ssyncadd.s32 $0xFFFFC000  }
0x173: {  	_ =	swait.ge [sflag:s18], $0x4000  }
0x174: {  	[sflag:s18] =	ssyncset.done $0x0  }
0x175: {  	[sflag:s18] =	ssyncadd.s32 $0xFFFFC000  }
0x176: {  	[bflag:$0x0] =	sbarrier.arrive $0xFFFF  }
0x177: {  	s3 =	rddreg [dreg:$0x8]  }
0x178: {  	s23 =	rddreg [dreg:$0x16]  }
0x179: {  	s24 =	rddreg [dreg:$0x17]  }
0x17a: {  	[hbm:s3], [sflag:s24] =	dma.local [spmem:s23], $0x2800  }
0x17b: {  	_ =	swait.ge [sflag:s29], $0x2800  }
0x17c: {  	[sflag:s29] =	ssyncset.done $0x0  }
0x17d: {  	s17 =	rddreg [dreg:$0x13];
	[sflag:s29] =	ssyncadd.s32 $0xFFFFD800  }
0x17e: {  	[spmem:s23], [sflag:s24] =	dma.local [hbm:s17], $0x2800  }
0x17f: {  	_ =	swait.ge [sflag:s29], $0x2800  }
0x180: {  	[sflag:s29] =	ssyncset.done $0x0  }
0x181: {  	[sflag:s29] =	ssyncadd.s32 $0xFFFFD800  }
0x182: {  	[bflag:$0x0] =	sbarrier.arrive $0xFFFF  }
0x183: {  	s22 =	simm.s32 $0x0;
	s7 =	rddreg [dreg:$0xb]  }
0x184: {  	[tilespmem:s30], [sflag:$0x5] =	stream.linear.gather [hbm4b:s7+s22], $0x1400, $0x38;
	[tilespmem:$0x1E800] =	vst v63  }
0x185: {  	_ =	swait.ge [sflag:s29], $0x1400  }
0x186: {  	[sflag:s29] =	ssyncset.done $0x0  }
0x187: {  	s13 =	simm.s32 $0x15400;
	s25 =	rddreg [dreg:$0xc];
	[sflag:s29] =	ssyncadd.s32 $0xFFFFEC00  }
0x188: {  	[tilespmem:s13], [sflag:$0x5] =	stream.linear.gather [hbm4b:s25+s22], $0x1400, $0x38;
	[tilespmem:$0x1E800] =	vst v63  }
0x189: {  	_ =	swait.ge [sflag:s29], $0x1400  }
0x18a: {  	p1 =	por $0x1, $0x1;
	[sflag:s29] =	ssyncset.done $0x0  }
0x18b: {  	s3 =	simm.s32 @!p1 $0x4;
	[sflag:s29] =	ssyncadd.s32 $0xFFFFEC00  }
0x18c: {  	[tilespmem:s14], [sflag:$0x1] =	stream.indirect.gather [hbm4b:s6+s0], $0x80, s30, s0, $0xb8;
	[tilespmem:$0x1E800] =	vst v63  }
0x18d: {  	_ =	swait.ge @!p1 [sflag:s3], $0x4000  }
0x18e: {  	[sflag:s3] =	ssyncset.done @!p1 $0x0  }
0x18f: {  	s26 =	simm.s32 $0x14080;
	[sflag:s3] =	ssyncadd.s32 @!p1 $0xFFFFC000  }
0x190: {  	[tilespmem:s10], [sflag:$0x2] =	stream.indirect.gather [hbm4b:s6+s0], $0x80, s26, s0, $0xb8;
	[tilespmem:$0x1E800] =	vst v63  }
0x191: {  	_ =	swait.ge [sflag:s15], $0x4000  }
0x192: {  	[sflag:s15] =	ssyncset.done $0x0  }
0x193: {  	s28 =	simm.s32 $0x15400;
	[sflag:s15] =	ssyncadd.s32 $0xFFFFC000  }
0x194: {  	[spmem:s1] =	stream.indirect.scatter.add.f32 [tilespmem:s14], [sflag:$0x3], $0x80, s28, s0, $0xb8;
	[tilespmem:$0x1E800] =	vst v63  }
0x195: {  	_ =	swait.ge [sflag:s11], $0x4000  }
0x196: {  	[sflag:s11] =	ssyncset.done $0x0  }
0x197: {  	s31 =	simm.s32 $0x14100;
	[sflag:s11] =	ssyncadd.s32 $0xFFFFC000  }
0x198: {  	[tilespmem:s14], [sflag:$0x1] =	stream.indirect.gather [hbm4b:s6+s0], $0x80, s31, s0, $0xb8;
	[tilespmem:$0x1E800] =	vst v63  }
0x199: {  	p2 =	por $0x0, $0x0;
	s7 =	simm.s32 $0x15480;
	_ =	swait.ge [sflag:s16], $0x4000  }
0x19a: {  	s13 =	simm.s32 $0x800;
	s3 =	simm.s32 $0x400;
	[sflag:s16] =	ssyncset.done $0x0  }
.LBB2_7:
0x19b: {  	s17 =	simm.s32 @!p2 $0x4  }
0x19c: {  	[sflag:s16] =	ssyncadd.s32 $0xFFFFC000;
	s22 =	smov.u32 s13;
	s13 =	sadd.s32 $0x400, s13  }
0x19d: {  	[spmem:s1] =	stream.indirect.scatter.add.f32 [tilespmem:s10], [sflag:$0x4], $0x80, s7, s0, $0xb8;
	[tilespmem:$0x1E800] =	vst v63  }
0x19e: {  	p1 =	sne.s32 s13, $0x4C00;
	_ =	swait.ge @!p2 [sflag:s17], $0x4000  }
0x19f: {  	s7 =	sshra.s32 s3, $0x2;
	s3 =	smov.u32 s22;
	[sflag:s17] =	ssyncset.done @!p2 $0x0  }
0x1a0: {  	[sflag:s17] =	ssyncadd.s32 @!p2 $0xFFFFC000;
	s17 =	sadd.s32 $0x14080, s7  }
0x1a1: {  	[tilespmem:s10], [sflag:$0x2] =	stream.indirect.gather [hbm4b:s6+s0], $0x80, s17, s0, $0xb8;
	[tilespmem:$0x1E800] =	vst v63  }
0x1a2: {  	_ =	swait.ge [sflag:s15], $0x4000  }
0x1a3: {  	[sflag:s15] =	ssyncset.done $0x0  }
0x1a4: {  	s17 =	sadd.s32 $0x15400, s7;
	[sflag:s15] =	ssyncadd.s32 $0xFFFFC000  }
0x1a5: {  	[spmem:s1] =	stream.indirect.scatter.add.f32 [tilespmem:s14], [sflag:$0x3], $0x80, s17, s0, $0xb8;
	[tilespmem:$0x1E800] =	vst v63  }
0x1a6: {  	_ =	swait.ge [sflag:s11], $0x4000  }
.Ltmp10:
0x1a7: {  	[sflag:s11] =	ssyncset.done $0x0;
	(pc) =	sbr.rel @p1 .LBB2_7-.Ltmp10, $4  }
0x1a8: {  	s17 =	sadd.s32 $0x14100, s7;
	[sflag:s11] =	ssyncadd.s32 $0xFFFFC000  }
0x1a9: {  	[tilespmem:s14], [sflag:$0x1] =	stream.indirect.gather [hbm4b:s6+s0], $0x80, s17, s0, $0xb8;
	[tilespmem:$0x1E800] =	vst v63  }
0x1aa: {  	_ =	swait.ge [sflag:s16], $0x4000  }
0x1ab: {  	p2 =	seq.s32 s3, $0x0;
	s7 =	sadd.s32 $0x15480, s7;
	[sflag:s16] =	ssyncset.done $0x0  }
0x1ac: {  	s13 =	simm.s32 @!p2 $0x4;
	[sflag:s16] =	ssyncadd.s32 $0xFFFFC000  }
0x1ad: {  	[spmem:s1] =	stream.indirect.scatter.add.f32 [tilespmem:s10], [sflag:$0x4], $0x80, s7, s0, $0xb8;
	[tilespmem:$0x1E800] =	vst v63  }
0x1ae: {  	_ =	swait.ge @!p2 [sflag:s13], $0x4000  }
0x1af: {  	s3 =	sshra.s32 s3, $0x2;
	[sflag:s13] =	ssyncset.done @!p2 $0x0  }
0x1b0: {  	s26 =	sadd.s32 $0x14080, s3;
	[sflag:s13] =	ssyncadd.s32 @!p2 $0xFFFFC000  }
0x1b1: {  	[tilespmem:s10], [sflag:$0x2] =	stream.indirect.gather [hbm4b:s6+s0], $0x80, s26, s0, $0xb8;
	[tilespmem:$0x1E800] =	vst v63  }
0x1b2: {  	_ =	swait.ge [sflag:s15], $0x4000  }
0x1b3: {  	[sflag:s15] =	ssyncset.done $0x0  }
0x1b4: {  	s28 =	sadd.s32 $0x15400, s3;
	[sflag:s15] =	ssyncadd.s32 $0xFFFFC000  }
0x1b5: {  	[spmem:s1] =	stream.indirect.scatter.add.f32 [tilespmem:s14], [sflag:$0x3], $0x80, s28, s0, $0xb8;
	[tilespmem:$0x1E800] =	vst v63  }
0x1b6: {  	_ =	swait.ge [sflag:s11], $0x4000  }
0x1b7: {  	[sflag:s11] =	ssyncset.done $0x0  }
0x1b8: {  	s31 =	sadd.s32 $0x14100, s3;
	[sflag:s11] =	ssyncadd.s32 $0xFFFFC000  }
0x1b9: {  	[tilespmem:s14], [sflag:$0x1] =	stream.indirect.gather [hbm4b:s6+s0], $0x80, s31, s0, $0xb8;
	[tilespmem:$0x1E800] =	vst v63  }
0x1ba: {  	_ =	swait.ge [sflag:s16], $0x4000  }
0x1bb: {  	[sflag:s16] =	ssyncset.done $0x0  }
0x1bc: {  	s3 =	sadd.s32 $0x15480, s3;
	[sflag:s16] =	ssyncadd.s32 $0xFFFFC000  }
0x1bd: {  	[spmem:s1] =	stream.indirect.scatter.add.f32 [tilespmem:s10], [sflag:$0x4], $0x80, s3, s0, $0xb8;
	[tilespmem:$0x1E800] =	vst v63  }
0x1be: {  	_ =	swait.ge [sflag:s18], $0x4000  }
0x1bf: {  	[sflag:s18] =	ssyncset.done $0x0  }
0x1c0: {  	[sflag:s18] =	ssyncadd.s32 $0xFFFFC000  }
0x1c1: {  	[tilespmem:s10], [sflag:$0x2] =	stream.indirect.gather [hbm4b:s6+s0], $0x80, s19, s0, $0xb8;
	[tilespmem:$0x1E800] =	vst v63  }
0x1c2: {  	_ =	swait.ge [sflag:s15], $0x4000  }
0x1c3: {  	[sflag:s15] =	ssyncset.done $0x0  }
0x1c4: {  	[sflag:s15] =	ssyncadd.s32 $0xFFFFC000  }
0x1c5: {  	[spmem:s1] =	stream.indirect.scatter.add.f32 [tilespmem:s14], [sflag:$0x3], $0x80, s20, s0, $0xb8;
	[tilespmem:$0x1E800] =	vst v63  }
0x1c6: {  	_ =	swait.ge [sflag:s16], $0x4000  }
0x1c7: {  	[sflag:s16] =	ssyncset.done $0x0  }
0x1c8: {  	[sflag:s16] =	ssyncadd.s32 $0xFFFFC000  }
0x1c9: {  	[spmem:s1] =	stream.indirect.scatter.add.f32 [tilespmem:s10], [sflag:$0x4], $0x80, s21, s0, $0xb8;
	[tilespmem:$0x1E800] =	vst v63  }
0x1ca: {  	s13 =	simm.s32 $0x0;
	s17 =	rddreg [dreg:$0xd]  }
0x1cb: {  	[tilespmem:s30], [sflag:$0x5] =	stream.linear.gather [hbm4b:s17+s13], $0x1400, $0x38;
	[tilespmem:$0x1E800] =	vst v63  }
0x1cc: {  	_ =	swait.ge [sflag:s29], $0x1400  }
0x1cd: {  	[sflag:s29] =	ssyncset.done $0x0  }
0x1ce: {  	s25 =	simm.s32 $0x15400;
	s22 =	rddreg [dreg:$0xe];
	[sflag:s29] =	ssyncadd.s32 $0xFFFFEC00  }
0x1cf: {  	[tilespmem:s25], [sflag:$0x5] =	stream.linear.gather [hbm4b:s22+s13], $0x1400, $0x38;
	[tilespmem:$0x1E800] =	vst v63  }
0x1d0: {  	_ =	swait.ge [sflag:s29], $0x1400  }
0x1d1: {  	[sflag:s29] =	ssyncset.done $0x0  }
0x1d2: {  	[sflag:s29] =	ssyncadd.s32 $0xFFFFEC00  }
0x1d3: {  	_ =	swait.ge [sflag:s11], $0x4000  }
0x1d4: {  	[sflag:s11] =	ssyncset.done $0x0  }
0x1d5: {  	[sflag:s11] =	ssyncadd.s32 $0xFFFFC000  }
0x1d6: {  	[tilespmem:s14], [sflag:$0x1] =	stream.indirect.gather [hbm4b:s6+s0], $0x80, s30, s0, $0xb8;
	[tilespmem:$0x1E800] =	vst v63  }
0x1d7: {  	_ =	swait.ge [sflag:s18], $0x4000  }
0x1d8: {  	[sflag:s18] =	ssyncset.done $0x0  }
0x1d9: {  	s26 =	simm.s32 $0x14080;
	[sflag:s18] =	ssyncadd.s32 $0xFFFFC000  }
0x1da: {  	[tilespmem:s10], [sflag:$0x2] =	stream.indirect.gather [hbm4b:s6+s0], $0x80, s26, s0, $0xb8;
	[tilespmem:$0x1E800] =	vst v63  }
0x1db: {  	_ =	swait.ge [sflag:s15], $0x4000  }
0x1dc: {  	[sflag:s15] =	ssyncset.done $0x0  }
0x1dd: {  	s28 =	simm.s32 $0x15400;
	[sflag:s15] =	ssyncadd.s32 $0xFFFFC000  }
0x1de: {  	[spmem:s1] =	stream.indirect.scatter.add.f32 [tilespmem:s14], [sflag:$0x3], $0x80, s28, s0, $0xb8;
	[tilespmem:$0x1E800] =	vst v63  }
0x1df: {  	_ =	swait.ge [sflag:s11], $0x4000  }
0x1e0: {  	[sflag:s11] =	ssyncset.done $0x0  }
0x1e1: {  	s31 =	simm.s32 $0x14100;
	[sflag:s11] =	ssyncadd.s32 $0xFFFFC000  }
0x1e2: {  	[tilespmem:s14], [sflag:$0x1] =	stream.indirect.gather [hbm4b:s6+s0], $0x80, s31, s0, $0xb8;
	[tilespmem:$0x1E800] =	vst v63  }
0x1e3: {  	_ =	swait.ge [sflag:s16], $0x4000  }
0x1e4: {  	[sflag:s16] =	ssyncset.done $0x0  }
0x1e5: {  	s7 =	simm.s32 $0x15480;
	s3 =	simm.s32 $0x400;
	[sflag:s16] =	ssyncadd.s32 $0xFFFFC000  }
.LBB2_9:
0x1e6: {  	[spmem:s1] =	stream.indirect.scatter.add.f32 [tilespmem:s10], [sflag:$0x4], $0x80, s7, s0, $0xb8;
	[tilespmem:$0x1E800] =	vst v63  }
0x1e7: {  	s7 =	smov.u32 s3  }
0x1e8: {  	p1 =	sne.s32 s3, $0x4800;
	s3 =	sadd.s32 $0x400, s3;
	_ =	swait.ge [sflag:s18], $0x4000  }
0x1e9: {  	s7 =	sshra.s32 s7, $0x2;
	[sflag:s18] =	ssyncset.done $0x0  }
0x1ea: {  	s13 =	sadd.s32 $0x14080, s7;
	[sflag:s18] =	ssyncadd.s32 $0xFFFFC000  }
0x1eb: {  	[tilespmem:s10], [sflag:$0x2] =	stream.indirect.gather [hbm4b:s6+s0], $0x80, s13, s0, $0xb8;
	[tilespmem:$0x1E800] =	vst v63  }
0x1ec: {  	_ =	swait.ge [sflag:s15], $0x4000  }
0x1ed: {  	[sflag:s15] =	ssyncset.done $0x0  }
0x1ee: {  	s13 =	sadd.s32 $0x15400, s7;
	[sflag:s15] =	ssyncadd.s32 $0xFFFFC000  }
0x1ef: {  	[spmem:s1] =	stream.indirect.scatter.add.f32 [tilespmem:s14], [sflag:$0x3], $0x80, s13, s0, $0xb8;
	[tilespmem:$0x1E800] =	vst v63  }
0x1f0: {  	_ =	swait.ge [sflag:s11], $0x4000  }
0x1f1: {  	[sflag:s11] =	ssyncset.done $0x0  }
.Ltmp11:
0x1f2: {  	s13 =	sadd.s32 $0x14100, s7;
	[sflag:s11] =	ssyncadd.s32 $0xFFFFC000;
	(pc) =	sbr.rel @p1 .LBB2_9-.Ltmp11, $4  }
0x1f3: {  	[tilespmem:s14], [sflag:$0x1] =	stream.indirect.gather [hbm4b:s6+s0], $0x80, s13, s0, $0xb8;
	[tilespmem:$0x1E800] =	vst v63  }
0x1f4: {  	_ =	swait.ge [sflag:s16], $0x4000  }
0x1f5: {  	[sflag:s16] =	ssyncset.done $0x0  }
0x1f6: {  	s7 =	sadd.s32 $0x15480, s7;
	[sflag:s16] =	ssyncadd.s32 $0xFFFFC000  }
0x1f7: {  	[spmem:s1] =	stream.indirect.scatter.add.f32 [tilespmem:s10], [sflag:$0x4], $0x80, s7, s0, $0xb8;
	[tilespmem:$0x1E800] =	vst v63  }
0x1f8: {  	_ =	swait.ge [sflag:s18], $0x4000  }
0x1f9: {  	[sflag:s18] =	ssyncset.done $0x0  }
0x1fa: {  	[sflag:s18] =	ssyncadd.s32 $0xFFFFC000  }
0x1fb: {  	[tilespmem:s10], [sflag:$0x2] =	stream.indirect.gather [hbm4b:s6+s0], $0x80, s19, s0, $0xb8;
	[tilespmem:$0x1E800] =	vst v63  }
0x1fc: {  	_ =	swait.ge [sflag:s15], $0x4000  }
0x1fd: {  	[sflag:s15] =	ssyncset.done $0x0  }
0x1fe: {  	[sflag:s15] =	ssyncadd.s32 $0xFFFFC000  }
0x1ff: {  	[spmem:s1] =	stream.indirect.scatter.add.f32 [tilespmem:s14], [sflag:$0x3], $0x80, s20, s0, $0xb8;
	[tilespmem:$0x1E800] =	vst v63  }
.Ltmp12:
0x200: {  	_ = 	snop;
	(pc) =	sbr.rel .LBB2_20-.Ltmp12, $4  }
0x201: {  	_ =	swait.ge [sflag:s16], $0x4000  }
0x202: {  	[sflag:s16] =	ssyncset.done $0x0;
	s3 =	rddreg [dreg:$0x4]  }
0x203: {  	s13 =	rddreg [dreg:$0x15];
	[sflag:s16] =	ssyncadd.s32 $0xFFFFC000  }
0x204: {  	[spmem:s1] =	stream.indirect.scatter.add.f32 [tilespmem:s10], [sflag:$0x4], $0x80, s21, s0, $0xb8;
	[tilespmem:$0x1E800] =	vst v63  }
.LBB2_21:
0x205: {  	_ =	sfence.sel $0x180000  }
0x206: {  	[bflag:$0x0] =	sbarrier.arrive $0xFFFF  }
0x207: {  	_ =	strace $0x90000050  }
0x208: {  	s0 =	stileid.u32;
	[bflag:$0x2] =	sbarrier.arrive $0xFFFF  }
0x209: {  	p0 =	sne.s32 s0, $0x0;
	s0 =	rddreg [dreg:$0x2]  }
0x20a: {  	s0 =	sadd.s32 @!p0 $0x100000, s0  }
0x20b: {  	[sflag:s0] =	ssyncadd.tile.s32 @!p0 $0x1;
	_ =	shalt  }
.Lfunc_end2:
_tile_overlayer_lowered:
.L_overlay_start_2:
0x20c: {  	(tag) =	ssettag $0x2  }
0x20d: {  	s0 =	rddreg [dreg:$0x0];
	s2 =	stileid.u32  }
0x20e: {  	s1 =	rddreg [dreg:$0x1];
	p0 =	sne.s32 s2, $0x0  }
0x20f: {  	s3 =	rddreg [dreg:$0x2];
	[bflag:$0x3] =	sbarrier.arrive $0xFFFF;
	s2 =	simm.s32 @!p0 $0x1C05  }
0x210: {  	[timem:s3], [sflag:s2] =	dma.local @!p0 [hbm:s0], s1  }
0x211: {  	s0 =	simm.s32 @!p0 $0x5  }
0x212: {  	_ =	swait.ge @!p0 [sflag:s0], s1  }
0x213: {  	s1 =	ssub.s32 @!p0 $0x0, s1;
	[sflag:s0] =	ssyncset.done @!p0 $0x0  }
0x214: {  	[sflag:s0] =	ssyncadd.s32 @!p0 s1  }
0x215: {  	[bflag:$0x3] =	sbarrier.arrive $0xFFFF  }
0x216: {  	_ =	shalt  }

</sc_bundles>
